<compile_context>
chip_gen: v7x
topology: tpu7x:2x2x1
jax: 0.10.2.dev20260603
libtpu: 0.0.44.dev20260713+nightly
codegen_flags: <defaults>
</compile_context>

<pallas_src>
import functools

import jax
import jax.numpy as jnp
from jax import lax
from jax.experimental import pallas as pl
from jax.experimental.pallas import tpu as pltpu
from jax.experimental.pallas import tpu_sc as plsc

N = 16384
C = 256
OUT_D = 3 * C
T = 20

_LANES = 16
_NUM_CORES = 2
_NUM_SUBCORES = 16
_NW = _NUM_CORES * _NUM_SUBCORES
_ROWS_PER_W = N // _NW
_R = 32
_CHUNKS = _ROWS_PER_W // _R
_NBUF = 4


def _tracklet_body(obj_hbm, pe_hbm, id_hbm, ts_hbm, te_hbm, out_hbm,
                   table_v, out_v, idx_v, *sems):
    sem_in = sems[:_NBUF]
    sem_out = sems[_NBUF:]
    wid = lax.axis_index("s") * _NUM_CORES + lax.axis_index("c")
    row0 = wid * _ROWS_PER_W

    strips = ((obj_hbm, 0), (pe_hbm, C), (id_hbm, 2 * C))

    def issue_in(base, b):
        for src, c0 in strips:
            pltpu.async_copy(src.at[pl.ds(base, _R)],
                             out_v.at[b, :, pl.ds(c0, C)], sem_in[b])

    def wait_in(base, b):
        for src, c0 in strips:
            pltpu.make_async_copy(src.at[pl.ds(base, _R)],
                                  out_v.at[b, :, pl.ds(c0, C)],
                                  sem_in[b]).wait()

    lanes = lax.iota(jnp.int32, _LANES)
    zeros = jnp.zeros((_LANES,), jnp.int32)

    for ci in range(_NBUF - 1):
        issue_in(row0 + ci * _R, ci)
    pltpu.sync_copy(te_hbm, table_v)
    pltpu.sync_copy(ts_hbm.at[pl.ds(row0, _ROWS_PER_W)], idx_v)

    def cycle_body(cg, _):
        for s in range(_NBUF):
            ci = cg * _NBUF + s
            base = row0 + ci * _R
            wait_in(base, s)

            @plsc.parallel_loop(0, _R)
            def _row_loop(i, ci=ci, s=s):
                dt_vec = idx_v[pl.ds(ci * _R + (i & -_LANES), _LANES)]
                dt = jnp.sum(jnp.where(lanes == (i & (_LANES - 1)), dt_vec,
                                       zeros))
                cols = [pl.ds(j * _LANES, _LANES)
                        for j in range(OUT_D // _LANES)]
                te = [table_v[dt, col] for col in cols]
                for col, te_col in zip(cols, te):
                    plsc.addupdate(out_v.at[s, i, col], te_col)

            ps = (s - 1) % _NBUF

            @pl.when(ci >= 1)
            def _wait_prev_out(ps=ps, base=base):
                pltpu.make_async_copy(
                    out_v.at[ps], out_hbm.at[pl.ds(base - _R, _R)],
                    sem_out[ps]).wait()

            @pl.when(ci + _NBUF - 1 < _CHUNKS)
            def _issue_next_in(ps=ps, base=base):
                issue_in(base + (_NBUF - 1) * _R, ps)

            pltpu.async_copy(out_v.at[s], out_hbm.at[pl.ds(base, _R)],
                             sem_out[s])
        return _

    lax.fori_loop(0, _CHUNKS // _NBUF, cycle_body, 0)
    pltpu.make_async_copy(
        out_v.at[_NBUF - 1],
        out_hbm.at[pl.ds(row0 + (_CHUNKS - 1) * _R, _R)],
        sem_out[_NBUF - 1]).wait()


@jax.jit
def kernel(obj_embedding, pe_3d, id_embedding, rel_timestep, temporal_embed):
    mesh = plsc.VectorSubcoreMesh(core_axis_name="c", subcore_axis_name="s")
    run = functools.partial(
        pl.kernel,
        mesh=mesh,
        compiler_params=pltpu.CompilerParams(needs_layout_passes=False),
        out_type=jax.ShapeDtypeStruct((N, OUT_D), jnp.float32),
        scratch_types=(
            [
                pltpu.VMEM((T, OUT_D), jnp.float32),
                pltpu.VMEM((_NBUF, _R, OUT_D), jnp.float32),
                pltpu.VMEM((_ROWS_PER_W,), jnp.int32),
            ]
            + [pltpu.SemaphoreType.DMA] * (2 * _NBUF)
        ),
    )(_tracklet_body)
    return run(obj_embedding, pe_3d, id_embedding, rel_timestep,
               temporal_embed)

# --- scband reference (transcript-rebuilt; emitter-appended) ---
"""Pipeline reference for scband-tracklet-former-18279380811802 (READ-ONLY COPY).

The authoritative reference and input builder live on the scoring server;
editing this copy changes nothing except your own understanding.
"""

import jax, jax.numpy as jnp
import numpy as np

N = 16384
C = 256
T = 20

def setup_inputs(seed: int = 0) -> dict:
    key = jax.random.key(seed)
    k1, k2, k3, k4, k5 = jax.random.split(key, 5)
    obj_embedding = jax.random.normal(k1, (N, C), dtype=jnp.float32)
    pe_3d = jax.random.normal(k2, (N, C), dtype=jnp.float32)
    id_embedding = jax.random.normal(k3, (N, C), dtype=jnp.float32)
    rel_timestep = jax.random.randint(k4, (N,), 0, T, dtype=jnp.int32)
    # learned parameter: nn.Embedding(max_temporal, 3 * embed_dim)
    temporal_embed = jax.random.normal(k5, (T, 3 * C), dtype=jnp.float32) * 0.02
    return {
        "obj_embedding": obj_embedding,
        "pe_3d": pe_3d,
        "id_embedding": id_embedding,
        "rel_timestep": rel_timestep,
        "temporal_embed": temporal_embed,
    }

def reference(obj_embedding, pe_3d, id_embedding, rel_timestep, temporal_embed):
    # tracklet = concat(f_obj, PE_3D, i_k) + TE(dt)  -> [N, 3C]
    tracklet = jnp.concatenate([obj_embedding, pe_3d, id_embedding], axis=-1)
    tracklet = tracklet + jnp.take(temporal_embed, rel_timestep, axis=0)
    return tracklet

if __name__ == "__main__":
    import jax
    _d = setup_inputs()
    print(jax.jit(kernel)(*tuple(_d.values())))

</pallas_src>

<mosaic_0001>
#map = affine_map<(d0, d1) -> (0, 0)>
#map1 = affine_map<(d0, d1) -> (0)>
module attributes {stable_mosaic.version = 14 : i64} {
  func.func @_tracklet_body(%arg0: i32, %arg1: i32, %arg2: memref<16384x256xf32, #tpu.memory_space<hbm>>, %arg3: memref<16384x256xf32, #tpu.memory_space<hbm>>, %arg4: memref<16384x256xf32, #tpu.memory_space<hbm>>, %arg5: memref<16384xi32, #tpu.memory_space<hbm>>, %arg6: memref<20x768xf32, #tpu.memory_space<hbm>>, %arg7: memref<16384x768xf32, #tpu.memory_space<hbm>>, %arg8: memref<20x768xf32, #tpu.memory_space<vmem>>, %arg9: memref<4x32x768xf32, #tpu.memory_space<vmem>>, %arg10: memref<512xi32, #tpu.memory_space<vmem>>, %arg11: memref<!tpu.dma_semaphore, #tpu.memory_space<semaphore_mem>>, %arg12: memref<!tpu.dma_semaphore, #tpu.memory_space<semaphore_mem>>, %arg13: memref<!tpu.dma_semaphore, #tpu.memory_space<semaphore_mem>>, %arg14: memref<!tpu.dma_semaphore, #tpu.memory_space<semaphore_mem>>, %arg15: memref<!tpu.dma_semaphore, #tpu.memory_space<semaphore_mem>>, %arg16: memref<!tpu.dma_semaphore, #tpu.memory_space<semaphore_mem>>, %arg17: memref<!tpu.dma_semaphore, #tpu.memory_space<semaphore_mem>>, %arg18: memref<!tpu.dma_semaphore, #tpu.memory_space<semaphore_mem>>) attributes {dimension_semantics = [#tpu.dimension_semantics<core_parallel>, #tpu.dimension_semantics<subcore_parallel>], iteration_bounds = array<i64: 2, 16>, scalar_prefetch = 0 : i64, scratch_operands = 11 : i64, tpu.core_type = #tpu.core_type<sc_vector_subcore>, window_params = [{transform_indices = #map}, {transform_indices = #map}, {transform_indices = #map}, {transform_indices = #map1}, {transform_indices = #map}, {transform_indices = #map}]} {
    %mul3A = arith.constant 2 : i32
    %mul3A_0 = arith.muli %arg1, %mul3A : i32
    %add3A = arith.addi %mul3A_0, %arg0 : i32
    %mul3A_1 = arith.constant 512 : i32
    %mul3A_2 = arith.muli %add3A, %mul3A_1 : i32
    %iota3A = tpu.iota {dimensions = array<i32: 0>} : vector<16xi32>
    %broadcast_in_dim3A = arith.constant 0 : i32
    %broadcast_in_dim3A_3 = vector.broadcast %broadcast_in_dim3A : i32 to vector<16xi32>
    %add3A_4 = arith.constant 0 : i32
    %add3A_5 = arith.addi %mul3A_2, %add3A_4 : i32
    %dma_start3A = arith.constant 0 : i32
    %dma_start3A_6 = arith.constant 0 : i32
    %dma_start3A_7 = arith.constant 0 : i32
    %dma_start3A_8 = tpu.memref_slice %arg9[%dma_start3A, %dma_start3A_6, %dma_start3A_7] : memref<4x32x768xf32, #tpu.memory_space<vmem>> -> memref<1x32x256xf32, #tpu.memory_space<vmem>>
    %dma_start3A_9 = tpu.memref_squeeze %dma_start3A_8 : memref<1x32x256xf32, #tpu.memory_space<vmem>> -> memref<32x256xf32, #tpu.memory_space<vmem>>
    %dma_start3A_10 = arith.constant 0 : i32
    %dma_start3A_11 = tpu.memref_slice %arg2[%add3A_5, %dma_start3A_10] : memref<16384x256xf32, #tpu.memory_space<hbm>> -> memref<32x256xf32, #tpu.memory_space<hbm>>
    %dma_start3A_12 = arith.constant 0 : i32
    %dma_start3A_13 = arith.constant 0 : i32
    %dma_start3A_14 = tpu.memref_slice %arg9[%dma_start3A, %dma_start3A_12, %dma_start3A_13] : memref<4x32x768xf32, #tpu.memory_space<vmem>> -> memref<1x32x256xf32, #tpu.memory_space<vmem>>
    %dma_start3A_15 = tpu.memref_squeeze %dma_start3A_14 : memref<1x32x256xf32, #tpu.memory_space<vmem>> -> memref<32x256xf32, #tpu.memory_space<vmem>>
    %dma_start3A_16 = arith.constant 0 : i32
    %dma_start3A_17 = tpu.memref_slice %arg2[%add3A_5, %dma_start3A_16] : memref<16384x256xf32, #tpu.memory_space<hbm>> -> memref<32x256xf32, #tpu.memory_space<hbm>>
    tpu.enqueue_dma source(%dma_start3A_17 : memref<32x256xf32, #tpu.memory_space<hbm>>) target(%dma_start3A_15 : memref<32x256xf32, #tpu.memory_space<vmem>>) target_semaphore(%arg11 : memref<!tpu.dma_semaphore, #tpu.memory_space<semaphore_mem>>)
    %dma_start3A_18 = arith.constant 0 : i32
    %dma_start3A_19 = arith.constant 0 : i32
    %dma_start3A_20 = arith.constant 256 : i32
    %dma_start3A_21 = tpu.memref_slice %arg9[%dma_start3A_18, %dma_start3A_19, %dma_start3A_20] : memref<4x32x768xf32, #tpu.memory_space<vmem>> -> memref<1x32x256xf32, #tpu.memory_space<vmem>>
    %dma_start3A_22 = tpu.memref_squeeze %dma_start3A_21 : memref<1x32x256xf32, #tpu.memory_space<vmem>> -> memref<32x256xf32, #tpu.memory_space<vmem>>
    %dma_start3A_23 = arith.constant 0 : i32
    %dma_start3A_24 = tpu.memref_slice %arg3[%add3A_5, %dma_start3A_23] : memref<16384x256xf32, #tpu.memory_space<hbm>> -> memref<32x256xf32, #tpu.memory_space<hbm>>
    %dma_start3A_25 = arith.constant 0 : i32
    %dma_start3A_26 = arith.constant 256 : i32
    %dma_start3A_27 = tpu.memref_slice %arg9[%dma_start3A_18, %dma_start3A_25, %dma_start3A_26] : memref<4x32x768xf32, #tpu.memory_space<vmem>> -> memref<1x32x256xf32, #tpu.memory_space<vmem>>
    %dma_start3A_28 = tpu.memref_squeeze %dma_start3A_27 : memref<1x32x256xf32, #tpu.memory_space<vmem>> -> memref<32x256xf32, #tpu.memory_space<vmem>>
    %dma_start3A_29 = arith.constant 0 : i32
    %dma_start3A_30 = tpu.memref_slice %arg3[%add3A_5, %dma_start3A_29] : memref<16384x256xf32, #tpu.memory_space<hbm>> -> memref<32x256xf32, #tpu.memory_space<hbm>>
    tpu.enqueue_dma source(%dma_start3A_30 : memref<32x256xf32, #tpu.memory_space<hbm>>) target(%dma_start3A_28 : memref<32x256xf32, #tpu.memory_space<vmem>>) target_semaphore(%arg11 : memref<!tpu.dma_semaphore, #tpu.memory_space<semaphore_mem>>)
    %dma_start3A_31 = arith.constant 0 : i32
    %dma_start3A_32 = arith.constant 0 : i32
    %dma_start3A_33 = arith.constant 512 : i32
    %dma_start3A_34 = tpu.memref_slice %arg9[%dma_start3A_31, %dma_start3A_32, %dma_start3A_33] : memref<4x32x768xf32, #tpu.memory_space<vmem>> -> memref<1x32x256xf32, #tpu.memory_space<vmem>>
    %dma_start3A_35 = tpu.memref_squeeze %dma_start3A_34 : memref<1x32x256xf32, #tpu.memory_space<vmem>> -> memref<32x256xf32, #tpu.memory_space<vmem>>
    %dma_start3A_36 = arith.constant 0 : i32
    %dma_start3A_37 = tpu.memref_slice %arg4[%add3A_5, %dma_start3A_36] : memref<16384x256xf32, #tpu.memory_space<hbm>> -> memref<32x256xf32, #tpu.memory_space<hbm>>
    %dma_start3A_38 = arith.constant 0 : i32
    %dma_start3A_39 = arith.constant 512 : i32
    %dma_start3A_40 = tpu.memref_slice %arg9[%dma_start3A_31, %dma_start3A_38, %dma_start3A_39] : memref<4x32x768xf32, #tpu.memory_space<vmem>> -> memref<1x32x256xf32, #tpu.memory_space<vmem>>
    %dma_start3A_41 = tpu.memref_squeeze %dma_start3A_40 : memref<1x32x256xf32, #tpu.memory_space<vmem>> -> memref<32x256xf32, #tpu.memory_space<vmem>>
    %dma_start3A_42 = arith.constant 0 : i32
    %dma_start3A_43 = tpu.memref_slice %arg4[%add3A_5, %dma_start3A_42] : memref<16384x256xf32, #tpu.memory_space<hbm>> -> memref<32x256xf32, #tpu.memory_space<hbm>>
    tpu.enqueue_dma source(%dma_start3A_43 : memref<32x256xf32, #tpu.memory_space<hbm>>) target(%dma_start3A_41 : memref<32x256xf32, #tpu.memory_space<vmem>>) target_semaphore(%arg11 : memref<!tpu.dma_semaphore, #tpu.memory_space<semaphore_mem>>)
    %add3A_44 = arith.constant 32 : i32
    %add3A_45 = arith.addi %mul3A_2, %add3A_44 : i32
    %dma_start3A_46 = arith.constant 1 : i32
    %dma_start3A_47 = arith.constant 0 : i32
    %dma_start3A_48 = arith.constant 0 : i32
    %dma_start3A_49 = tpu.memref_slice %arg9[%dma_start3A_46, %dma_start3A_47, %dma_start3A_48] : memref<4x32x768xf32, #tpu.memory_space<vmem>> -> memref<1x32x256xf32, #tpu.memory_space<vmem>>
    %dma_start3A_50 = tpu.memref_squeeze %dma_start3A_49 : memref<1x32x256xf32, #tpu.memory_space<vmem>> -> memref<32x256xf32, #tpu.memory_space<vmem>>
    %dma_start3A_51 = arith.constant 0 : i32
    %dma_start3A_52 = tpu.memref_slice %arg2[%add3A_45, %dma_start3A_51] : memref<16384x256xf32, #tpu.memory_space<hbm>> -> memref<32x256xf32, #tpu.memory_space<hbm>>
    %dma_start3A_53 = arith.constant 0 : i32
    %dma_start3A_54 = arith.constant 0 : i32
    %dma_start3A_55 = tpu.memref_slice %arg9[%dma_start3A_46, %dma_start3A_53, %dma_start3A_54] : memref<4x32x768xf32, #tpu.memory_space<vmem>> -> memref<1x32x256xf32, #tpu.memory_space<vmem>>
    %dma_start3A_56 = tpu.memref_squeeze %dma_start3A_55 : memref<1x32x256xf32, #tpu.memory_space<vmem>> -> memref<32x256xf32, #tpu.memory_space<vmem>>
    %dma_start3A_57 = arith.constant 0 : i32
    %dma_start3A_58 = tpu.memref_slice %arg2[%add3A_45, %dma_start3A_57] : memref<16384x256xf32, #tpu.memory_space<hbm>> -> memref<32x256xf32, #tpu.memory_space<hbm>>
    tpu.enqueue_dma source(%dma_start3A_58 : memref<32x256xf32, #tpu.memory_space<hbm>>) target(%dma_start3A_56 : memref<32x256xf32, #tpu.memory_space<vmem>>) target_semaphore(%arg12 : memref<!tpu.dma_semaphore, #tpu.memory_space<semaphore_mem>>)
    %dma_start3A_59 = arith.constant 1 : i32
    %dma_start3A_60 = arith.constant 0 : i32
    %dma_start3A_61 = arith.constant 256 : i32
    %dma_start3A_62 = tpu.memref_slice %arg9[%dma_start3A_59, %dma_start3A_60, %dma_start3A_61] : memref<4x32x768xf32, #tpu.memory_space<vmem>> -> memref<1x32x256xf32, #tpu.memory_space<vmem>>
    %dma_start3A_63 = tpu.memref_squeeze %dma_start3A_62 : memref<1x32x256xf32, #tpu.memory_space<vmem>> -> memref<32x256xf32, #tpu.memory_space<vmem>>
    %dma_start3A_64 = arith.constant 0 : i32
    %dma_start3A_65 = tpu.memref_slice %arg3[%add3A_45, %dma_start3A_64] : memref<16384x256xf32, #tpu.memory_space<hbm>> -> memref<32x256xf32, #tpu.memory_space<hbm>>
    %dma_start3A_66 = arith.constant 0 : i32
    %dma_start3A_67 = arith.constant 256 : i32
    %dma_start3A_68 = tpu.memref_slice %arg9[%dma_start3A_59, %dma_start3A_66, %dma_start3A_67] : memref<4x32x768xf32, #tpu.memory_space<vmem>> -> memref<1x32x256xf32, #tpu.memory_space<vmem>>
    %dma_start3A_69 = tpu.memref_squeeze %dma_start3A_68 : memref<1x32x256xf32, #tpu.memory_space<vmem>> -> memref<32x256xf32, #tpu.memory_space<vmem>>
    %dma_start3A_70 = arith.constant 0 : i32
    %dma_start3A_71 = tpu.memref_slice %arg3[%add3A_45, %dma_start3A_70] : memref<16384x256xf32, #tpu.memory_space<hbm>> -> memref<32x256xf32, #tpu.memory_space<hbm>>
    tpu.enqueue_dma source(%dma_start3A_71 : memref<32x256xf32, #tpu.memory_space<hbm>>) target(%dma_start3A_69 : memref<32x256xf32, #tpu.memory_space<vmem>>) target_semaphore(%arg12 : memref<!tpu.dma_semaphore, #tpu.memory_space<semaphore_mem>>)
    %dma_start3A_72 = arith.constant 1 : i32
    %dma_start3A_73 = arith.constant 0 : i32
    %dma_start3A_74 = arith.constant 512 : i32
    %dma_start3A_75 = tpu.memref_slice %arg9[%dma_start3A_72, %dma_start3A_73, %dma_start3A_74] : memref<4x32x768xf32, #tpu.memory_space<vmem>> -> memref<1x32x256xf32, #tpu.memory_space<vmem>>
    %dma_start3A_76 = tpu.memref_squeeze %dma_start3A_75 : memref<1x32x256xf32, #tpu.memory_space<vmem>> -> memref<32x256xf32, #tpu.memory_space<vmem>>
    %dma_start3A_77 = arith.constant 0 : i32
    %dma_start3A_78 = tpu.memref_slice %arg4[%add3A_45, %dma_start3A_77] : memref<16384x256xf32, #tpu.memory_space<hbm>> -> memref<32x256xf32, #tpu.memory_space<hbm>>
    %dma_start3A_79 = arith.constant 0 : i32
    %dma_start3A_80 = arith.constant 512 : i32
    %dma_start3A_81 = tpu.memref_slice %arg9[%dma_start3A_72, %dma_start3A_79, %dma_start3A_80] : memref<4x32x768xf32, #tpu.memory_space<vmem>> -> memref<1x32x256xf32, #tpu.memory_space<vmem>>
    %dma_start3A_82 = tpu.memref_squeeze %dma_start3A_81 : memref<1x32x256xf32, #tpu.memory_space<vmem>> -> memref<32x256xf32, #tpu.memory_space<vmem>>
    %dma_start3A_83 = arith.constant 0 : i32
    %dma_start3A_84 = tpu.memref_slice %arg4[%add3A_45, %dma_start3A_83] : memref<16384x256xf32, #tpu.memory_space<hbm>> -> memref<32x256xf32, #tpu.memory_space<hbm>>
    tpu.enqueue_dma source(%dma_start3A_84 : memref<32x256xf32, #tpu.memory_space<hbm>>) target(%dma_start3A_82 : memref<32x256xf32, #tpu.memory_space<vmem>>) target_semaphore(%arg12 : memref<!tpu.dma_semaphore, #tpu.memory_space<semaphore_mem>>)
    %add3A_85 = arith.constant 64 : i32
    %add3A_86 = arith.addi %mul3A_2, %add3A_85 : i32
    %dma_start3A_87 = arith.constant 2 : i32
    %dma_start3A_88 = arith.constant 0 : i32
    %dma_start3A_89 = arith.constant 0 : i32
    %dma_start3A_90 = tpu.memref_slice %arg9[%dma_start3A_87, %dma_start3A_88, %dma_start3A_89] : memref<4x32x768xf32, #tpu.memory_space<vmem>> -> memref<1x32x256xf32, #tpu.memory_space<vmem>>
    %dma_start3A_91 = tpu.memref_squeeze %dma_start3A_90 : memref<1x32x256xf32, #tpu.memory_space<vmem>> -> memref<32x256xf32, #tpu.memory_space<vmem>>
    %dma_start3A_92 = arith.constant 0 : i32
    %dma_start3A_93 = tpu.memref_slice %arg2[%add3A_86, %dma_start3A_92] : memref<16384x256xf32, #tpu.memory_space<hbm>> -> memref<32x256xf32, #tpu.memory_space<hbm>>
    %dma_start3A_94 = arith.constant 0 : i32
    %dma_start3A_95 = arith.constant 0 : i32
    %dma_start3A_96 = tpu.memref_slice %arg9[%dma_start3A_87, %dma_start3A_94, %dma_start3A_95] : memref<4x32x768xf32, #tpu.memory_space<vmem>> -> memref<1x32x256xf32, #tpu.memory_space<vmem>>
    %dma_start3A_97 = tpu.memref_squeeze %dma_start3A_96 : memref<1x32x256xf32, #tpu.memory_space<vmem>> -> memref<32x256xf32, #tpu.memory_space<vmem>>
    %dma_start3A_98 = arith.constant 0 : i32
    %dma_start3A_99 = tpu.memref_slice %arg2[%add3A_86, %dma_start3A_98] : memref<16384x256xf32, #tpu.memory_space<hbm>> -> memref<32x256xf32, #tpu.memory_space<hbm>>
    tpu.enqueue_dma source(%dma_start3A_99 : memref<32x256xf32, #tpu.memory_space<hbm>>) target(%dma_start3A_97 : memref<32x256xf32, #tpu.memory_space<vmem>>) target_semaphore(%arg13 : memref<!tpu.dma_semaphore, #tpu.memory_space<semaphore_mem>>)
    %dma_start3A_100 = arith.constant 2 : i32
    %dma_start3A_101 = arith.constant 0 : i32
    %dma_start3A_102 = arith.constant 256 : i32
    %dma_start3A_103 = tpu.memref_slice %arg9[%dma_start3A_100, %dma_start3A_101, %dma_start3A_102] : memref<4x32x768xf32, #tpu.memory_space<vmem>> -> memref<1x32x256xf32, #tpu.memory_space<vmem>>
    %dma_start3A_104 = tpu.memref_squeeze %dma_start3A_103 : memref<1x32x256xf32, #tpu.memory_space<vmem>> -> memref<32x256xf32, #tpu.memory_space<vmem>>
    %dma_start3A_105 = arith.constant 0 : i32
    %dma_start3A_106 = tpu.memref_slice %arg3[%add3A_86, %dma_start3A_105] : memref<16384x256xf32, #tpu.memory_space<hbm>> -> memref<32x256xf32, #tpu.memory_space<hbm>>
    %dma_start3A_107 = arith.constant 0 : i32
    %dma_start3A_108 = arith.constant 256 : i32
    %dma_start3A_109 = tpu.memref_slice %arg9[%dma_start3A_100, %dma_start3A_107, %dma_start3A_108] : memref<4x32x768xf32, #tpu.memory_space<vmem>> -> memref<1x32x256xf32, #tpu.memory_space<vmem>>
    %dma_start3A_110 = tpu.memref_squeeze %dma_start3A_109 : memref<1x32x256xf32, #tpu.memory_space<vmem>> -> memref<32x256xf32, #tpu.memory_space<vmem>>
    %dma_start3A_111 = arith.constant 0 : i32
    %dma_start3A_112 = tpu.memref_slice %arg3[%add3A_86, %dma_start3A_111] : memref<16384x256xf32, #tpu.memory_space<hbm>> -> memref<32x256xf32, #tpu.memory_space<hbm>>
    tpu.enqueue_dma source(%dma_start3A_112 : memref<32x256xf32, #tpu.memory_space<hbm>>) target(%dma_start3A_110 : memref<32x256xf32, #tpu.memory_space<vmem>>) target_semaphore(%arg13 : memref<!tpu.dma_semaphore, #tpu.memory_space<semaphore_mem>>)
    %dma_start3A_113 = arith.constant 2 : i32
    %dma_start3A_114 = arith.constant 0 : i32
    %dma_start3A_115 = arith.constant 512 : i32
    %dma_start3A_116 = tpu.memref_slice %arg9[%dma_start3A_113, %dma_start3A_114, %dma_start3A_115] : memref<4x32x768xf32, #tpu.memory_space<vmem>> -> memref<1x32x256xf32, #tpu.memory_space<vmem>>
    %dma_start3A_117 = tpu.memref_squeeze %dma_start3A_116 : memref<1x32x256xf32, #tpu.memory_space<vmem>> -> memref<32x256xf32, #tpu.memory_space<vmem>>
    %dma_start3A_118 = arith.constant 0 : i32
    %dma_start3A_119 = tpu.memref_slice %arg4[%add3A_86, %dma_start3A_118] : memref<16384x256xf32, #tpu.memory_space<hbm>> -> memref<32x256xf32, #tpu.memory_space<hbm>>
    %dma_start3A_120 = arith.constant 0 : i32
    %dma_start3A_121 = arith.constant 512 : i32
    %dma_start3A_122 = tpu.memref_slice %arg9[%dma_start3A_113, %dma_start3A_120, %dma_start3A_121] : memref<4x32x768xf32, #tpu.memory_space<vmem>> -> memref<1x32x256xf32, #tpu.memory_space<vmem>>
    %dma_start3A_123 = tpu.memref_squeeze %dma_start3A_122 : memref<1x32x256xf32, #tpu.memory_space<vmem>> -> memref<32x256xf32, #tpu.memory_space<vmem>>
    %dma_start3A_124 = arith.constant 0 : i32
    %dma_start3A_125 = tpu.memref_slice %arg4[%add3A_86, %dma_start3A_124] : memref<16384x256xf32, #tpu.memory_space<hbm>> -> memref<32x256xf32, #tpu.memory_space<hbm>>
    tpu.enqueue_dma source(%dma_start3A_125 : memref<32x256xf32, #tpu.memory_space<hbm>>) target(%dma_start3A_123 : memref<32x256xf32, #tpu.memory_space<vmem>>) target_semaphore(%arg13 : memref<!tpu.dma_semaphore, #tpu.memory_space<semaphore_mem>>)
    "tpu.region"() ({
      %run_scoped3A = tpu.sem_alloc : memref<!tpu.dma_semaphore, #tpu.memory_space<semaphore_mem>>
      tpu.enqueue_dma source(%arg6 : memref<20x768xf32, #tpu.memory_space<hbm>>) target(%arg8 : memref<20x768xf32, #tpu.memory_space<vmem>>) target_semaphore(%run_scoped3A : memref<!tpu.dma_semaphore, #tpu.memory_space<semaphore_mem>>)
      tpu.wait_dma2 semaphore(%run_scoped3A : memref<!tpu.dma_semaphore, #tpu.memory_space<semaphore_mem>>) src(%arg6 : memref<20x768xf32, #tpu.memory_space<hbm>>) dst(%arg8 : memref<20x768xf32, #tpu.memory_space<vmem>>)
      tpu.yield
    }) : () -> ()
    "tpu.region"() ({
      %run_scoped3A = tpu.sem_alloc : memref<!tpu.dma_semaphore, #tpu.memory_space<semaphore_mem>>
      %dma_start3A_145 = tpu.memref_slice %arg5[%mul3A_2] : memref<16384xi32, #tpu.memory_space<hbm>> -> memref<512xi32, #tpu.memory_space<hbm>>
      %dma_start3A_146 = tpu.memref_slice %arg5[%mul3A_2] : memref<16384xi32, #tpu.memory_space<hbm>> -> memref<512xi32, #tpu.memory_space<hbm>>
      tpu.enqueue_dma source(%dma_start3A_146 : memref<512xi32, #tpu.memory_space<hbm>>) target(%arg10 : memref<512xi32, #tpu.memory_space<vmem>>) target_semaphore(%run_scoped3A : memref<!tpu.dma_semaphore, #tpu.memory_space<semaphore_mem>>)
      %dma_wait3A_147 = tpu.memref_slice %arg5[%mul3A_2] : memref<16384xi32, #tpu.memory_space<hbm>> -> memref<512xi32, #tpu.memory_space<hbm>>
      %dma_wait3A_148 = tpu.memref_slice %arg5[%mul3A_2] : memref<16384xi32, #tpu.memory_space<hbm>> -> memref<512xi32, #tpu.memory_space<hbm>>
      tpu.wait_dma2 semaphore(%run_scoped3A : memref<!tpu.dma_semaphore, #tpu.memory_space<semaphore_mem>>) src(%dma_wait3A_148 : memref<512xi32, #tpu.memory_space<hbm>>) dst(%arg10 : memref<512xi32, #tpu.memory_space<vmem>>)
      tpu.yield
    }) : () -> ()
    %scan3A = arith.constant 0 : i32
    %scan3A_126 = arith.constant 0 : i32
    %scan3A_127 = arith.constant 4 : i32
    %scan3A_128 = arith.addi %scan3A_126, %scan3A_127 : i32
    %scan3A_129 = arith.constant 1 : i32
    scf.for %scan3A_145 = %scan3A_126 to %scan3A_128 step %scan3A_129  : i32 {
      %mul3A_146 = arith.constant 4 : i32
      %mul3A_147 = arith.muli %scan3A_145, %mul3A_146 : i32
      %add3A_148 = arith.constant 0 : i32
      %add3A_149 = arith.addi %mul3A_147, %add3A_148 : i32
      %mul3A_150 = arith.constant 32 : i32
      %mul3A_151 = arith.muli %add3A_149, %mul3A_150 : i32
      %add3A_152 = arith.addi %mul3A_2, %mul3A_151 : i32
      %dma_wait3A_153 = arith.constant 0 : i32
      %dma_wait3A_154 = arith.constant 0 : i32
      %dma_wait3A_155 = arith.constant 0 : i32
      %dma_wait3A_156 = tpu.memref_slice %arg9[%dma_wait3A_153, %dma_wait3A_154, %dma_wait3A_155] : memref<4x32x768xf32, #tpu.memory_space<vmem>> -> memref<1x32x256xf32, #tpu.memory_space<vmem>>
      %dma_wait3A_157 = tpu.memref_squeeze %dma_wait3A_156 : memref<1x32x256xf32, #tpu.memory_space<vmem>> -> memref<32x256xf32, #tpu.memory_space<vmem>>
      %dma_wait3A_158 = arith.constant 0 : i32
      %dma_wait3A_159 = tpu.memref_slice %arg2[%add3A_152, %dma_wait3A_158] : memref<16384x256xf32, #tpu.memory_space<hbm>> -> memref<32x256xf32, #tpu.memory_space<hbm>>
      %dma_wait3A_160 = arith.constant 0 : i32
      %dma_wait3A_161 = arith.constant 0 : i32
      %dma_wait3A_162 = tpu.memref_slice %arg9[%dma_wait3A_153, %dma_wait3A_160, %dma_wait3A_161] : memref<4x32x768xf32, #tpu.memory_space<vmem>> -> memref<1x32x256xf32, #tpu.memory_space<vmem>>
      %dma_wait3A_163 = tpu.memref_squeeze %dma_wait3A_162 : memref<1x32x256xf32, #tpu.memory_space<vmem>> -> memref<32x256xf32, #tpu.memory_space<vmem>>
      %dma_wait3A_164 = arith.constant 0 : i32
      %dma_wait3A_165 = tpu.memref_slice %arg2[%add3A_152, %dma_wait3A_164] : memref<16384x256xf32, #tpu.memory_space<hbm>> -> memref<32x256xf32, #tpu.memory_space<hbm>>
      tpu.wait_dma2 semaphore(%arg11 : memref<!tpu.dma_semaphore, #tpu.memory_space<semaphore_mem>>) src(%dma_wait3A_165 : memref<32x256xf32, #tpu.memory_space<hbm>>) dst(%dma_wait3A_163 : memref<32x256xf32, #tpu.memory_space<vmem>>)
      %dma_wait3A_166 = arith.constant 0 : i32
      %dma_wait3A_167 = arith.constant 0 : i32
      %dma_wait3A_168 = arith.constant 256 : i32
      %dma_wait3A_169 = tpu.memref_slice %arg9[%dma_wait3A_166, %dma_wait3A_167, %dma_wait3A_168] : memref<4x32x768xf32, #tpu.memory_space<vmem>> -> memref<1x32x256xf32, #tpu.memory_space<vmem>>
      %dma_wait3A_170 = tpu.memref_squeeze %dma_wait3A_169 : memref<1x32x256xf32, #tpu.memory_space<vmem>> -> memref<32x256xf32, #tpu.memory_space<vmem>>
      %dma_wait3A_171 = arith.constant 0 : i32
      %dma_wait3A_172 = tpu.memref_slice %arg3[%add3A_152, %dma_wait3A_171] : memref<16384x256xf32, #tpu.memory_space<hbm>> -> memref<32x256xf32, #tpu.memory_space<hbm>>
      %dma_wait3A_173 = arith.constant 0 : i32
      %dma_wait3A_174 = arith.constant 256 : i32
      %dma_wait3A_175 = tpu.memref_slice %arg9[%dma_wait3A_166, %dma_wait3A_173, %dma_wait3A_174] : memref<4x32x768xf32, #tpu.memory_space<vmem>> -> memref<1x32x256xf32, #tpu.memory_space<vmem>>
      %dma_wait3A_176 = tpu.memref_squeeze %dma_wait3A_175 : memref<1x32x256xf32, #tpu.memory_space<vmem>> -> memref<32x256xf32, #tpu.memory_space<vmem>>
      %dma_wait3A_177 = arith.constant 0 : i32
      %dma_wait3A_178 = tpu.memref_slice %arg3[%add3A_152, %dma_wait3A_177] : memref<16384x256xf32, #tpu.memory_space<hbm>> -> memref<32x256xf32, #tpu.memory_space<hbm>>
      tpu.wait_dma2 semaphore(%arg11 : memref<!tpu.dma_semaphore, #tpu.memory_space<semaphore_mem>>) src(%dma_wait3A_178 : memref<32x256xf32, #tpu.memory_space<hbm>>) dst(%dma_wait3A_176 : memref<32x256xf32, #tpu.memory_space<vmem>>)
      %dma_wait3A_179 = arith.constant 0 : i32
      %dma_wait3A_180 = arith.constant 0 : i32
      %dma_wait3A_181 = arith.constant 512 : i32
      %dma_wait3A_182 = tpu.memref_slice %arg9[%dma_wait3A_179, %dma_wait3A_180, %dma_wait3A_181] : memref<4x32x768xf32, #tpu.memory_space<vmem>> -> memref<1x32x256xf32, #tpu.memory_space<vmem>>
      %dma_wait3A_183 = tpu.memref_squeeze %dma_wait3A_182 : memref<1x32x256xf32, #tpu.memory_space<vmem>> -> memref<32x256xf32, #tpu.memory_space<vmem>>
      %dma_wait3A_184 = arith.constant 0 : i32
      %dma_wait3A_185 = tpu.memref_slice %arg4[%add3A_152, %dma_wait3A_184] : memref<16384x256xf32, #tpu.memory_space<hbm>> -> memref<32x256xf32, #tpu.memory_space<hbm>>
      %dma_wait3A_186 = arith.constant 0 : i32
      %dma_wait3A_187 = arith.constant 512 : i32
      %dma_wait3A_188 = tpu.memref_slice %arg9[%dma_wait3A_179, %dma_wait3A_186, %dma_wait3A_187] : memref<4x32x768xf32, #tpu.memory_space<vmem>> -> memref<1x32x256xf32, #tpu.memory_space<vmem>>
      %dma_wait3A_189 = tpu.memref_squeeze %dma_wait3A_188 : memref<1x32x256xf32, #tpu.memory_space<vmem>> -> memref<32x256xf32, #tpu.memory_space<vmem>>
      %dma_wait3A_190 = arith.constant 0 : i32
      %dma_wait3A_191 = tpu.memref_slice %arg4[%add3A_152, %dma_wait3A_190] : memref<16384x256xf32, #tpu.memory_space<hbm>> -> memref<32x256xf32, #tpu.memory_space<hbm>>
      tpu.wait_dma2 semaphore(%arg11 : memref<!tpu.dma_semaphore, #tpu.memory_space<semaphore_mem>>) src(%dma_wait3A_191 : memref<32x256xf32, #tpu.memory_space<hbm>>) dst(%dma_wait3A_189 : memref<32x256xf32, #tpu.memory_space<vmem>>)
      %parallel_loop3A = arith.constant 0 : i32
      %parallel_loop3A_192 = arith.constant 32 : i32
      %parallel_loop3A_193 = arith.constant 1 : i32
      scf.for %parallel_loop3A_444 = %parallel_loop3A to %parallel_loop3A_192 step %parallel_loop3A_193  : i32 {
        %parallel_loop3A_445 = arith.constant 32 : i32
        %parallel_loop3A_446 = arith.muli %add3A_149, %parallel_loop3A_445 : i32
        %parallel_loop3A_447 = arith.constant -16 : i32
        %parallel_loop3A_448 = arith.andi %parallel_loop3A_444, %parallel_loop3A_447 : i32
        %parallel_loop3A_449 = arith.addi %parallel_loop3A_446, %parallel_loop3A_448 : i32
        %parallel_loop3A_450 = arith.index_cast %parallel_loop3A_449 : i32 to index
        %parallel_loop3A_451 = tpu.vector_load %arg10[%parallel_loop3A_450] {strides = array<i32>} : memref<512xi32, #tpu.memory_space<vmem>>, vector<16xi32>,
        %parallel_loop3A_452 = arith.constant 15 : i32
        %parallel_loop3A_453 = arith.andi %parallel_loop3A_444, %parallel_loop3A_452 : i32
        %parallel_loop3A_454 = vector.broadcast %parallel_loop3A_453 : i32 to vector<16xi32>
        %parallel_loop3A_455 = arith.cmpi eq, %iota3A, %parallel_loop3A_454 : vector<16xi32>
        %parallel_loop3A_456 = arith.select %parallel_loop3A_455, %parallel_loop3A_451, %broadcast_in_dim3A_3 : vector<16xi1>, vector<16xi32>
        %parallel_loop3A_457 = arith.constant true
        %parallel_loop3A_458 = vector.broadcast %parallel_loop3A_457 : i1 to vector<16xi1>
        %parallel_loop3A_459 = tpu.scan <sum>, %parallel_loop3A_456 masked %parallel_loop3A_458 : vector<16xi32>, vector<16xi1> -> vector<16xi32>
        %parallel_loop3A_460 = vector.extract %parallel_loop3A_459[15] : i32 from vector<16xi32>
        %parallel_loop3A_461 = arith.index_cast %parallel_loop3A_460 : i32 to index
        %parallel_loop3A_462 = arith.constant 0 : index
        %parallel_loop3A_463 = tpu.vector_load %arg8[%parallel_loop3A_461, %parallel_loop3A_462] {strides = array<i32>} : memref<20x768xf32, #tpu.memory_space<vmem>>, vector<16xf32>,
        %parallel_loop3A_464 = arith.index_cast %parallel_loop3A_460 : i32 to index
        %parallel_loop3A_465 = arith.constant 16 : index
        %parallel_loop3A_466 = tpu.vector_load %arg8[%parallel_loop3A_464, %parallel_loop3A_465] {strides = array<i32>} : memref<20x768xf32, #tpu.memory_space<vmem>>, vector<16xf32>,
        %parallel_loop3A_467 = arith.index_cast %parallel_loop3A_460 : i32 to index
        %parallel_loop3A_468 = arith.constant 32 : index
        %parallel_loop3A_469 = tpu.vector_load %arg8[%parallel_loop3A_467, %parallel_loop3A_468] {strides = array<i32>} : memref<20x768xf32, #tpu.memory_space<vmem>>, vector<16xf32>,
        %parallel_loop3A_470 = arith.index_cast %parallel_loop3A_460 : i32 to index
        %parallel_loop3A_471 = arith.constant 48 : index
        %parallel_loop3A_472 = tpu.vector_load %arg8[%parallel_loop3A_470, %parallel_loop3A_471] {strides = array<i32>} : memref<20x768xf32, #tpu.memory_space<vmem>>, vector<16xf32>,
        %parallel_loop3A_473 = arith.index_cast %parallel_loop3A_460 : i32 to index
        %parallel_loop3A_474 = arith.constant 64 : index
        %parallel_loop3A_475 = tpu.vector_load %arg8[%parallel_loop3A_473, %parallel_loop3A_474] {strides = array<i32>} : memref<20x768xf32, #tpu.memory_space<vmem>>, vector<16xf32>,
        %parallel_loop3A_476 = arith.index_cast %parallel_loop3A_460 : i32 to index
        %parallel_loop3A_477 = arith.constant 80 : index
        %parallel_loop3A_478 = tpu.vector_load %arg8[%parallel_loop3A_476, %parallel_loop3A_477] {strides = array<i32>} : memref<20x768xf32, #tpu.memory_space<vmem>>, vector<16xf32>,
        %parallel_loop3A_479 = arith.index_cast %parallel_loop3A_460 : i32 to index
        %parallel_loop3A_480 = arith.constant 96 : index
        %parallel_loop3A_481 = tpu.vector_load %arg8[%parallel_loop3A_479, %parallel_loop3A_480] {strides = array<i32>} : memref<20x768xf32, #tpu.memory_space<vmem>>, vector<16xf32>,
        %parallel_loop3A_482 = arith.index_cast %parallel_loop3A_460 : i32 to index
        %parallel_loop3A_483 = arith.constant 112 : index
        %parallel_loop3A_484 = tpu.vector_load %arg8[%parallel_loop3A_482, %parallel_loop3A_483] {strides = array<i32>} : memref<20x768xf32, #tpu.memory_space<vmem>>, vector<16xf32>,
        %parallel_loop3A_485 = arith.index_cast %parallel_loop3A_460 : i32 to index
        %parallel_loop3A_486 = arith.constant 128 : index
        %parallel_loop3A_487 = tpu.vector_load %arg8[%parallel_loop3A_485, %parallel_loop3A_486] {strides = array<i32>} : memref<20x768xf32, #tpu.memory_space<vmem>>, vector<16xf32>,
        %parallel_loop3A_488 = arith.index_cast %parallel_loop3A_460 : i32 to index
        %parallel_loop3A_489 = arith.constant 144 : index
        %parallel_loop3A_490 = tpu.vector_load %arg8[%parallel_loop3A_488, %parallel_loop3A_489] {strides = array<i32>} : memref<20x768xf32, #tpu.memory_space<vmem>>, vector<16xf32>,
        %parallel_loop3A_491 = arith.index_cast %parallel_loop3A_460 : i32 to index
        %parallel_loop3A_492 = arith.constant 160 : index
        %parallel_loop3A_493 = tpu.vector_load %arg8[%parallel_loop3A_491, %parallel_loop3A_492] {strides = array<i32>} : memref<20x768xf32, #tpu.memory_space<vmem>>, vector<16xf32>,
        %parallel_loop3A_494 = arith.index_cast %parallel_loop3A_460 : i32 to index
        %parallel_loop3A_495 = arith.constant 176 : index
        %parallel_loop3A_496 = tpu.vector_load %arg8[%parallel_loop3A_494, %parallel_loop3A_495] {strides = array<i32>} : memref<20x768xf32, #tpu.memory_space<vmem>>, vector<16xf32>,
        %parallel_loop3A_497 = arith.index_cast %parallel_loop3A_460 : i32 to index
        %parallel_loop3A_498 = arith.constant 192 : index
        %parallel_loop3A_499 = tpu.vector_load %arg8[%parallel_loop3A_497, %parallel_loop3A_498] {strides = array<i32>} : memref<20x768xf32, #tpu.memory_space<vmem>>, vector<16xf32>,
        %parallel_loop3A_500 = arith.index_cast %parallel_loop3A_460 : i32 to index
        %parallel_loop3A_501 = arith.constant 208 : index
        %parallel_loop3A_502 = tpu.vector_load %arg8[%parallel_loop3A_500, %parallel_loop3A_501] {strides = array<i32>} : memref<20x768xf32, #tpu.memory_space<vmem>>, vector<16xf32>,
        %parallel_loop3A_503 = arith.index_cast %parallel_loop3A_460 : i32 to index
        %parallel_loop3A_504 = arith.constant 224 : index
        %parallel_loop3A_505 = tpu.vector_load %arg8[%parallel_loop3A_503, %parallel_loop3A_504] {strides = array<i32>} : memref<20x768xf32, #tpu.memory_space<vmem>>, vector<16xf32>,
        %parallel_loop3A_506 = arith.index_cast %parallel_loop3A_460 : i32 to index
        %parallel_loop3A_507 = arith.constant 240 : index
        %parallel_loop3A_508 = tpu.vector_load %arg8[%parallel_loop3A_506, %parallel_loop3A_507] {strides = array<i32>} : memref<20x768xf32, #tpu.memory_space<vmem>>, vector<16xf32>,
        %parallel_loop3A_509 = arith.index_cast %parallel_loop3A_460 : i32 to index
        %parallel_loop3A_510 = arith.constant 256 : index
        %parallel_loop3A_511 = tpu.vector_load %arg8[%parallel_loop3A_509, %parallel_loop3A_510] {strides = array<i32>} : memref<20x768xf32, #tpu.memory_space<vmem>>, vector<16xf32>,
        %parallel_loop3A_512 = arith.index_cast %parallel_loop3A_460 : i32 to index
        %parallel_loop3A_513 = arith.constant 272 : index
        %parallel_loop3A_514 = tpu.vector_load %arg8[%parallel_loop3A_512, %parallel_loop3A_513] {strides = array<i32>} : memref<20x768xf32, #tpu.memory_space<vmem>>, vector<16xf32>,
        %parallel_loop3A_515 = arith.index_cast %parallel_loop3A_460 : i32 to index
        %parallel_loop3A_516 = arith.constant 288 : index
        %parallel_loop3A_517 = tpu.vector_load %arg8[%parallel_loop3A_515, %parallel_loop3A_516] {strides = array<i32>} : memref<20x768xf32, #tpu.memory_space<vmem>>, vector<16xf32>,
        %parallel_loop3A_518 = arith.index_cast %parallel_loop3A_460 : i32 to index
        %parallel_loop3A_519 = arith.constant 304 : index
        %parallel_loop3A_520 = tpu.vector_load %arg8[%parallel_loop3A_518, %parallel_loop3A_519] {strides = array<i32>} : memref<20x768xf32, #tpu.memory_space<vmem>>, vector<16xf32>,
        %parallel_loop3A_521 = arith.index_cast %parallel_loop3A_460 : i32 to index
        %parallel_loop3A_522 = arith.constant 320 : index
        %parallel_loop3A_523 = tpu.vector_load %arg8[%parallel_loop3A_521, %parallel_loop3A_522] {strides = array<i32>} : memref<20x768xf32, #tpu.memory_space<vmem>>, vector<16xf32>,
        %parallel_loop3A_524 = arith.index_cast %parallel_loop3A_460 : i32 to index
        %parallel_loop3A_525 = arith.constant 336 : index
        %parallel_loop3A_526 = tpu.vector_load %arg8[%parallel_loop3A_524, %parallel_loop3A_525] {strides = array<i32>} : memref<20x768xf32, #tpu.memory_space<vmem>>, vector<16xf32>,
        %parallel_loop3A_527 = arith.index_cast %parallel_loop3A_460 : i32 to index
        %parallel_loop3A_528 = arith.constant 352 : index
        %parallel_loop3A_529 = tpu.vector_load %arg8[%parallel_loop3A_527, %parallel_loop3A_528] {strides = array<i32>} : memref<20x768xf32, #tpu.memory_space<vmem>>, vector<16xf32>,
        %parallel_loop3A_530 = arith.index_cast %parallel_loop3A_460 : i32 to index
        %parallel_loop3A_531 = arith.constant 368 : index
        %parallel_loop3A_532 = tpu.vector_load %arg8[%parallel_loop3A_530, %parallel_loop3A_531] {strides = array<i32>} : memref<20x768xf32, #tpu.memory_space<vmem>>, vector<16xf32>,
        %parallel_loop3A_533 = arith.index_cast %parallel_loop3A_460 : i32 to index
        %parallel_loop3A_534 = arith.constant 384 : index
        %parallel_loop3A_535 = tpu.vector_load %arg8[%parallel_loop3A_533, %parallel_loop3A_534] {strides = array<i32>} : memref<20x768xf32, #tpu.memory_space<vmem>>, vector<16xf32>,
        %parallel_loop3A_536 = arith.index_cast %parallel_loop3A_460 : i32 to index
        %parallel_loop3A_537 = arith.constant 400 : index
        %parallel_loop3A_538 = tpu.vector_load %arg8[%parallel_loop3A_536, %parallel_loop3A_537] {strides = array<i32>} : memref<20x768xf32, #tpu.memory_space<vmem>>, vector<16xf32>,
        %parallel_loop3A_539 = arith.index_cast %parallel_loop3A_460 : i32 to index
        %parallel_loop3A_540 = arith.constant 416 : index
        %parallel_loop3A_541 = tpu.vector_load %arg8[%parallel_loop3A_539, %parallel_loop3A_540] {strides = array<i32>} : memref<20x768xf32, #tpu.memory_space<vmem>>, vector<16xf32>,
        %parallel_loop3A_542 = arith.index_cast %parallel_loop3A_460 : i32 to index
        %parallel_loop3A_543 = arith.constant 432 : index
        %parallel_loop3A_544 = tpu.vector_load %arg8[%parallel_loop3A_542, %parallel_loop3A_543] {strides = array<i32>} : memref<20x768xf32, #tpu.memory_space<vmem>>, vector<16xf32>,
        %parallel_loop3A_545 = arith.index_cast %parallel_loop3A_460 : i32 to index
        %parallel_loop3A_546 = arith.constant 448 : index
        %parallel_loop3A_547 = tpu.vector_load %arg8[%parallel_loop3A_545, %parallel_loop3A_546] {strides = array<i32>} : memref<20x768xf32, #tpu.memory_space<vmem>>, vector<16xf32>,
        %parallel_loop3A_548 = arith.index_cast %parallel_loop3A_460 : i32 to index
        %parallel_loop3A_549 = arith.constant 464 : index
        %parallel_loop3A_550 = tpu.vector_load %arg8[%parallel_loop3A_548, %parallel_loop3A_549] {strides = array<i32>} : memref<20x768xf32, #tpu.memory_space<vmem>>, vector<16xf32>,
        %parallel_loop3A_551 = arith.index_cast %parallel_loop3A_460 : i32 to index
        %parallel_loop3A_552 = arith.constant 480 : index
        %parallel_loop3A_553 = tpu.vector_load %arg8[%parallel_loop3A_551, %parallel_loop3A_552] {strides = array<i32>} : memref<20x768xf32, #tpu.memory_space<vmem>>, vector<16xf32>,
        %parallel_loop3A_554 = arith.index_cast %parallel_loop3A_460 : i32 to index
        %parallel_loop3A_555 = arith.constant 496 : index
        %parallel_loop3A_556 = tpu.vector_load %arg8[%parallel_loop3A_554, %parallel_loop3A_555] {strides = array<i32>} : memref<20x768xf32, #tpu.memory_space<vmem>>, vector<16xf32>,
        %parallel_loop3A_557 = arith.index_cast %parallel_loop3A_460 : i32 to index
        %parallel_loop3A_558 = arith.constant 512 : index
        %parallel_loop3A_559 = tpu.vector_load %arg8[%parallel_loop3A_557, %parallel_loop3A_558] {strides = array<i32>} : memref<20x768xf32, #tpu.memory_space<vmem>>, vector<16xf32>,
        %parallel_loop3A_560 = arith.index_cast %parallel_loop3A_460 : i32 to index
        %parallel_loop3A_561 = arith.constant 528 : index
        %parallel_loop3A_562 = tpu.vector_load %arg8[%parallel_loop3A_560, %parallel_loop3A_561] {strides = array<i32>} : memref<20x768xf32, #tpu.memory_space<vmem>>, vector<16xf32>,
        %parallel_loop3A_563 = arith.index_cast %parallel_loop3A_460 : i32 to index
        %parallel_loop3A_564 = arith.constant 544 : index
        %parallel_loop3A_565 = tpu.vector_load %arg8[%parallel_loop3A_563, %parallel_loop3A_564] {strides = array<i32>} : memref<20x768xf32, #tpu.memory_space<vmem>>, vector<16xf32>,
        %parallel_loop3A_566 = arith.index_cast %parallel_loop3A_460 : i32 to index
        %parallel_loop3A_567 = arith.constant 560 : index
        %parallel_loop3A_568 = tpu.vector_load %arg8[%parallel_loop3A_566, %parallel_loop3A_567] {strides = array<i32>} : memref<20x768xf32, #tpu.memory_space<vmem>>, vector<16xf32>,
        %parallel_loop3A_569 = arith.index_cast %parallel_loop3A_460 : i32 to index
        %parallel_loop3A_570 = arith.constant 576 : index
        %parallel_loop3A_571 = tpu.vector_load %arg8[%parallel_loop3A_569, %parallel_loop3A_570] {strides = array<i32>} : memref<20x768xf32, #tpu.memory_space<vmem>>, vector<16xf32>,
        %parallel_loop3A_572 = arith.index_cast %parallel_loop3A_460 : i32 to index
        %parallel_loop3A_573 = arith.constant 592 : index
        %parallel_loop3A_574 = tpu.vector_load %arg8[%parallel_loop3A_572, %parallel_loop3A_573] {strides = array<i32>} : memref<20x768xf32, #tpu.memory_space<vmem>>, vector<16xf32>,
        %parallel_loop3A_575 = arith.index_cast %parallel_loop3A_460 : i32 to index
        %parallel_loop3A_576 = arith.constant 608 : index
        %parallel_loop3A_577 = tpu.vector_load %arg8[%parallel_loop3A_575, %parallel_loop3A_576] {strides = array<i32>} : memref<20x768xf32, #tpu.memory_space<vmem>>, vector<16xf32>,
        %parallel_loop3A_578 = arith.index_cast %parallel_loop3A_460 : i32 to index
        %parallel_loop3A_579 = arith.constant 624 : index
        %parallel_loop3A_580 = tpu.vector_load %arg8[%parallel_loop3A_578, %parallel_loop3A_579] {strides = array<i32>} : memref<20x768xf32, #tpu.memory_space<vmem>>, vector<16xf32>,
        %parallel_loop3A_581 = arith.index_cast %parallel_loop3A_460 : i32 to index
        %parallel_loop3A_582 = arith.constant 640 : index
        %parallel_loop3A_583 = tpu.vector_load %arg8[%parallel_loop3A_581, %parallel_loop3A_582] {strides = array<i32>} : memref<20x768xf32, #tpu.memory_space<vmem>>, vector<16xf32>,
        %parallel_loop3A_584 = arith.index_cast %parallel_loop3A_460 : i32 to index
        %parallel_loop3A_585 = arith.constant 656 : index
        %parallel_loop3A_586 = tpu.vector_load %arg8[%parallel_loop3A_584, %parallel_loop3A_585] {strides = array<i32>} : memref<20x768xf32, #tpu.memory_space<vmem>>, vector<16xf32>,
        %parallel_loop3A_587 = arith.index_cast %parallel_loop3A_460 : i32 to index
        %parallel_loop3A_588 = arith.constant 672 : index
        %parallel_loop3A_589 = tpu.vector_load %arg8[%parallel_loop3A_587, %parallel_loop3A_588] {strides = array<i32>} : memref<20x768xf32, #tpu.memory_space<vmem>>, vector<16xf32>,
        %parallel_loop3A_590 = arith.index_cast %parallel_loop3A_460 : i32 to index
        %parallel_loop3A_591 = arith.constant 688 : index
        %parallel_loop3A_592 = tpu.vector_load %arg8[%parallel_loop3A_590, %parallel_loop3A_591] {strides = array<i32>} : memref<20x768xf32, #tpu.memory_space<vmem>>, vector<16xf32>,
        %parallel_loop3A_593 = arith.index_cast %parallel_loop3A_460 : i32 to index
        %parallel_loop3A_594 = arith.constant 704 : index
        %parallel_loop3A_595 = tpu.vector_load %arg8[%parallel_loop3A_593, %parallel_loop3A_594] {strides = array<i32>} : memref<20x768xf32, #tpu.memory_space<vmem>>, vector<16xf32>,
        %parallel_loop3A_596 = arith.index_cast %parallel_loop3A_460 : i32 to index
        %parallel_loop3A_597 = arith.constant 720 : index
        %parallel_loop3A_598 = tpu.vector_load %arg8[%parallel_loop3A_596, %parallel_loop3A_597] {strides = array<i32>} : memref<20x768xf32, #tpu.memory_space<vmem>>, vector<16xf32>,
        %parallel_loop3A_599 = arith.index_cast %parallel_loop3A_460 : i32 to index
        %parallel_loop3A_600 = arith.constant 736 : index
        %parallel_loop3A_601 = tpu.vector_load %arg8[%parallel_loop3A_599, %parallel_loop3A_600] {strides = array<i32>} : memref<20x768xf32, #tpu.memory_space<vmem>>, vector<16xf32>,
        %parallel_loop3A_602 = arith.index_cast %parallel_loop3A_460 : i32 to index
        %parallel_loop3A_603 = arith.constant 752 : index
        %parallel_loop3A_604 = tpu.vector_load %arg8[%parallel_loop3A_602, %parallel_loop3A_603] {strides = array<i32>} : memref<20x768xf32, #tpu.memory_space<vmem>>, vector<16xf32>,
        %parallel_loop3A_605 = arith.constant 0 : i32
        %parallel_loop3A_606 = arith.index_cast %parallel_loop3A_605 : i32 to index
        %parallel_loop3A_607 = arith.index_cast %parallel_loop3A_444 : i32 to index
        %parallel_loop3A_608 = arith.constant 0 : index
        %parallel_loop3A_609 = tpu.vector_load %arg9[%parallel_loop3A_606, %parallel_loop3A_607, %parallel_loop3A_608] {strides = array<i32>} : memref<4x32x768xf32, #tpu.memory_space<vmem>>, vector<16xf32>,
        tpu.vector_store %arg9[%parallel_loop3A_606, %parallel_loop3A_607, %parallel_loop3A_608], %parallel_loop3A_463 {add = true, strides = array<i32>} : memref<4x32x768xf32, #tpu.memory_space<vmem>>, vector<16xf32>,
        %parallel_loop3A_610 = arith.constant 0 : i32
        %parallel_loop3A_611 = arith.index_cast %parallel_loop3A_610 : i32 to index
        %parallel_loop3A_612 = arith.index_cast %parallel_loop3A_444 : i32 to index
        %parallel_loop3A_613 = arith.constant 16 : index
        %parallel_loop3A_614 = tpu.vector_load %arg9[%parallel_loop3A_611, %parallel_loop3A_612, %parallel_loop3A_613] {strides = array<i32>} : memref<4x32x768xf32, #tpu.memory_space<vmem>>, vector<16xf32>,
        tpu.vector_store %arg9[%parallel_loop3A_611, %parallel_loop3A_612, %parallel_loop3A_613], %parallel_loop3A_466 {add = true, strides = array<i32>} : memref<4x32x768xf32, #tpu.memory_space<vmem>>, vector<16xf32>,
        %parallel_loop3A_615 = arith.constant 0 : i32
        %parallel_loop3A_616 = arith.index_cast %parallel_loop3A_615 : i32 to index
        %parallel_loop3A_617 = arith.index_cast %parallel_loop3A_444 : i32 to index
        %parallel_loop3A_618 = arith.constant 32 : index
        %parallel_loop3A_619 = tpu.vector_load %arg9[%parallel_loop3A_616, %parallel_loop3A_617, %parallel_loop3A_618] {strides = array<i32>} : memref<4x32x768xf32, #tpu.memory_space<vmem>>, vector<16xf32>,
        tpu.vector_store %arg9[%parallel_loop3A_616, %parallel_loop3A_617, %parallel_loop3A_618], %parallel_loop3A_469 {add = true, strides = array<i32>} : memref<4x32x768xf32, #tpu.memory_space<vmem>>, vector<16xf32>,
        %parallel_loop3A_620 = arith.constant 0 : i32
        %parallel_loop3A_621 = arith.index_cast %parallel_loop3A_620 : i32 to index
        %parallel_loop3A_622 = arith.index_cast %parallel_loop3A_444 : i32 to index
        %parallel_loop3A_623 = arith.constant 48 : index
        %parallel_loop3A_624 = tpu.vector_load %arg9[%parallel_loop3A_621, %parallel_loop3A_622, %parallel_loop3A_623] {strides = array<i32>} : memref<4x32x768xf32, #tpu.memory_space<vmem>>, vector<16xf32>,
        tpu.vector_store %arg9[%parallel_loop3A_621, %parallel_loop3A_622, %parallel_loop3A_623], %parallel_loop3A_472 {add = true, strides = array<i32>} : memref<4x32x768xf32, #tpu.memory_space<vmem>>, vector<16xf32>,
        %parallel_loop3A_625 = arith.constant 0 : i32
        %parallel_loop3A_626 = arith.index_cast %parallel_loop3A_625 : i32 to index
        %parallel_loop3A_627 = arith.index_cast %parallel_loop3A_444 : i32 to index
        %parallel_loop3A_628 = arith.constant 64 : index
        %parallel_loop3A_629 = tpu.vector_load %arg9[%parallel_loop3A_626, %parallel_loop3A_627, %parallel_loop3A_628] {strides = array<i32>} : memref<4x32x768xf32, #tpu.memory_space<vmem>>, vector<16xf32>,
        tpu.vector_store %arg9[%parallel_loop3A_626, %parallel_loop3A_627, %parallel_loop3A_628], %parallel_loop3A_475 {add = true, strides = array<i32>} : memref<4x32x768xf32, #tpu.memory_space<vmem>>, vector<16xf32>,
        %parallel_loop3A_630 = arith.constant 0 : i32
        %parallel_loop3A_631 = arith.index_cast %parallel_loop3A_630 : i32 to index
        %parallel_loop3A_632 = arith.index_cast %parallel_loop3A_444 : i32 to index
        %parallel_loop3A_633 = arith.constant 80 : index
        %parallel_loop3A_634 = tpu.vector_load %arg9[%parallel_loop3A_631, %parallel_loop3A_632, %parallel_loop3A_633] {strides = array<i32>} : memref<4x32x768xf32, #tpu.memory_space<vmem>>, vector<16xf32>,
        tpu.vector_store %arg9[%parallel_loop3A_631, %parallel_loop3A_632, %parallel_loop3A_633], %parallel_loop3A_478 {add = true, strides = array<i32>} : memref<4x32x768xf32, #tpu.memory_space<vmem>>, vector<16xf32>,
        %parallel_loop3A_635 = arith.constant 0 : i32
        %parallel_loop3A_636 = arith.index_cast %parallel_loop3A_635 : i32 to index
        %parallel_loop3A_637 = arith.index_cast %parallel_loop3A_444 : i32 to index
        %parallel_loop3A_638 = arith.constant 96 : index
        %parallel_loop3A_639 = tpu.vector_load %arg9[%parallel_loop3A_636, %parallel_loop3A_637, %parallel_loop3A_638] {strides = array<i32>} : memref<4x32x768xf32, #tpu.memory_space<vmem>>, vector<16xf32>,
        tpu.vector_store %arg9[%parallel_loop3A_636, %parallel_loop3A_637, %parallel_loop3A_638], %parallel_loop3A_481 {add = true, strides = array<i32>} : memref<4x32x768xf32, #tpu.memory_space<vmem>>, vector<16xf32>,
        %parallel_loop3A_640 = arith.constant 0 : i32
        %parallel_loop3A_641 = arith.index_cast %parallel_loop3A_640 : i32 to index
        %parallel_loop3A_642 = arith.index_cast %parallel_loop3A_444 : i32 to index
        %parallel_loop3A_643 = arith.constant 112 : index
        %parallel_loop3A_644 = tpu.vector_load %arg9[%parallel_loop3A_641, %parallel_loop3A_642, %parallel_loop3A_643] {strides = array<i32>} : memref<4x32x768xf32, #tpu.memory_space<vmem>>, vector<16xf32>,
        tpu.vector_store %arg9[%parallel_loop3A_641, %parallel_loop3A_642, %parallel_loop3A_643], %parallel_loop3A_484 {add = true, strides = array<i32>} : memref<4x32x768xf32, #tpu.memory_space<vmem>>, vector<16xf32>,
        %parallel_loop3A_645 = arith.constant 0 : i32
        %parallel_loop3A_646 = arith.index_cast %parallel_loop3A_645 : i32 to index
        %parallel_loop3A_647 = arith.index_cast %parallel_loop3A_444 : i32 to index
        %parallel_loop3A_648 = arith.constant 128 : index
        %parallel_loop3A_649 = tpu.vector_load %arg9[%parallel_loop3A_646, %parallel_loop3A_647, %parallel_loop3A_648] {strides = array<i32>} : memref<4x32x768xf32, #tpu.memory_space<vmem>>, vector<16xf32>,
        tpu.vector_store %arg9[%parallel_loop3A_646, %parallel_loop3A_647, %parallel_loop3A_648], %parallel_loop3A_487 {add = true, strides = array<i32>} : memref<4x32x768xf32, #tpu.memory_space<vmem>>, vector<16xf32>,
        %parallel_loop3A_650 = arith.constant 0 : i32
        %parallel_loop3A_651 = arith.index_cast %parallel_loop3A_650 : i32 to index
        %parallel_loop3A_652 = arith.index_cast %parallel_loop3A_444 : i32 to index
        %parallel_loop3A_653 = arith.constant 144 : index
        %parallel_loop3A_654 = tpu.vector_load %arg9[%parallel_loop3A_651, %parallel_loop3A_652, %parallel_loop3A_653] {strides = array<i32>} : memref<4x32x768xf32, #tpu.memory_space<vmem>>, vector<16xf32>,
        tpu.vector_store %arg9[%parallel_loop3A_651, %parallel_loop3A_652, %parallel_loop3A_653], %parallel_loop3A_490 {add = true, strides = array<i32>} : memref<4x32x768xf32, #tpu.memory_space<vmem>>, vector<16xf32>,
        %parallel_loop3A_655 = arith.constant 0 : i32
        %parallel_loop3A_656 = arith.index_cast %parallel_loop3A_655 : i32 to index
        %parallel_loop3A_657 = arith.index_cast %parallel_loop3A_444 : i32 to index
        %parallel_loop3A_658 = arith.constant 160 : index
        %parallel_loop3A_659 = tpu.vector_load %arg9[%parallel_loop3A_656, %parallel_loop3A_657, %parallel_loop3A_658] {strides = array<i32>} : memref<4x32x768xf32, #tpu.memory_space<vmem>>, vector<16xf32>,
        tpu.vector_store %arg9[%parallel_loop3A_656, %parallel_loop3A_657, %parallel_loop3A_658], %parallel_loop3A_493 {add = true, strides = array<i32>} : memref<4x32x768xf32, #tpu.memory_space<vmem>>, vector<16xf32>,
        %parallel_loop3A_660 = arith.constant 0 : i32
        %parallel_loop3A_661 = arith.index_cast %parallel_loop3A_660 : i32 to index
        %parallel_loop3A_662 = arith.index_cast %parallel_loop3A_444 : i32 to index
        %parallel_loop3A_663 = arith.constant 176 : index
        %parallel_loop3A_664 = tpu.vector_load %arg9[%parallel_loop3A_661, %parallel_loop3A_662, %parallel_loop3A_663] {strides = array<i32>} : memref<4x32x768xf32, #tpu.memory_space<vmem>>, vector<16xf32>,
        tpu.vector_store %arg9[%parallel_loop3A_661, %parallel_loop3A_662, %parallel_loop3A_663], %parallel_loop3A_496 {add = true, strides = array<i32>} : memref<4x32x768xf32, #tpu.memory_space<vmem>>, vector<16xf32>,
        %parallel_loop3A_665 = arith.constant 0 : i32
        %parallel_loop3A_666 = arith.index_cast %parallel_loop3A_665 : i32 to index
        %parallel_loop3A_667 = arith.index_cast %parallel_loop3A_444 : i32 to index
        %parallel_loop3A_668 = arith.constant 192 : index
        %parallel_loop3A_669 = tpu.vector_load %arg9[%parallel_loop3A_666, %parallel_loop3A_667, %parallel_loop3A_668] {strides = array<i32>} : memref<4x32x768xf32, #tpu.memory_space<vmem>>, vector<16xf32>,
        tpu.vector_store %arg9[%parallel_loop3A_666, %parallel_loop3A_667, %parallel_loop3A_668], %parallel_loop3A_499 {add = true, strides = array<i32>} : memref<4x32x768xf32, #tpu.memory_space<vmem>>, vector<16xf32>,
        %parallel_loop3A_670 = arith.constant 0 : i32
        %parallel_loop3A_671 = arith.index_cast %parallel_loop3A_670 : i32 to index
        %parallel_loop3A_672 = arith.index_cast %parallel_loop3A_444 : i32 to index
        %parallel_loop3A_673 = arith.constant 208 : index
        %parallel_loop3A_674 = tpu.vector_load %arg9[%parallel_loop3A_671, %parallel_loop3A_672, %parallel_loop3A_673] {strides = array<i32>} : memref<4x32x768xf32, #tpu.memory_space<vmem>>, vector<16xf32>,
        tpu.vector_store %arg9[%parallel_loop3A_671, %parallel_loop3A_672, %parallel_loop3A_673], %parallel_loop3A_502 {add = true, strides = array<i32>} : memref<4x32x768xf32, #tpu.memory_space<vmem>>, vector<16xf32>,
        %parallel_loop3A_675 = arith.constant 0 : i32
        %parallel_loop3A_676 = arith.index_cast %parallel_loop3A_675 : i32 to index
        %parallel_loop3A_677 = arith.index_cast %parallel_loop3A_444 : i32 to index
        %parallel_loop3A_678 = arith.constant 224 : index
        %parallel_loop3A_679 = tpu.vector_load %arg9[%parallel_loop3A_676, %parallel_loop3A_677, %parallel_loop3A_678] {strides = array<i32>} : memref<4x32x768xf32, #tpu.memory_space<vmem>>, vector<16xf32>,
        tpu.vector_store %arg9[%parallel_loop3A_676, %parallel_loop3A_677, %parallel_loop3A_678], %parallel_loop3A_505 {add = true, strides = array<i32>} : memref<4x32x768xf32, #tpu.memory_space<vmem>>, vector<16xf32>,
        %parallel_loop3A_680 = arith.constant 0 : i32
        %parallel_loop3A_681 = arith.index_cast %parallel_loop3A_680 : i32 to index
        %parallel_loop3A_682 = arith.index_cast %parallel_loop3A_444 : i32 to index
        %parallel_loop3A_683 = arith.constant 240 : index
        %parallel_loop3A_684 = tpu.vector_load %arg9[%parallel_loop3A_681, %parallel_loop3A_682, %parallel_loop3A_683] {strides = array<i32>} : memref<4x32x768xf32, #tpu.memory_space<vmem>>, vector<16xf32>,
        tpu.vector_store %arg9[%parallel_loop3A_681, %parallel_loop3A_682, %parallel_loop3A_683], %parallel_loop3A_508 {add = true, strides = array<i32>} : memref<4x32x768xf32, #tpu.memory_space<vmem>>, vector<16xf32>,
        %parallel_loop3A_685 = arith.constant 0 : i32
        %parallel_loop3A_686 = arith.index_cast %parallel_loop3A_685 : i32 to index
        %parallel_loop3A_687 = arith.index_cast %parallel_loop3A_444 : i32 to index
        %parallel_loop3A_688 = arith.constant 256 : index
        %parallel_loop3A_689 = tpu.vector_load %arg9[%parallel_loop3A_686, %parallel_loop3A_687, %parallel_loop3A_688] {strides = array<i32>} : memref<4x32x768xf32, #tpu.memory_space<vmem>>, vector<16xf32>,
        tpu.vector_store %arg9[%parallel_loop3A_686, %parallel_loop3A_687, %parallel_loop3A_688], %parallel_loop3A_511 {add = true, strides = array<i32>} : memref<4x32x768xf32, #tpu.memory_space<vmem>>, vector<16xf32>,
        %parallel_loop3A_690 = arith.constant 0 : i32
        %parallel_loop3A_691 = arith.index_cast %parallel_loop3A_690 : i32 to index
        %parallel_loop3A_692 = arith.index_cast %parallel_loop3A_444 : i32 to index
        %parallel_loop3A_693 = arith.constant 272 : index
        %parallel_loop3A_694 = tpu.vector_load %arg9[%parallel_loop3A_691, %parallel_loop3A_692, %parallel_loop3A_693] {strides = array<i32>} : memref<4x32x768xf32, #tpu.memory_space<vmem>>, vector<16xf32>,
        tpu.vector_store %arg9[%parallel_loop3A_691, %parallel_loop3A_692, %parallel_loop3A_693], %parallel_loop3A_514 {add = true, strides = array<i32>} : memref<4x32x768xf32, #tpu.memory_space<vmem>>, vector<16xf32>,
        %parallel_loop3A_695 = arith.constant 0 : i32
        %parallel_loop3A_696 = arith.index_cast %parallel_loop3A_695 : i32 to index
        %parallel_loop3A_697 = arith.index_cast %parallel_loop3A_444 : i32 to index
        %parallel_loop3A_698 = arith.constant 288 : index
        %parallel_loop3A_699 = tpu.vector_load %arg9[%parallel_loop3A_696, %parallel_loop3A_697, %parallel_loop3A_698] {strides = array<i32>} : memref<4x32x768xf32, #tpu.memory_space<vmem>>, vector<16xf32>,
        tpu.vector_store %arg9[%parallel_loop3A_696, %parallel_loop3A_697, %parallel_loop3A_698], %parallel_loop3A_517 {add = true, strides = array<i32>} : memref<4x32x768xf32, #tpu.memory_space<vmem>>, vector<16xf32>,
        %parallel_loop3A_700 = arith.constant 0 : i32
        %parallel_loop3A_701 = arith.index_cast %parallel_loop3A_700 : i32 to index
        %parallel_loop3A_702 = arith.index_cast %parallel_loop3A_444 : i32 to index
        %parallel_loop3A_703 = arith.constant 304 : index
        %parallel_loop3A_704 = tpu.vector_load %arg9[%parallel_loop3A_701, %parallel_loop3A_702, %parallel_loop3A_703] {strides = array<i32>} : memref<4x32x768xf32, #tpu.memory_space<vmem>>, vector<16xf32>,
        tpu.vector_store %arg9[%parallel_loop3A_701, %parallel_loop3A_702, %parallel_loop3A_703], %parallel_loop3A_520 {add = true, strides = array<i32>} : memref<4x32x768xf32, #tpu.memory_space<vmem>>, vector<16xf32>,
        %parallel_loop3A_705 = arith.constant 0 : i32
        %parallel_loop3A_706 = arith.index_cast %parallel_loop3A_705 : i32 to index
        %parallel_loop3A_707 = arith.index_cast %parallel_loop3A_444 : i32 to index
        %parallel_loop3A_708 = arith.constant 320 : index
        %parallel_loop3A_709 = tpu.vector_load %arg9[%parallel_loop3A_706, %parallel_loop3A_707, %parallel_loop3A_708] {strides = array<i32>} : memref<4x32x768xf32, #tpu.memory_space<vmem>>, vector<16xf32>,
        tpu.vector_store %arg9[%parallel_loop3A_706, %parallel_loop3A_707, %parallel_loop3A_708], %parallel_loop3A_523 {add = true, strides = array<i32>} : memref<4x32x768xf32, #tpu.memory_space<vmem>>, vector<16xf32>,
        %parallel_loop3A_710 = arith.constant 0 : i32
        %parallel_loop3A_711 = arith.index_cast %parallel_loop3A_710 : i32 to index
        %parallel_loop3A_712 = arith.index_cast %parallel_loop3A_444 : i32 to index
        %parallel_loop3A_713 = arith.constant 336 : index
        %parallel_loop3A_714 = tpu.vector_load %arg9[%parallel_loop3A_711, %parallel_loop3A_712, %parallel_loop3A_713] {strides = array<i32>} : memref<4x32x768xf32, #tpu.memory_space<vmem>>, vector<16xf32>,
        tpu.vector_store %arg9[%parallel_loop3A_711, %parallel_loop3A_712, %parallel_loop3A_713], %parallel_loop3A_526 {add = true, strides = array<i32>} : memref<4x32x768xf32, #tpu.memory_space<vmem>>, vector<16xf32>,
        %parallel_loop3A_715 = arith.constant 0 : i32
        %parallel_loop3A_716 = arith.index_cast %parallel_loop3A_715 : i32 to index
        %parallel_loop3A_717 = arith.index_cast %parallel_loop3A_444 : i32 to index
        %parallel_loop3A_718 = arith.constant 352 : index
        %parallel_loop3A_719 = tpu.vector_load %arg9[%parallel_loop3A_716, %parallel_loop3A_717, %parallel_loop3A_718] {strides = array<i32>} : memref<4x32x768xf32, #tpu.memory_space<vmem>>, vector<16xf32>,
        tpu.vector_store %arg9[%parallel_loop3A_716, %parallel_loop3A_717, %parallel_loop3A_718], %parallel_loop3A_529 {add = true, strides = array<i32>} : memref<4x32x768xf32, #tpu.memory_space<vmem>>, vector<16xf32>,
        %parallel_loop3A_720 = arith.constant 0 : i32
        %parallel_loop3A_721 = arith.index_cast %parallel_loop3A_720 : i32 to index
        %parallel_loop3A_722 = arith.index_cast %parallel_loop3A_444 : i32 to index
        %parallel_loop3A_723 = arith.constant 368 : index
        %parallel_loop3A_724 = tpu.vector_load %arg9[%parallel_loop3A_721, %parallel_loop3A_722, %parallel_loop3A_723] {strides = array<i32>} : memref<4x32x768xf32, #tpu.memory_space<vmem>>, vector<16xf32>,
        tpu.vector_store %arg9[%parallel_loop3A_721, %parallel_loop3A_722, %parallel_loop3A_723], %parallel_loop3A_532 {add = true, strides = array<i32>} : memref<4x32x768xf32, #tpu.memory_space<vmem>>, vector<16xf32>,
        %parallel_loop3A_725 = arith.constant 0 : i32
        %parallel_loop3A_726 = arith.index_cast %parallel_loop3A_725 : i32 to index
        %parallel_loop3A_727 = arith.index_cast %parallel_loop3A_444 : i32 to index
        %parallel_loop3A_728 = arith.constant 384 : index
        %parallel_loop3A_729 = tpu.vector_load %arg9[%parallel_loop3A_726, %parallel_loop3A_727, %parallel_loop3A_728] {strides = array<i32>} : memref<4x32x768xf32, #tpu.memory_space<vmem>>, vector<16xf32>,
        tpu.vector_store %arg9[%parallel_loop3A_726, %parallel_loop3A_727, %parallel_loop3A_728], %parallel_loop3A_535 {add = true, strides = array<i32>} : memref<4x32x768xf32, #tpu.memory_space<vmem>>, vector<16xf32>,
        %parallel_loop3A_730 = arith.constant 0 : i32
        %parallel_loop3A_731 = arith.index_cast %parallel_loop3A_730 : i32 to index
        %parallel_loop3A_732 = arith.index_cast %parallel_loop3A_444 : i32 to index
        %parallel_loop3A_733 = arith.constant 400 : index
        %parallel_loop3A_734 = tpu.vector_load %arg9[%parallel_loop3A_731, %parallel_loop3A_732, %parallel_loop3A_733] {strides = array<i32>} : memref<4x32x768xf32, #tpu.memory_space<vmem>>, vector<16xf32>,
        tpu.vector_store %arg9[%parallel_loop3A_731, %parallel_loop3A_732, %parallel_loop3A_733], %parallel_loop3A_538 {add = true, strides = array<i32>} : memref<4x32x768xf32, #tpu.memory_space<vmem>>, vector<16xf32>,
        %parallel_loop3A_735 = arith.constant 0 : i32
        %parallel_loop3A_736 = arith.index_cast %parallel_loop3A_735 : i32 to index
        %parallel_loop3A_737 = arith.index_cast %parallel_loop3A_444 : i32 to index
        %parallel_loop3A_738 = arith.constant 416 : index
        %parallel_loop3A_739 = tpu.vector_load %arg9[%parallel_loop3A_736, %parallel_loop3A_737, %parallel_loop3A_738] {strides = array<i32>} : memref<4x32x768xf32, #tpu.memory_space<vmem>>, vector<16xf32>,
        tpu.vector_store %arg9[%parallel_loop3A_736, %parallel_loop3A_737, %parallel_loop3A_738], %parallel_loop3A_541 {add = true, strides = array<i32>} : memref<4x32x768xf32, #tpu.memory_space<vmem>>, vector<16xf32>,
        %parallel_loop3A_740 = arith.constant 0 : i32
        %parallel_loop3A_741 = arith.index_cast %parallel_loop3A_740 : i32 to index
        %parallel_loop3A_742 = arith.index_cast %parallel_loop3A_444 : i32 to index
        %parallel_loop3A_743 = arith.constant 432 : index
        %parallel_loop3A_744 = tpu.vector_load %arg9[%parallel_loop3A_741, %parallel_loop3A_742, %parallel_loop3A_743] {strides = array<i32>} : memref<4x32x768xf32, #tpu.memory_space<vmem>>, vector<16xf32>,
        tpu.vector_store %arg9[%parallel_loop3A_741, %parallel_loop3A_742, %parallel_loop3A_743], %parallel_loop3A_544 {add = true, strides = array<i32>} : memref<4x32x768xf32, #tpu.memory_space<vmem>>, vector<16xf32>,
        %parallel_loop3A_745 = arith.constant 0 : i32
        %parallel_loop3A_746 = arith.index_cast %parallel_loop3A_745 : i32 to index
        %parallel_loop3A_747 = arith.index_cast %parallel_loop3A_444 : i32 to index
        %parallel_loop3A_748 = arith.constant 448 : index
        %parallel_loop3A_749 = tpu.vector_load %arg9[%parallel_loop3A_746, %parallel_loop3A_747, %parallel_loop3A_748] {strides = array<i32>} : memref<4x32x768xf32, #tpu.memory_space<vmem>>, vector<16xf32>,
        tpu.vector_store %arg9[%parallel_loop3A_746, %parallel_loop3A_747, %parallel_loop3A_748], %parallel_loop3A_547 {add = true, strides = array<i32>} : memref<4x32x768xf32, #tpu.memory_space<vmem>>, vector<16xf32>,
        %parallel_loop3A_750 = arith.constant 0 : i32
        %parallel_loop3A_751 = arith.index_cast %parallel_loop3A_750 : i32 to index
        %parallel_loop3A_752 = arith.index_cast %parallel_loop3A_444 : i32 to index
        %parallel_loop3A_753 = arith.constant 464 : index
        %parallel_loop3A_754 = tpu.vector_load %arg9[%parallel_loop3A_751, %parallel_loop3A_752, %parallel_loop3A_753] {strides = array<i32>} : memref<4x32x768xf32, #tpu.memory_space<vmem>>, vector<16xf32>,
        tpu.vector_store %arg9[%parallel_loop3A_751, %parallel_loop3A_752, %parallel_loop3A_753], %parallel_loop3A_550 {add = true, strides = array<i32>} : memref<4x32x768xf32, #tpu.memory_space<vmem>>, vector<16xf32>,
        %parallel_loop3A_755 = arith.constant 0 : i32
        %parallel_loop3A_756 = arith.index_cast %parallel_loop3A_755 : i32 to index
        %parallel_loop3A_757 = arith.index_cast %parallel_loop3A_444 : i32 to index
        %parallel_loop3A_758 = arith.constant 480 : index
        %parallel_loop3A_759 = tpu.vector_load %arg9[%parallel_loop3A_756, %parallel_loop3A_757, %parallel_loop3A_758] {strides = array<i32>} : memref<4x32x768xf32, #tpu.memory_space<vmem>>, vector<16xf32>,
        tpu.vector_store %arg9[%parallel_loop3A_756, %parallel_loop3A_757, %parallel_loop3A_758], %parallel_loop3A_553 {add = true, strides = array<i32>} : memref<4x32x768xf32, #tpu.memory_space<vmem>>, vector<16xf32>,
        %parallel_loop3A_760 = arith.constant 0 : i32
        %parallel_loop3A_761 = arith.index_cast %parallel_loop3A_760 : i32 to index
        %parallel_loop3A_762 = arith.index_cast %parallel_loop3A_444 : i32 to index
        %parallel_loop3A_763 = arith.constant 496 : index
        %parallel_loop3A_764 = tpu.vector_load %arg9[%parallel_loop3A_761, %parallel_loop3A_762, %parallel_loop3A_763] {strides = array<i32>} : memref<4x32x768xf32, #tpu.memory_space<vmem>>, vector<16xf32>,
        tpu.vector_store %arg9[%parallel_loop3A_761, %parallel_loop3A_762, %parallel_loop3A_763], %parallel_loop3A_556 {add = true, strides = array<i32>} : memref<4x32x768xf32, #tpu.memory_space<vmem>>, vector<16xf32>,
        %parallel_loop3A_765 = arith.constant 0 : i32
        %parallel_loop3A_766 = arith.index_cast %parallel_loop3A_765 : i32 to index
        %parallel_loop3A_767 = arith.index_cast %parallel_loop3A_444 : i32 to index
        %parallel_loop3A_768 = arith.constant 512 : index
        %parallel_loop3A_769 = tpu.vector_load %arg9[%parallel_loop3A_766, %parallel_loop3A_767, %parallel_loop3A_768] {strides = array<i32>} : memref<4x32x768xf32, #tpu.memory_space<vmem>>, vector<16xf32>,
        tpu.vector_store %arg9[%parallel_loop3A_766, %parallel_loop3A_767, %parallel_loop3A_768], %parallel_loop3A_559 {add = true, strides = array<i32>} : memref<4x32x768xf32, #tpu.memory_space<vmem>>, vector<16xf32>,
        %parallel_loop3A_770 = arith.constant 0 : i32
        %parallel_loop3A_771 = arith.index_cast %parallel_loop3A_770 : i32 to index
        %parallel_loop3A_772 = arith.index_cast %parallel_loop3A_444 : i32 to index
        %parallel_loop3A_773 = arith.constant 528 : index
        %parallel_loop3A_774 = tpu.vector_load %arg9[%parallel_loop3A_771, %parallel_loop3A_772, %parallel_loop3A_773] {strides = array<i32>} : memref<4x32x768xf32, #tpu.memory_space<vmem>>, vector<16xf32>,
        tpu.vector_store %arg9[%parallel_loop3A_771, %parallel_loop3A_772, %parallel_loop3A_773], %parallel_loop3A_562 {add = true, strides = array<i32>} : memref<4x32x768xf32, #tpu.memory_space<vmem>>, vector<16xf32>,
        %parallel_loop3A_775 = arith.constant 0 : i32
        %parallel_loop3A_776 = arith.index_cast %parallel_loop3A_775 : i32 to index
        %parallel_loop3A_777 = arith.index_cast %parallel_loop3A_444 : i32 to index
        %parallel_loop3A_778 = arith.constant 544 : index
        %parallel_loop3A_779 = tpu.vector_load %arg9[%parallel_loop3A_776, %parallel_loop3A_777, %parallel_loop3A_778] {strides = array<i32>} : memref<4x32x768xf32, #tpu.memory_space<vmem>>, vector<16xf32>,
        tpu.vector_store %arg9[%parallel_loop3A_776, %parallel_loop3A_777, %parallel_loop3A_778], %parallel_loop3A_565 {add = true, strides = array<i32>} : memref<4x32x768xf32, #tpu.memory_space<vmem>>, vector<16xf32>,
        %parallel_loop3A_780 = arith.constant 0 : i32
        %parallel_loop3A_781 = arith.index_cast %parallel_loop3A_780 : i32 to index
        %parallel_loop3A_782 = arith.index_cast %parallel_loop3A_444 : i32 to index
        %parallel_loop3A_783 = arith.constant 560 : index
        %parallel_loop3A_784 = tpu.vector_load %arg9[%parallel_loop3A_781, %parallel_loop3A_782, %parallel_loop3A_783] {strides = array<i32>} : memref<4x32x768xf32, #tpu.memory_space<vmem>>, vector<16xf32>,
        tpu.vector_store %arg9[%parallel_loop3A_781, %parallel_loop3A_782, %parallel_loop3A_783], %parallel_loop3A_568 {add = true, strides = array<i32>} : memref<4x32x768xf32, #tpu.memory_space<vmem>>, vector<16xf32>,
        %parallel_loop3A_785 = arith.constant 0 : i32
        %parallel_loop3A_786 = arith.index_cast %parallel_loop3A_785 : i32 to index
        %parallel_loop3A_787 = arith.index_cast %parallel_loop3A_444 : i32 to index
        %parallel_loop3A_788 = arith.constant 576 : index
        %parallel_loop3A_789 = tpu.vector_load %arg9[%parallel_loop3A_786, %parallel_loop3A_787, %parallel_loop3A_788] {strides = array<i32>} : memref<4x32x768xf32, #tpu.memory_space<vmem>>, vector<16xf32>,
        tpu.vector_store %arg9[%parallel_loop3A_786, %parallel_loop3A_787, %parallel_loop3A_788], %parallel_loop3A_571 {add = true, strides = array<i32>} : memref<4x32x768xf32, #tpu.memory_space<vmem>>, vector<16xf32>,
        %parallel_loop3A_790 = arith.constant 0 : i32
        %parallel_loop3A_791 = arith.index_cast %parallel_loop3A_790 : i32 to index
        %parallel_loop3A_792 = arith.index_cast %parallel_loop3A_444 : i32 to index
        %parallel_loop3A_793 = arith.constant 592 : index
        %parallel_loop3A_794 = tpu.vector_load %arg9[%parallel_loop3A_791, %parallel_loop3A_792, %parallel_loop3A_793] {strides = array<i32>} : memref<4x32x768xf32, #tpu.memory_space<vmem>>, vector<16xf32>,
        tpu.vector_store %arg9[%parallel_loop3A_791, %parallel_loop3A_792, %parallel_loop3A_793], %parallel_loop3A_574 {add = true, strides = array<i32>} : memref<4x32x768xf32, #tpu.memory_space<vmem>>, vector<16xf32>,
        %parallel_loop3A_795 = arith.constant 0 : i32
        %parallel_loop3A_796 = arith.index_cast %parallel_loop3A_795 : i32 to index
        %parallel_loop3A_797 = arith.index_cast %parallel_loop3A_444 : i32 to index
        %parallel_loop3A_798 = arith.constant 608 : index
        %parallel_loop3A_799 = tpu.vector_load %arg9[%parallel_loop3A_796, %parallel_loop3A_797, %parallel_loop3A_798] {strides = array<i32>} : memref<4x32x768xf32, #tpu.memory_space<vmem>>, vector<16xf32>,
        tpu.vector_store %arg9[%parallel_loop3A_796, %parallel_loop3A_797, %parallel_loop3A_798], %parallel_loop3A_577 {add = true, strides = array<i32>} : memref<4x32x768xf32, #tpu.memory_space<vmem>>, vector<16xf32>,
        %parallel_loop3A_800 = arith.constant 0 : i32
        %parallel_loop3A_801 = arith.index_cast %parallel_loop3A_800 : i32 to index
        %parallel_loop3A_802 = arith.index_cast %parallel_loop3A_444 : i32 to index
        %parallel_loop3A_803 = arith.constant 624 : index
        %parallel_loop3A_804 = tpu.vector_load %arg9[%parallel_loop3A_801, %parallel_loop3A_802, %parallel_loop3A_803] {strides = array<i32>} : memref<4x32x768xf32, #tpu.memory_space<vmem>>, vector<16xf32>,
        tpu.vector_store %arg9[%parallel_loop3A_801, %parallel_loop3A_802, %parallel_loop3A_803], %parallel_loop3A_580 {add = true, strides = array<i32>} : memref<4x32x768xf32, #tpu.memory_space<vmem>>, vector<16xf32>,
        %parallel_loop3A_805 = arith.constant 0 : i32
        %parallel_loop3A_806 = arith.index_cast %parallel_loop3A_805 : i32 to index
        %parallel_loop3A_807 = arith.index_cast %parallel_loop3A_444 : i32 to index
        %parallel_loop3A_808 = arith.constant 640 : index
        %parallel_loop3A_809 = tpu.vector_load %arg9[%parallel_loop3A_806, %parallel_loop3A_807, %parallel_loop3A_808] {strides = array<i32>} : memref<4x32x768xf32, #tpu.memory_space<vmem>>, vector<16xf32>,
        tpu.vector_store %arg9[%parallel_loop3A_806, %parallel_loop3A_807, %parallel_loop3A_808], %parallel_loop3A_583 {add = true, strides = array<i32>} : memref<4x32x768xf32, #tpu.memory_space<vmem>>, vector<16xf32>,
        %parallel_loop3A_810 = arith.constant 0 : i32
        %parallel_loop3A_811 = arith.index_cast %parallel_loop3A_810 : i32 to index
        %parallel_loop3A_812 = arith.index_cast %parallel_loop3A_444 : i32 to index
        %parallel_loop3A_813 = arith.constant 656 : index
        %parallel_loop3A_814 = tpu.vector_load %arg9[%parallel_loop3A_811, %parallel_loop3A_812, %parallel_loop3A_813] {strides = array<i32>} : memref<4x32x768xf32, #tpu.memory_space<vmem>>, vector<16xf32>,
        tpu.vector_store %arg9[%parallel_loop3A_811, %parallel_loop3A_812, %parallel_loop3A_813], %parallel_loop3A_586 {add = true, strides = array<i32>} : memref<4x32x768xf32, #tpu.memory_space<vmem>>, vector<16xf32>,
        %parallel_loop3A_815 = arith.constant 0 : i32
        %parallel_loop3A_816 = arith.index_cast %parallel_loop3A_815 : i32 to index
        %parallel_loop3A_817 = arith.index_cast %parallel_loop3A_444 : i32 to index
        %parallel_loop3A_818 = arith.constant 672 : index
        %parallel_loop3A_819 = tpu.vector_load %arg9[%parallel_loop3A_816, %parallel_loop3A_817, %parallel_loop3A_818] {strides = array<i32>} : memref<4x32x768xf32, #tpu.memory_space<vmem>>, vector<16xf32>,
        tpu.vector_store %arg9[%parallel_loop3A_816, %parallel_loop3A_817, %parallel_loop3A_818], %parallel_loop3A_589 {add = true, strides = array<i32>} : memref<4x32x768xf32, #tpu.memory_space<vmem>>, vector<16xf32>,
        %parallel_loop3A_820 = arith.constant 0 : i32
        %parallel_loop3A_821 = arith.index_cast %parallel_loop3A_820 : i32 to index
        %parallel_loop3A_822 = arith.index_cast %parallel_loop3A_444 : i32 to index
        %parallel_loop3A_823 = arith.constant 688 : index
        %parallel_loop3A_824 = tpu.vector_load %arg9[%parallel_loop3A_821, %parallel_loop3A_822, %parallel_loop3A_823] {strides = array<i32>} : memref<4x32x768xf32, #tpu.memory_space<vmem>>, vector<16xf32>,
        tpu.vector_store %arg9[%parallel_loop3A_821, %parallel_loop3A_822, %parallel_loop3A_823], %parallel_loop3A_592 {add = true, strides = array<i32>} : memref<4x32x768xf32, #tpu.memory_space<vmem>>, vector<16xf32>,
        %parallel_loop3A_825 = arith.constant 0 : i32
        %parallel_loop3A_826 = arith.index_cast %parallel_loop3A_825 : i32 to index
        %parallel_loop3A_827 = arith.index_cast %parallel_loop3A_444 : i32 to index
        %parallel_loop3A_828 = arith.constant 704 : index
        %parallel_loop3A_829 = tpu.vector_load %arg9[%parallel_loop3A_826, %parallel_loop3A_827, %parallel_loop3A_828] {strides = array<i32>} : memref<4x32x768xf32, #tpu.memory_space<vmem>>, vector<16xf32>,
        tpu.vector_store %arg9[%parallel_loop3A_826, %parallel_loop3A_827, %parallel_loop3A_828], %parallel_loop3A_595 {add = true, strides = array<i32>} : memref<4x32x768xf32, #tpu.memory_space<vmem>>, vector<16xf32>,
        %parallel_loop3A_830 = arith.constant 0 : i32
        %parallel_loop3A_831 = arith.index_cast %parallel_loop3A_830 : i32 to index
        %parallel_loop3A_832 = arith.index_cast %parallel_loop3A_444 : i32 to index
        %parallel_loop3A_833 = arith.constant 720 : index
        %parallel_loop3A_834 = tpu.vector_load %arg9[%parallel_loop3A_831, %parallel_loop3A_832, %parallel_loop3A_833] {strides = array<i32>} : memref<4x32x768xf32, #tpu.memory_space<vmem>>, vector<16xf32>,
        tpu.vector_store %arg9[%parallel_loop3A_831, %parallel_loop3A_832, %parallel_loop3A_833], %parallel_loop3A_598 {add = true, strides = array<i32>} : memref<4x32x768xf32, #tpu.memory_space<vmem>>, vector<16xf32>,
        %parallel_loop3A_835 = arith.constant 0 : i32
        %parallel_loop3A_836 = arith.index_cast %parallel_loop3A_835 : i32 to index
        %parallel_loop3A_837 = arith.index_cast %parallel_loop3A_444 : i32 to index
        %parallel_loop3A_838 = arith.constant 736 : index
        %parallel_loop3A_839 = tpu.vector_load %arg9[%parallel_loop3A_836, %parallel_loop3A_837, %parallel_loop3A_838] {strides = array<i32>} : memref<4x32x768xf32, #tpu.memory_space<vmem>>, vector<16xf32>,
        tpu.vector_store %arg9[%parallel_loop3A_836, %parallel_loop3A_837, %parallel_loop3A_838], %parallel_loop3A_601 {add = true, strides = array<i32>} : memref<4x32x768xf32, #tpu.memory_space<vmem>>, vector<16xf32>,
        %parallel_loop3A_840 = arith.constant 0 : i32
        %parallel_loop3A_841 = arith.index_cast %parallel_loop3A_840 : i32 to index
        %parallel_loop3A_842 = arith.index_cast %parallel_loop3A_444 : i32 to index
        %parallel_loop3A_843 = arith.constant 752 : index
        %parallel_loop3A_844 = tpu.vector_load %arg9[%parallel_loop3A_841, %parallel_loop3A_842, %parallel_loop3A_843] {strides = array<i32>} : memref<4x32x768xf32, #tpu.memory_space<vmem>>, vector<16xf32>,
        tpu.vector_store %arg9[%parallel_loop3A_841, %parallel_loop3A_842, %parallel_loop3A_843], %parallel_loop3A_604 {add = true, strides = array<i32>} : memref<4x32x768xf32, #tpu.memory_space<vmem>>, vector<16xf32>,
      } {sc.loop_unroll_factor = 1 : i64, sc.parallel_access}
      %ge3A = arith.constant 1 : i32
      %ge3A_194 = arith.cmpi sge, %add3A_149, %ge3A : i32
      %convert_element_type3A = arith.extui %ge3A_194 : i1 to i32
      %cond3A = arith.constant 0 : i32
      %cond3A_195 = arith.cmpi ne, %convert_element_type3A, %cond3A : i32
      scf.if %cond3A_195 {
        %sub3A_444 = arith.constant 32 : i32
        %sub3A_445 = arith.subi %add3A_152, %sub3A_444 : i32
        %dma_wait3A_446 = arith.constant 3 : i32
        %dma_wait3A_447 = arith.constant 0 : i32
        %dma_wait3A_448 = arith.constant 0 : i32
        %dma_wait3A_449 = tpu.memref_slice %arg9[%dma_wait3A_446, %dma_wait3A_447, %dma_wait3A_448] : memref<4x32x768xf32, #tpu.memory_space<vmem>> -> memref<1x32x768xf32, #tpu.memory_space<vmem>>
        %dma_wait3A_450 = tpu.memref_squeeze %dma_wait3A_449 : memref<1x32x768xf32, #tpu.memory_space<vmem>> -> memref<32x768xf32, #tpu.memory_space<vmem>>
        %dma_wait3A_451 = arith.constant 0 : i32
        %dma_wait3A_452 = tpu.memref_slice %arg7[%sub3A_445, %dma_wait3A_451] : memref<16384x768xf32, #tpu.memory_space<hbm>> -> memref<32x768xf32, #tpu.memory_space<hbm>>
        %dma_wait3A_453 = arith.constant 0 : i32
        %dma_wait3A_454 = tpu.memref_slice %arg7[%sub3A_445, %dma_wait3A_453] : memref<16384x768xf32, #tpu.memory_space<hbm>> -> memref<32x768xf32, #tpu.memory_space<hbm>>
        %dma_wait3A_455 = arith.constant 0 : i32
        %dma_wait3A_456 = arith.constant 0 : i32
        %dma_wait3A_457 = tpu.memref_slice %arg9[%dma_wait3A_446, %dma_wait3A_455, %dma_wait3A_456] : memref<4x32x768xf32, #tpu.memory_space<vmem>> -> memref<1x32x768xf32, #tpu.memory_space<vmem>>
        %dma_wait3A_458 = tpu.memref_squeeze %dma_wait3A_457 : memref<1x32x768xf32, #tpu.memory_space<vmem>> -> memref<32x768xf32, #tpu.memory_space<vmem>>
        tpu.wait_dma2 semaphore(%arg18 : memref<!tpu.dma_semaphore, #tpu.memory_space<semaphore_mem>>) src(%dma_wait3A_458 : memref<32x768xf32, #tpu.memory_space<vmem>>) dst(%dma_wait3A_454 : memref<32x768xf32, #tpu.memory_space<hbm>>)
      } else {
      }
      %add3A_196 = arith.constant 4 : i32
      %add3A_197 = arith.addi %add3A_149, %add3A_196 : i32
      %sub3A = arith.constant 1 : i32
      %sub3A_198 = arith.subi %add3A_197, %sub3A : i32
      %lt3A = arith.constant 16 : i32
      %lt3A_199 = arith.cmpi slt, %sub3A_198, %lt3A : i32
      %convert_element_type3A_200 = arith.extui %lt3A_199 : i1 to i32
      %cond3A_201 = arith.constant 0 : i32
      %cond3A_202 = arith.cmpi ne, %convert_element_type3A_200, %cond3A_201 : i32
      scf.if %cond3A_202 {
        %add3A_444 = arith.constant 96 : i32
        %add3A_445 = arith.addi %add3A_152, %add3A_444 : i32
        %dma_start3A_446 = arith.constant 3 : i32
        %dma_start3A_447 = arith.constant 0 : i32
        %dma_start3A_448 = arith.constant 0 : i32
        %dma_start3A_449 = tpu.memref_slice %arg9[%dma_start3A_446, %dma_start3A_447, %dma_start3A_448] : memref<4x32x768xf32, #tpu.memory_space<vmem>> -> memref<1x32x256xf32, #tpu.memory_space<vmem>>
        %dma_start3A_450 = tpu.memref_squeeze %dma_start3A_449 : memref<1x32x256xf32, #tpu.memory_space<vmem>> -> memref<32x256xf32, #tpu.memory_space<vmem>>
        %dma_start3A_451 = arith.constant 0 : i32
        %dma_start3A_452 = tpu.memref_slice %arg2[%add3A_445, %dma_start3A_451] : memref<16384x256xf32, #tpu.memory_space<hbm>> -> memref<32x256xf32, #tpu.memory_space<hbm>>
        %dma_start3A_453 = arith.constant 0 : i32
        %dma_start3A_454 = arith.constant 0 : i32
        %dma_start3A_455 = tpu.memref_slice %arg9[%dma_start3A_446, %dma_start3A_453, %dma_start3A_454] : memref<4x32x768xf32, #tpu.memory_space<vmem>> -> memref<1x32x256xf32, #tpu.memory_space<vmem>>
        %dma_start3A_456 = tpu.memref_squeeze %dma_start3A_455 : memref<1x32x256xf32, #tpu.memory_space<vmem>> -> memref<32x256xf32, #tpu.memory_space<vmem>>
        %dma_start3A_457 = arith.constant 0 : i32
        %dma_start3A_458 = tpu.memref_slice %arg2[%add3A_445, %dma_start3A_457] : memref<16384x256xf32, #tpu.memory_space<hbm>> -> memref<32x256xf32, #tpu.memory_space<hbm>>
        tpu.enqueue_dma source(%dma_start3A_458 : memref<32x256xf32, #tpu.memory_space<hbm>>) target(%dma_start3A_456 : memref<32x256xf32, #tpu.memory_space<vmem>>) target_semaphore(%arg14 : memref<!tpu.dma_semaphore, #tpu.memory_space<semaphore_mem>>)
        %dma_start3A_459 = arith.constant 3 : i32
        %dma_start3A_460 = arith.constant 0 : i32
        %dma_start3A_461 = arith.constant 256 : i32
        %dma_start3A_462 = tpu.memref_slice %arg9[%dma_start3A_459, %dma_start3A_460, %dma_start3A_461] : memref<4x32x768xf32, #tpu.memory_space<vmem>> -> memref<1x32x256xf32, #tpu.memory_space<vmem>>
        %dma_start3A_463 = tpu.memref_squeeze %dma_start3A_462 : memref<1x32x256xf32, #tpu.memory_space<vmem>> -> memref<32x256xf32, #tpu.memory_space<vmem>>
        %dma_start3A_464 = arith.constant 0 : i32
        %dma_start3A_465 = tpu.memref_slice %arg3[%add3A_445, %dma_start3A_464] : memref<16384x256xf32, #tpu.memory_space<hbm>> -> memref<32x256xf32, #tpu.memory_space<hbm>>
        %dma_start3A_466 = arith.constant 0 : i32
        %dma_start3A_467 = arith.constant 256 : i32
        %dma_start3A_468 = tpu.memref_slice %arg9[%dma_start3A_459, %dma_start3A_466, %dma_start3A_467] : memref<4x32x768xf32, #tpu.memory_space<vmem>> -> memref<1x32x256xf32, #tpu.memory_space<vmem>>
        %dma_start3A_469 = tpu.memref_squeeze %dma_start3A_468 : memref<1x32x256xf32, #tpu.memory_space<vmem>> -> memref<32x256xf32, #tpu.memory_space<vmem>>
        %dma_start3A_470 = arith.constant 0 : i32
        %dma_start3A_471 = tpu.memref_slice %arg3[%add3A_445, %dma_start3A_470] : memref<16384x256xf32, #tpu.memory_space<hbm>> -> memref<32x256xf32, #tpu.memory_space<hbm>>
        tpu.enqueue_dma source(%dma_start3A_471 : memref<32x256xf32, #tpu.memory_space<hbm>>) target(%dma_start3A_469 : memref<32x256xf32, #tpu.memory_space<vmem>>) target_semaphore(%arg14 : memref<!tpu.dma_semaphore, #tpu.memory_space<semaphore_mem>>)
        %dma_start3A_472 = arith.constant 3 : i32
        %dma_start3A_473 = arith.constant 0 : i32
        %dma_start3A_474 = arith.constant 512 : i32
        %dma_start3A_475 = tpu.memref_slice %arg9[%dma_start3A_472, %dma_start3A_473, %dma_start3A_474] : memref<4x32x768xf32, #tpu.memory_space<vmem>> -> memref<1x32x256xf32, #tpu.memory_space<vmem>>
        %dma_start3A_476 = tpu.memref_squeeze %dma_start3A_475 : memref<1x32x256xf32, #tpu.memory_space<vmem>> -> memref<32x256xf32, #tpu.memory_space<vmem>>
        %dma_start3A_477 = arith.constant 0 : i32
        %dma_start3A_478 = tpu.memref_slice %arg4[%add3A_445, %dma_start3A_477] : memref<16384x256xf32, #tpu.memory_space<hbm>> -> memref<32x256xf32, #tpu.memory_space<hbm>>
        %dma_start3A_479 = arith.constant 0 : i32
        %dma_start3A_480 = arith.constant 512 : i32
        %dma_start3A_481 = tpu.memref_slice %arg9[%dma_start3A_472, %dma_start3A_479, %dma_start3A_480] : memref<4x32x768xf32, #tpu.memory_space<vmem>> -> memref<1x32x256xf32, #tpu.memory_space<vmem>>
        %dma_start3A_482 = tpu.memref_squeeze %dma_start3A_481 : memref<1x32x256xf32, #tpu.memory_space<vmem>> -> memref<32x256xf32, #tpu.memory_space<vmem>>
        %dma_start3A_483 = arith.constant 0 : i32
        %dma_start3A_484 = tpu.memref_slice %arg4[%add3A_445, %dma_start3A_483] : memref<16384x256xf32, #tpu.memory_space<hbm>> -> memref<32x256xf32, #tpu.memory_space<hbm>>
        tpu.enqueue_dma source(%dma_start3A_484 : memref<32x256xf32, #tpu.memory_space<hbm>>) target(%dma_start3A_482 : memref<32x256xf32, #tpu.memory_space<vmem>>) target_semaphore(%arg14 : memref<!tpu.dma_semaphore, #tpu.memory_space<semaphore_mem>>)
      } else {
      }
      %dma_start3A_203 = arith.constant 0 : i32
      %dma_start3A_204 = arith.constant 0 : i32
      %dma_start3A_205 = arith.constant 0 : i32
      %dma_start3A_206 = tpu.memref_slice %arg9[%dma_start3A_203, %dma_start3A_204, %dma_start3A_205] : memref<4x32x768xf32, #tpu.memory_space<vmem>> -> memref<1x32x768xf32, #tpu.memory_space<vmem>>
      %dma_start3A_207 = tpu.memref_squeeze %dma_start3A_206 : memref<1x32x768xf32, #tpu.memory_space<vmem>> -> memref<32x768xf32, #tpu.memory_space<vmem>>
      %dma_start3A_208 = arith.constant 0 : i32
      %dma_start3A_209 = tpu.memref_slice %arg7[%add3A_152, %dma_start3A_208] : memref<16384x768xf32, #tpu.memory_space<hbm>> -> memref<32x768xf32, #tpu.memory_space<hbm>>
      %dma_start3A_210 = arith.constant 0 : i32
      %dma_start3A_211 = tpu.memref_slice %arg7[%add3A_152, %dma_start3A_210] : memref<16384x768xf32, #tpu.memory_space<hbm>> -> memref<32x768xf32, #tpu.memory_space<hbm>>
      %dma_start3A_212 = arith.constant 0 : i32
      %dma_start3A_213 = arith.constant 0 : i32
      %dma_start3A_214 = tpu.memref_slice %arg9[%dma_start3A_203, %dma_start3A_212, %dma_start3A_213] : memref<4x32x768xf32, #tpu.memory_space<vmem>> -> memref<1x32x768xf32, #tpu.memory_space<vmem>>
      %dma_start3A_215 = tpu.memref_squeeze %dma_start3A_214 : memref<1x32x768xf32, #tpu.memory_space<vmem>> -> memref<32x768xf32, #tpu.memory_space<vmem>>
      tpu.enqueue_dma source(%dma_start3A_215 : memref<32x768xf32, #tpu.memory_space<vmem>>) target(%dma_start3A_211 : memref<32x768xf32, #tpu.memory_space<hbm>>) target_semaphore(%arg15 : memref<!tpu.dma_semaphore, #tpu.memory_space<semaphore_mem>>)
      %mul3A_216 = arith.constant 4 : i32
      %mul3A_217 = arith.muli %scan3A_145, %mul3A_216 : i32
      %add3A_218 = arith.constant 1 : i32
      %add3A_219 = arith.addi %mul3A_217, %add3A_218 : i32
      %mul3A_220 = arith.constant 32 : i32
      %mul3A_221 = arith.muli %add3A_219, %mul3A_220 : i32
      %add3A_222 = arith.addi %mul3A_2, %mul3A_221 : i32
      %dma_wait3A_223 = arith.constant 1 : i32
      %dma_wait3A_224 = arith.constant 0 : i32
      %dma_wait3A_225 = arith.constant 0 : i32
      %dma_wait3A_226 = tpu.memref_slice %arg9[%dma_wait3A_223, %dma_wait3A_224, %dma_wait3A_225] : memref<4x32x768xf32, #tpu.memory_space<vmem>> -> memref<1x32x256xf32, #tpu.memory_space<vmem>>
      %dma_wait3A_227 = tpu.memref_squeeze %dma_wait3A_226 : memref<1x32x256xf32, #tpu.memory_space<vmem>> -> memref<32x256xf32, #tpu.memory_space<vmem>>
      %dma_wait3A_228 = arith.constant 0 : i32
      %dma_wait3A_229 = tpu.memref_slice %arg2[%add3A_222, %dma_wait3A_228] : memref<16384x256xf32, #tpu.memory_space<hbm>> -> memref<32x256xf32, #tpu.memory_space<hbm>>
      %dma_wait3A_230 = arith.constant 0 : i32
      %dma_wait3A_231 = arith.constant 0 : i32
      %dma_wait3A_232 = tpu.memref_slice %arg9[%dma_wait3A_223, %dma_wait3A_230, %dma_wait3A_231] : memref<4x32x768xf32, #tpu.memory_space<vmem>> -> memref<1x32x256xf32, #tpu.memory_space<vmem>>
      %dma_wait3A_233 = tpu.memref_squeeze %dma_wait3A_232 : memref<1x32x256xf32, #tpu.memory_space<vmem>> -> memref<32x256xf32, #tpu.memory_space<vmem>>
      %dma_wait3A_234 = arith.constant 0 : i32
      %dma_wait3A_235 = tpu.memref_slice %arg2[%add3A_222, %dma_wait3A_234] : memref<16384x256xf32, #tpu.memory_space<hbm>> -> memref<32x256xf32, #tpu.memory_space<hbm>>
      tpu.wait_dma2 semaphore(%arg12 : memref<!tpu.dma_semaphore, #tpu.memory_space<semaphore_mem>>) src(%dma_wait3A_235 : memref<32x256xf32, #tpu.memory_space<hbm>>) dst(%dma_wait3A_233 : memref<32x256xf32, #tpu.memory_space<vmem>>)
      %dma_wait3A_236 = arith.constant 1 : i32
      %dma_wait3A_237 = arith.constant 0 : i32
      %dma_wait3A_238 = arith.constant 256 : i32
      %dma_wait3A_239 = tpu.memref_slice %arg9[%dma_wait3A_236, %dma_wait3A_237, %dma_wait3A_238] : memref<4x32x768xf32, #tpu.memory_space<vmem>> -> memref<1x32x256xf32, #tpu.memory_space<vmem>>
      %dma_wait3A_240 = tpu.memref_squeeze %dma_wait3A_239 : memref<1x32x256xf32, #tpu.memory_space<vmem>> -> memref<32x256xf32, #tpu.memory_space<vmem>>
      %dma_wait3A_241 = arith.constant 0 : i32
      %dma_wait3A_242 = tpu.memref_slice %arg3[%add3A_222, %dma_wait3A_241] : memref<16384x256xf32, #tpu.memory_space<hbm>> -> memref<32x256xf32, #tpu.memory_space<hbm>>
      %dma_wait3A_243 = arith.constant 0 : i32
      %dma_wait3A_244 = arith.constant 256 : i32
      %dma_wait3A_245 = tpu.memref_slice %arg9[%dma_wait3A_236, %dma_wait3A_243, %dma_wait3A_244] : memref<4x32x768xf32, #tpu.memory_space<vmem>> -> memref<1x32x256xf32, #tpu.memory_space<vmem>>
      %dma_wait3A_246 = tpu.memref_squeeze %dma_wait3A_245 : memref<1x32x256xf32, #tpu.memory_space<vmem>> -> memref<32x256xf32, #tpu.memory_space<vmem>>
      %dma_wait3A_247 = arith.constant 0 : i32
      %dma_wait3A_248 = tpu.memref_slice %arg3[%add3A_222, %dma_wait3A_247] : memref<16384x256xf32, #tpu.memory_space<hbm>> -> memref<32x256xf32, #tpu.memory_space<hbm>>
      tpu.wait_dma2 semaphore(%arg12 : memref<!tpu.dma_semaphore, #tpu.memory_space<semaphore_mem>>) src(%dma_wait3A_248 : memref<32x256xf32, #tpu.memory_space<hbm>>) dst(%dma_wait3A_246 : memref<32x256xf32, #tpu.memory_space<vmem>>)
      %dma_wait3A_249 = arith.constant 1 : i32
      %dma_wait3A_250 = arith.constant 0 : i32
      %dma_wait3A_251 = arith.constant 512 : i32
      %dma_wait3A_252 = tpu.memref_slice %arg9[%dma_wait3A_249, %dma_wait3A_250, %dma_wait3A_251] : memref<4x32x768xf32, #tpu.memory_space<vmem>> -> memref<1x32x256xf32, #tpu.memory_space<vmem>>
      %dma_wait3A_253 = tpu.memref_squeeze %dma_wait3A_252 : memref<1x32x256xf32, #tpu.memory_space<vmem>> -> memref<32x256xf32, #tpu.memory_space<vmem>>
      %dma_wait3A_254 = arith.constant 0 : i32
      %dma_wait3A_255 = tpu.memref_slice %arg4[%add3A_222, %dma_wait3A_254] : memref<16384x256xf32, #tpu.memory_space<hbm>> -> memref<32x256xf32, #tpu.memory_space<hbm>>
      %dma_wait3A_256 = arith.constant 0 : i32
      %dma_wait3A_257 = arith.constant 512 : i32
      %dma_wait3A_258 = tpu.memref_slice %arg9[%dma_wait3A_249, %dma_wait3A_256, %dma_wait3A_257] : memref<4x32x768xf32, #tpu.memory_space<vmem>> -> memref<1x32x256xf32, #tpu.memory_space<vmem>>
      %dma_wait3A_259 = tpu.memref_squeeze %dma_wait3A_258 : memref<1x32x256xf32, #tpu.memory_space<vmem>> -> memref<32x256xf32, #tpu.memory_space<vmem>>
      %dma_wait3A_260 = arith.constant 0 : i32
      %dma_wait3A_261 = tpu.memref_slice %arg4[%add3A_222, %dma_wait3A_260] : memref<16384x256xf32, #tpu.memory_space<hbm>> -> memref<32x256xf32, #tpu.memory_space<hbm>>
      tpu.wait_dma2 semaphore(%arg12 : memref<!tpu.dma_semaphore, #tpu.memory_space<semaphore_mem>>) src(%dma_wait3A_261 : memref<32x256xf32, #tpu.memory_space<hbm>>) dst(%dma_wait3A_259 : memref<32x256xf32, #tpu.memory_space<vmem>>)
      %parallel_loop3A_262 = arith.constant 0 : i32
      %parallel_loop3A_263 = arith.constant 32 : i32
      %parallel_loop3A_264 = arith.constant 1 : i32
      scf.for %parallel_loop3A_444 = %parallel_loop3A_262 to %parallel_loop3A_263 step %parallel_loop3A_264  : i32 {
        %parallel_loop3A_445 = arith.constant 32 : i32
        %parallel_loop3A_446 = arith.muli %add3A_219, %parallel_loop3A_445 : i32
        %parallel_loop3A_447 = arith.constant -16 : i32
        %parallel_loop3A_448 = arith.andi %parallel_loop3A_444, %parallel_loop3A_447 : i32
        %parallel_loop3A_449 = arith.addi %parallel_loop3A_446, %parallel_loop3A_448 : i32
        %parallel_loop3A_450 = arith.index_cast %parallel_loop3A_449 : i32 to index
        %parallel_loop3A_451 = tpu.vector_load %arg10[%parallel_loop3A_450] {strides = array<i32>} : memref<512xi32, #tpu.memory_space<vmem>>, vector<16xi32>,
        %parallel_loop3A_452 = arith.constant 15 : i32
        %parallel_loop3A_453 = arith.andi %parallel_loop3A_444, %parallel_loop3A_452 : i32
        %parallel_loop3A_454 = vector.broadcast %parallel_loop3A_453 : i32 to vector<16xi32>
        %parallel_loop3A_455 = arith.cmpi eq, %iota3A, %parallel_loop3A_454 : vector<16xi32>
        %parallel_loop3A_456 = arith.select %parallel_loop3A_455, %parallel_loop3A_451, %broadcast_in_dim3A_3 : vector<16xi1>, vector<16xi32>
        %parallel_loop3A_457 = arith.constant true
        %parallel_loop3A_458 = vector.broadcast %parallel_loop3A_457 : i1 to vector<16xi1>
        %parallel_loop3A_459 = tpu.scan <sum>, %parallel_loop3A_456 masked %parallel_loop3A_458 : vector<16xi32>, vector<16xi1> -> vector<16xi32>
        %parallel_loop3A_460 = vector.extract %parallel_loop3A_459[15] : i32 from vector<16xi32>
        %parallel_loop3A_461 = arith.index_cast %parallel_loop3A_460 : i32 to index
        %parallel_loop3A_462 = arith.constant 0 : index
        %parallel_loop3A_463 = tpu.vector_load %arg8[%parallel_loop3A_461, %parallel_loop3A_462] {strides = array<i32>} : memref<20x768xf32, #tpu.memory_space<vmem>>, vector<16xf32>,
        %parallel_loop3A_464 = arith.index_cast %parallel_loop3A_460 : i32 to index
        %parallel_loop3A_465 = arith.constant 16 : index
        %parallel_loop3A_466 = tpu.vector_load %arg8[%parallel_loop3A_464, %parallel_loop3A_465] {strides = array<i32>} : memref<20x768xf32, #tpu.memory_space<vmem>>, vector<16xf32>,
        %parallel_loop3A_467 = arith.index_cast %parallel_loop3A_460 : i32 to index
        %parallel_loop3A_468 = arith.constant 32 : index
        %parallel_loop3A_469 = tpu.vector_load %arg8[%parallel_loop3A_467, %parallel_loop3A_468] {strides = array<i32>} : memref<20x768xf32, #tpu.memory_space<vmem>>, vector<16xf32>,
        %parallel_loop3A_470 = arith.index_cast %parallel_loop3A_460 : i32 to index
        %parallel_loop3A_471 = arith.constant 48 : index
        %parallel_loop3A_472 = tpu.vector_load %arg8[%parallel_loop3A_470, %parallel_loop3A_471] {strides = array<i32>} : memref<20x768xf32, #tpu.memory_space<vmem>>, vector<16xf32>,
        %parallel_loop3A_473 = arith.index_cast %parallel_loop3A_460 : i32 to index
        %parallel_loop3A_474 = arith.constant 64 : index
        %parallel_loop3A_475 = tpu.vector_load %arg8[%parallel_loop3A_473, %parallel_loop3A_474] {strides = array<i32>} : memref<20x768xf32, #tpu.memory_space<vmem>>, vector<16xf32>,
        %parallel_loop3A_476 = arith.index_cast %parallel_loop3A_460 : i32 to index
        %parallel_loop3A_477 = arith.constant 80 : index
        %parallel_loop3A_478 = tpu.vector_load %arg8[%parallel_loop3A_476, %parallel_loop3A_477] {strides = array<i32>} : memref<20x768xf32, #tpu.memory_space<vmem>>, vector<16xf32>,
        %parallel_loop3A_479 = arith.index_cast %parallel_loop3A_460 : i32 to index
        %parallel_loop3A_480 = arith.constant 96 : index
        %parallel_loop3A_481 = tpu.vector_load %arg8[%parallel_loop3A_479, %parallel_loop3A_480] {strides = array<i32>} : memref<20x768xf32, #tpu.memory_space<vmem>>, vector<16xf32>,
        %parallel_loop3A_482 = arith.index_cast %parallel_loop3A_460 : i32 to index
        %parallel_loop3A_483 = arith.constant 112 : index
        %parallel_loop3A_484 = tpu.vector_load %arg8[%parallel_loop3A_482, %parallel_loop3A_483] {strides = array<i32>} : memref<20x768xf32, #tpu.memory_space<vmem>>, vector<16xf32>,
        %parallel_loop3A_485 = arith.index_cast %parallel_loop3A_460 : i32 to index
        %parallel_loop3A_486 = arith.constant 128 : index
        %parallel_loop3A_487 = tpu.vector_load %arg8[%parallel_loop3A_485, %parallel_loop3A_486] {strides = array<i32>} : memref<20x768xf32, #tpu.memory_space<vmem>>, vector<16xf32>,
        %parallel_loop3A_488 = arith.index_cast %parallel_loop3A_460 : i32 to index
        %parallel_loop3A_489 = arith.constant 144 : index
        %parallel_loop3A_490 = tpu.vector_load %arg8[%parallel_loop3A_488, %parallel_loop3A_489] {strides = array<i32>} : memref<20x768xf32, #tpu.memory_space<vmem>>, vector<16xf32>,
        %parallel_loop3A_491 = arith.index_cast %parallel_loop3A_460 : i32 to index
        %parallel_loop3A_492 = arith.constant 160 : index
        %parallel_loop3A_493 = tpu.vector_load %arg8[%parallel_loop3A_491, %parallel_loop3A_492] {strides = array<i32>} : memref<20x768xf32, #tpu.memory_space<vmem>>, vector<16xf32>,
        %parallel_loop3A_494 = arith.index_cast %parallel_loop3A_460 : i32 to index
        %parallel_loop3A_495 = arith.constant 176 : index
        %parallel_loop3A_496 = tpu.vector_load %arg8[%parallel_loop3A_494, %parallel_loop3A_495] {strides = array<i32>} : memref<20x768xf32, #tpu.memory_space<vmem>>, vector<16xf32>,
        %parallel_loop3A_497 = arith.index_cast %parallel_loop3A_460 : i32 to index
        %parallel_loop3A_498 = arith.constant 192 : index
        %parallel_loop3A_499 = tpu.vector_load %arg8[%parallel_loop3A_497, %parallel_loop3A_498] {strides = array<i32>} : memref<20x768xf32, #tpu.memory_space<vmem>>, vector<16xf32>,
        %parallel_loop3A_500 = arith.index_cast %parallel_loop3A_460 : i32 to index
        %parallel_loop3A_501 = arith.constant 208 : index
        %parallel_loop3A_502 = tpu.vector_load %arg8[%parallel_loop3A_500, %parallel_loop3A_501] {strides = array<i32>} : memref<20x768xf32, #tpu.memory_space<vmem>>, vector<16xf32>,
        %parallel_loop3A_503 = arith.index_cast %parallel_loop3A_460 : i32 to index
        %parallel_loop3A_504 = arith.constant 224 : index
        %parallel_loop3A_505 = tpu.vector_load %arg8[%parallel_loop3A_503, %parallel_loop3A_504] {strides = array<i32>} : memref<20x768xf32, #tpu.memory_space<vmem>>, vector<16xf32>,
        %parallel_loop3A_506 = arith.index_cast %parallel_loop3A_460 : i32 to index
        %parallel_loop3A_507 = arith.constant 240 : index
        %parallel_loop3A_508 = tpu.vector_load %arg8[%parallel_loop3A_506, %parallel_loop3A_507] {strides = array<i32>} : memref<20x768xf32, #tpu.memory_space<vmem>>, vector<16xf32>,
        %parallel_loop3A_509 = arith.index_cast %parallel_loop3A_460 : i32 to index
        %parallel_loop3A_510 = arith.constant 256 : index
        %parallel_loop3A_511 = tpu.vector_load %arg8[%parallel_loop3A_509, %parallel_loop3A_510] {strides = array<i32>} : memref<20x768xf32, #tpu.memory_space<vmem>>, vector<16xf32>,
        %parallel_loop3A_512 = arith.index_cast %parallel_loop3A_460 : i32 to index
        %parallel_loop3A_513 = arith.constant 272 : index
        %parallel_loop3A_514 = tpu.vector_load %arg8[%parallel_loop3A_512, %parallel_loop3A_513] {strides = array<i32>} : memref<20x768xf32, #tpu.memory_space<vmem>>, vector<16xf32>,
        %parallel_loop3A_515 = arith.index_cast %parallel_loop3A_460 : i32 to index
        %parallel_loop3A_516 = arith.constant 288 : index
        %parallel_loop3A_517 = tpu.vector_load %arg8[%parallel_loop3A_515, %parallel_loop3A_516] {strides = array<i32>} : memref<20x768xf32, #tpu.memory_space<vmem>>, vector<16xf32>,
        %parallel_loop3A_518 = arith.index_cast %parallel_loop3A_460 : i32 to index
        %parallel_loop3A_519 = arith.constant 304 : index
        %parallel_loop3A_520 = tpu.vector_load %arg8[%parallel_loop3A_518, %parallel_loop3A_519] {strides = array<i32>} : memref<20x768xf32, #tpu.memory_space<vmem>>, vector<16xf32>,
        %parallel_loop3A_521 = arith.index_cast %parallel_loop3A_460 : i32 to index
        %parallel_loop3A_522 = arith.constant 320 : index
        %parallel_loop3A_523 = tpu.vector_load %arg8[%parallel_loop3A_521, %parallel_loop3A_522] {strides = array<i32>} : memref<20x768xf32, #tpu.memory_space<vmem>>, vector<16xf32>,
        %parallel_loop3A_524 = arith.index_cast %parallel_loop3A_460 : i32 to index
        %parallel_loop3A_525 = arith.constant 336 : index
        %parallel_loop3A_526 = tpu.vector_load %arg8[%parallel_loop3A_524, %parallel_loop3A_525] {strides = array<i32>} : memref<20x768xf32, #tpu.memory_space<vmem>>, vector<16xf32>,
        %parallel_loop3A_527 = arith.index_cast %parallel_loop3A_460 : i32 to index
        %parallel_loop3A_528 = arith.constant 352 : index
        %parallel_loop3A_529 = tpu.vector_load %arg8[%parallel_loop3A_527, %parallel_loop3A_528] {strides = array<i32>} : memref<20x768xf32, #tpu.memory_space<vmem>>, vector<16xf32>,
        %parallel_loop3A_530 = arith.index_cast %parallel_loop3A_460 : i32 to index
        %parallel_loop3A_531 = arith.constant 368 : index
        %parallel_loop3A_532 = tpu.vector_load %arg8[%parallel_loop3A_530, %parallel_loop3A_531] {strides = array<i32>} : memref<20x768xf32, #tpu.memory_space<vmem>>, vector<16xf32>,
        %parallel_loop3A_533 = arith.index_cast %parallel_loop3A_460 : i32 to index
        %parallel_loop3A_534 = arith.constant 384 : index
        %parallel_loop3A_535 = tpu.vector_load %arg8[%parallel_loop3A_533, %parallel_loop3A_534] {strides = array<i32>} : memref<20x768xf32, #tpu.memory_space<vmem>>, vector<16xf32>,
        %parallel_loop3A_536 = arith.index_cast %parallel_loop3A_460 : i32 to index
        %parallel_loop3A_537 = arith.constant 400 : index
        %parallel_loop3A_538 = tpu.vector_load %arg8[%parallel_loop3A_536, %parallel_loop3A_537] {strides = array<i32>} : memref<20x768xf32, #tpu.memory_space<vmem>>, vector<16xf32>,
        %parallel_loop3A_539 = arith.index_cast %parallel_loop3A_460 : i32 to index
        %parallel_loop3A_540 = arith.constant 416 : index
        %parallel_loop3A_541 = tpu.vector_load %arg8[%parallel_loop3A_539, %parallel_loop3A_540] {strides = array<i32>} : memref<20x768xf32, #tpu.memory_space<vmem>>, vector<16xf32>,
        %parallel_loop3A_542 = arith.index_cast %parallel_loop3A_460 : i32 to index
        %parallel_loop3A_543 = arith.constant 432 : index
        %parallel_loop3A_544 = tpu.vector_load %arg8[%parallel_loop3A_542, %parallel_loop3A_543] {strides = array<i32>} : memref<20x768xf32, #tpu.memory_space<vmem>>, vector<16xf32>,
        %parallel_loop3A_545 = arith.index_cast %parallel_loop3A_460 : i32 to index
        %parallel_loop3A_546 = arith.constant 448 : index
        %parallel_loop3A_547 = tpu.vector_load %arg8[%parallel_loop3A_545, %parallel_loop3A_546] {strides = array<i32>} : memref<20x768xf32, #tpu.memory_space<vmem>>, vector<16xf32>,
        %parallel_loop3A_548 = arith.index_cast %parallel_loop3A_460 : i32 to index
        %parallel_loop3A_549 = arith.constant 464 : index
        %parallel_loop3A_550 = tpu.vector_load %arg8[%parallel_loop3A_548, %parallel_loop3A_549] {strides = array<i32>} : memref<20x768xf32, #tpu.memory_space<vmem>>, vector<16xf32>,
        %parallel_loop3A_551 = arith.index_cast %parallel_loop3A_460 : i32 to index
        %parallel_loop3A_552 = arith.constant 480 : index
        %parallel_loop3A_553 = tpu.vector_load %arg8[%parallel_loop3A_551, %parallel_loop3A_552] {strides = array<i32>} : memref<20x768xf32, #tpu.memory_space<vmem>>, vector<16xf32>,
        %parallel_loop3A_554 = arith.index_cast %parallel_loop3A_460 : i32 to index
        %parallel_loop3A_555 = arith.constant 496 : index
        %parallel_loop3A_556 = tpu.vector_load %arg8[%parallel_loop3A_554, %parallel_loop3A_555] {strides = array<i32>} : memref<20x768xf32, #tpu.memory_space<vmem>>, vector<16xf32>,
        %parallel_loop3A_557 = arith.index_cast %parallel_loop3A_460 : i32 to index
        %parallel_loop3A_558 = arith.constant 512 : index
        %parallel_loop3A_559 = tpu.vector_load %arg8[%parallel_loop3A_557, %parallel_loop3A_558] {strides = array<i32>} : memref<20x768xf32, #tpu.memory_space<vmem>>, vector<16xf32>,
        %parallel_loop3A_560 = arith.index_cast %parallel_loop3A_460 : i32 to index
        %parallel_loop3A_561 = arith.constant 528 : index
        %parallel_loop3A_562 = tpu.vector_load %arg8[%parallel_loop3A_560, %parallel_loop3A_561] {strides = array<i32>} : memref<20x768xf32, #tpu.memory_space<vmem>>, vector<16xf32>,
        %parallel_loop3A_563 = arith.index_cast %parallel_loop3A_460 : i32 to index
        %parallel_loop3A_564 = arith.constant 544 : index
        %parallel_loop3A_565 = tpu.vector_load %arg8[%parallel_loop3A_563, %parallel_loop3A_564] {strides = array<i32>} : memref<20x768xf32, #tpu.memory_space<vmem>>, vector<16xf32>,
        %parallel_loop3A_566 = arith.index_cast %parallel_loop3A_460 : i32 to index
        %parallel_loop3A_567 = arith.constant 560 : index
        %parallel_loop3A_568 = tpu.vector_load %arg8[%parallel_loop3A_566, %parallel_loop3A_567] {strides = array<i32>} : memref<20x768xf32, #tpu.memory_space<vmem>>, vector<16xf32>,
        %parallel_loop3A_569 = arith.index_cast %parallel_loop3A_460 : i32 to index
        %parallel_loop3A_570 = arith.constant 576 : index
        %parallel_loop3A_571 = tpu.vector_load %arg8[%parallel_loop3A_569, %parallel_loop3A_570] {strides = array<i32>} : memref<20x768xf32, #tpu.memory_space<vmem>>, vector<16xf32>,
        %parallel_loop3A_572 = arith.index_cast %parallel_loop3A_460 : i32 to index
        %parallel_loop3A_573 = arith.constant 592 : index
        %parallel_loop3A_574 = tpu.vector_load %arg8[%parallel_loop3A_572, %parallel_loop3A_573] {strides = array<i32>} : memref<20x768xf32, #tpu.memory_space<vmem>>, vector<16xf32>,
        %parallel_loop3A_575 = arith.index_cast %parallel_loop3A_460 : i32 to index
        %parallel_loop3A_576 = arith.constant 608 : index
        %parallel_loop3A_577 = tpu.vector_load %arg8[%parallel_loop3A_575, %parallel_loop3A_576] {strides = array<i32>} : memref<20x768xf32, #tpu.memory_space<vmem>>, vector<16xf32>,
        %parallel_loop3A_578 = arith.index_cast %parallel_loop3A_460 : i32 to index
        %parallel_loop3A_579 = arith.constant 624 : index
        %parallel_loop3A_580 = tpu.vector_load %arg8[%parallel_loop3A_578, %parallel_loop3A_579] {strides = array<i32>} : memref<20x768xf32, #tpu.memory_space<vmem>>, vector<16xf32>,
        %parallel_loop3A_581 = arith.index_cast %parallel_loop3A_460 : i32 to index
        %parallel_loop3A_582 = arith.constant 640 : index
        %parallel_loop3A_583 = tpu.vector_load %arg8[%parallel_loop3A_581, %parallel_loop3A_582] {strides = array<i32>} : memref<20x768xf32, #tpu.memory_space<vmem>>, vector<16xf32>,
        %parallel_loop3A_584 = arith.index_cast %parallel_loop3A_460 : i32 to index
        %parallel_loop3A_585 = arith.constant 656 : index
        %parallel_loop3A_586 = tpu.vector_load %arg8[%parallel_loop3A_584, %parallel_loop3A_585] {strides = array<i32>} : memref<20x768xf32, #tpu.memory_space<vmem>>, vector<16xf32>,
        %parallel_loop3A_587 = arith.index_cast %parallel_loop3A_460 : i32 to index
        %parallel_loop3A_588 = arith.constant 672 : index
        %parallel_loop3A_589 = tpu.vector_load %arg8[%parallel_loop3A_587, %parallel_loop3A_588] {strides = array<i32>} : memref<20x768xf32, #tpu.memory_space<vmem>>, vector<16xf32>,
        %parallel_loop3A_590 = arith.index_cast %parallel_loop3A_460 : i32 to index
        %parallel_loop3A_591 = arith.constant 688 : index
        %parallel_loop3A_592 = tpu.vector_load %arg8[%parallel_loop3A_590, %parallel_loop3A_591] {strides = array<i32>} : memref<20x768xf32, #tpu.memory_space<vmem>>, vector<16xf32>,
        %parallel_loop3A_593 = arith.index_cast %parallel_loop3A_460 : i32 to index
        %parallel_loop3A_594 = arith.constant 704 : index
        %parallel_loop3A_595 = tpu.vector_load %arg8[%parallel_loop3A_593, %parallel_loop3A_594] {strides = array<i32>} : memref<20x768xf32, #tpu.memory_space<vmem>>, vector<16xf32>,
        %parallel_loop3A_596 = arith.index_cast %parallel_loop3A_460 : i32 to index
        %parallel_loop3A_597 = arith.constant 720 : index
        %parallel_loop3A_598 = tpu.vector_load %arg8[%parallel_loop3A_596, %parallel_loop3A_597] {strides = array<i32>} : memref<20x768xf32, #tpu.memory_space<vmem>>, vector<16xf32>,
        %parallel_loop3A_599 = arith.index_cast %parallel_loop3A_460 : i32 to index
        %parallel_loop3A_600 = arith.constant 736 : index
        %parallel_loop3A_601 = tpu.vector_load %arg8[%parallel_loop3A_599, %parallel_loop3A_600] {strides = array<i32>} : memref<20x768xf32, #tpu.memory_space<vmem>>, vector<16xf32>,
        %parallel_loop3A_602 = arith.index_cast %parallel_loop3A_460 : i32 to index
        %parallel_loop3A_603 = arith.constant 752 : index
        %parallel_loop3A_604 = tpu.vector_load %arg8[%parallel_loop3A_602, %parallel_loop3A_603] {strides = array<i32>} : memref<20x768xf32, #tpu.memory_space<vmem>>, vector<16xf32>,
        %parallel_loop3A_605 = arith.constant 1 : i32
        %parallel_loop3A_606 = arith.index_cast %parallel_loop3A_605 : i32 to index
        %parallel_loop3A_607 = arith.index_cast %parallel_loop3A_444 : i32 to index
        %parallel_loop3A_608 = arith.constant 0 : index
        %parallel_loop3A_609 = tpu.vector_load %arg9[%parallel_loop3A_606, %parallel_loop3A_607, %parallel_loop3A_608] {strides = array<i32>} : memref<4x32x768xf32, #tpu.memory_space<vmem>>, vector<16xf32>,
        tpu.vector_store %arg9[%parallel_loop3A_606, %parallel_loop3A_607, %parallel_loop3A_608], %parallel_loop3A_463 {add = true, strides = array<i32>} : memref<4x32x768xf32, #tpu.memory_space<vmem>>, vector<16xf32>,
        %parallel_loop3A_610 = arith.constant 1 : i32
        %parallel_loop3A_611 = arith.index_cast %parallel_loop3A_610 : i32 to index
        %parallel_loop3A_612 = arith.index_cast %parallel_loop3A_444 : i32 to index
        %parallel_loop3A_613 = arith.constant 16 : index
        %parallel_loop3A_614 = tpu.vector_load %arg9[%parallel_loop3A_611, %parallel_loop3A_612, %parallel_loop3A_613] {strides = array<i32>} : memref<4x32x768xf32, #tpu.memory_space<vmem>>, vector<16xf32>,
        tpu.vector_store %arg9[%parallel_loop3A_611, %parallel_loop3A_612, %parallel_loop3A_613], %parallel_loop3A_466 {add = true, strides = array<i32>} : memref<4x32x768xf32, #tpu.memory_space<vmem>>, vector<16xf32>,
        %parallel_loop3A_615 = arith.constant 1 : i32
        %parallel_loop3A_616 = arith.index_cast %parallel_loop3A_615 : i32 to index
        %parallel_loop3A_617 = arith.index_cast %parallel_loop3A_444 : i32 to index
        %parallel_loop3A_618 = arith.constant 32 : index
        %parallel_loop3A_619 = tpu.vector_load %arg9[%parallel_loop3A_616, %parallel_loop3A_617, %parallel_loop3A_618] {strides = array<i32>} : memref<4x32x768xf32, #tpu.memory_space<vmem>>, vector<16xf32>,
        tpu.vector_store %arg9[%parallel_loop3A_616, %parallel_loop3A_617, %parallel_loop3A_618], %parallel_loop3A_469 {add = true, strides = array<i32>} : memref<4x32x768xf32, #tpu.memory_space<vmem>>, vector<16xf32>,
        %parallel_loop3A_620 = arith.constant 1 : i32
        %parallel_loop3A_621 = arith.index_cast %parallel_loop3A_620 : i32 to index
        %parallel_loop3A_622 = arith.index_cast %parallel_loop3A_444 : i32 to index
        %parallel_loop3A_623 = arith.constant 48 : index
        %parallel_loop3A_624 = tpu.vector_load %arg9[%parallel_loop3A_621, %parallel_loop3A_622, %parallel_loop3A_623] {strides = array<i32>} : memref<4x32x768xf32, #tpu.memory_space<vmem>>, vector<16xf32>,
        tpu.vector_store %arg9[%parallel_loop3A_621, %parallel_loop3A_622, %parallel_loop3A_623], %parallel_loop3A_472 {add = true, strides = array<i32>} : memref<4x32x768xf32, #tpu.memory_space<vmem>>, vector<16xf32>,
        %parallel_loop3A_625 = arith.constant 1 : i32
        %parallel_loop3A_626 = arith.index_cast %parallel_loop3A_625 : i32 to index
        %parallel_loop3A_627 = arith.index_cast %parallel_loop3A_444 : i32 to index
        %parallel_loop3A_628 = arith.constant 64 : index
        %parallel_loop3A_629 = tpu.vector_load %arg9[%parallel_loop3A_626, %parallel_loop3A_627, %parallel_loop3A_628] {strides = array<i32>} : memref<4x32x768xf32, #tpu.memory_space<vmem>>, vector<16xf32>,
        tpu.vector_store %arg9[%parallel_loop3A_626, %parallel_loop3A_627, %parallel_loop3A_628], %parallel_loop3A_475 {add = true, strides = array<i32>} : memref<4x32x768xf32, #tpu.memory_space<vmem>>, vector<16xf32>,
        %parallel_loop3A_630 = arith.constant 1 : i32
        %parallel_loop3A_631 = arith.index_cast %parallel_loop3A_630 : i32 to index
        %parallel_loop3A_632 = arith.index_cast %parallel_loop3A_444 : i32 to index
        %parallel_loop3A_633 = arith.constant 80 : index
        %parallel_loop3A_634 = tpu.vector_load %arg9[%parallel_loop3A_631, %parallel_loop3A_632, %parallel_loop3A_633] {strides = array<i32>} : memref<4x32x768xf32, #tpu.memory_space<vmem>>, vector<16xf32>,
        tpu.vector_store %arg9[%parallel_loop3A_631, %parallel_loop3A_632, %parallel_loop3A_633], %parallel_loop3A_478 {add = true, strides = array<i32>} : memref<4x32x768xf32, #tpu.memory_space<vmem>>, vector<16xf32>,
        %parallel_loop3A_635 = arith.constant 1 : i32
        %parallel_loop3A_636 = arith.index_cast %parallel_loop3A_635 : i32 to index
        %parallel_loop3A_637 = arith.index_cast %parallel_loop3A_444 : i32 to index
        %parallel_loop3A_638 = arith.constant 96 : index
        %parallel_loop3A_639 = tpu.vector_load %arg9[%parallel_loop3A_636, %parallel_loop3A_637, %parallel_loop3A_638] {strides = array<i32>} : memref<4x32x768xf32, #tpu.memory_space<vmem>>, vector<16xf32>,
        tpu.vector_store %arg9[%parallel_loop3A_636, %parallel_loop3A_637, %parallel_loop3A_638], %parallel_loop3A_481 {add = true, strides = array<i32>} : memref<4x32x768xf32, #tpu.memory_space<vmem>>, vector<16xf32>,
        %parallel_loop3A_640 = arith.constant 1 : i32
        %parallel_loop3A_641 = arith.index_cast %parallel_loop3A_640 : i32 to index
        %parallel_loop3A_642 = arith.index_cast %parallel_loop3A_444 : i32 to index
        %parallel_loop3A_643 = arith.constant 112 : index
        %parallel_loop3A_644 = tpu.vector_load %arg9[%parallel_loop3A_641, %parallel_loop3A_642, %parallel_loop3A_643] {strides = array<i32>} : memref<4x32x768xf32, #tpu.memory_space<vmem>>, vector<16xf32>,
        tpu.vector_store %arg9[%parallel_loop3A_641, %parallel_loop3A_642, %parallel_loop3A_643], %parallel_loop3A_484 {add = true, strides = array<i32>} : memref<4x32x768xf32, #tpu.memory_space<vmem>>, vector<16xf32>,
        %parallel_loop3A_645 = arith.constant 1 : i32
        %parallel_loop3A_646 = arith.index_cast %parallel_loop3A_645 : i32 to index
        %parallel_loop3A_647 = arith.index_cast %parallel_loop3A_444 : i32 to index
        %parallel_loop3A_648 = arith.constant 128 : index
        %parallel_loop3A_649 = tpu.vector_load %arg9[%parallel_loop3A_646, %parallel_loop3A_647, %parallel_loop3A_648] {strides = array<i32>} : memref<4x32x768xf32, #tpu.memory_space<vmem>>, vector<16xf32>,
        tpu.vector_store %arg9[%parallel_loop3A_646, %parallel_loop3A_647, %parallel_loop3A_648], %parallel_loop3A_487 {add = true, strides = array<i32>} : memref<4x32x768xf32, #tpu.memory_space<vmem>>, vector<16xf32>,
        %parallel_loop3A_650 = arith.constant 1 : i32
        %parallel_loop3A_651 = arith.index_cast %parallel_loop3A_650 : i32 to index
        %parallel_loop3A_652 = arith.index_cast %parallel_loop3A_444 : i32 to index
        %parallel_loop3A_653 = arith.constant 144 : index
        %parallel_loop3A_654 = tpu.vector_load %arg9[%parallel_loop3A_651, %parallel_loop3A_652, %parallel_loop3A_653] {strides = array<i32>} : memref<4x32x768xf32, #tpu.memory_space<vmem>>, vector<16xf32>,
        tpu.vector_store %arg9[%parallel_loop3A_651, %parallel_loop3A_652, %parallel_loop3A_653], %parallel_loop3A_490 {add = true, strides = array<i32>} : memref<4x32x768xf32, #tpu.memory_space<vmem>>, vector<16xf32>,
        %parallel_loop3A_655 = arith.constant 1 : i32
        %parallel_loop3A_656 = arith.index_cast %parallel_loop3A_655 : i32 to index
        %parallel_loop3A_657 = arith.index_cast %parallel_loop3A_444 : i32 to index
        %parallel_loop3A_658 = arith.constant 160 : index
        %parallel_loop3A_659 = tpu.vector_load %arg9[%parallel_loop3A_656, %parallel_loop3A_657, %parallel_loop3A_658] {strides = array<i32>} : memref<4x32x768xf32, #tpu.memory_space<vmem>>, vector<16xf32>,
        tpu.vector_store %arg9[%parallel_loop3A_656, %parallel_loop3A_657, %parallel_loop3A_658], %parallel_loop3A_493 {add = true, strides = array<i32>} : memref<4x32x768xf32, #tpu.memory_space<vmem>>, vector<16xf32>,
        %parallel_loop3A_660 = arith.constant 1 : i32
        %parallel_loop3A_661 = arith.index_cast %parallel_loop3A_660 : i32 to index
        %parallel_loop3A_662 = arith.index_cast %parallel_loop3A_444 : i32 to index
        %parallel_loop3A_663 = arith.constant 176 : index
        %parallel_loop3A_664 = tpu.vector_load %arg9[%parallel_loop3A_661, %parallel_loop3A_662, %parallel_loop3A_663] {strides = array<i32>} : memref<4x32x768xf32, #tpu.memory_space<vmem>>, vector<16xf32>,
        tpu.vector_store %arg9[%parallel_loop3A_661, %parallel_loop3A_662, %parallel_loop3A_663], %parallel_loop3A_496 {add = true, strides = array<i32>} : memref<4x32x768xf32, #tpu.memory_space<vmem>>, vector<16xf32>,
        %parallel_loop3A_665 = arith.constant 1 : i32
        %parallel_loop3A_666 = arith.index_cast %parallel_loop3A_665 : i32 to index
        %parallel_loop3A_667 = arith.index_cast %parallel_loop3A_444 : i32 to index
        %parallel_loop3A_668 = arith.constant 192 : index
        %parallel_loop3A_669 = tpu.vector_load %arg9[%parallel_loop3A_666, %parallel_loop3A_667, %parallel_loop3A_668] {strides = array<i32>} : memref<4x32x768xf32, #tpu.memory_space<vmem>>, vector<16xf32>,
        tpu.vector_store %arg9[%parallel_loop3A_666, %parallel_loop3A_667, %parallel_loop3A_668], %parallel_loop3A_499 {add = true, strides = array<i32>} : memref<4x32x768xf32, #tpu.memory_space<vmem>>, vector<16xf32>,
        %parallel_loop3A_670 = arith.constant 1 : i32
        %parallel_loop3A_671 = arith.index_cast %parallel_loop3A_670 : i32 to index
        %parallel_loop3A_672 = arith.index_cast %parallel_loop3A_444 : i32 to index
        %parallel_loop3A_673 = arith.constant 208 : index
        %parallel_loop3A_674 = tpu.vector_load %arg9[%parallel_loop3A_671, %parallel_loop3A_672, %parallel_loop3A_673] {strides = array<i32>} : memref<4x32x768xf32, #tpu.memory_space<vmem>>, vector<16xf32>,
        tpu.vector_store %arg9[%parallel_loop3A_671, %parallel_loop3A_672, %parallel_loop3A_673], %parallel_loop3A_502 {add = true, strides = array<i32>} : memref<4x32x768xf32, #tpu.memory_space<vmem>>, vector<16xf32>,
        %parallel_loop3A_675 = arith.constant 1 : i32
        %parallel_loop3A_676 = arith.index_cast %parallel_loop3A_675 : i32 to index
        %parallel_loop3A_677 = arith.index_cast %parallel_loop3A_444 : i32 to index
        %parallel_loop3A_678 = arith.constant 224 : index
        %parallel_loop3A_679 = tpu.vector_load %arg9[%parallel_loop3A_676, %parallel_loop3A_677, %parallel_loop3A_678] {strides = array<i32>} : memref<4x32x768xf32, #tpu.memory_space<vmem>>, vector<16xf32>,
        tpu.vector_store %arg9[%parallel_loop3A_676, %parallel_loop3A_677, %parallel_loop3A_678], %parallel_loop3A_505 {add = true, strides = array<i32>} : memref<4x32x768xf32, #tpu.memory_space<vmem>>, vector<16xf32>,
        %parallel_loop3A_680 = arith.constant 1 : i32
        %parallel_loop3A_681 = arith.index_cast %parallel_loop3A_680 : i32 to index
        %parallel_loop3A_682 = arith.index_cast %parallel_loop3A_444 : i32 to index
        %parallel_loop3A_683 = arith.constant 240 : index
        %parallel_loop3A_684 = tpu.vector_load %arg9[%parallel_loop3A_681, %parallel_loop3A_682, %parallel_loop3A_683] {strides = array<i32>} : memref<4x32x768xf32, #tpu.memory_space<vmem>>, vector<16xf32>,
        tpu.vector_store %arg9[%parallel_loop3A_681, %parallel_loop3A_682, %parallel_loop3A_683], %parallel_loop3A_508 {add = true, strides = array<i32>} : memref<4x32x768xf32, #tpu.memory_space<vmem>>, vector<16xf32>,
        %parallel_loop3A_685 = arith.constant 1 : i32
        %parallel_loop3A_686 = arith.index_cast %parallel_loop3A_685 : i32 to index
        %parallel_loop3A_687 = arith.index_cast %parallel_loop3A_444 : i32 to index
        %parallel_loop3A_688 = arith.constant 256 : index
        %parallel_loop3A_689 = tpu.vector_load %arg9[%parallel_loop3A_686, %parallel_loop3A_687, %parallel_loop3A_688] {strides = array<i32>} : memref<4x32x768xf32, #tpu.memory_space<vmem>>, vector<16xf32>,
        tpu.vector_store %arg9[%parallel_loop3A_686, %parallel_loop3A_687, %parallel_loop3A_688], %parallel_loop3A_511 {add = true, strides = array<i32>} : memref<4x32x768xf32, #tpu.memory_space<vmem>>, vector<16xf32>,
        %parallel_loop3A_690 = arith.constant 1 : i32
        %parallel_loop3A_691 = arith.index_cast %parallel_loop3A_690 : i32 to index
        %parallel_loop3A_692 = arith.index_cast %parallel_loop3A_444 : i32 to index
        %parallel_loop3A_693 = arith.constant 272 : index
        %parallel_loop3A_694 = tpu.vector_load %arg9[%parallel_loop3A_691, %parallel_loop3A_692, %parallel_loop3A_693] {strides = array<i32>} : memref<4x32x768xf32, #tpu.memory_space<vmem>>, vector<16xf32>,
        tpu.vector_store %arg9[%parallel_loop3A_691, %parallel_loop3A_692, %parallel_loop3A_693], %parallel_loop3A_514 {add = true, strides = array<i32>} : memref<4x32x768xf32, #tpu.memory_space<vmem>>, vector<16xf32>,
        %parallel_loop3A_695 = arith.constant 1 : i32
        %parallel_loop3A_696 = arith.index_cast %parallel_loop3A_695 : i32 to index
        %parallel_loop3A_697 = arith.index_cast %parallel_loop3A_444 : i32 to index
        %parallel_loop3A_698 = arith.constant 288 : index
        %parallel_loop3A_699 = tpu.vector_load %arg9[%parallel_loop3A_696, %parallel_loop3A_697, %parallel_loop3A_698] {strides = array<i32>} : memref<4x32x768xf32, #tpu.memory_space<vmem>>, vector<16xf32>,
        tpu.vector_store %arg9[%parallel_loop3A_696, %parallel_loop3A_697, %parallel_loop3A_698], %parallel_loop3A_517 {add = true, strides = array<i32>} : memref<4x32x768xf32, #tpu.memory_space<vmem>>, vector<16xf32>,
        %parallel_loop3A_700 = arith.constant 1 : i32
        %parallel_loop3A_701 = arith.index_cast %parallel_loop3A_700 : i32 to index
        %parallel_loop3A_702 = arith.index_cast %parallel_loop3A_444 : i32 to index
        %parallel_loop3A_703 = arith.constant 304 : index
        %parallel_loop3A_704 = tpu.vector_load %arg9[%parallel_loop3A_701, %parallel_loop3A_702, %parallel_loop3A_703] {strides = array<i32>} : memref<4x32x768xf32, #tpu.memory_space<vmem>>, vector<16xf32>,
        tpu.vector_store %arg9[%parallel_loop3A_701, %parallel_loop3A_702, %parallel_loop3A_703], %parallel_loop3A_520 {add = true, strides = array<i32>} : memref<4x32x768xf32, #tpu.memory_space<vmem>>, vector<16xf32>,
        %parallel_loop3A_705 = arith.constant 1 : i32
        %parallel_loop3A_706 = arith.index_cast %parallel_loop3A_705 : i32 to index
        %parallel_loop3A_707 = arith.index_cast %parallel_loop3A_444 : i32 to index
        %parallel_loop3A_708 = arith.constant 320 : index
        %parallel_loop3A_709 = tpu.vector_load %arg9[%parallel_loop3A_706, %parallel_loop3A_707, %parallel_loop3A_708] {strides = array<i32>} : memref<4x32x768xf32, #tpu.memory_space<vmem>>, vector<16xf32>,
        tpu.vector_store %arg9[%parallel_loop3A_706, %parallel_loop3A_707, %parallel_loop3A_708], %parallel_loop3A_523 {add = true, strides = array<i32>} : memref<4x32x768xf32, #tpu.memory_space<vmem>>, vector<16xf32>,
        %parallel_loop3A_710 = arith.constant 1 : i32
        %parallel_loop3A_711 = arith.index_cast %parallel_loop3A_710 : i32 to index
        %parallel_loop3A_712 = arith.index_cast %parallel_loop3A_444 : i32 to index
        %parallel_loop3A_713 = arith.constant 336 : index
        %parallel_loop3A_714 = tpu.vector_load %arg9[%parallel_loop3A_711, %parallel_loop3A_712, %parallel_loop3A_713] {strides = array<i32>} : memref<4x32x768xf32, #tpu.memory_space<vmem>>, vector<16xf32>,
        tpu.vector_store %arg9[%parallel_loop3A_711, %parallel_loop3A_712, %parallel_loop3A_713], %parallel_loop3A_526 {add = true, strides = array<i32>} : memref<4x32x768xf32, #tpu.memory_space<vmem>>, vector<16xf32>,
        %parallel_loop3A_715 = arith.constant 1 : i32
        %parallel_loop3A_716 = arith.index_cast %parallel_loop3A_715 : i32 to index
        %parallel_loop3A_717 = arith.index_cast %parallel_loop3A_444 : i32 to index
        %parallel_loop3A_718 = arith.constant 352 : index
        %parallel_loop3A_719 = tpu.vector_load %arg9[%parallel_loop3A_716, %parallel_loop3A_717, %parallel_loop3A_718] {strides = array<i32>} : memref<4x32x768xf32, #tpu.memory_space<vmem>>, vector<16xf32>,
        tpu.vector_store %arg9[%parallel_loop3A_716, %parallel_loop3A_717, %parallel_loop3A_718], %parallel_loop3A_529 {add = true, strides = array<i32>} : memref<4x32x768xf32, #tpu.memory_space<vmem>>, vector<16xf32>,
        %parallel_loop3A_720 = arith.constant 1 : i32
        %parallel_loop3A_721 = arith.index_cast %parallel_loop3A_720 : i32 to index
        %parallel_loop3A_722 = arith.index_cast %parallel_loop3A_444 : i32 to index
        %parallel_loop3A_723 = arith.constant 368 : index
        %parallel_loop3A_724 = tpu.vector_load %arg9[%parallel_loop3A_721, %parallel_loop3A_722, %parallel_loop3A_723] {strides = array<i32>} : memref<4x32x768xf32, #tpu.memory_space<vmem>>, vector<16xf32>,
        tpu.vector_store %arg9[%parallel_loop3A_721, %parallel_loop3A_722, %parallel_loop3A_723], %parallel_loop3A_532 {add = true, strides = array<i32>} : memref<4x32x768xf32, #tpu.memory_space<vmem>>, vector<16xf32>,
        %parallel_loop3A_725 = arith.constant 1 : i32
        %parallel_loop3A_726 = arith.index_cast %parallel_loop3A_725 : i32 to index
        %parallel_loop3A_727 = arith.index_cast %parallel_loop3A_444 : i32 to index
        %parallel_loop3A_728 = arith.constant 384 : index
        %parallel_loop3A_729 = tpu.vector_load %arg9[%parallel_loop3A_726, %parallel_loop3A_727, %parallel_loop3A_728] {strides = array<i32>} : memref<4x32x768xf32, #tpu.memory_space<vmem>>, vector<16xf32>,
        tpu.vector_store %arg9[%parallel_loop3A_726, %parallel_loop3A_727, %parallel_loop3A_728], %parallel_loop3A_535 {add = true, strides = array<i32>} : memref<4x32x768xf32, #tpu.memory_space<vmem>>, vector<16xf32>,
        %parallel_loop3A_730 = arith.constant 1 : i32
        %parallel_loop3A_731 = arith.index_cast %parallel_loop3A_730 : i32 to index
        %parallel_loop3A_732 = arith.index_cast %parallel_loop3A_444 : i32 to index
        %parallel_loop3A_733 = arith.constant 400 : index
        %parallel_loop3A_734 = tpu.vector_load %arg9[%parallel_loop3A_731, %parallel_loop3A_732, %parallel_loop3A_733] {strides = array<i32>} : memref<4x32x768xf32, #tpu.memory_space<vmem>>, vector<16xf32>,
        tpu.vector_store %arg9[%parallel_loop3A_731, %parallel_loop3A_732, %parallel_loop3A_733], %parallel_loop3A_538 {add = true, strides = array<i32>} : memref<4x32x768xf32, #tpu.memory_space<vmem>>, vector<16xf32>,
        %parallel_loop3A_735 = arith.constant 1 : i32
        %parallel_loop3A_736 = arith.index_cast %parallel_loop3A_735 : i32 to index
        %parallel_loop3A_737 = arith.index_cast %parallel_loop3A_444 : i32 to index
        %parallel_loop3A_738 = arith.constant 416 : index
        %parallel_loop3A_739 = tpu.vector_load %arg9[%parallel_loop3A_736, %parallel_loop3A_737, %parallel_loop3A_738] {strides = array<i32>} : memref<4x32x768xf32, #tpu.memory_space<vmem>>, vector<16xf32>,
        tpu.vector_store %arg9[%parallel_loop3A_736, %parallel_loop3A_737, %parallel_loop3A_738], %parallel_loop3A_541 {add = true, strides = array<i32>} : memref<4x32x768xf32, #tpu.memory_space<vmem>>, vector<16xf32>,
        %parallel_loop3A_740 = arith.constant 1 : i32
        %parallel_loop3A_741 = arith.index_cast %parallel_loop3A_740 : i32 to index
        %parallel_loop3A_742 = arith.index_cast %parallel_loop3A_444 : i32 to index
        %parallel_loop3A_743 = arith.constant 432 : index
        %parallel_loop3A_744 = tpu.vector_load %arg9[%parallel_loop3A_741, %parallel_loop3A_742, %parallel_loop3A_743] {strides = array<i32>} : memref<4x32x768xf32, #tpu.memory_space<vmem>>, vector<16xf32>,
        tpu.vector_store %arg9[%parallel_loop3A_741, %parallel_loop3A_742, %parallel_loop3A_743], %parallel_loop3A_544 {add = true, strides = array<i32>} : memref<4x32x768xf32, #tpu.memory_space<vmem>>, vector<16xf32>,
        %parallel_loop3A_745 = arith.constant 1 : i32
        %parallel_loop3A_746 = arith.index_cast %parallel_loop3A_745 : i32 to index
        %parallel_loop3A_747 = arith.index_cast %parallel_loop3A_444 : i32 to index
        %parallel_loop3A_748 = arith.constant 448 : index
        %parallel_loop3A_749 = tpu.vector_load %arg9[%parallel_loop3A_746, %parallel_loop3A_747, %parallel_loop3A_748] {strides = array<i32>} : memref<4x32x768xf32, #tpu.memory_space<vmem>>, vector<16xf32>,
        tpu.vector_store %arg9[%parallel_loop3A_746, %parallel_loop3A_747, %parallel_loop3A_748], %parallel_loop3A_547 {add = true, strides = array<i32>} : memref<4x32x768xf32, #tpu.memory_space<vmem>>, vector<16xf32>,
        %parallel_loop3A_750 = arith.constant 1 : i32
        %parallel_loop3A_751 = arith.index_cast %parallel_loop3A_750 : i32 to index
        %parallel_loop3A_752 = arith.index_cast %parallel_loop3A_444 : i32 to index
        %parallel_loop3A_753 = arith.constant 464 : index
        %parallel_loop3A_754 = tpu.vector_load %arg9[%parallel_loop3A_751, %parallel_loop3A_752, %parallel_loop3A_753] {strides = array<i32>} : memref<4x32x768xf32, #tpu.memory_space<vmem>>, vector<16xf32>,
        tpu.vector_store %arg9[%parallel_loop3A_751, %parallel_loop3A_752, %parallel_loop3A_753], %parallel_loop3A_550 {add = true, strides = array<i32>} : memref<4x32x768xf32, #tpu.memory_space<vmem>>, vector<16xf32>,
        %parallel_loop3A_755 = arith.constant 1 : i32
        %parallel_loop3A_756 = arith.index_cast %parallel_loop3A_755 : i32 to index
        %parallel_loop3A_757 = arith.index_cast %parallel_loop3A_444 : i32 to index
        %parallel_loop3A_758 = arith.constant 480 : index
        %parallel_loop3A_759 = tpu.vector_load %arg9[%parallel_loop3A_756, %parallel_loop3A_757, %parallel_loop3A_758] {strides = array<i32>} : memref<4x32x768xf32, #tpu.memory_space<vmem>>, vector<16xf32>,
        tpu.vector_store %arg9[%parallel_loop3A_756, %parallel_loop3A_757, %parallel_loop3A_758], %parallel_loop3A_553 {add = true, strides = array<i32>} : memref<4x32x768xf32, #tpu.memory_space<vmem>>, vector<16xf32>,
        %parallel_loop3A_760 = arith.constant 1 : i32
        %parallel_loop3A_761 = arith.index_cast %parallel_loop3A_760 : i32 to index
        %parallel_loop3A_762 = arith.index_cast %parallel_loop3A_444 : i32 to index
        %parallel_loop3A_763 = arith.constant 496 : index
        %parallel_loop3A_764 = tpu.vector_load %arg9[%parallel_loop3A_761, %parallel_loop3A_762, %parallel_loop3A_763] {strides = array<i32>} : memref<4x32x768xf32, #tpu.memory_space<vmem>>, vector<16xf32>,
        tpu.vector_store %arg9[%parallel_loop3A_761, %parallel_loop3A_762, %parallel_loop3A_763], %parallel_loop3A_556 {add = true, strides = array<i32>} : memref<4x32x768xf32, #tpu.memory_space<vmem>>, vector<16xf32>,
        %parallel_loop3A_765 = arith.constant 1 : i32
        %parallel_loop3A_766 = arith.index_cast %parallel_loop3A_765 : i32 to index
        %parallel_loop3A_767 = arith.index_cast %parallel_loop3A_444 : i32 to index
        %parallel_loop3A_768 = arith.constant 512 : index
        %parallel_loop3A_769 = tpu.vector_load %arg9[%parallel_loop3A_766, %parallel_loop3A_767, %parallel_loop3A_768] {strides = array<i32>} : memref<4x32x768xf32, #tpu.memory_space<vmem>>, vector<16xf32>,
        tpu.vector_store %arg9[%parallel_loop3A_766, %parallel_loop3A_767, %parallel_loop3A_768], %parallel_loop3A_559 {add = true, strides = array<i32>} : memref<4x32x768xf32, #tpu.memory_space<vmem>>, vector<16xf32>,
        %parallel_loop3A_770 = arith.constant 1 : i32
        %parallel_loop3A_771 = arith.index_cast %parallel_loop3A_770 : i32 to index
        %parallel_loop3A_772 = arith.index_cast %parallel_loop3A_444 : i32 to index
        %parallel_loop3A_773 = arith.constant 528 : index
        %parallel_loop3A_774 = tpu.vector_load %arg9[%parallel_loop3A_771, %parallel_loop3A_772, %parallel_loop3A_773] {strides = array<i32>} : memref<4x32x768xf32, #tpu.memory_space<vmem>>, vector<16xf32>,
        tpu.vector_store %arg9[%parallel_loop3A_771, %parallel_loop3A_772, %parallel_loop3A_773], %parallel_loop3A_562 {add = true, strides = array<i32>} : memref<4x32x768xf32, #tpu.memory_space<vmem>>, vector<16xf32>,
        %parallel_loop3A_775 = arith.constant 1 : i32
        %parallel_loop3A_776 = arith.index_cast %parallel_loop3A_775 : i32 to index
        %parallel_loop3A_777 = arith.index_cast %parallel_loop3A_444 : i32 to index
        %parallel_loop3A_778 = arith.constant 544 : index
        %parallel_loop3A_779 = tpu.vector_load %arg9[%parallel_loop3A_776, %parallel_loop3A_777, %parallel_loop3A_778] {strides = array<i32>} : memref<4x32x768xf32, #tpu.memory_space<vmem>>, vector<16xf32>,
        tpu.vector_store %arg9[%parallel_loop3A_776, %parallel_loop3A_777, %parallel_loop3A_778], %parallel_loop3A_565 {add = true, strides = array<i32>} : memref<4x32x768xf32, #tpu.memory_space<vmem>>, vector<16xf32>,
        %parallel_loop3A_780 = arith.constant 1 : i32
        %parallel_loop3A_781 = arith.index_cast %parallel_loop3A_780 : i32 to index
        %parallel_loop3A_782 = arith.index_cast %parallel_loop3A_444 : i32 to index
        %parallel_loop3A_783 = arith.constant 560 : index
        %parallel_loop3A_784 = tpu.vector_load %arg9[%parallel_loop3A_781, %parallel_loop3A_782, %parallel_loop3A_783] {strides = array<i32>} : memref<4x32x768xf32, #tpu.memory_space<vmem>>, vector<16xf32>,
        tpu.vector_store %arg9[%parallel_loop3A_781, %parallel_loop3A_782, %parallel_loop3A_783], %parallel_loop3A_568 {add = true, strides = array<i32>} : memref<4x32x768xf32, #tpu.memory_space<vmem>>, vector<16xf32>,
        %parallel_loop3A_785 = arith.constant 1 : i32
        %parallel_loop3A_786 = arith.index_cast %parallel_loop3A_785 : i32 to index
        %parallel_loop3A_787 = arith.index_cast %parallel_loop3A_444 : i32 to index
        %parallel_loop3A_788 = arith.constant 576 : index
        %parallel_loop3A_789 = tpu.vector_load %arg9[%parallel_loop3A_786, %parallel_loop3A_787, %parallel_loop3A_788] {strides = array<i32>} : memref<4x32x768xf32, #tpu.memory_space<vmem>>, vector<16xf32>,
        tpu.vector_store %arg9[%parallel_loop3A_786, %parallel_loop3A_787, %parallel_loop3A_788], %parallel_loop3A_571 {add = true, strides = array<i32>} : memref<4x32x768xf32, #tpu.memory_space<vmem>>, vector<16xf32>,
        %parallel_loop3A_790 = arith.constant 1 : i32
        %parallel_loop3A_791 = arith.index_cast %parallel_loop3A_790 : i32 to index
        %parallel_loop3A_792 = arith.index_cast %parallel_loop3A_444 : i32 to index
        %parallel_loop3A_793 = arith.constant 592 : index
        %parallel_loop3A_794 = tpu.vector_load %arg9[%parallel_loop3A_791, %parallel_loop3A_792, %parallel_loop3A_793] {strides = array<i32>} : memref<4x32x768xf32, #tpu.memory_space<vmem>>, vector<16xf32>,
        tpu.vector_store %arg9[%parallel_loop3A_791, %parallel_loop3A_792, %parallel_loop3A_793], %parallel_loop3A_574 {add = true, strides = array<i32>} : memref<4x32x768xf32, #tpu.memory_space<vmem>>, vector<16xf32>,
        %parallel_loop3A_795 = arith.constant 1 : i32
        %parallel_loop3A_796 = arith.index_cast %parallel_loop3A_795 : i32 to index
        %parallel_loop3A_797 = arith.index_cast %parallel_loop3A_444 : i32 to index
        %parallel_loop3A_798 = arith.constant 608 : index
        %parallel_loop3A_799 = tpu.vector_load %arg9[%parallel_loop3A_796, %parallel_loop3A_797, %parallel_loop3A_798] {strides = array<i32>} : memref<4x32x768xf32, #tpu.memory_space<vmem>>, vector<16xf32>,
        tpu.vector_store %arg9[%parallel_loop3A_796, %parallel_loop3A_797, %parallel_loop3A_798], %parallel_loop3A_577 {add = true, strides = array<i32>} : memref<4x32x768xf32, #tpu.memory_space<vmem>>, vector<16xf32>,
        %parallel_loop3A_800 = arith.constant 1 : i32
        %parallel_loop3A_801 = arith.index_cast %parallel_loop3A_800 : i32 to index
        %parallel_loop3A_802 = arith.index_cast %parallel_loop3A_444 : i32 to index
        %parallel_loop3A_803 = arith.constant 624 : index
        %parallel_loop3A_804 = tpu.vector_load %arg9[%parallel_loop3A_801, %parallel_loop3A_802, %parallel_loop3A_803] {strides = array<i32>} : memref<4x32x768xf32, #tpu.memory_space<vmem>>, vector<16xf32>,
        tpu.vector_store %arg9[%parallel_loop3A_801, %parallel_loop3A_802, %parallel_loop3A_803], %parallel_loop3A_580 {add = true, strides = array<i32>} : memref<4x32x768xf32, #tpu.memory_space<vmem>>, vector<16xf32>,
        %parallel_loop3A_805 = arith.constant 1 : i32
        %parallel_loop3A_806 = arith.index_cast %parallel_loop3A_805 : i32 to index
        %parallel_loop3A_807 = arith.index_cast %parallel_loop3A_444 : i32 to index
        %parallel_loop3A_808 = arith.constant 640 : index
        %parallel_loop3A_809 = tpu.vector_load %arg9[%parallel_loop3A_806, %parallel_loop3A_807, %parallel_loop3A_808] {strides = array<i32>} : memref<4x32x768xf32, #tpu.memory_space<vmem>>, vector<16xf32>,
        tpu.vector_store %arg9[%parallel_loop3A_806, %parallel_loop3A_807, %parallel_loop3A_808], %parallel_loop3A_583 {add = true, strides = array<i32>} : memref<4x32x768xf32, #tpu.memory_space<vmem>>, vector<16xf32>,
        %parallel_loop3A_810 = arith.constant 1 : i32
        %parallel_loop3A_811 = arith.index_cast %parallel_loop3A_810 : i32 to index
        %parallel_loop3A_812 = arith.index_cast %parallel_loop3A_444 : i32 to index
        %parallel_loop3A_813 = arith.constant 656 : index
        %parallel_loop3A_814 = tpu.vector_load %arg9[%parallel_loop3A_811, %parallel_loop3A_812, %parallel_loop3A_813] {strides = array<i32>} : memref<4x32x768xf32, #tpu.memory_space<vmem>>, vector<16xf32>,
        tpu.vector_store %arg9[%parallel_loop3A_811, %parallel_loop3A_812, %parallel_loop3A_813], %parallel_loop3A_586 {add = true, strides = array<i32>} : memref<4x32x768xf32, #tpu.memory_space<vmem>>, vector<16xf32>,
        %parallel_loop3A_815 = arith.constant 1 : i32
        %parallel_loop3A_816 = arith.index_cast %parallel_loop3A_815 : i32 to index
        %parallel_loop3A_817 = arith.index_cast %parallel_loop3A_444 : i32 to index
        %parallel_loop3A_818 = arith.constant 672 : index
        %parallel_loop3A_819 = tpu.vector_load %arg9[%parallel_loop3A_816, %parallel_loop3A_817, %parallel_loop3A_818] {strides = array<i32>} : memref<4x32x768xf32, #tpu.memory_space<vmem>>, vector<16xf32>,
        tpu.vector_store %arg9[%parallel_loop3A_816, %parallel_loop3A_817, %parallel_loop3A_818], %parallel_loop3A_589 {add = true, strides = array<i32>} : memref<4x32x768xf32, #tpu.memory_space<vmem>>, vector<16xf32>,
        %parallel_loop3A_820 = arith.constant 1 : i32
        %parallel_loop3A_821 = arith.index_cast %parallel_loop3A_820 : i32 to index
        %parallel_loop3A_822 = arith.index_cast %parallel_loop3A_444 : i32 to index
        %parallel_loop3A_823 = arith.constant 688 : index
        %parallel_loop3A_824 = tpu.vector_load %arg9[%parallel_loop3A_821, %parallel_loop3A_822, %parallel_loop3A_823] {strides = array<i32>} : memref<4x32x768xf32, #tpu.memory_space<vmem>>, vector<16xf32>,
        tpu.vector_store %arg9[%parallel_loop3A_821, %parallel_loop3A_822, %parallel_loop3A_823], %parallel_loop3A_592 {add = true, strides = array<i32>} : memref<4x32x768xf32, #tpu.memory_space<vmem>>, vector<16xf32>,
        %parallel_loop3A_825 = arith.constant 1 : i32
        %parallel_loop3A_826 = arith.index_cast %parallel_loop3A_825 : i32 to index
        %parallel_loop3A_827 = arith.index_cast %parallel_loop3A_444 : i32 to index
        %parallel_loop3A_828 = arith.constant 704 : index
        %parallel_loop3A_829 = tpu.vector_load %arg9[%parallel_loop3A_826, %parallel_loop3A_827, %parallel_loop3A_828] {strides = array<i32>} : memref<4x32x768xf32, #tpu.memory_space<vmem>>, vector<16xf32>,
        tpu.vector_store %arg9[%parallel_loop3A_826, %parallel_loop3A_827, %parallel_loop3A_828], %parallel_loop3A_595 {add = true, strides = array<i32>} : memref<4x32x768xf32, #tpu.memory_space<vmem>>, vector<16xf32>,
        %parallel_loop3A_830 = arith.constant 1 : i32
        %parallel_loop3A_831 = arith.index_cast %parallel_loop3A_830 : i32 to index
        %parallel_loop3A_832 = arith.index_cast %parallel_loop3A_444 : i32 to index
        %parallel_loop3A_833 = arith.constant 720 : index
        %parallel_loop3A_834 = tpu.vector_load %arg9[%parallel_loop3A_831, %parallel_loop3A_832, %parallel_loop3A_833] {strides = array<i32>} : memref<4x32x768xf32, #tpu.memory_space<vmem>>, vector<16xf32>,
        tpu.vector_store %arg9[%parallel_loop3A_831, %parallel_loop3A_832, %parallel_loop3A_833], %parallel_loop3A_598 {add = true, strides = array<i32>} : memref<4x32x768xf32, #tpu.memory_space<vmem>>, vector<16xf32>,
        %parallel_loop3A_835 = arith.constant 1 : i32
        %parallel_loop3A_836 = arith.index_cast %parallel_loop3A_835 : i32 to index
        %parallel_loop3A_837 = arith.index_cast %parallel_loop3A_444 : i32 to index
        %parallel_loop3A_838 = arith.constant 736 : index
        %parallel_loop3A_839 = tpu.vector_load %arg9[%parallel_loop3A_836, %parallel_loop3A_837, %parallel_loop3A_838] {strides = array<i32>} : memref<4x32x768xf32, #tpu.memory_space<vmem>>, vector<16xf32>,
        tpu.vector_store %arg9[%parallel_loop3A_836, %parallel_loop3A_837, %parallel_loop3A_838], %parallel_loop3A_601 {add = true, strides = array<i32>} : memref<4x32x768xf32, #tpu.memory_space<vmem>>, vector<16xf32>,
        %parallel_loop3A_840 = arith.constant 1 : i32
        %parallel_loop3A_841 = arith.index_cast %parallel_loop3A_840 : i32 to index
        %parallel_loop3A_842 = arith.index_cast %parallel_loop3A_444 : i32 to index
        %parallel_loop3A_843 = arith.constant 752 : index
        %parallel_loop3A_844 = tpu.vector_load %arg9[%parallel_loop3A_841, %parallel_loop3A_842, %parallel_loop3A_843] {strides = array<i32>} : memref<4x32x768xf32, #tpu.memory_space<vmem>>, vector<16xf32>,
        tpu.vector_store %arg9[%parallel_loop3A_841, %parallel_loop3A_842, %parallel_loop3A_843], %parallel_loop3A_604 {add = true, strides = array<i32>} : memref<4x32x768xf32, #tpu.memory_space<vmem>>, vector<16xf32>,
      } {sc.loop_unroll_factor = 1 : i64, sc.parallel_access}
      %ge3A_265 = arith.constant 1 : i32
      %ge3A_266 = arith.cmpi sge, %add3A_219, %ge3A_265 : i32
      %convert_element_type3A_267 = arith.extui %ge3A_266 : i1 to i32
      %cond3A_268 = arith.constant 0 : i32
      %cond3A_269 = arith.cmpi ne, %convert_element_type3A_267, %cond3A_268 : i32
      scf.if %cond3A_269 {
        %sub3A_444 = arith.constant 32 : i32
        %sub3A_445 = arith.subi %add3A_222, %sub3A_444 : i32
        %dma_wait3A_446 = arith.constant 0 : i32
        %dma_wait3A_447 = arith.constant 0 : i32
        %dma_wait3A_448 = arith.constant 0 : i32
        %dma_wait3A_449 = tpu.memref_slice %arg9[%dma_wait3A_446, %dma_wait3A_447, %dma_wait3A_448] : memref<4x32x768xf32, #tpu.memory_space<vmem>> -> memref<1x32x768xf32, #tpu.memory_space<vmem>>
        %dma_wait3A_450 = tpu.memref_squeeze %dma_wait3A_449 : memref<1x32x768xf32, #tpu.memory_space<vmem>> -> memref<32x768xf32, #tpu.memory_space<vmem>>
        %dma_wait3A_451 = arith.constant 0 : i32
        %dma_wait3A_452 = tpu.memref_slice %arg7[%sub3A_445, %dma_wait3A_451] : memref<16384x768xf32, #tpu.memory_space<hbm>> -> memref<32x768xf32, #tpu.memory_space<hbm>>
        %dma_wait3A_453 = arith.constant 0 : i32
        %dma_wait3A_454 = tpu.memref_slice %arg7[%sub3A_445, %dma_wait3A_453] : memref<16384x768xf32, #tpu.memory_space<hbm>> -> memref<32x768xf32, #tpu.memory_space<hbm>>
        %dma_wait3A_455 = arith.constant 0 : i32
        %dma_wait3A_456 = arith.constant 0 : i32
        %dma_wait3A_457 = tpu.memref_slice %arg9[%dma_wait3A_446, %dma_wait3A_455, %dma_wait3A_456] : memref<4x32x768xf32, #tpu.memory_space<vmem>> -> memref<1x32x768xf32, #tpu.memory_space<vmem>>
        %dma_wait3A_458 = tpu.memref_squeeze %dma_wait3A_457 : memref<1x32x768xf32, #tpu.memory_space<vmem>> -> memref<32x768xf32, #tpu.memory_space<vmem>>
        tpu.wait_dma2 semaphore(%arg15 : memref<!tpu.dma_semaphore, #tpu.memory_space<semaphore_mem>>) src(%dma_wait3A_458 : memref<32x768xf32, #tpu.memory_space<vmem>>) dst(%dma_wait3A_454 : memref<32x768xf32, #tpu.memory_space<hbm>>)
      } else {
      }
      %add3A_270 = arith.constant 4 : i32
      %add3A_271 = arith.addi %add3A_219, %add3A_270 : i32
      %sub3A_272 = arith.constant 1 : i32
      %sub3A_273 = arith.subi %add3A_271, %sub3A_272 : i32
      %lt3A_274 = arith.constant 16 : i32
      %lt3A_275 = arith.cmpi slt, %sub3A_273, %lt3A_274 : i32
      %convert_element_type3A_276 = arith.extui %lt3A_275 : i1 to i32
      %cond3A_277 = arith.constant 0 : i32
      %cond3A_278 = arith.cmpi ne, %convert_element_type3A_276, %cond3A_277 : i32
      scf.if %cond3A_278 {
        %add3A_444 = arith.constant 96 : i32
        %add3A_445 = arith.addi %add3A_222, %add3A_444 : i32
        %dma_start3A_446 = arith.constant 0 : i32
        %dma_start3A_447 = arith.constant 0 : i32
        %dma_start3A_448 = arith.constant 0 : i32
        %dma_start3A_449 = tpu.memref_slice %arg9[%dma_start3A_446, %dma_start3A_447, %dma_start3A_448] : memref<4x32x768xf32, #tpu.memory_space<vmem>> -> memref<1x32x256xf32, #tpu.memory_space<vmem>>
        %dma_start3A_450 = tpu.memref_squeeze %dma_start3A_449 : memref<1x32x256xf32, #tpu.memory_space<vmem>> -> memref<32x256xf32, #tpu.memory_space<vmem>>
        %dma_start3A_451 = arith.constant 0 : i32
        %dma_start3A_452 = tpu.memref_slice %arg2[%add3A_445, %dma_start3A_451] : memref<16384x256xf32, #tpu.memory_space<hbm>> -> memref<32x256xf32, #tpu.memory_space<hbm>>
        %dma_start3A_453 = arith.constant 0 : i32
        %dma_start3A_454 = arith.constant 0 : i32
        %dma_start3A_455 = tpu.memref_slice %arg9[%dma_start3A_446, %dma_start3A_453, %dma_start3A_454] : memref<4x32x768xf32, #tpu.memory_space<vmem>> -> memref<1x32x256xf32, #tpu.memory_space<vmem>>
        %dma_start3A_456 = tpu.memref_squeeze %dma_start3A_455 : memref<1x32x256xf32, #tpu.memory_space<vmem>> -> memref<32x256xf32, #tpu.memory_space<vmem>>
        %dma_start3A_457 = arith.constant 0 : i32
        %dma_start3A_458 = tpu.memref_slice %arg2[%add3A_445, %dma_start3A_457] : memref<16384x256xf32, #tpu.memory_space<hbm>> -> memref<32x256xf32, #tpu.memory_space<hbm>>
        tpu.enqueue_dma source(%dma_start3A_458 : memref<32x256xf32, #tpu.memory_space<hbm>>) target(%dma_start3A_456 : memref<32x256xf32, #tpu.memory_space<vmem>>) target_semaphore(%arg11 : memref<!tpu.dma_semaphore, #tpu.memory_space<semaphore_mem>>)
        %dma_start3A_459 = arith.constant 0 : i32
        %dma_start3A_460 = arith.constant 0 : i32
        %dma_start3A_461 = arith.constant 256 : i32
        %dma_start3A_462 = tpu.memref_slice %arg9[%dma_start3A_459, %dma_start3A_460, %dma_start3A_461] : memref<4x32x768xf32, #tpu.memory_space<vmem>> -> memref<1x32x256xf32, #tpu.memory_space<vmem>>
        %dma_start3A_463 = tpu.memref_squeeze %dma_start3A_462 : memref<1x32x256xf32, #tpu.memory_space<vmem>> -> memref<32x256xf32, #tpu.memory_space<vmem>>
        %dma_start3A_464 = arith.constant 0 : i32
        %dma_start3A_465 = tpu.memref_slice %arg3[%add3A_445, %dma_start3A_464] : memref<16384x256xf32, #tpu.memory_space<hbm>> -> memref<32x256xf32, #tpu.memory_space<hbm>>
        %dma_start3A_466 = arith.constant 0 : i32
        %dma_start3A_467 = arith.constant 256 : i32
        %dma_start3A_468 = tpu.memref_slice %arg9[%dma_start3A_459, %dma_start3A_466, %dma_start3A_467] : memref<4x32x768xf32, #tpu.memory_space<vmem>> -> memref<1x32x256xf32, #tpu.memory_space<vmem>>
        %dma_start3A_469 = tpu.memref_squeeze %dma_start3A_468 : memref<1x32x256xf32, #tpu.memory_space<vmem>> -> memref<32x256xf32, #tpu.memory_space<vmem>>
        %dma_start3A_470 = arith.constant 0 : i32
        %dma_start3A_471 = tpu.memref_slice %arg3[%add3A_445, %dma_start3A_470] : memref<16384x256xf32, #tpu.memory_space<hbm>> -> memref<32x256xf32, #tpu.memory_space<hbm>>
        tpu.enqueue_dma source(%dma_start3A_471 : memref<32x256xf32, #tpu.memory_space<hbm>>) target(%dma_start3A_469 : memref<32x256xf32, #tpu.memory_space<vmem>>) target_semaphore(%arg11 : memref<!tpu.dma_semaphore, #tpu.memory_space<semaphore_mem>>)
        %dma_start3A_472 = arith.constant 0 : i32
        %dma_start3A_473 = arith.constant 0 : i32
        %dma_start3A_474 = arith.constant 512 : i32
        %dma_start3A_475 = tpu.memref_slice %arg9[%dma_start3A_472, %dma_start3A_473, %dma_start3A_474] : memref<4x32x768xf32, #tpu.memory_space<vmem>> -> memref<1x32x256xf32, #tpu.memory_space<vmem>>
        %dma_start3A_476 = tpu.memref_squeeze %dma_start3A_475 : memref<1x32x256xf32, #tpu.memory_space<vmem>> -> memref<32x256xf32, #tpu.memory_space<vmem>>
        %dma_start3A_477 = arith.constant 0 : i32
        %dma_start3A_478 = tpu.memref_slice %arg4[%add3A_445, %dma_start3A_477] : memref<16384x256xf32, #tpu.memory_space<hbm>> -> memref<32x256xf32, #tpu.memory_space<hbm>>
        %dma_start3A_479 = arith.constant 0 : i32
        %dma_start3A_480 = arith.constant 512 : i32
        %dma_start3A_481 = tpu.memref_slice %arg9[%dma_start3A_472, %dma_start3A_479, %dma_start3A_480] : memref<4x32x768xf32, #tpu.memory_space<vmem>> -> memref<1x32x256xf32, #tpu.memory_space<vmem>>
        %dma_start3A_482 = tpu.memref_squeeze %dma_start3A_481 : memref<1x32x256xf32, #tpu.memory_space<vmem>> -> memref<32x256xf32, #tpu.memory_space<vmem>>
        %dma_start3A_483 = arith.constant 0 : i32
        %dma_start3A_484 = tpu.memref_slice %arg4[%add3A_445, %dma_start3A_483] : memref<16384x256xf32, #tpu.memory_space<hbm>> -> memref<32x256xf32, #tpu.memory_space<hbm>>
        tpu.enqueue_dma source(%dma_start3A_484 : memref<32x256xf32, #tpu.memory_space<hbm>>) target(%dma_start3A_482 : memref<32x256xf32, #tpu.memory_space<vmem>>) target_semaphore(%arg11 : memref<!tpu.dma_semaphore, #tpu.memory_space<semaphore_mem>>)
      } else {
      }
      %dma_start3A_279 = arith.constant 1 : i32
      %dma_start3A_280 = arith.constant 0 : i32
      %dma_start3A_281 = arith.constant 0 : i32
      %dma_start3A_282 = tpu.memref_slice %arg9[%dma_start3A_279, %dma_start3A_280, %dma_start3A_281] : memref<4x32x768xf32, #tpu.memory_space<vmem>> -> memref<1x32x768xf32, #tpu.memory_space<vmem>>
      %dma_start3A_283 = tpu.memref_squeeze %dma_start3A_282 : memref<1x32x768xf32, #tpu.memory_space<vmem>> -> memref<32x768xf32, #tpu.memory_space<vmem>>
      %dma_start3A_284 = arith.constant 0 : i32
      %dma_start3A_285 = tpu.memref_slice %arg7[%add3A_222, %dma_start3A_284] : memref<16384x768xf32, #tpu.memory_space<hbm>> -> memref<32x768xf32, #tpu.memory_space<hbm>>
      %dma_start3A_286 = arith.constant 0 : i32
      %dma_start3A_287 = tpu.memref_slice %arg7[%add3A_222, %dma_start3A_286] : memref<16384x768xf32, #tpu.memory_space<hbm>> -> memref<32x768xf32, #tpu.memory_space<hbm>>
      %dma_start3A_288 = arith.constant 0 : i32
      %dma_start3A_289 = arith.constant 0 : i32
      %dma_start3A_290 = tpu.memref_slice %arg9[%dma_start3A_279, %dma_start3A_288, %dma_start3A_289] : memref<4x32x768xf32, #tpu.memory_space<vmem>> -> memref<1x32x768xf32, #tpu.memory_space<vmem>>
      %dma_start3A_291 = tpu.memref_squeeze %dma_start3A_290 : memref<1x32x768xf32, #tpu.memory_space<vmem>> -> memref<32x768xf32, #tpu.memory_space<vmem>>
      tpu.enqueue_dma source(%dma_start3A_291 : memref<32x768xf32, #tpu.memory_space<vmem>>) target(%dma_start3A_287 : memref<32x768xf32, #tpu.memory_space<hbm>>) target_semaphore(%arg16 : memref<!tpu.dma_semaphore, #tpu.memory_space<semaphore_mem>>)
      %mul3A_292 = arith.constant 4 : i32
      %mul3A_293 = arith.muli %scan3A_145, %mul3A_292 : i32
      %add3A_294 = arith.constant 2 : i32
      %add3A_295 = arith.addi %mul3A_293, %add3A_294 : i32
      %mul3A_296 = arith.constant 32 : i32
      %mul3A_297 = arith.muli %add3A_295, %mul3A_296 : i32
      %add3A_298 = arith.addi %mul3A_2, %mul3A_297 : i32
      %dma_wait3A_299 = arith.constant 2 : i32
      %dma_wait3A_300 = arith.constant 0 : i32
      %dma_wait3A_301 = arith.constant 0 : i32
      %dma_wait3A_302 = tpu.memref_slice %arg9[%dma_wait3A_299, %dma_wait3A_300, %dma_wait3A_301] : memref<4x32x768xf32, #tpu.memory_space<vmem>> -> memref<1x32x256xf32, #tpu.memory_space<vmem>>
      %dma_wait3A_303 = tpu.memref_squeeze %dma_wait3A_302 : memref<1x32x256xf32, #tpu.memory_space<vmem>> -> memref<32x256xf32, #tpu.memory_space<vmem>>
      %dma_wait3A_304 = arith.constant 0 : i32
      %dma_wait3A_305 = tpu.memref_slice %arg2[%add3A_298, %dma_wait3A_304] : memref<16384x256xf32, #tpu.memory_space<hbm>> -> memref<32x256xf32, #tpu.memory_space<hbm>>
      %dma_wait3A_306 = arith.constant 0 : i32
      %dma_wait3A_307 = arith.constant 0 : i32
      %dma_wait3A_308 = tpu.memref_slice %arg9[%dma_wait3A_299, %dma_wait3A_306, %dma_wait3A_307] : memref<4x32x768xf32, #tpu.memory_space<vmem>> -> memref<1x32x256xf32, #tpu.memory_space<vmem>>
      %dma_wait3A_309 = tpu.memref_squeeze %dma_wait3A_308 : memref<1x32x256xf32, #tpu.memory_space<vmem>> -> memref<32x256xf32, #tpu.memory_space<vmem>>
      %dma_wait3A_310 = arith.constant 0 : i32
      %dma_wait3A_311 = tpu.memref_slice %arg2[%add3A_298, %dma_wait3A_310] : memref<16384x256xf32, #tpu.memory_space<hbm>> -> memref<32x256xf32, #tpu.memory_space<hbm>>
      tpu.wait_dma2 semaphore(%arg13 : memref<!tpu.dma_semaphore, #tpu.memory_space<semaphore_mem>>) src(%dma_wait3A_311 : memref<32x256xf32, #tpu.memory_space<hbm>>) dst(%dma_wait3A_309 : memref<32x256xf32, #tpu.memory_space<vmem>>)
      %dma_wait3A_312 = arith.constant 2 : i32
      %dma_wait3A_313 = arith.constant 0 : i32
      %dma_wait3A_314 = arith.constant 256 : i32
      %dma_wait3A_315 = tpu.memref_slice %arg9[%dma_wait3A_312, %dma_wait3A_313, %dma_wait3A_314] : memref<4x32x768xf32, #tpu.memory_space<vmem>> -> memref<1x32x256xf32, #tpu.memory_space<vmem>>
      %dma_wait3A_316 = tpu.memref_squeeze %dma_wait3A_315 : memref<1x32x256xf32, #tpu.memory_space<vmem>> -> memref<32x256xf32, #tpu.memory_space<vmem>>
      %dma_wait3A_317 = arith.constant 0 : i32
      %dma_wait3A_318 = tpu.memref_slice %arg3[%add3A_298, %dma_wait3A_317] : memref<16384x256xf32, #tpu.memory_space<hbm>> -> memref<32x256xf32, #tpu.memory_space<hbm>>
      %dma_wait3A_319 = arith.constant 0 : i32
      %dma_wait3A_320 = arith.constant 256 : i32
      %dma_wait3A_321 = tpu.memref_slice %arg9[%dma_wait3A_312, %dma_wait3A_319, %dma_wait3A_320] : memref<4x32x768xf32, #tpu.memory_space<vmem>> -> memref<1x32x256xf32, #tpu.memory_space<vmem>>
      %dma_wait3A_322 = tpu.memref_squeeze %dma_wait3A_321 : memref<1x32x256xf32, #tpu.memory_space<vmem>> -> memref<32x256xf32, #tpu.memory_space<vmem>>
      %dma_wait3A_323 = arith.constant 0 : i32
      %dma_wait3A_324 = tpu.memref_slice %arg3[%add3A_298, %dma_wait3A_323] : memref<16384x256xf32, #tpu.memory_space<hbm>> -> memref<32x256xf32, #tpu.memory_space<hbm>>
      tpu.wait_dma2 semaphore(%arg13 : memref<!tpu.dma_semaphore, #tpu.memory_space<semaphore_mem>>) src(%dma_wait3A_324 : memref<32x256xf32, #tpu.memory_space<hbm>>) dst(%dma_wait3A_322 : memref<32x256xf32, #tpu.memory_space<vmem>>)
      %dma_wait3A_325 = arith.constant 2 : i32
      %dma_wait3A_326 = arith.constant 0 : i32
      %dma_wait3A_327 = arith.constant 512 : i32
      %dma_wait3A_328 = tpu.memref_slice %arg9[%dma_wait3A_325, %dma_wait3A_326, %dma_wait3A_327] : memref<4x32x768xf32, #tpu.memory_space<vmem>> -> memref<1x32x256xf32, #tpu.memory_space<vmem>>
      %dma_wait3A_329 = tpu.memref_squeeze %dma_wait3A_328 : memref<1x32x256xf32, #tpu.memory_space<vmem>> -> memref<32x256xf32, #tpu.memory_space<vmem>>
      %dma_wait3A_330 = arith.constant 0 : i32
      %dma_wait3A_331 = tpu.memref_slice %arg4[%add3A_298, %dma_wait3A_330] : memref<16384x256xf32, #tpu.memory_space<hbm>> -> memref<32x256xf32, #tpu.memory_space<hbm>>
      %dma_wait3A_332 = arith.constant 0 : i32
      %dma_wait3A_333 = arith.constant 512 : i32
      %dma_wait3A_334 = tpu.memref_slice %arg9[%dma_wait3A_325, %dma_wait3A_332, %dma_wait3A_333] : memref<4x32x768xf32, #tpu.memory_space<vmem>> -> memref<1x32x256xf32, #tpu.memory_space<vmem>>
      %dma_wait3A_335 = tpu.memref_squeeze %dma_wait3A_334 : memref<1x32x256xf32, #tpu.memory_space<vmem>> -> memref<32x256xf32, #tpu.memory_space<vmem>>
      %dma_wait3A_336 = arith.constant 0 : i32
      %dma_wait3A_337 = tpu.memref_slice %arg4[%add3A_298, %dma_wait3A_336] : memref<16384x256xf32, #tpu.memory_space<hbm>> -> memref<32x256xf32, #tpu.memory_space<hbm>>
      tpu.wait_dma2 semaphore(%arg13 : memref<!tpu.dma_semaphore, #tpu.memory_space<semaphore_mem>>) src(%dma_wait3A_337 : memref<32x256xf32, #tpu.memory_space<hbm>>) dst(%dma_wait3A_335 : memref<32x256xf32, #tpu.memory_space<vmem>>)
      %parallel_loop3A_338 = arith.constant 0 : i32
      %parallel_loop3A_339 = arith.constant 32 : i32
      %parallel_loop3A_340 = arith.constant 1 : i32
      scf.for %parallel_loop3A_444 = %parallel_loop3A_338 to %parallel_loop3A_339 step %parallel_loop3A_340  : i32 {
        %parallel_loop3A_445 = arith.constant 32 : i32
        %parallel_loop3A_446 = arith.muli %add3A_295, %parallel_loop3A_445 : i32
        %parallel_loop3A_447 = arith.constant -16 : i32
        %parallel_loop3A_448 = arith.andi %parallel_loop3A_444, %parallel_loop3A_447 : i32
        %parallel_loop3A_449 = arith.addi %parallel_loop3A_446, %parallel_loop3A_448 : i32
        %parallel_loop3A_450 = arith.index_cast %parallel_loop3A_449 : i32 to index
        %parallel_loop3A_451 = tpu.vector_load %arg10[%parallel_loop3A_450] {strides = array<i32>} : memref<512xi32, #tpu.memory_space<vmem>>, vector<16xi32>,
        %parallel_loop3A_452 = arith.constant 15 : i32
        %parallel_loop3A_453 = arith.andi %parallel_loop3A_444, %parallel_loop3A_452 : i32
        %parallel_loop3A_454 = vector.broadcast %parallel_loop3A_453 : i32 to vector<16xi32>
        %parallel_loop3A_455 = arith.cmpi eq, %iota3A, %parallel_loop3A_454 : vector<16xi32>
        %parallel_loop3A_456 = arith.select %parallel_loop3A_455, %parallel_loop3A_451, %broadcast_in_dim3A_3 : vector<16xi1>, vector<16xi32>
        %parallel_loop3A_457 = arith.constant true
        %parallel_loop3A_458 = vector.broadcast %parallel_loop3A_457 : i1 to vector<16xi1>
        %parallel_loop3A_459 = tpu.scan <sum>, %parallel_loop3A_456 masked %parallel_loop3A_458 : vector<16xi32>, vector<16xi1> -> vector<16xi32>
        %parallel_loop3A_460 = vector.extract %parallel_loop3A_459[15] : i32 from vector<16xi32>
        %parallel_loop3A_461 = arith.index_cast %parallel_loop3A_460 : i32 to index
        %parallel_loop3A_462 = arith.constant 0 : index
        %parallel_loop3A_463 = tpu.vector_load %arg8[%parallel_loop3A_461, %parallel_loop3A_462] {strides = array<i32>} : memref<20x768xf32, #tpu.memory_space<vmem>>, vector<16xf32>,
        %parallel_loop3A_464 = arith.index_cast %parallel_loop3A_460 : i32 to index
        %parallel_loop3A_465 = arith.constant 16 : index
        %parallel_loop3A_466 = tpu.vector_load %arg8[%parallel_loop3A_464, %parallel_loop3A_465] {strides = array<i32>} : memref<20x768xf32, #tpu.memory_space<vmem>>, vector<16xf32>,
        %parallel_loop3A_467 = arith.index_cast %parallel_loop3A_460 : i32 to index
        %parallel_loop3A_468 = arith.constant 32 : index
        %parallel_loop3A_469 = tpu.vector_load %arg8[%parallel_loop3A_467, %parallel_loop3A_468] {strides = array<i32>} : memref<20x768xf32, #tpu.memory_space<vmem>>, vector<16xf32>,
        %parallel_loop3A_470 = arith.index_cast %parallel_loop3A_460 : i32 to index
        %parallel_loop3A_471 = arith.constant 48 : index
        %parallel_loop3A_472 = tpu.vector_load %arg8[%parallel_loop3A_470, %parallel_loop3A_471] {strides = array<i32>} : memref<20x768xf32, #tpu.memory_space<vmem>>, vector<16xf32>,
        %parallel_loop3A_473 = arith.index_cast %parallel_loop3A_460 : i32 to index
        %parallel_loop3A_474 = arith.constant 64 : index
        %parallel_loop3A_475 = tpu.vector_load %arg8[%parallel_loop3A_473, %parallel_loop3A_474] {strides = array<i32>} : memref<20x768xf32, #tpu.memory_space<vmem>>, vector<16xf32>,
        %parallel_loop3A_476 = arith.index_cast %parallel_loop3A_460 : i32 to index
        %parallel_loop3A_477 = arith.constant 80 : index
        %parallel_loop3A_478 = tpu.vector_load %arg8[%parallel_loop3A_476, %parallel_loop3A_477] {strides = array<i32>} : memref<20x768xf32, #tpu.memory_space<vmem>>, vector<16xf32>,
        %parallel_loop3A_479 = arith.index_cast %parallel_loop3A_460 : i32 to index
        %parallel_loop3A_480 = arith.constant 96 : index
        %parallel_loop3A_481 = tpu.vector_load %arg8[%parallel_loop3A_479, %parallel_loop3A_480] {strides = array<i32>} : memref<20x768xf32, #tpu.memory_space<vmem>>, vector<16xf32>,
        %parallel_loop3A_482 = arith.index_cast %parallel_loop3A_460 : i32 to index
        %parallel_loop3A_483 = arith.constant 112 : index
        %parallel_loop3A_484 = tpu.vector_load %arg8[%parallel_loop3A_482, %parallel_loop3A_483] {strides = array<i32>} : memref<20x768xf32, #tpu.memory_space<vmem>>, vector<16xf32>,
        %parallel_loop3A_485 = arith.index_cast %parallel_loop3A_460 : i32 to index
        %parallel_loop3A_486 = arith.constant 128 : index
        %parallel_loop3A_487 = tpu.vector_load %arg8[%parallel_loop3A_485, %parallel_loop3A_486] {strides = array<i32>} : memref<20x768xf32, #tpu.memory_space<vmem>>, vector<16xf32>,
        %parallel_loop3A_488 = arith.index_cast %parallel_loop3A_460 : i32 to index
        %parallel_loop3A_489 = arith.constant 144 : index
        %parallel_loop3A_490 = tpu.vector_load %arg8[%parallel_loop3A_488, %parallel_loop3A_489] {strides = array<i32>} : memref<20x768xf32, #tpu.memory_space<vmem>>, vector<16xf32>,
        %parallel_loop3A_491 = arith.index_cast %parallel_loop3A_460 : i32 to index
        %parallel_loop3A_492 = arith.constant 160 : index
        %parallel_loop3A_493 = tpu.vector_load %arg8[%parallel_loop3A_491, %parallel_loop3A_492] {strides = array<i32>} : memref<20x768xf32, #tpu.memory_space<vmem>>, vector<16xf32>,
        %parallel_loop3A_494 = arith.index_cast %parallel_loop3A_460 : i32 to index
        %parallel_loop3A_495 = arith.constant 176 : index
        %parallel_loop3A_496 = tpu.vector_load %arg8[%parallel_loop3A_494, %parallel_loop3A_495] {strides = array<i32>} : memref<20x768xf32, #tpu.memory_space<vmem>>, vector<16xf32>,
        %parallel_loop3A_497 = arith.index_cast %parallel_loop3A_460 : i32 to index
        %parallel_loop3A_498 = arith.constant 192 : index
        %parallel_loop3A_499 = tpu.vector_load %arg8[%parallel_loop3A_497, %parallel_loop3A_498] {strides = array<i32>} : memref<20x768xf32, #tpu.memory_space<vmem>>, vector<16xf32>,
        %parallel_loop3A_500 = arith.index_cast %parallel_loop3A_460 : i32 to index
        %parallel_loop3A_501 = arith.constant 208 : index
        %parallel_loop3A_502 = tpu.vector_load %arg8[%parallel_loop3A_500, %parallel_loop3A_501] {strides = array<i32>} : memref<20x768xf32, #tpu.memory_space<vmem>>, vector<16xf32>,
        %parallel_loop3A_503 = arith.index_cast %parallel_loop3A_460 : i32 to index
        %parallel_loop3A_504 = arith.constant 224 : index
        %parallel_loop3A_505 = tpu.vector_load %arg8[%parallel_loop3A_503, %parallel_loop3A_504] {strides = array<i32>} : memref<20x768xf32, #tpu.memory_space<vmem>>, vector<16xf32>,
        %parallel_loop3A_506 = arith.index_cast %parallel_loop3A_460 : i32 to index
        %parallel_loop3A_507 = arith.constant 240 : index
        %parallel_loop3A_508 = tpu.vector_load %arg8[%parallel_loop3A_506, %parallel_loop3A_507] {strides = array<i32>} : memref<20x768xf32, #tpu.memory_space<vmem>>, vector<16xf32>,
        %parallel_loop3A_509 = arith.index_cast %parallel_loop3A_460 : i32 to index
        %parallel_loop3A_510 = arith.constant 256 : index
        %parallel_loop3A_511 = tpu.vector_load %arg8[%parallel_loop3A_509, %parallel_loop3A_510] {strides = array<i32>} : memref<20x768xf32, #tpu.memory_space<vmem>>, vector<16xf32>,
        %parallel_loop3A_512 = arith.index_cast %parallel_loop3A_460 : i32 to index
        %parallel_loop3A_513 = arith.constant 272 : index
        %parallel_loop3A_514 = tpu.vector_load %arg8[%parallel_loop3A_512, %parallel_loop3A_513] {strides = array<i32>} : memref<20x768xf32, #tpu.memory_space<vmem>>, vector<16xf32>,
        %parallel_loop3A_515 = arith.index_cast %parallel_loop3A_460 : i32 to index
        %parallel_loop3A_516 = arith.constant 288 : index
        %parallel_loop3A_517 = tpu.vector_load %arg8[%parallel_loop3A_515, %parallel_loop3A_516] {strides = array<i32>} : memref<20x768xf32, #tpu.memory_space<vmem>>, vector<16xf32>,
        %parallel_loop3A_518 = arith.index_cast %parallel_loop3A_460 : i32 to index
        %parallel_loop3A_519 = arith.constant 304 : index
        %parallel_loop3A_520 = tpu.vector_load %arg8[%parallel_loop3A_518, %parallel_loop3A_519] {strides = array<i32>} : memref<20x768xf32, #tpu.memory_space<vmem>>, vector<16xf32>,
        %parallel_loop3A_521 = arith.index_cast %parallel_loop3A_460 : i32 to index
        %parallel_loop3A_522 = arith.constant 320 : index
        %parallel_loop3A_523 = tpu.vector_load %arg8[%parallel_loop3A_521, %parallel_loop3A_522] {strides = array<i32>} : memref<20x768xf32, #tpu.memory_space<vmem>>, vector<16xf32>,
        %parallel_loop3A_524 = arith.index_cast %parallel_loop3A_460 : i32 to index
        %parallel_loop3A_525 = arith.constant 336 : index
        %parallel_loop3A_526 = tpu.vector_load %arg8[%parallel_loop3A_524, %parallel_loop3A_525] {strides = array<i32>} : memref<20x768xf32, #tpu.memory_space<vmem>>, vector<16xf32>,
        %parallel_loop3A_527 = arith.index_cast %parallel_loop3A_460 : i32 to index
        %parallel_loop3A_528 = arith.constant 352 : index
        %parallel_loop3A_529 = tpu.vector_load %arg8[%parallel_loop3A_527, %parallel_loop3A_528] {strides = array<i32>} : memref<20x768xf32, #tpu.memory_space<vmem>>, vector<16xf32>,
        %parallel_loop3A_530 = arith.index_cast %parallel_loop3A_460 : i32 to index
        %parallel_loop3A_531 = arith.constant 368 : index
        %parallel_loop3A_532 = tpu.vector_load %arg8[%parallel_loop3A_530, %parallel_loop3A_531] {strides = array<i32>} : memref<20x768xf32, #tpu.memory_space<vmem>>, vector<16xf32>,
        %parallel_loop3A_533 = arith.index_cast %parallel_loop3A_460 : i32 to index
        %parallel_loop3A_534 = arith.constant 384 : index
        %parallel_loop3A_535 = tpu.vector_load %arg8[%parallel_loop3A_533, %parallel_loop3A_534] {strides = array<i32>} : memref<20x768xf32, #tpu.memory_space<vmem>>, vector<16xf32>,
        %parallel_loop3A_536 = arith.index_cast %parallel_loop3A_460 : i32 to index
        %parallel_loop3A_537 = arith.constant 400 : index
        %parallel_loop3A_538 = tpu.vector_load %arg8[%parallel_loop3A_536, %parallel_loop3A_537] {strides = array<i32>} : memref<20x768xf32, #tpu.memory_space<vmem>>, vector<16xf32>,
        %parallel_loop3A_539 = arith.index_cast %parallel_loop3A_460 : i32 to index
        %parallel_loop3A_540 = arith.constant 416 : index
        %parallel_loop3A_541 = tpu.vector_load %arg8[%parallel_loop3A_539, %parallel_loop3A_540] {strides = array<i32>} : memref<20x768xf32, #tpu.memory_space<vmem>>, vector<16xf32>,
        %parallel_loop3A_542 = arith.index_cast %parallel_loop3A_460 : i32 to index
        %parallel_loop3A_543 = arith.constant 432 : index
        %parallel_loop3A_544 = tpu.vector_load %arg8[%parallel_loop3A_542, %parallel_loop3A_543] {strides = array<i32>} : memref<20x768xf32, #tpu.memory_space<vmem>>, vector<16xf32>,
        %parallel_loop3A_545 = arith.index_cast %parallel_loop3A_460 : i32 to index
        %parallel_loop3A_546 = arith.constant 448 : index
        %parallel_loop3A_547 = tpu.vector_load %arg8[%parallel_loop3A_545, %parallel_loop3A_546] {strides = array<i32>} : memref<20x768xf32, #tpu.memory_space<vmem>>, vector<16xf32>,
        %parallel_loop3A_548 = arith.index_cast %parallel_loop3A_460 : i32 to index
        %parallel_loop3A_549 = arith.constant 464 : index
        %parallel_loop3A_550 = tpu.vector_load %arg8[%parallel_loop3A_548, %parallel_loop3A_549] {strides = array<i32>} : memref<20x768xf32, #tpu.memory_space<vmem>>, vector<16xf32>,
        %parallel_loop3A_551 = arith.index_cast %parallel_loop3A_460 : i32 to index
        %parallel_loop3A_552 = arith.constant 480 : index
        %parallel_loop3A_553 = tpu.vector_load %arg8[%parallel_loop3A_551, %parallel_loop3A_552] {strides = array<i32>} : memref<20x768xf32, #tpu.memory_space<vmem>>, vector<16xf32>,
        %parallel_loop3A_554 = arith.index_cast %parallel_loop3A_460 : i32 to index
        %parallel_loop3A_555 = arith.constant 496 : index
        %parallel_loop3A_556 = tpu.vector_load %arg8[%parallel_loop3A_554, %parallel_loop3A_555] {strides = array<i32>} : memref<20x768xf32, #tpu.memory_space<vmem>>, vector<16xf32>,
        %parallel_loop3A_557 = arith.index_cast %parallel_loop3A_460 : i32 to index
        %parallel_loop3A_558 = arith.constant 512 : index
        %parallel_loop3A_559 = tpu.vector_load %arg8[%parallel_loop3A_557, %parallel_loop3A_558] {strides = array<i32>} : memref<20x768xf32, #tpu.memory_space<vmem>>, vector<16xf32>,
        %parallel_loop3A_560 = arith.index_cast %parallel_loop3A_460 : i32 to index
        %parallel_loop3A_561 = arith.constant 528 : index
        %parallel_loop3A_562 = tpu.vector_load %arg8[%parallel_loop3A_560, %parallel_loop3A_561] {strides = array<i32>} : memref<20x768xf32, #tpu.memory_space<vmem>>, vector<16xf32>,
        %parallel_loop3A_563 = arith.index_cast %parallel_loop3A_460 : i32 to index
        %parallel_loop3A_564 = arith.constant 544 : index
        %parallel_loop3A_565 = tpu.vector_load %arg8[%parallel_loop3A_563, %parallel_loop3A_564] {strides = array<i32>} : memref<20x768xf32, #tpu.memory_space<vmem>>, vector<16xf32>,
        %parallel_loop3A_566 = arith.index_cast %parallel_loop3A_460 : i32 to index
        %parallel_loop3A_567 = arith.constant 560 : index
        %parallel_loop3A_568 = tpu.vector_load %arg8[%parallel_loop3A_566, %parallel_loop3A_567] {strides = array<i32>} : memref<20x768xf32, #tpu.memory_space<vmem>>, vector<16xf32>,
        %parallel_loop3A_569 = arith.index_cast %parallel_loop3A_460 : i32 to index
        %parallel_loop3A_570 = arith.constant 576 : index
        %parallel_loop3A_571 = tpu.vector_load %arg8[%parallel_loop3A_569, %parallel_loop3A_570] {strides = array<i32>} : memref<20x768xf32, #tpu.memory_space<vmem>>, vector<16xf32>,
        %parallel_loop3A_572 = arith.index_cast %parallel_loop3A_460 : i32 to index
        %parallel_loop3A_573 = arith.constant 592 : index
        %parallel_loop3A_574 = tpu.vector_load %arg8[%parallel_loop3A_572, %parallel_loop3A_573] {strides = array<i32>} : memref<20x768xf32, #tpu.memory_space<vmem>>, vector<16xf32>,
        %parallel_loop3A_575 = arith.index_cast %parallel_loop3A_460 : i32 to index
        %parallel_loop3A_576 = arith.constant 608 : index
        %parallel_loop3A_577 = tpu.vector_load %arg8[%parallel_loop3A_575, %parallel_loop3A_576] {strides = array<i32>} : memref<20x768xf32, #tpu.memory_space<vmem>>, vector<16xf32>,
        %parallel_loop3A_578 = arith.index_cast %parallel_loop3A_460 : i32 to index
        %parallel_loop3A_579 = arith.constant 624 : index
        %parallel_loop3A_580 = tpu.vector_load %arg8[%parallel_loop3A_578, %parallel_loop3A_579] {strides = array<i32>} : memref<20x768xf32, #tpu.memory_space<vmem>>, vector<16xf32>,
        %parallel_loop3A_581 = arith.index_cast %parallel_loop3A_460 : i32 to index
        %parallel_loop3A_582 = arith.constant 640 : index
        %parallel_loop3A_583 = tpu.vector_load %arg8[%parallel_loop3A_581, %parallel_loop3A_582] {strides = array<i32>} : memref<20x768xf32, #tpu.memory_space<vmem>>, vector<16xf32>,
        %parallel_loop3A_584 = arith.index_cast %parallel_loop3A_460 : i32 to index
        %parallel_loop3A_585 = arith.constant 656 : index
        %parallel_loop3A_586 = tpu.vector_load %arg8[%parallel_loop3A_584, %parallel_loop3A_585] {strides = array<i32>} : memref<20x768xf32, #tpu.memory_space<vmem>>, vector<16xf32>,
        %parallel_loop3A_587 = arith.index_cast %parallel_loop3A_460 : i32 to index
        %parallel_loop3A_588 = arith.constant 672 : index
        %parallel_loop3A_589 = tpu.vector_load %arg8[%parallel_loop3A_587, %parallel_loop3A_588] {strides = array<i32>} : memref<20x768xf32, #tpu.memory_space<vmem>>, vector<16xf32>,
        %parallel_loop3A_590 = arith.index_cast %parallel_loop3A_460 : i32 to index
        %parallel_loop3A_591 = arith.constant 688 : index
        %parallel_loop3A_592 = tpu.vector_load %arg8[%parallel_loop3A_590, %parallel_loop3A_591] {strides = array<i32>} : memref<20x768xf32, #tpu.memory_space<vmem>>, vector<16xf32>,
        %parallel_loop3A_593 = arith.index_cast %parallel_loop3A_460 : i32 to index
        %parallel_loop3A_594 = arith.constant 704 : index
        %parallel_loop3A_595 = tpu.vector_load %arg8[%parallel_loop3A_593, %parallel_loop3A_594] {strides = array<i32>} : memref<20x768xf32, #tpu.memory_space<vmem>>, vector<16xf32>,
        %parallel_loop3A_596 = arith.index_cast %parallel_loop3A_460 : i32 to index
        %parallel_loop3A_597 = arith.constant 720 : index
        %parallel_loop3A_598 = tpu.vector_load %arg8[%parallel_loop3A_596, %parallel_loop3A_597] {strides = array<i32>} : memref<20x768xf32, #tpu.memory_space<vmem>>, vector<16xf32>,
        %parallel_loop3A_599 = arith.index_cast %parallel_loop3A_460 : i32 to index
        %parallel_loop3A_600 = arith.constant 736 : index
        %parallel_loop3A_601 = tpu.vector_load %arg8[%parallel_loop3A_599, %parallel_loop3A_600] {strides = array<i32>} : memref<20x768xf32, #tpu.memory_space<vmem>>, vector<16xf32>,
        %parallel_loop3A_602 = arith.index_cast %parallel_loop3A_460 : i32 to index
        %parallel_loop3A_603 = arith.constant 752 : index
        %parallel_loop3A_604 = tpu.vector_load %arg8[%parallel_loop3A_602, %parallel_loop3A_603] {strides = array<i32>} : memref<20x768xf32, #tpu.memory_space<vmem>>, vector<16xf32>,
        %parallel_loop3A_605 = arith.constant 2 : i32
        %parallel_loop3A_606 = arith.index_cast %parallel_loop3A_605 : i32 to index
        %parallel_loop3A_607 = arith.index_cast %parallel_loop3A_444 : i32 to index
        %parallel_loop3A_608 = arith.constant 0 : index
        %parallel_loop3A_609 = tpu.vector_load %arg9[%parallel_loop3A_606, %parallel_loop3A_607, %parallel_loop3A_608] {strides = array<i32>} : memref<4x32x768xf32, #tpu.memory_space<vmem>>, vector<16xf32>,
        tpu.vector_store %arg9[%parallel_loop3A_606, %parallel_loop3A_607, %parallel_loop3A_608], %parallel_loop3A_463 {add = true, strides = array<i32>} : memref<4x32x768xf32, #tpu.memory_space<vmem>>, vector<16xf32>,
        %parallel_loop3A_610 = arith.constant 2 : i32
        %parallel_loop3A_611 = arith.index_cast %parallel_loop3A_610 : i32 to index
        %parallel_loop3A_612 = arith.index_cast %parallel_loop3A_444 : i32 to index
        %parallel_loop3A_613 = arith.constant 16 : index
        %parallel_loop3A_614 = tpu.vector_load %arg9[%parallel_loop3A_611, %parallel_loop3A_612, %parallel_loop3A_613] {strides = array<i32>} : memref<4x32x768xf32, #tpu.memory_space<vmem>>, vector<16xf32>,
        tpu.vector_store %arg9[%parallel_loop3A_611, %parallel_loop3A_612, %parallel_loop3A_613], %parallel_loop3A_466 {add = true, strides = array<i32>} : memref<4x32x768xf32, #tpu.memory_space<vmem>>, vector<16xf32>,
        %parallel_loop3A_615 = arith.constant 2 : i32
        %parallel_loop3A_616 = arith.index_cast %parallel_loop3A_615 : i32 to index
        %parallel_loop3A_617 = arith.index_cast %parallel_loop3A_444 : i32 to index
        %parallel_loop3A_618 = arith.constant 32 : index
        %parallel_loop3A_619 = tpu.vector_load %arg9[%parallel_loop3A_616, %parallel_loop3A_617, %parallel_loop3A_618] {strides = array<i32>} : memref<4x32x768xf32, #tpu.memory_space<vmem>>, vector<16xf32>,
        tpu.vector_store %arg9[%parallel_loop3A_616, %parallel_loop3A_617, %parallel_loop3A_618], %parallel_loop3A_469 {add = true, strides = array<i32>} : memref<4x32x768xf32, #tpu.memory_space<vmem>>, vector<16xf32>,
        %parallel_loop3A_620 = arith.constant 2 : i32
        %parallel_loop3A_621 = arith.index_cast %parallel_loop3A_620 : i32 to index
        %parallel_loop3A_622 = arith.index_cast %parallel_loop3A_444 : i32 to index
        %parallel_loop3A_623 = arith.constant 48 : index
        %parallel_loop3A_624 = tpu.vector_load %arg9[%parallel_loop3A_621, %parallel_loop3A_622, %parallel_loop3A_623] {strides = array<i32>} : memref<4x32x768xf32, #tpu.memory_space<vmem>>, vector<16xf32>,
        tpu.vector_store %arg9[%parallel_loop3A_621, %parallel_loop3A_622, %parallel_loop3A_623], %parallel_loop3A_472 {add = true, strides = array<i32>} : memref<4x32x768xf32, #tpu.memory_space<vmem>>, vector<16xf32>,
        %parallel_loop3A_625 = arith.constant 2 : i32
        %parallel_loop3A_626 = arith.index_cast %parallel_loop3A_625 : i32 to index
        %parallel_loop3A_627 = arith.index_cast %parallel_loop3A_444 : i32 to index
        %parallel_loop3A_628 = arith.constant 64 : index
        %parallel_loop3A_629 = tpu.vector_load %arg9[%parallel_loop3A_626, %parallel_loop3A_627, %parallel_loop3A_628] {strides = array<i32>} : memref<4x32x768xf32, #tpu.memory_space<vmem>>, vector<16xf32>,
        tpu.vector_store %arg9[%parallel_loop3A_626, %parallel_loop3A_627, %parallel_loop3A_628], %parallel_loop3A_475 {add = true, strides = array<i32>} : memref<4x32x768xf32, #tpu.memory_space<vmem>>, vector<16xf32>,
        %parallel_loop3A_630 = arith.constant 2 : i32
        %parallel_loop3A_631 = arith.index_cast %parallel_loop3A_630 : i32 to index
        %parallel_loop3A_632 = arith.index_cast %parallel_loop3A_444 : i32 to index
        %parallel_loop3A_633 = arith.constant 80 : index
        %parallel_loop3A_634 = tpu.vector_load %arg9[%parallel_loop3A_631, %parallel_loop3A_632, %parallel_loop3A_633] {strides = array<i32>} : memref<4x32x768xf32, #tpu.memory_space<vmem>>, vector<16xf32>,
        tpu.vector_store %arg9[%parallel_loop3A_631, %parallel_loop3A_632, %parallel_loop3A_633], %parallel_loop3A_478 {add = true, strides = array<i32>} : memref<4x32x768xf32, #tpu.memory_space<vmem>>, vector<16xf32>,
        %parallel_loop3A_635 = arith.constant 2 : i32
        %parallel_loop3A_636 = arith.index_cast %parallel_loop3A_635 : i32 to index
        %parallel_loop3A_637 = arith.index_cast %parallel_loop3A_444 : i32 to index
        %parallel_loop3A_638 = arith.constant 96 : index
        %parallel_loop3A_639 = tpu.vector_load %arg9[%parallel_loop3A_636, %parallel_loop3A_637, %parallel_loop3A_638] {strides = array<i32>} : memref<4x32x768xf32, #tpu.memory_space<vmem>>, vector<16xf32>,
        tpu.vector_store %arg9[%parallel_loop3A_636, %parallel_loop3A_637, %parallel_loop3A_638], %parallel_loop3A_481 {add = true, strides = array<i32>} : memref<4x32x768xf32, #tpu.memory_space<vmem>>, vector<16xf32>,
        %parallel_loop3A_640 = arith.constant 2 : i32
        %parallel_loop3A_641 = arith.index_cast %parallel_loop3A_640 : i32 to index
        %parallel_loop3A_642 = arith.index_cast %parallel_loop3A_444 : i32 to index
        %parallel_loop3A_643 = arith.constant 112 : index
        %parallel_loop3A_644 = tpu.vector_load %arg9[%parallel_loop3A_641, %parallel_loop3A_642, %parallel_loop3A_643] {strides = array<i32>} : memref<4x32x768xf32, #tpu.memory_space<vmem>>, vector<16xf32>,
        tpu.vector_store %arg9[%parallel_loop3A_641, %parallel_loop3A_642, %parallel_loop3A_643], %parallel_loop3A_484 {add = true, strides = array<i32>} : memref<4x32x768xf32, #tpu.memory_space<vmem>>, vector<16xf32>,
        %parallel_loop3A_645 = arith.constant 2 : i32
        %parallel_loop3A_646 = arith.index_cast %parallel_loop3A_645 : i32 to index
        %parallel_loop3A_647 = arith.index_cast %parallel_loop3A_444 : i32 to index
        %parallel_loop3A_648 = arith.constant 128 : index
        %parallel_loop3A_649 = tpu.vector_load %arg9[%parallel_loop3A_646, %parallel_loop3A_647, %parallel_loop3A_648] {strides = array<i32>} : memref<4x32x768xf32, #tpu.memory_space<vmem>>, vector<16xf32>,
        tpu.vector_store %arg9[%parallel_loop3A_646, %parallel_loop3A_647, %parallel_loop3A_648], %parallel_loop3A_487 {add = true, strides = array<i32>} : memref<4x32x768xf32, #tpu.memory_space<vmem>>, vector<16xf32>,
        %parallel_loop3A_650 = arith.constant 2 : i32
        %parallel_loop3A_651 = arith.index_cast %parallel_loop3A_650 : i32 to index
        %parallel_loop3A_652 = arith.index_cast %parallel_loop3A_444 : i32 to index
        %parallel_loop3A_653 = arith.constant 144 : index
        %parallel_loop3A_654 = tpu.vector_load %arg9[%parallel_loop3A_651, %parallel_loop3A_652, %parallel_loop3A_653] {strides = array<i32>} : memref<4x32x768xf32, #tpu.memory_space<vmem>>, vector<16xf32>,
        tpu.vector_store %arg9[%parallel_loop3A_651, %parallel_loop3A_652, %parallel_loop3A_653], %parallel_loop3A_490 {add = true, strides = array<i32>} : memref<4x32x768xf32, #tpu.memory_space<vmem>>, vector<16xf32>,
        %parallel_loop3A_655 = arith.constant 2 : i32
        %parallel_loop3A_656 = arith.index_cast %parallel_loop3A_655 : i32 to index
        %parallel_loop3A_657 = arith.index_cast %parallel_loop3A_444 : i32 to index
        %parallel_loop3A_658 = arith.constant 160 : index
        %parallel_loop3A_659 = tpu.vector_load %arg9[%parallel_loop3A_656, %parallel_loop3A_657, %parallel_loop3A_658] {strides = array<i32>} : memref<4x32x768xf32, #tpu.memory_space<vmem>>, vector<16xf32>,
        tpu.vector_store %arg9[%parallel_loop3A_656, %parallel_loop3A_657, %parallel_loop3A_658], %parallel_loop3A_493 {add = true, strides = array<i32>} : memref<4x32x768xf32, #tpu.memory_space<vmem>>, vector<16xf32>,
        %parallel_loop3A_660 = arith.constant 2 : i32
        %parallel_loop3A_661 = arith.index_cast %parallel_loop3A_660 : i32 to index
        %parallel_loop3A_662 = arith.index_cast %parallel_loop3A_444 : i32 to index
        %parallel_loop3A_663 = arith.constant 176 : index
        %parallel_loop3A_664 = tpu.vector_load %arg9[%parallel_loop3A_661, %parallel_loop3A_662, %parallel_loop3A_663] {strides = array<i32>} : memref<4x32x768xf32, #tpu.memory_space<vmem>>, vector<16xf32>,
        tpu.vector_store %arg9[%parallel_loop3A_661, %parallel_loop3A_662, %parallel_loop3A_663], %parallel_loop3A_496 {add = true, strides = array<i32>} : memref<4x32x768xf32, #tpu.memory_space<vmem>>, vector<16xf32>,
        %parallel_loop3A_665 = arith.constant 2 : i32
        %parallel_loop3A_666 = arith.index_cast %parallel_loop3A_665 : i32 to index
        %parallel_loop3A_667 = arith.index_cast %parallel_loop3A_444 : i32 to index
        %parallel_loop3A_668 = arith.constant 192 : index
        %parallel_loop3A_669 = tpu.vector_load %arg9[%parallel_loop3A_666, %parallel_loop3A_667, %parallel_loop3A_668] {strides = array<i32>} : memref<4x32x768xf32, #tpu.memory_space<vmem>>, vector<16xf32>,
        tpu.vector_store %arg9[%parallel_loop3A_666, %parallel_loop3A_667, %parallel_loop3A_668], %parallel_loop3A_499 {add = true, strides = array<i32>} : memref<4x32x768xf32, #tpu.memory_space<vmem>>, vector<16xf32>,
        %parallel_loop3A_670 = arith.constant 2 : i32
        %parallel_loop3A_671 = arith.index_cast %parallel_loop3A_670 : i32 to index
        %parallel_loop3A_672 = arith.index_cast %parallel_loop3A_444 : i32 to index
        %parallel_loop3A_673 = arith.constant 208 : index
        %parallel_loop3A_674 = tpu.vector_load %arg9[%parallel_loop3A_671, %parallel_loop3A_672, %parallel_loop3A_673] {strides = array<i32>} : memref<4x32x768xf32, #tpu.memory_space<vmem>>, vector<16xf32>,
        tpu.vector_store %arg9[%parallel_loop3A_671, %parallel_loop3A_672, %parallel_loop3A_673], %parallel_loop3A_502 {add = true, strides = array<i32>} : memref<4x32x768xf32, #tpu.memory_space<vmem>>, vector<16xf32>,
        %parallel_loop3A_675 = arith.constant 2 : i32
        %parallel_loop3A_676 = arith.index_cast %parallel_loop3A_675 : i32 to index
        %parallel_loop3A_677 = arith.index_cast %parallel_loop3A_444 : i32 to index
        %parallel_loop3A_678 = arith.constant 224 : index
        %parallel_loop3A_679 = tpu.vector_load %arg9[%parallel_loop3A_676, %parallel_loop3A_677, %parallel_loop3A_678] {strides = array<i32>} : memref<4x32x768xf32, #tpu.memory_space<vmem>>, vector<16xf32>,
        tpu.vector_store %arg9[%parallel_loop3A_676, %parallel_loop3A_677, %parallel_loop3A_678], %parallel_loop3A_505 {add = true, strides = array<i32>} : memref<4x32x768xf32, #tpu.memory_space<vmem>>, vector<16xf32>,
        %parallel_loop3A_680 = arith.constant 2 : i32
        %parallel_loop3A_681 = arith.index_cast %parallel_loop3A_680 : i32 to index
        %parallel_loop3A_682 = arith.index_cast %parallel_loop3A_444 : i32 to index
        %parallel_loop3A_683 = arith.constant 240 : index
        %parallel_loop3A_684 = tpu.vector_load %arg9[%parallel_loop3A_681, %parallel_loop3A_682, %parallel_loop3A_683] {strides = array<i32>} : memref<4x32x768xf32, #tpu.memory_space<vmem>>, vector<16xf32>,
        tpu.vector_store %arg9[%parallel_loop3A_681, %parallel_loop3A_682, %parallel_loop3A_683], %parallel_loop3A_508 {add = true, strides = array<i32>} : memref<4x32x768xf32, #tpu.memory_space<vmem>>, vector<16xf32>,
        %parallel_loop3A_685 = arith.constant 2 : i32
        %parallel_loop3A_686 = arith.index_cast %parallel_loop3A_685 : i32 to index
        %parallel_loop3A_687 = arith.index_cast %parallel_loop3A_444 : i32 to index
        %parallel_loop3A_688 = arith.constant 256 : index
        %parallel_loop3A_689 = tpu.vector_load %arg9[%parallel_loop3A_686, %parallel_loop3A_687, %parallel_loop3A_688] {strides = array<i32>} : memref<4x32x768xf32, #tpu.memory_space<vmem>>, vector<16xf32>,
        tpu.vector_store %arg9[%parallel_loop3A_686, %parallel_loop3A_687, %parallel_loop3A_688], %parallel_loop3A_511 {add = true, strides = array<i32>} : memref<4x32x768xf32, #tpu.memory_space<vmem>>, vector<16xf32>,
        %parallel_loop3A_690 = arith.constant 2 : i32
        %parallel_loop3A_691 = arith.index_cast %parallel_loop3A_690 : i32 to index
        %parallel_loop3A_692 = arith.index_cast %parallel_loop3A_444 : i32 to index
        %parallel_loop3A_693 = arith.constant 272 : index
        %parallel_loop3A_694 = tpu.vector_load %arg9[%parallel_loop3A_691, %parallel_loop3A_692, %parallel_loop3A_693] {strides = array<i32>} : memref<4x32x768xf32, #tpu.memory_space<vmem>>, vector<16xf32>,
        tpu.vector_store %arg9[%parallel_loop3A_691, %parallel_loop3A_692, %parallel_loop3A_693], %parallel_loop3A_514 {add = true, strides = array<i32>} : memref<4x32x768xf32, #tpu.memory_space<vmem>>, vector<16xf32>,
        %parallel_loop3A_695 = arith.constant 2 : i32
        %parallel_loop3A_696 = arith.index_cast %parallel_loop3A_695 : i32 to index
        %parallel_loop3A_697 = arith.index_cast %parallel_loop3A_444 : i32 to index
        %parallel_loop3A_698 = arith.constant 288 : index
        %parallel_loop3A_699 = tpu.vector_load %arg9[%parallel_loop3A_696, %parallel_loop3A_697, %parallel_loop3A_698] {strides = array<i32>} : memref<4x32x768xf32, #tpu.memory_space<vmem>>, vector<16xf32>,
        tpu.vector_store %arg9[%parallel_loop3A_696, %parallel_loop3A_697, %parallel_loop3A_698], %parallel_loop3A_517 {add = true, strides = array<i32>} : memref<4x32x768xf32, #tpu.memory_space<vmem>>, vector<16xf32>,
        %parallel_loop3A_700 = arith.constant 2 : i32
        %parallel_loop3A_701 = arith.index_cast %parallel_loop3A_700 : i32 to index
        %parallel_loop3A_702 = arith.index_cast %parallel_loop3A_444 : i32 to index
        %parallel_loop3A_703 = arith.constant 304 : index
        %parallel_loop3A_704 = tpu.vector_load %arg9[%parallel_loop3A_701, %parallel_loop3A_702, %parallel_loop3A_703] {strides = array<i32>} : memref<4x32x768xf32, #tpu.memory_space<vmem>>, vector<16xf32>,
        tpu.vector_store %arg9[%parallel_loop3A_701, %parallel_loop3A_702, %parallel_loop3A_703], %parallel_loop3A_520 {add = true, strides = array<i32>} : memref<4x32x768xf32, #tpu.memory_space<vmem>>, vector<16xf32>,
        %parallel_loop3A_705 = arith.constant 2 : i32
        %parallel_loop3A_706 = arith.index_cast %parallel_loop3A_705 : i32 to index
        %parallel_loop3A_707 = arith.index_cast %parallel_loop3A_444 : i32 to index
        %parallel_loop3A_708 = arith.constant 320 : index
        %parallel_loop3A_709 = tpu.vector_load %arg9[%parallel_loop3A_706, %parallel_loop3A_707, %parallel_loop3A_708] {strides = array<i32>} : memref<4x32x768xf32, #tpu.memory_space<vmem>>, vector<16xf32>,
        tpu.vector_store %arg9[%parallel_loop3A_706, %parallel_loop3A_707, %parallel_loop3A_708], %parallel_loop3A_523 {add = true, strides = array<i32>} : memref<4x32x768xf32, #tpu.memory_space<vmem>>, vector<16xf32>,
        %parallel_loop3A_710 = arith.constant 2 : i32
        %parallel_loop3A_711 = arith.index_cast %parallel_loop3A_710 : i32 to index
        %parallel_loop3A_712 = arith.index_cast %parallel_loop3A_444 : i32 to index
        %parallel_loop3A_713 = arith.constant 336 : index
        %parallel_loop3A_714 = tpu.vector_load %arg9[%parallel_loop3A_711, %parallel_loop3A_712, %parallel_loop3A_713] {strides = array<i32>} : memref<4x32x768xf32, #tpu.memory_space<vmem>>, vector<16xf32>,
        tpu.vector_store %arg9[%parallel_loop3A_711, %parallel_loop3A_712, %parallel_loop3A_713], %parallel_loop3A_526 {add = true, strides = array<i32>} : memref<4x32x768xf32, #tpu.memory_space<vmem>>, vector<16xf32>,
        %parallel_loop3A_715 = arith.constant 2 : i32
        %parallel_loop3A_716 = arith.index_cast %parallel_loop3A_715 : i32 to index
        %parallel_loop3A_717 = arith.index_cast %parallel_loop3A_444 : i32 to index
        %parallel_loop3A_718 = arith.constant 352 : index
        %parallel_loop3A_719 = tpu.vector_load %arg9[%parallel_loop3A_716, %parallel_loop3A_717, %parallel_loop3A_718] {strides = array<i32>} : memref<4x32x768xf32, #tpu.memory_space<vmem>>, vector<16xf32>,
        tpu.vector_store %arg9[%parallel_loop3A_716, %parallel_loop3A_717, %parallel_loop3A_718], %parallel_loop3A_529 {add = true, strides = array<i32>} : memref<4x32x768xf32, #tpu.memory_space<vmem>>, vector<16xf32>,
        %parallel_loop3A_720 = arith.constant 2 : i32
        %parallel_loop3A_721 = arith.index_cast %parallel_loop3A_720 : i32 to index
        %parallel_loop3A_722 = arith.index_cast %parallel_loop3A_444 : i32 to index
        %parallel_loop3A_723 = arith.constant 368 : index
        %parallel_loop3A_724 = tpu.vector_load %arg9[%parallel_loop3A_721, %parallel_loop3A_722, %parallel_loop3A_723] {strides = array<i32>} : memref<4x32x768xf32, #tpu.memory_space<vmem>>, vector<16xf32>,
        tpu.vector_store %arg9[%parallel_loop3A_721, %parallel_loop3A_722, %parallel_loop3A_723], %parallel_loop3A_532 {add = true, strides = array<i32>} : memref<4x32x768xf32, #tpu.memory_space<vmem>>, vector<16xf32>,
        %parallel_loop3A_725 = arith.constant 2 : i32
        %parallel_loop3A_726 = arith.index_cast %parallel_loop3A_725 : i32 to index
        %parallel_loop3A_727 = arith.index_cast %parallel_loop3A_444 : i32 to index
        %parallel_loop3A_728 = arith.constant 384 : index
        %parallel_loop3A_729 = tpu.vector_load %arg9[%parallel_loop3A_726, %parallel_loop3A_727, %parallel_loop3A_728] {strides = array<i32>} : memref<4x32x768xf32, #tpu.memory_space<vmem>>, vector<16xf32>,
        tpu.vector_store %arg9[%parallel_loop3A_726, %parallel_loop3A_727, %parallel_loop3A_728], %parallel_loop3A_535 {add = true, strides = array<i32>} : memref<4x32x768xf32, #tpu.memory_space<vmem>>, vector<16xf32>,
        %parallel_loop3A_730 = arith.constant 2 : i32
        %parallel_loop3A_731 = arith.index_cast %parallel_loop3A_730 : i32 to index
        %parallel_loop3A_732 = arith.index_cast %parallel_loop3A_444 : i32 to index
        %parallel_loop3A_733 = arith.constant 400 : index
        %parallel_loop3A_734 = tpu.vector_load %arg9[%parallel_loop3A_731, %parallel_loop3A_732, %parallel_loop3A_733] {strides = array<i32>} : memref<4x32x768xf32, #tpu.memory_space<vmem>>, vector<16xf32>,
        tpu.vector_store %arg9[%parallel_loop3A_731, %parallel_loop3A_732, %parallel_loop3A_733], %parallel_loop3A_538 {add = true, strides = array<i32>} : memref<4x32x768xf32, #tpu.memory_space<vmem>>, vector<16xf32>,
        %parallel_loop3A_735 = arith.constant 2 : i32
        %parallel_loop3A_736 = arith.index_cast %parallel_loop3A_735 : i32 to index
        %parallel_loop3A_737 = arith.index_cast %parallel_loop3A_444 : i32 to index
        %parallel_loop3A_738 = arith.constant 416 : index
        %parallel_loop3A_739 = tpu.vector_load %arg9[%parallel_loop3A_736, %parallel_loop3A_737, %parallel_loop3A_738] {strides = array<i32>} : memref<4x32x768xf32, #tpu.memory_space<vmem>>, vector<16xf32>,
        tpu.vector_store %arg9[%parallel_loop3A_736, %parallel_loop3A_737, %parallel_loop3A_738], %parallel_loop3A_541 {add = true, strides = array<i32>} : memref<4x32x768xf32, #tpu.memory_space<vmem>>, vector<16xf32>,
        %parallel_loop3A_740 = arith.constant 2 : i32
        %parallel_loop3A_741 = arith.index_cast %parallel_loop3A_740 : i32 to index
        %parallel_loop3A_742 = arith.index_cast %parallel_loop3A_444 : i32 to index
        %parallel_loop3A_743 = arith.constant 432 : index
        %parallel_loop3A_744 = tpu.vector_load %arg9[%parallel_loop3A_741, %parallel_loop3A_742, %parallel_loop3A_743] {strides = array<i32>} : memref<4x32x768xf32, #tpu.memory_space<vmem>>, vector<16xf32>,
        tpu.vector_store %arg9[%parallel_loop3A_741, %parallel_loop3A_742, %parallel_loop3A_743], %parallel_loop3A_544 {add = true, strides = array<i32>} : memref<4x32x768xf32, #tpu.memory_space<vmem>>, vector<16xf32>,
        %parallel_loop3A_745 = arith.constant 2 : i32
        %parallel_loop3A_746 = arith.index_cast %parallel_loop3A_745 : i32 to index
        %parallel_loop3A_747 = arith.index_cast %parallel_loop3A_444 : i32 to index
        %parallel_loop3A_748 = arith.constant 448 : index
        %parallel_loop3A_749 = tpu.vector_load %arg9[%parallel_loop3A_746, %parallel_loop3A_747, %parallel_loop3A_748] {strides = array<i32>} : memref<4x32x768xf32, #tpu.memory_space<vmem>>, vector<16xf32>,
        tpu.vector_store %arg9[%parallel_loop3A_746, %parallel_loop3A_747, %parallel_loop3A_748], %parallel_loop3A_547 {add = true, strides = array<i32>} : memref<4x32x768xf32, #tpu.memory_space<vmem>>, vector<16xf32>,
        %parallel_loop3A_750 = arith.constant 2 : i32
        %parallel_loop3A_751 = arith.index_cast %parallel_loop3A_750 : i32 to index
        %parallel_loop3A_752 = arith.index_cast %parallel_loop3A_444 : i32 to index
        %parallel_loop3A_753 = arith.constant 464 : index
        %parallel_loop3A_754 = tpu.vector_load %arg9[%parallel_loop3A_751, %parallel_loop3A_752, %parallel_loop3A_753] {strides = array<i32>} : memref<4x32x768xf32, #tpu.memory_space<vmem>>, vector<16xf32>,
        tpu.vector_store %arg9[%parallel_loop3A_751, %parallel_loop3A_752, %parallel_loop3A_753], %parallel_loop3A_550 {add = true, strides = array<i32>} : memref<4x32x768xf32, #tpu.memory_space<vmem>>, vector<16xf32>,
        %parallel_loop3A_755 = arith.constant 2 : i32
        %parallel_loop3A_756 = arith.index_cast %parallel_loop3A_755 : i32 to index
        %parallel_loop3A_757 = arith.index_cast %parallel_loop3A_444 : i32 to index
        %parallel_loop3A_758 = arith.constant 480 : index
        %parallel_loop3A_759 = tpu.vector_load %arg9[%parallel_loop3A_756, %parallel_loop3A_757, %parallel_loop3A_758] {strides = array<i32>} : memref<4x32x768xf32, #tpu.memory_space<vmem>>, vector<16xf32>,
        tpu.vector_store %arg9[%parallel_loop3A_756, %parallel_loop3A_757, %parallel_loop3A_758], %parallel_loop3A_553 {add = true, strides = array<i32>} : memref<4x32x768xf32, #tpu.memory_space<vmem>>, vector<16xf32>,
        %parallel_loop3A_760 = arith.constant 2 : i32
        %parallel_loop3A_761 = arith.index_cast %parallel_loop3A_760 : i32 to index
        %parallel_loop3A_762 = arith.index_cast %parallel_loop3A_444 : i32 to index
        %parallel_loop3A_763 = arith.constant 496 : index
        %parallel_loop3A_764 = tpu.vector_load %arg9[%parallel_loop3A_761, %parallel_loop3A_762, %parallel_loop3A_763] {strides = array<i32>} : memref<4x32x768xf32, #tpu.memory_space<vmem>>, vector<16xf32>,
        tpu.vector_store %arg9[%parallel_loop3A_761, %parallel_loop3A_762, %parallel_loop3A_763], %parallel_loop3A_556 {add = true, strides = array<i32>} : memref<4x32x768xf32, #tpu.memory_space<vmem>>, vector<16xf32>,
        %parallel_loop3A_765 = arith.constant 2 : i32
        %parallel_loop3A_766 = arith.index_cast %parallel_loop3A_765 : i32 to index
        %parallel_loop3A_767 = arith.index_cast %parallel_loop3A_444 : i32 to index
        %parallel_loop3A_768 = arith.constant 512 : index
        %parallel_loop3A_769 = tpu.vector_load %arg9[%parallel_loop3A_766, %parallel_loop3A_767, %parallel_loop3A_768] {strides = array<i32>} : memref<4x32x768xf32, #tpu.memory_space<vmem>>, vector<16xf32>,
        tpu.vector_store %arg9[%parallel_loop3A_766, %parallel_loop3A_767, %parallel_loop3A_768], %parallel_loop3A_559 {add = true, strides = array<i32>} : memref<4x32x768xf32, #tpu.memory_space<vmem>>, vector<16xf32>,
        %parallel_loop3A_770 = arith.constant 2 : i32
        %parallel_loop3A_771 = arith.index_cast %parallel_loop3A_770 : i32 to index
        %parallel_loop3A_772 = arith.index_cast %parallel_loop3A_444 : i32 to index
        %parallel_loop3A_773 = arith.constant 528 : index
        %parallel_loop3A_774 = tpu.vector_load %arg9[%parallel_loop3A_771, %parallel_loop3A_772, %parallel_loop3A_773] {strides = array<i32>} : memref<4x32x768xf32, #tpu.memory_space<vmem>>, vector<16xf32>,
        tpu.vector_store %arg9[%parallel_loop3A_771, %parallel_loop3A_772, %parallel_loop3A_773], %parallel_loop3A_562 {add = true, strides = array<i32>} : memref<4x32x768xf32, #tpu.memory_space<vmem>>, vector<16xf32>,
        %parallel_loop3A_775 = arith.constant 2 : i32
        %parallel_loop3A_776 = arith.index_cast %parallel_loop3A_775 : i32 to index
        %parallel_loop3A_777 = arith.index_cast %parallel_loop3A_444 : i32 to index
        %parallel_loop3A_778 = arith.constant 544 : index
        %parallel_loop3A_779 = tpu.vector_load %arg9[%parallel_loop3A_776, %parallel_loop3A_777, %parallel_loop3A_778] {strides = array<i32>} : memref<4x32x768xf32, #tpu.memory_space<vmem>>, vector<16xf32>,
        tpu.vector_store %arg9[%parallel_loop3A_776, %parallel_loop3A_777, %parallel_loop3A_778], %parallel_loop3A_565 {add = true, strides = array<i32>} : memref<4x32x768xf32, #tpu.memory_space<vmem>>, vector<16xf32>,
        %parallel_loop3A_780 = arith.constant 2 : i32
        %parallel_loop3A_781 = arith.index_cast %parallel_loop3A_780 : i32 to index
        %parallel_loop3A_782 = arith.index_cast %parallel_loop3A_444 : i32 to index
        %parallel_loop3A_783 = arith.constant 560 : index
        %parallel_loop3A_784 = tpu.vector_load %arg9[%parallel_loop3A_781, %parallel_loop3A_782, %parallel_loop3A_783] {strides = array<i32>} : memref<4x32x768xf32, #tpu.memory_space<vmem>>, vector<16xf32>,
        tpu.vector_store %arg9[%parallel_loop3A_781, %parallel_loop3A_782, %parallel_loop3A_783], %parallel_loop3A_568 {add = true, strides = array<i32>} : memref<4x32x768xf32, #tpu.memory_space<vmem>>, vector<16xf32>,
        %parallel_loop3A_785 = arith.constant 2 : i32
        %parallel_loop3A_786 = arith.index_cast %parallel_loop3A_785 : i32 to index
        %parallel_loop3A_787 = arith.index_cast %parallel_loop3A_444 : i32 to index
        %parallel_loop3A_788 = arith.constant 576 : index
        %parallel_loop3A_789 = tpu.vector_load %arg9[%parallel_loop3A_786, %parallel_loop3A_787, %parallel_loop3A_788] {strides = array<i32>} : memref<4x32x768xf32, #tpu.memory_space<vmem>>, vector<16xf32>,
        tpu.vector_store %arg9[%parallel_loop3A_786, %parallel_loop3A_787, %parallel_loop3A_788], %parallel_loop3A_571 {add = true, strides = array<i32>} : memref<4x32x768xf32, #tpu.memory_space<vmem>>, vector<16xf32>,
        %parallel_loop3A_790 = arith.constant 2 : i32
        %parallel_loop3A_791 = arith.index_cast %parallel_loop3A_790 : i32 to index
        %parallel_loop3A_792 = arith.index_cast %parallel_loop3A_444 : i32 to index
        %parallel_loop3A_793 = arith.constant 592 : index
        %parallel_loop3A_794 = tpu.vector_load %arg9[%parallel_loop3A_791, %parallel_loop3A_792, %parallel_loop3A_793] {strides = array<i32>} : memref<4x32x768xf32, #tpu.memory_space<vmem>>, vector<16xf32>,
        tpu.vector_store %arg9[%parallel_loop3A_791, %parallel_loop3A_792, %parallel_loop3A_793], %parallel_loop3A_574 {add = true, strides = array<i32>} : memref<4x32x768xf32, #tpu.memory_space<vmem>>, vector<16xf32>,
        %parallel_loop3A_795 = arith.constant 2 : i32
        %parallel_loop3A_796 = arith.index_cast %parallel_loop3A_795 : i32 to index
        %parallel_loop3A_797 = arith.index_cast %parallel_loop3A_444 : i32 to index
        %parallel_loop3A_798 = arith.constant 608 : index
        %parallel_loop3A_799 = tpu.vector_load %arg9[%parallel_loop3A_796, %parallel_loop3A_797, %parallel_loop3A_798] {strides = array<i32>} : memref<4x32x768xf32, #tpu.memory_space<vmem>>, vector<16xf32>,
        tpu.vector_store %arg9[%parallel_loop3A_796, %parallel_loop3A_797, %parallel_loop3A_798], %parallel_loop3A_577 {add = true, strides = array<i32>} : memref<4x32x768xf32, #tpu.memory_space<vmem>>, vector<16xf32>,
        %parallel_loop3A_800 = arith.constant 2 : i32
        %parallel_loop3A_801 = arith.index_cast %parallel_loop3A_800 : i32 to index
        %parallel_loop3A_802 = arith.index_cast %parallel_loop3A_444 : i32 to index
        %parallel_loop3A_803 = arith.constant 624 : index
        %parallel_loop3A_804 = tpu.vector_load %arg9[%parallel_loop3A_801, %parallel_loop3A_802, %parallel_loop3A_803] {strides = array<i32>} : memref<4x32x768xf32, #tpu.memory_space<vmem>>, vector<16xf32>,
        tpu.vector_store %arg9[%parallel_loop3A_801, %parallel_loop3A_802, %parallel_loop3A_803], %parallel_loop3A_580 {add = true, strides = array<i32>} : memref<4x32x768xf32, #tpu.memory_space<vmem>>, vector<16xf32>,
        %parallel_loop3A_805 = arith.constant 2 : i32
        %parallel_loop3A_806 = arith.index_cast %parallel_loop3A_805 : i32 to index
        %parallel_loop3A_807 = arith.index_cast %parallel_loop3A_444 : i32 to index
        %parallel_loop3A_808 = arith.constant 640 : index
        %parallel_loop3A_809 = tpu.vector_load %arg9[%parallel_loop3A_806, %parallel_loop3A_807, %parallel_loop3A_808] {strides = array<i32>} : memref<4x32x768xf32, #tpu.memory_space<vmem>>, vector<16xf32>,
        tpu.vector_store %arg9[%parallel_loop3A_806, %parallel_loop3A_807, %parallel_loop3A_808], %parallel_loop3A_583 {add = true, strides = array<i32>} : memref<4x32x768xf32, #tpu.memory_space<vmem>>, vector<16xf32>,
        %parallel_loop3A_810 = arith.constant 2 : i32
        %parallel_loop3A_811 = arith.index_cast %parallel_loop3A_810 : i32 to index
        %parallel_loop3A_812 = arith.index_cast %parallel_loop3A_444 : i32 to index
        %parallel_loop3A_813 = arith.constant 656 : index
        %parallel_loop3A_814 = tpu.vector_load %arg9[%parallel_loop3A_811, %parallel_loop3A_812, %parallel_loop3A_813] {strides = array<i32>} : memref<4x32x768xf32, #tpu.memory_space<vmem>>, vector<16xf32>,
        tpu.vector_store %arg9[%parallel_loop3A_811, %parallel_loop3A_812, %parallel_loop3A_813], %parallel_loop3A_586 {add = true, strides = array<i32>} : memref<4x32x768xf32, #tpu.memory_space<vmem>>, vector<16xf32>,
        %parallel_loop3A_815 = arith.constant 2 : i32
        %parallel_loop3A_816 = arith.index_cast %parallel_loop3A_815 : i32 to index
        %parallel_loop3A_817 = arith.index_cast %parallel_loop3A_444 : i32 to index
        %parallel_loop3A_818 = arith.constant 672 : index
        %parallel_loop3A_819 = tpu.vector_load %arg9[%parallel_loop3A_816, %parallel_loop3A_817, %parallel_loop3A_818] {strides = array<i32>} : memref<4x32x768xf32, #tpu.memory_space<vmem>>, vector<16xf32>,
        tpu.vector_store %arg9[%parallel_loop3A_816, %parallel_loop3A_817, %parallel_loop3A_818], %parallel_loop3A_589 {add = true, strides = array<i32>} : memref<4x32x768xf32, #tpu.memory_space<vmem>>, vector<16xf32>,
        %parallel_loop3A_820 = arith.constant 2 : i32
        %parallel_loop3A_821 = arith.index_cast %parallel_loop3A_820 : i32 to index
        %parallel_loop3A_822 = arith.index_cast %parallel_loop3A_444 : i32 to index
        %parallel_loop3A_823 = arith.constant 688 : index
        %parallel_loop3A_824 = tpu.vector_load %arg9[%parallel_loop3A_821, %parallel_loop3A_822, %parallel_loop3A_823] {strides = array<i32>} : memref<4x32x768xf32, #tpu.memory_space<vmem>>, vector<16xf32>,
        tpu.vector_store %arg9[%parallel_loop3A_821, %parallel_loop3A_822, %parallel_loop3A_823], %parallel_loop3A_592 {add = true, strides = array<i32>} : memref<4x32x768xf32, #tpu.memory_space<vmem>>, vector<16xf32>,
        %parallel_loop3A_825 = arith.constant 2 : i32
        %parallel_loop3A_826 = arith.index_cast %parallel_loop3A_825 : i32 to index
        %parallel_loop3A_827 = arith.index_cast %parallel_loop3A_444 : i32 to index
        %parallel_loop3A_828 = arith.constant 704 : index
        %parallel_loop3A_829 = tpu.vector_load %arg9[%parallel_loop3A_826, %parallel_loop3A_827, %parallel_loop3A_828] {strides = array<i32>} : memref<4x32x768xf32, #tpu.memory_space<vmem>>, vector<16xf32>,
        tpu.vector_store %arg9[%parallel_loop3A_826, %parallel_loop3A_827, %parallel_loop3A_828], %parallel_loop3A_595 {add = true, strides = array<i32>} : memref<4x32x768xf32, #tpu.memory_space<vmem>>, vector<16xf32>,
        %parallel_loop3A_830 = arith.constant 2 : i32
        %parallel_loop3A_831 = arith.index_cast %parallel_loop3A_830 : i32 to index
        %parallel_loop3A_832 = arith.index_cast %parallel_loop3A_444 : i32 to index
        %parallel_loop3A_833 = arith.constant 720 : index
        %parallel_loop3A_834 = tpu.vector_load %arg9[%parallel_loop3A_831, %parallel_loop3A_832, %parallel_loop3A_833] {strides = array<i32>} : memref<4x32x768xf32, #tpu.memory_space<vmem>>, vector<16xf32>,
        tpu.vector_store %arg9[%parallel_loop3A_831, %parallel_loop3A_832, %parallel_loop3A_833], %parallel_loop3A_598 {add = true, strides = array<i32>} : memref<4x32x768xf32, #tpu.memory_space<vmem>>, vector<16xf32>,
        %parallel_loop3A_835 = arith.constant 2 : i32
        %parallel_loop3A_836 = arith.index_cast %parallel_loop3A_835 : i32 to index
        %parallel_loop3A_837 = arith.index_cast %parallel_loop3A_444 : i32 to index
        %parallel_loop3A_838 = arith.constant 736 : index
        %parallel_loop3A_839 = tpu.vector_load %arg9[%parallel_loop3A_836, %parallel_loop3A_837, %parallel_loop3A_838] {strides = array<i32>} : memref<4x32x768xf32, #tpu.memory_space<vmem>>, vector<16xf32>,
        tpu.vector_store %arg9[%parallel_loop3A_836, %parallel_loop3A_837, %parallel_loop3A_838], %parallel_loop3A_601 {add = true, strides = array<i32>} : memref<4x32x768xf32, #tpu.memory_space<vmem>>, vector<16xf32>,
        %parallel_loop3A_840 = arith.constant 2 : i32
        %parallel_loop3A_841 = arith.index_cast %parallel_loop3A_840 : i32 to index
        %parallel_loop3A_842 = arith.index_cast %parallel_loop3A_444 : i32 to index
        %parallel_loop3A_843 = arith.constant 752 : index
        %parallel_loop3A_844 = tpu.vector_load %arg9[%parallel_loop3A_841, %parallel_loop3A_842, %parallel_loop3A_843] {strides = array<i32>} : memref<4x32x768xf32, #tpu.memory_space<vmem>>, vector<16xf32>,
        tpu.vector_store %arg9[%parallel_loop3A_841, %parallel_loop3A_842, %parallel_loop3A_843], %parallel_loop3A_604 {add = true, strides = array<i32>} : memref<4x32x768xf32, #tpu.memory_space<vmem>>, vector<16xf32>,
      } {sc.loop_unroll_factor = 1 : i64, sc.parallel_access}
      %ge3A_341 = arith.constant 1 : i32
      %ge3A_342 = arith.cmpi sge, %add3A_295, %ge3A_341 : i32
      %convert_element_type3A_343 = arith.extui %ge3A_342 : i1 to i32
      %cond3A_344 = arith.constant 0 : i32
      %cond3A_345 = arith.cmpi ne, %convert_element_type3A_343, %cond3A_344 : i32
      scf.if %cond3A_345 {
        %sub3A_444 = arith.constant 32 : i32
        %sub3A_445 = arith.subi %add3A_298, %sub3A_444 : i32
        %dma_wait3A_446 = arith.constant 1 : i32
        %dma_wait3A_447 = arith.constant 0 : i32
        %dma_wait3A_448 = arith.constant 0 : i32
        %dma_wait3A_449 = tpu.memref_slice %arg9[%dma_wait3A_446, %dma_wait3A_447, %dma_wait3A_448] : memref<4x32x768xf32, #tpu.memory_space<vmem>> -> memref<1x32x768xf32, #tpu.memory_space<vmem>>
        %dma_wait3A_450 = tpu.memref_squeeze %dma_wait3A_449 : memref<1x32x768xf32, #tpu.memory_space<vmem>> -> memref<32x768xf32, #tpu.memory_space<vmem>>
        %dma_wait3A_451 = arith.constant 0 : i32
        %dma_wait3A_452 = tpu.memref_slice %arg7[%sub3A_445, %dma_wait3A_451] : memref<16384x768xf32, #tpu.memory_space<hbm>> -> memref<32x768xf32, #tpu.memory_space<hbm>>
        %dma_wait3A_453 = arith.constant 0 : i32
        %dma_wait3A_454 = tpu.memref_slice %arg7[%sub3A_445, %dma_wait3A_453] : memref<16384x768xf32, #tpu.memory_space<hbm>> -> memref<32x768xf32, #tpu.memory_space<hbm>>
        %dma_wait3A_455 = arith.constant 0 : i32
        %dma_wait3A_456 = arith.constant 0 : i32
        %dma_wait3A_457 = tpu.memref_slice %arg9[%dma_wait3A_446, %dma_wait3A_455, %dma_wait3A_456] : memref<4x32x768xf32, #tpu.memory_space<vmem>> -> memref<1x32x768xf32, #tpu.memory_space<vmem>>
        %dma_wait3A_458 = tpu.memref_squeeze %dma_wait3A_457 : memref<1x32x768xf32, #tpu.memory_space<vmem>> -> memref<32x768xf32, #tpu.memory_space<vmem>>
        tpu.wait_dma2 semaphore(%arg16 : memref<!tpu.dma_semaphore, #tpu.memory_space<semaphore_mem>>) src(%dma_wait3A_458 : memref<32x768xf32, #tpu.memory_space<vmem>>) dst(%dma_wait3A_454 : memref<32x768xf32, #tpu.memory_space<hbm>>)
      } else {
      }
      %add3A_346 = arith.constant 4 : i32
      %add3A_347 = arith.addi %add3A_295, %add3A_346 : i32
      %sub3A_348 = arith.constant 1 : i32
      %sub3A_349 = arith.subi %add3A_347, %sub3A_348 : i32
      %lt3A_350 = arith.constant 16 : i32
      %lt3A_351 = arith.cmpi slt, %sub3A_349, %lt3A_350 : i32
      %convert_element_type3A_352 = arith.extui %lt3A_351 : i1 to i32
      %cond3A_353 = arith.constant 0 : i32
      %cond3A_354 = arith.cmpi ne, %convert_element_type3A_352, %cond3A_353 : i32
      scf.if %cond3A_354 {
        %add3A_444 = arith.constant 96 : i32
        %add3A_445 = arith.addi %add3A_298, %add3A_444 : i32
        %dma_start3A_446 = arith.constant 1 : i32
        %dma_start3A_447 = arith.constant 0 : i32
        %dma_start3A_448 = arith.constant 0 : i32
        %dma_start3A_449 = tpu.memref_slice %arg9[%dma_start3A_446, %dma_start3A_447, %dma_start3A_448] : memref<4x32x768xf32, #tpu.memory_space<vmem>> -> memref<1x32x256xf32, #tpu.memory_space<vmem>>
        %dma_start3A_450 = tpu.memref_squeeze %dma_start3A_449 : memref<1x32x256xf32, #tpu.memory_space<vmem>> -> memref<32x256xf32, #tpu.memory_space<vmem>>
        %dma_start3A_451 = arith.constant 0 : i32
        %dma_start3A_452 = tpu.memref_slice %arg2[%add3A_445, %dma_start3A_451] : memref<16384x256xf32, #tpu.memory_space<hbm>> -> memref<32x256xf32, #tpu.memory_space<hbm>>
        %dma_start3A_453 = arith.constant 0 : i32
        %dma_start3A_454 = arith.constant 0 : i32
        %dma_start3A_455 = tpu.memref_slice %arg9[%dma_start3A_446, %dma_start3A_453, %dma_start3A_454] : memref<4x32x768xf32, #tpu.memory_space<vmem>> -> memref<1x32x256xf32, #tpu.memory_space<vmem>>
        %dma_start3A_456 = tpu.memref_squeeze %dma_start3A_455 : memref<1x32x256xf32, #tpu.memory_space<vmem>> -> memref<32x256xf32, #tpu.memory_space<vmem>>
        %dma_start3A_457 = arith.constant 0 : i32
        %dma_start3A_458 = tpu.memref_slice %arg2[%add3A_445, %dma_start3A_457] : memref<16384x256xf32, #tpu.memory_space<hbm>> -> memref<32x256xf32, #tpu.memory_space<hbm>>
        tpu.enqueue_dma source(%dma_start3A_458 : memref<32x256xf32, #tpu.memory_space<hbm>>) target(%dma_start3A_456 : memref<32x256xf32, #tpu.memory_space<vmem>>) target_semaphore(%arg12 : memref<!tpu.dma_semaphore, #tpu.memory_space<semaphore_mem>>)
        %dma_start3A_459 = arith.constant 1 : i32
        %dma_start3A_460 = arith.constant 0 : i32
        %dma_start3A_461 = arith.constant 256 : i32
        %dma_start3A_462 = tpu.memref_slice %arg9[%dma_start3A_459, %dma_start3A_460, %dma_start3A_461] : memref<4x32x768xf32, #tpu.memory_space<vmem>> -> memref<1x32x256xf32, #tpu.memory_space<vmem>>
        %dma_start3A_463 = tpu.memref_squeeze %dma_start3A_462 : memref<1x32x256xf32, #tpu.memory_space<vmem>> -> memref<32x256xf32, #tpu.memory_space<vmem>>
        %dma_start3A_464 = arith.constant 0 : i32
        %dma_start3A_465 = tpu.memref_slice %arg3[%add3A_445, %dma_start3A_464] : memref<16384x256xf32, #tpu.memory_space<hbm>> -> memref<32x256xf32, #tpu.memory_space<hbm>>
        %dma_start3A_466 = arith.constant 0 : i32
        %dma_start3A_467 = arith.constant 256 : i32
        %dma_start3A_468 = tpu.memref_slice %arg9[%dma_start3A_459, %dma_start3A_466, %dma_start3A_467] : memref<4x32x768xf32, #tpu.memory_space<vmem>> -> memref<1x32x256xf32, #tpu.memory_space<vmem>>
        %dma_start3A_469 = tpu.memref_squeeze %dma_start3A_468 : memref<1x32x256xf32, #tpu.memory_space<vmem>> -> memref<32x256xf32, #tpu.memory_space<vmem>>
        %dma_start3A_470 = arith.constant 0 : i32
        %dma_start3A_471 = tpu.memref_slice %arg3[%add3A_445, %dma_start3A_470] : memref<16384x256xf32, #tpu.memory_space<hbm>> -> memref<32x256xf32, #tpu.memory_space<hbm>>
        tpu.enqueue_dma source(%dma_start3A_471 : memref<32x256xf32, #tpu.memory_space<hbm>>) target(%dma_start3A_469 : memref<32x256xf32, #tpu.memory_space<vmem>>) target_semaphore(%arg12 : memref<!tpu.dma_semaphore, #tpu.memory_space<semaphore_mem>>)
        %dma_start3A_472 = arith.constant 1 : i32
        %dma_start3A_473 = arith.constant 0 : i32
        %dma_start3A_474 = arith.constant 512 : i32
        %dma_start3A_475 = tpu.memref_slice %arg9[%dma_start3A_472, %dma_start3A_473, %dma_start3A_474] : memref<4x32x768xf32, #tpu.memory_space<vmem>> -> memref<1x32x256xf32, #tpu.memory_space<vmem>>
        %dma_start3A_476 = tpu.memref_squeeze %dma_start3A_475 : memref<1x32x256xf32, #tpu.memory_space<vmem>> -> memref<32x256xf32, #tpu.memory_space<vmem>>
        %dma_start3A_477 = arith.constant 0 : i32
        %dma_start3A_478 = tpu.memref_slice %arg4[%add3A_445, %dma_start3A_477] : memref<16384x256xf32, #tpu.memory_space<hbm>> -> memref<32x256xf32, #tpu.memory_space<hbm>>
        %dma_start3A_479 = arith.constant 0 : i32
        %dma_start3A_480 = arith.constant 512 : i32
        %dma_start3A_481 = tpu.memref_slice %arg9[%dma_start3A_472, %dma_start3A_479, %dma_start3A_480] : memref<4x32x768xf32, #tpu.memory_space<vmem>> -> memref<1x32x256xf32, #tpu.memory_space<vmem>>
        %dma_start3A_482 = tpu.memref_squeeze %dma_start3A_481 : memref<1x32x256xf32, #tpu.memory_space<vmem>> -> memref<32x256xf32, #tpu.memory_space<vmem>>
        %dma_start3A_483 = arith.constant 0 : i32
        %dma_start3A_484 = tpu.memref_slice %arg4[%add3A_445, %dma_start3A_483] : memref<16384x256xf32, #tpu.memory_space<hbm>> -> memref<32x256xf32, #tpu.memory_space<hbm>>
        tpu.enqueue_dma source(%dma_start3A_484 : memref<32x256xf32, #tpu.memory_space<hbm>>) target(%dma_start3A_482 : memref<32x256xf32, #tpu.memory_space<vmem>>) target_semaphore(%arg12 : memref<!tpu.dma_semaphore, #tpu.memory_space<semaphore_mem>>)
      } else {
      }
      %dma_start3A_355 = arith.constant 2 : i32
      %dma_start3A_356 = arith.constant 0 : i32
      %dma_start3A_357 = arith.constant 0 : i32
      %dma_start3A_358 = tpu.memref_slice %arg9[%dma_start3A_355, %dma_start3A_356, %dma_start3A_357] : memref<4x32x768xf32, #tpu.memory_space<vmem>> -> memref<1x32x768xf32, #tpu.memory_space<vmem>>
      %dma_start3A_359 = tpu.memref_squeeze %dma_start3A_358 : memref<1x32x768xf32, #tpu.memory_space<vmem>> -> memref<32x768xf32, #tpu.memory_space<vmem>>
      %dma_start3A_360 = arith.constant 0 : i32
      %dma_start3A_361 = tpu.memref_slice %arg7[%add3A_298, %dma_start3A_360] : memref<16384x768xf32, #tpu.memory_space<hbm>> -> memref<32x768xf32, #tpu.memory_space<hbm>>
      %dma_start3A_362 = arith.constant 0 : i32
      %dma_start3A_363 = tpu.memref_slice %arg7[%add3A_298, %dma_start3A_362] : memref<16384x768xf32, #tpu.memory_space<hbm>> -> memref<32x768xf32, #tpu.memory_space<hbm>>
      %dma_start3A_364 = arith.constant 0 : i32
      %dma_start3A_365 = arith.constant 0 : i32
      %dma_start3A_366 = tpu.memref_slice %arg9[%dma_start3A_355, %dma_start3A_364, %dma_start3A_365] : memref<4x32x768xf32, #tpu.memory_space<vmem>> -> memref<1x32x768xf32, #tpu.memory_space<vmem>>
      %dma_start3A_367 = tpu.memref_squeeze %dma_start3A_366 : memref<1x32x768xf32, #tpu.memory_space<vmem>> -> memref<32x768xf32, #tpu.memory_space<vmem>>
      tpu.enqueue_dma source(%dma_start3A_367 : memref<32x768xf32, #tpu.memory_space<vmem>>) target(%dma_start3A_363 : memref<32x768xf32, #tpu.memory_space<hbm>>) target_semaphore(%arg17 : memref<!tpu.dma_semaphore, #tpu.memory_space<semaphore_mem>>)
      %mul3A_368 = arith.constant 4 : i32
      %mul3A_369 = arith.muli %scan3A_145, %mul3A_368 : i32
      %add3A_370 = arith.constant 3 : i32
      %add3A_371 = arith.addi %mul3A_369, %add3A_370 : i32
      %mul3A_372 = arith.constant 32 : i32
      %mul3A_373 = arith.muli %add3A_371, %mul3A_372 : i32
      %add3A_374 = arith.addi %mul3A_2, %mul3A_373 : i32
      %dma_wait3A_375 = arith.constant 3 : i32
      %dma_wait3A_376 = arith.constant 0 : i32
      %dma_wait3A_377 = arith.constant 0 : i32
      %dma_wait3A_378 = tpu.memref_slice %arg9[%dma_wait3A_375, %dma_wait3A_376, %dma_wait3A_377] : memref<4x32x768xf32, #tpu.memory_space<vmem>> -> memref<1x32x256xf32, #tpu.memory_space<vmem>>
      %dma_wait3A_379 = tpu.memref_squeeze %dma_wait3A_378 : memref<1x32x256xf32, #tpu.memory_space<vmem>> -> memref<32x256xf32, #tpu.memory_space<vmem>>
      %dma_wait3A_380 = arith.constant 0 : i32
      %dma_wait3A_381 = tpu.memref_slice %arg2[%add3A_374, %dma_wait3A_380] : memref<16384x256xf32, #tpu.memory_space<hbm>> -> memref<32x256xf32, #tpu.memory_space<hbm>>
      %dma_wait3A_382 = arith.constant 0 : i32
      %dma_wait3A_383 = arith.constant 0 : i32
      %dma_wait3A_384 = tpu.memref_slice %arg9[%dma_wait3A_375, %dma_wait3A_382, %dma_wait3A_383] : memref<4x32x768xf32, #tpu.memory_space<vmem>> -> memref<1x32x256xf32, #tpu.memory_space<vmem>>
      %dma_wait3A_385 = tpu.memref_squeeze %dma_wait3A_384 : memref<1x32x256xf32, #tpu.memory_space<vmem>> -> memref<32x256xf32, #tpu.memory_space<vmem>>
      %dma_wait3A_386 = arith.constant 0 : i32
      %dma_wait3A_387 = tpu.memref_slice %arg2[%add3A_374, %dma_wait3A_386] : memref<16384x256xf32, #tpu.memory_space<hbm>> -> memref<32x256xf32, #tpu.memory_space<hbm>>
      tpu.wait_dma2 semaphore(%arg14 : memref<!tpu.dma_semaphore, #tpu.memory_space<semaphore_mem>>) src(%dma_wait3A_387 : memref<32x256xf32, #tpu.memory_space<hbm>>) dst(%dma_wait3A_385 : memref<32x256xf32, #tpu.memory_space<vmem>>)
      %dma_wait3A_388 = arith.constant 3 : i32
      %dma_wait3A_389 = arith.constant 0 : i32
      %dma_wait3A_390 = arith.constant 256 : i32
      %dma_wait3A_391 = tpu.memref_slice %arg9[%dma_wait3A_388, %dma_wait3A_389, %dma_wait3A_390] : memref<4x32x768xf32, #tpu.memory_space<vmem>> -> memref<1x32x256xf32, #tpu.memory_space<vmem>>
      %dma_wait3A_392 = tpu.memref_squeeze %dma_wait3A_391 : memref<1x32x256xf32, #tpu.memory_space<vmem>> -> memref<32x256xf32, #tpu.memory_space<vmem>>
      %dma_wait3A_393 = arith.constant 0 : i32
      %dma_wait3A_394 = tpu.memref_slice %arg3[%add3A_374, %dma_wait3A_393] : memref<16384x256xf32, #tpu.memory_space<hbm>> -> memref<32x256xf32, #tpu.memory_space<hbm>>
      %dma_wait3A_395 = arith.constant 0 : i32
      %dma_wait3A_396 = arith.constant 256 : i32
      %dma_wait3A_397 = tpu.memref_slice %arg9[%dma_wait3A_388, %dma_wait3A_395, %dma_wait3A_396] : memref<4x32x768xf32, #tpu.memory_space<vmem>> -> memref<1x32x256xf32, #tpu.memory_space<vmem>>
      %dma_wait3A_398 = tpu.memref_squeeze %dma_wait3A_397 : memref<1x32x256xf32, #tpu.memory_space<vmem>> -> memref<32x256xf32, #tpu.memory_space<vmem>>
      %dma_wait3A_399 = arith.constant 0 : i32
      %dma_wait3A_400 = tpu.memref_slice %arg3[%add3A_374, %dma_wait3A_399] : memref<16384x256xf32, #tpu.memory_space<hbm>> -> memref<32x256xf32, #tpu.memory_space<hbm>>
      tpu.wait_dma2 semaphore(%arg14 : memref<!tpu.dma_semaphore, #tpu.memory_space<semaphore_mem>>) src(%dma_wait3A_400 : memref<32x256xf32, #tpu.memory_space<hbm>>) dst(%dma_wait3A_398 : memref<32x256xf32, #tpu.memory_space<vmem>>)
      %dma_wait3A_401 = arith.constant 3 : i32
      %dma_wait3A_402 = arith.constant 0 : i32
      %dma_wait3A_403 = arith.constant 512 : i32
      %dma_wait3A_404 = tpu.memref_slice %arg9[%dma_wait3A_401, %dma_wait3A_402, %dma_wait3A_403] : memref<4x32x768xf32, #tpu.memory_space<vmem>> -> memref<1x32x256xf32, #tpu.memory_space<vmem>>
      %dma_wait3A_405 = tpu.memref_squeeze %dma_wait3A_404 : memref<1x32x256xf32, #tpu.memory_space<vmem>> -> memref<32x256xf32, #tpu.memory_space<vmem>>
      %dma_wait3A_406 = arith.constant 0 : i32
      %dma_wait3A_407 = tpu.memref_slice %arg4[%add3A_374, %dma_wait3A_406] : memref<16384x256xf32, #tpu.memory_space<hbm>> -> memref<32x256xf32, #tpu.memory_space<hbm>>
      %dma_wait3A_408 = arith.constant 0 : i32
      %dma_wait3A_409 = arith.constant 512 : i32
      %dma_wait3A_410 = tpu.memref_slice %arg9[%dma_wait3A_401, %dma_wait3A_408, %dma_wait3A_409] : memref<4x32x768xf32, #tpu.memory_space<vmem>> -> memref<1x32x256xf32, #tpu.memory_space<vmem>>
      %dma_wait3A_411 = tpu.memref_squeeze %dma_wait3A_410 : memref<1x32x256xf32, #tpu.memory_space<vmem>> -> memref<32x256xf32, #tpu.memory_space<vmem>>
      %dma_wait3A_412 = arith.constant 0 : i32
      %dma_wait3A_413 = tpu.memref_slice %arg4[%add3A_374, %dma_wait3A_412] : memref<16384x256xf32, #tpu.memory_space<hbm>> -> memref<32x256xf32, #tpu.memory_space<hbm>>
      tpu.wait_dma2 semaphore(%arg14 : memref<!tpu.dma_semaphore, #tpu.memory_space<semaphore_mem>>) src(%dma_wait3A_413 : memref<32x256xf32, #tpu.memory_space<hbm>>) dst(%dma_wait3A_411 : memref<32x256xf32, #tpu.memory_space<vmem>>)
      %parallel_loop3A_414 = arith.constant 0 : i32
      %parallel_loop3A_415 = arith.constant 32 : i32
      %parallel_loop3A_416 = arith.constant 1 : i32
      scf.for %parallel_loop3A_444 = %parallel_loop3A_414 to %parallel_loop3A_415 step %parallel_loop3A_416  : i32 {
        %parallel_loop3A_445 = arith.constant 32 : i32
        %parallel_loop3A_446 = arith.muli %add3A_371, %parallel_loop3A_445 : i32
        %parallel_loop3A_447 = arith.constant -16 : i32
        %parallel_loop3A_448 = arith.andi %parallel_loop3A_444, %parallel_loop3A_447 : i32
        %parallel_loop3A_449 = arith.addi %parallel_loop3A_446, %parallel_loop3A_448 : i32
        %parallel_loop3A_450 = arith.index_cast %parallel_loop3A_449 : i32 to index
        %parallel_loop3A_451 = tpu.vector_load %arg10[%parallel_loop3A_450] {strides = array<i32>} : memref<512xi32, #tpu.memory_space<vmem>>, vector<16xi32>,
        %parallel_loop3A_452 = arith.constant 15 : i32
        %parallel_loop3A_453 = arith.andi %parallel_loop3A_444, %parallel_loop3A_452 : i32
        %parallel_loop3A_454 = vector.broadcast %parallel_loop3A_453 : i32 to vector<16xi32>
        %parallel_loop3A_455 = arith.cmpi eq, %iota3A, %parallel_loop3A_454 : vector<16xi32>
        %parallel_loop3A_456 = arith.select %parallel_loop3A_455, %parallel_loop3A_451, %broadcast_in_dim3A_3 : vector<16xi1>, vector<16xi32>
        %parallel_loop3A_457 = arith.constant true
        %parallel_loop3A_458 = vector.broadcast %parallel_loop3A_457 : i1 to vector<16xi1>
        %parallel_loop3A_459 = tpu.scan <sum>, %parallel_loop3A_456 masked %parallel_loop3A_458 : vector<16xi32>, vector<16xi1> -> vector<16xi32>
        %parallel_loop3A_460 = vector.extract %parallel_loop3A_459[15] : i32 from vector<16xi32>
        %parallel_loop3A_461 = arith.index_cast %parallel_loop3A_460 : i32 to index
        %parallel_loop3A_462 = arith.constant 0 : index
        %parallel_loop3A_463 = tpu.vector_load %arg8[%parallel_loop3A_461, %parallel_loop3A_462] {strides = array<i32>} : memref<20x768xf32, #tpu.memory_space<vmem>>, vector<16xf32>,
        %parallel_loop3A_464 = arith.index_cast %parallel_loop3A_460 : i32 to index
        %parallel_loop3A_465 = arith.constant 16 : index
        %parallel_loop3A_466 = tpu.vector_load %arg8[%parallel_loop3A_464, %parallel_loop3A_465] {strides = array<i32>} : memref<20x768xf32, #tpu.memory_space<vmem>>, vector<16xf32>,
        %parallel_loop3A_467 = arith.index_cast %parallel_loop3A_460 : i32 to index
        %parallel_loop3A_468 = arith.constant 32 : index
        %parallel_loop3A_469 = tpu.vector_load %arg8[%parallel_loop3A_467, %parallel_loop3A_468] {strides = array<i32>} : memref<20x768xf32, #tpu.memory_space<vmem>>, vector<16xf32>,
        %parallel_loop3A_470 = arith.index_cast %parallel_loop3A_460 : i32 to index
        %parallel_loop3A_471 = arith.constant 48 : index
        %parallel_loop3A_472 = tpu.vector_load %arg8[%parallel_loop3A_470, %parallel_loop3A_471] {strides = array<i32>} : memref<20x768xf32, #tpu.memory_space<vmem>>, vector<16xf32>,
        %parallel_loop3A_473 = arith.index_cast %parallel_loop3A_460 : i32 to index
        %parallel_loop3A_474 = arith.constant 64 : index
        %parallel_loop3A_475 = tpu.vector_load %arg8[%parallel_loop3A_473, %parallel_loop3A_474] {strides = array<i32>} : memref<20x768xf32, #tpu.memory_space<vmem>>, vector<16xf32>,
        %parallel_loop3A_476 = arith.index_cast %parallel_loop3A_460 : i32 to index
        %parallel_loop3A_477 = arith.constant 80 : index
        %parallel_loop3A_478 = tpu.vector_load %arg8[%parallel_loop3A_476, %parallel_loop3A_477] {strides = array<i32>} : memref<20x768xf32, #tpu.memory_space<vmem>>, vector<16xf32>,
        %parallel_loop3A_479 = arith.index_cast %parallel_loop3A_460 : i32 to index
        %parallel_loop3A_480 = arith.constant 96 : index
        %parallel_loop3A_481 = tpu.vector_load %arg8[%parallel_loop3A_479, %parallel_loop3A_480] {strides = array<i32>} : memref<20x768xf32, #tpu.memory_space<vmem>>, vector<16xf32>,
        %parallel_loop3A_482 = arith.index_cast %parallel_loop3A_460 : i32 to index
        %parallel_loop3A_483 = arith.constant 112 : index
        %parallel_loop3A_484 = tpu.vector_load %arg8[%parallel_loop3A_482, %parallel_loop3A_483] {strides = array<i32>} : memref<20x768xf32, #tpu.memory_space<vmem>>, vector<16xf32>,
        %parallel_loop3A_485 = arith.index_cast %parallel_loop3A_460 : i32 to index
        %parallel_loop3A_486 = arith.constant 128 : index
        %parallel_loop3A_487 = tpu.vector_load %arg8[%parallel_loop3A_485, %parallel_loop3A_486] {strides = array<i32>} : memref<20x768xf32, #tpu.memory_space<vmem>>, vector<16xf32>,
        %parallel_loop3A_488 = arith.index_cast %parallel_loop3A_460 : i32 to index
        %parallel_loop3A_489 = arith.constant 144 : index
        %parallel_loop3A_490 = tpu.vector_load %arg8[%parallel_loop3A_488, %parallel_loop3A_489] {strides = array<i32>} : memref<20x768xf32, #tpu.memory_space<vmem>>, vector<16xf32>,
        %parallel_loop3A_491 = arith.index_cast %parallel_loop3A_460 : i32 to index
        %parallel_loop3A_492 = arith.constant 160 : index
        %parallel_loop3A_493 = tpu.vector_load %arg8[%parallel_loop3A_491, %parallel_loop3A_492] {strides = array<i32>} : memref<20x768xf32, #tpu.memory_space<vmem>>, vector<16xf32>,
        %parallel_loop3A_494 = arith.index_cast %parallel_loop3A_460 : i32 to index
        %parallel_loop3A_495 = arith.constant 176 : index
        %parallel_loop3A_496 = tpu.vector_load %arg8[%parallel_loop3A_494, %parallel_loop3A_495] {strides = array<i32>} : memref<20x768xf32, #tpu.memory_space<vmem>>, vector<16xf32>,
        %parallel_loop3A_497 = arith.index_cast %parallel_loop3A_460 : i32 to index
        %parallel_loop3A_498 = arith.constant 192 : index
        %parallel_loop3A_499 = tpu.vector_load %arg8[%parallel_loop3A_497, %parallel_loop3A_498] {strides = array<i32>} : memref<20x768xf32, #tpu.memory_space<vmem>>, vector<16xf32>,
        %parallel_loop3A_500 = arith.index_cast %parallel_loop3A_460 : i32 to index
        %parallel_loop3A_501 = arith.constant 208 : index
        %parallel_loop3A_502 = tpu.vector_load %arg8[%parallel_loop3A_500, %parallel_loop3A_501] {strides = array<i32>} : memref<20x768xf32, #tpu.memory_space<vmem>>, vector<16xf32>,
        %parallel_loop3A_503 = arith.index_cast %parallel_loop3A_460 : i32 to index
        %parallel_loop3A_504 = arith.constant 224 : index
        %parallel_loop3A_505 = tpu.vector_load %arg8[%parallel_loop3A_503, %parallel_loop3A_504] {strides = array<i32>} : memref<20x768xf32, #tpu.memory_space<vmem>>, vector<16xf32>,
        %parallel_loop3A_506 = arith.index_cast %parallel_loop3A_460 : i32 to index
        %parallel_loop3A_507 = arith.constant 240 : index
        %parallel_loop3A_508 = tpu.vector_load %arg8[%parallel_loop3A_506, %parallel_loop3A_507] {strides = array<i32>} : memref<20x768xf32, #tpu.memory_space<vmem>>, vector<16xf32>,
        %parallel_loop3A_509 = arith.index_cast %parallel_loop3A_460 : i32 to index
        %parallel_loop3A_510 = arith.constant 256 : index
        %parallel_loop3A_511 = tpu.vector_load %arg8[%parallel_loop3A_509, %parallel_loop3A_510] {strides = array<i32>} : memref<20x768xf32, #tpu.memory_space<vmem>>, vector<16xf32>,
        %parallel_loop3A_512 = arith.index_cast %parallel_loop3A_460 : i32 to index
        %parallel_loop3A_513 = arith.constant 272 : index
        %parallel_loop3A_514 = tpu.vector_load %arg8[%parallel_loop3A_512, %parallel_loop3A_513] {strides = array<i32>} : memref<20x768xf32, #tpu.memory_space<vmem>>, vector<16xf32>,
        %parallel_loop3A_515 = arith.index_cast %parallel_loop3A_460 : i32 to index
        %parallel_loop3A_516 = arith.constant 288 : index
        %parallel_loop3A_517 = tpu.vector_load %arg8[%parallel_loop3A_515, %parallel_loop3A_516] {strides = array<i32>} : memref<20x768xf32, #tpu.memory_space<vmem>>, vector<16xf32>,
        %parallel_loop3A_518 = arith.index_cast %parallel_loop3A_460 : i32 to index
        %parallel_loop3A_519 = arith.constant 304 : index
        %parallel_loop3A_520 = tpu.vector_load %arg8[%parallel_loop3A_518, %parallel_loop3A_519] {strides = array<i32>} : memref<20x768xf32, #tpu.memory_space<vmem>>, vector<16xf32>,
        %parallel_loop3A_521 = arith.index_cast %parallel_loop3A_460 : i32 to index
        %parallel_loop3A_522 = arith.constant 320 : index
        %parallel_loop3A_523 = tpu.vector_load %arg8[%parallel_loop3A_521, %parallel_loop3A_522] {strides = array<i32>} : memref<20x768xf32, #tpu.memory_space<vmem>>, vector<16xf32>,
        %parallel_loop3A_524 = arith.index_cast %parallel_loop3A_460 : i32 to index
        %parallel_loop3A_525 = arith.constant 336 : index
        %parallel_loop3A_526 = tpu.vector_load %arg8[%parallel_loop3A_524, %parallel_loop3A_525] {strides = array<i32>} : memref<20x768xf32, #tpu.memory_space<vmem>>, vector<16xf32>,
        %parallel_loop3A_527 = arith.index_cast %parallel_loop3A_460 : i32 to index
        %parallel_loop3A_528 = arith.constant 352 : index
        %parallel_loop3A_529 = tpu.vector_load %arg8[%parallel_loop3A_527, %parallel_loop3A_528] {strides = array<i32>} : memref<20x768xf32, #tpu.memory_space<vmem>>, vector<16xf32>,
        %parallel_loop3A_530 = arith.index_cast %parallel_loop3A_460 : i32 to index
        %parallel_loop3A_531 = arith.constant 368 : index
        %parallel_loop3A_532 = tpu.vector_load %arg8[%parallel_loop3A_530, %parallel_loop3A_531] {strides = array<i32>} : memref<20x768xf32, #tpu.memory_space<vmem>>, vector<16xf32>,
        %parallel_loop3A_533 = arith.index_cast %parallel_loop3A_460 : i32 to index
        %parallel_loop3A_534 = arith.constant 384 : index
        %parallel_loop3A_535 = tpu.vector_load %arg8[%parallel_loop3A_533, %parallel_loop3A_534] {strides = array<i32>} : memref<20x768xf32, #tpu.memory_space<vmem>>, vector<16xf32>,
        %parallel_loop3A_536 = arith.index_cast %parallel_loop3A_460 : i32 to index
        %parallel_loop3A_537 = arith.constant 400 : index
        %parallel_loop3A_538 = tpu.vector_load %arg8[%parallel_loop3A_536, %parallel_loop3A_537] {strides = array<i32>} : memref<20x768xf32, #tpu.memory_space<vmem>>, vector<16xf32>,
        %parallel_loop3A_539 = arith.index_cast %parallel_loop3A_460 : i32 to index
        %parallel_loop3A_540 = arith.constant 416 : index
        %parallel_loop3A_541 = tpu.vector_load %arg8[%parallel_loop3A_539, %parallel_loop3A_540] {strides = array<i32>} : memref<20x768xf32, #tpu.memory_space<vmem>>, vector<16xf32>,
        %parallel_loop3A_542 = arith.index_cast %parallel_loop3A_460 : i32 to index
        %parallel_loop3A_543 = arith.constant 432 : index
        %parallel_loop3A_544 = tpu.vector_load %arg8[%parallel_loop3A_542, %parallel_loop3A_543] {strides = array<i32>} : memref<20x768xf32, #tpu.memory_space<vmem>>, vector<16xf32>,
        %parallel_loop3A_545 = arith.index_cast %parallel_loop3A_460 : i32 to index
        %parallel_loop3A_546 = arith.constant 448 : index
        %parallel_loop3A_547 = tpu.vector_load %arg8[%parallel_loop3A_545, %parallel_loop3A_546] {strides = array<i32>} : memref<20x768xf32, #tpu.memory_space<vmem>>, vector<16xf32>,
        %parallel_loop3A_548 = arith.index_cast %parallel_loop3A_460 : i32 to index
        %parallel_loop3A_549 = arith.constant 464 : index
        %parallel_loop3A_550 = tpu.vector_load %arg8[%parallel_loop3A_548, %parallel_loop3A_549] {strides = array<i32>} : memref<20x768xf32, #tpu.memory_space<vmem>>, vector<16xf32>,
        %parallel_loop3A_551 = arith.index_cast %parallel_loop3A_460 : i32 to index
        %parallel_loop3A_552 = arith.constant 480 : index
        %parallel_loop3A_553 = tpu.vector_load %arg8[%parallel_loop3A_551, %parallel_loop3A_552] {strides = array<i32>} : memref<20x768xf32, #tpu.memory_space<vmem>>, vector<16xf32>,
        %parallel_loop3A_554 = arith.index_cast %parallel_loop3A_460 : i32 to index
        %parallel_loop3A_555 = arith.constant 496 : index
        %parallel_loop3A_556 = tpu.vector_load %arg8[%parallel_loop3A_554, %parallel_loop3A_555] {strides = array<i32>} : memref<20x768xf32, #tpu.memory_space<vmem>>, vector<16xf32>,
        %parallel_loop3A_557 = arith.index_cast %parallel_loop3A_460 : i32 to index
        %parallel_loop3A_558 = arith.constant 512 : index
        %parallel_loop3A_559 = tpu.vector_load %arg8[%parallel_loop3A_557, %parallel_loop3A_558] {strides = array<i32>} : memref<20x768xf32, #tpu.memory_space<vmem>>, vector<16xf32>,
        %parallel_loop3A_560 = arith.index_cast %parallel_loop3A_460 : i32 to index
        %parallel_loop3A_561 = arith.constant 528 : index
        %parallel_loop3A_562 = tpu.vector_load %arg8[%parallel_loop3A_560, %parallel_loop3A_561] {strides = array<i32>} : memref<20x768xf32, #tpu.memory_space<vmem>>, vector<16xf32>,
        %parallel_loop3A_563 = arith.index_cast %parallel_loop3A_460 : i32 to index
        %parallel_loop3A_564 = arith.constant 544 : index
        %parallel_loop3A_565 = tpu.vector_load %arg8[%parallel_loop3A_563, %parallel_loop3A_564] {strides = array<i32>} : memref<20x768xf32, #tpu.memory_space<vmem>>, vector<16xf32>,
        %parallel_loop3A_566 = arith.index_cast %parallel_loop3A_460 : i32 to index
        %parallel_loop3A_567 = arith.constant 560 : index
        %parallel_loop3A_568 = tpu.vector_load %arg8[%parallel_loop3A_566, %parallel_loop3A_567] {strides = array<i32>} : memref<20x768xf32, #tpu.memory_space<vmem>>, vector<16xf32>,
        %parallel_loop3A_569 = arith.index_cast %parallel_loop3A_460 : i32 to index
        %parallel_loop3A_570 = arith.constant 576 : index
        %parallel_loop3A_571 = tpu.vector_load %arg8[%parallel_loop3A_569, %parallel_loop3A_570] {strides = array<i32>} : memref<20x768xf32, #tpu.memory_space<vmem>>, vector<16xf32>,
        %parallel_loop3A_572 = arith.index_cast %parallel_loop3A_460 : i32 to index
        %parallel_loop3A_573 = arith.constant 592 : index
        %parallel_loop3A_574 = tpu.vector_load %arg8[%parallel_loop3A_572, %parallel_loop3A_573] {strides = array<i32>} : memref<20x768xf32, #tpu.memory_space<vmem>>, vector<16xf32>,
        %parallel_loop3A_575 = arith.index_cast %parallel_loop3A_460 : i32 to index
        %parallel_loop3A_576 = arith.constant 608 : index
        %parallel_loop3A_577 = tpu.vector_load %arg8[%parallel_loop3A_575, %parallel_loop3A_576] {strides = array<i32>} : memref<20x768xf32, #tpu.memory_space<vmem>>, vector<16xf32>,
        %parallel_loop3A_578 = arith.index_cast %parallel_loop3A_460 : i32 to index
        %parallel_loop3A_579 = arith.constant 624 : index
        %parallel_loop3A_580 = tpu.vector_load %arg8[%parallel_loop3A_578, %parallel_loop3A_579] {strides = array<i32>} : memref<20x768xf32, #tpu.memory_space<vmem>>, vector<16xf32>,
        %parallel_loop3A_581 = arith.index_cast %parallel_loop3A_460 : i32 to index
        %parallel_loop3A_582 = arith.constant 640 : index
        %parallel_loop3A_583 = tpu.vector_load %arg8[%parallel_loop3A_581, %parallel_loop3A_582] {strides = array<i32>} : memref<20x768xf32, #tpu.memory_space<vmem>>, vector<16xf32>,
        %parallel_loop3A_584 = arith.index_cast %parallel_loop3A_460 : i32 to index
        %parallel_loop3A_585 = arith.constant 656 : index
        %parallel_loop3A_586 = tpu.vector_load %arg8[%parallel_loop3A_584, %parallel_loop3A_585] {strides = array<i32>} : memref<20x768xf32, #tpu.memory_space<vmem>>, vector<16xf32>,
        %parallel_loop3A_587 = arith.index_cast %parallel_loop3A_460 : i32 to index
        %parallel_loop3A_588 = arith.constant 672 : index
        %parallel_loop3A_589 = tpu.vector_load %arg8[%parallel_loop3A_587, %parallel_loop3A_588] {strides = array<i32>} : memref<20x768xf32, #tpu.memory_space<vmem>>, vector<16xf32>,
        %parallel_loop3A_590 = arith.index_cast %parallel_loop3A_460 : i32 to index
        %parallel_loop3A_591 = arith.constant 688 : index
        %parallel_loop3A_592 = tpu.vector_load %arg8[%parallel_loop3A_590, %parallel_loop3A_591] {strides = array<i32>} : memref<20x768xf32, #tpu.memory_space<vmem>>, vector<16xf32>,
        %parallel_loop3A_593 = arith.index_cast %parallel_loop3A_460 : i32 to index
        %parallel_loop3A_594 = arith.constant 704 : index
        %parallel_loop3A_595 = tpu.vector_load %arg8[%parallel_loop3A_593, %parallel_loop3A_594] {strides = array<i32>} : memref<20x768xf32, #tpu.memory_space<vmem>>, vector<16xf32>,
        %parallel_loop3A_596 = arith.index_cast %parallel_loop3A_460 : i32 to index
        %parallel_loop3A_597 = arith.constant 720 : index
        %parallel_loop3A_598 = tpu.vector_load %arg8[%parallel_loop3A_596, %parallel_loop3A_597] {strides = array<i32>} : memref<20x768xf32, #tpu.memory_space<vmem>>, vector<16xf32>,
        %parallel_loop3A_599 = arith.index_cast %parallel_loop3A_460 : i32 to index
        %parallel_loop3A_600 = arith.constant 736 : index
        %parallel_loop3A_601 = tpu.vector_load %arg8[%parallel_loop3A_599, %parallel_loop3A_600] {strides = array<i32>} : memref<20x768xf32, #tpu.memory_space<vmem>>, vector<16xf32>,
        %parallel_loop3A_602 = arith.index_cast %parallel_loop3A_460 : i32 to index
        %parallel_loop3A_603 = arith.constant 752 : index
        %parallel_loop3A_604 = tpu.vector_load %arg8[%parallel_loop3A_602, %parallel_loop3A_603] {strides = array<i32>} : memref<20x768xf32, #tpu.memory_space<vmem>>, vector<16xf32>,
        %parallel_loop3A_605 = arith.constant 3 : i32
        %parallel_loop3A_606 = arith.index_cast %parallel_loop3A_605 : i32 to index
        %parallel_loop3A_607 = arith.index_cast %parallel_loop3A_444 : i32 to index
        %parallel_loop3A_608 = arith.constant 0 : index
        %parallel_loop3A_609 = tpu.vector_load %arg9[%parallel_loop3A_606, %parallel_loop3A_607, %parallel_loop3A_608] {strides = array<i32>} : memref<4x32x768xf32, #tpu.memory_space<vmem>>, vector<16xf32>,
        tpu.vector_store %arg9[%parallel_loop3A_606, %parallel_loop3A_607, %parallel_loop3A_608], %parallel_loop3A_463 {add = true, strides = array<i32>} : memref<4x32x768xf32, #tpu.memory_space<vmem>>, vector<16xf32>,
        %parallel_loop3A_610 = arith.constant 3 : i32
        %parallel_loop3A_611 = arith.index_cast %parallel_loop3A_610 : i32 to index
        %parallel_loop3A_612 = arith.index_cast %parallel_loop3A_444 : i32 to index
        %parallel_loop3A_613 = arith.constant 16 : index
        %parallel_loop3A_614 = tpu.vector_load %arg9[%parallel_loop3A_611, %parallel_loop3A_612, %parallel_loop3A_613] {strides = array<i32>} : memref<4x32x768xf32, #tpu.memory_space<vmem>>, vector<16xf32>,
        tpu.vector_store %arg9[%parallel_loop3A_611, %parallel_loop3A_612, %parallel_loop3A_613], %parallel_loop3A_466 {add = true, strides = array<i32>} : memref<4x32x768xf32, #tpu.memory_space<vmem>>, vector<16xf32>,
        %parallel_loop3A_615 = arith.constant 3 : i32
        %parallel_loop3A_616 = arith.index_cast %parallel_loop3A_615 : i32 to index
        %parallel_loop3A_617 = arith.index_cast %parallel_loop3A_444 : i32 to index
        %parallel_loop3A_618 = arith.constant 32 : index
        %parallel_loop3A_619 = tpu.vector_load %arg9[%parallel_loop3A_616, %parallel_loop3A_617, %parallel_loop3A_618] {strides = array<i32>} : memref<4x32x768xf32, #tpu.memory_space<vmem>>, vector<16xf32>,
        tpu.vector_store %arg9[%parallel_loop3A_616, %parallel_loop3A_617, %parallel_loop3A_618], %parallel_loop3A_469 {add = true, strides = array<i32>} : memref<4x32x768xf32, #tpu.memory_space<vmem>>, vector<16xf32>,
        %parallel_loop3A_620 = arith.constant 3 : i32
        %parallel_loop3A_621 = arith.index_cast %parallel_loop3A_620 : i32 to index
        %parallel_loop3A_622 = arith.index_cast %parallel_loop3A_444 : i32 to index
        %parallel_loop3A_623 = arith.constant 48 : index
        %parallel_loop3A_624 = tpu.vector_load %arg9[%parallel_loop3A_621, %parallel_loop3A_622, %parallel_loop3A_623] {strides = array<i32>} : memref<4x32x768xf32, #tpu.memory_space<vmem>>, vector<16xf32>,
        tpu.vector_store %arg9[%parallel_loop3A_621, %parallel_loop3A_622, %parallel_loop3A_623], %parallel_loop3A_472 {add = true, strides = array<i32>} : memref<4x32x768xf32, #tpu.memory_space<vmem>>, vector<16xf32>,
        %parallel_loop3A_625 = arith.constant 3 : i32
        %parallel_loop3A_626 = arith.index_cast %parallel_loop3A_625 : i32 to index
        %parallel_loop3A_627 = arith.index_cast %parallel_loop3A_444 : i32 to index
        %parallel_loop3A_628 = arith.constant 64 : index
        %parallel_loop3A_629 = tpu.vector_load %arg9[%parallel_loop3A_626, %parallel_loop3A_627, %parallel_loop3A_628] {strides = array<i32>} : memref<4x32x768xf32, #tpu.memory_space<vmem>>, vector<16xf32>,
        tpu.vector_store %arg9[%parallel_loop3A_626, %parallel_loop3A_627, %parallel_loop3A_628], %parallel_loop3A_475 {add = true, strides = array<i32>} : memref<4x32x768xf32, #tpu.memory_space<vmem>>, vector<16xf32>,
        %parallel_loop3A_630 = arith.constant 3 : i32
        %parallel_loop3A_631 = arith.index_cast %parallel_loop3A_630 : i32 to index
        %parallel_loop3A_632 = arith.index_cast %parallel_loop3A_444 : i32 to index
        %parallel_loop3A_633 = arith.constant 80 : index
        %parallel_loop3A_634 = tpu.vector_load %arg9[%parallel_loop3A_631, %parallel_loop3A_632, %parallel_loop3A_633] {strides = array<i32>} : memref<4x32x768xf32, #tpu.memory_space<vmem>>, vector<16xf32>,
        tpu.vector_store %arg9[%parallel_loop3A_631, %parallel_loop3A_632, %parallel_loop3A_633], %parallel_loop3A_478 {add = true, strides = array<i32>} : memref<4x32x768xf32, #tpu.memory_space<vmem>>, vector<16xf32>,
        %parallel_loop3A_635 = arith.constant 3 : i32
        %parallel_loop3A_636 = arith.index_cast %parallel_loop3A_635 : i32 to index
        %parallel_loop3A_637 = arith.index_cast %parallel_loop3A_444 : i32 to index
        %parallel_loop3A_638 = arith.constant 96 : index
        %parallel_loop3A_639 = tpu.vector_load %arg9[%parallel_loop3A_636, %parallel_loop3A_637, %parallel_loop3A_638] {strides = array<i32>} : memref<4x32x768xf32, #tpu.memory_space<vmem>>, vector<16xf32>,
        tpu.vector_store %arg9[%parallel_loop3A_636, %parallel_loop3A_637, %parallel_loop3A_638], %parallel_loop3A_481 {add = true, strides = array<i32>} : memref<4x32x768xf32, #tpu.memory_space<vmem>>, vector<16xf32>,
        %parallel_loop3A_640 = arith.constant 3 : i32
        %parallel_loop3A_641 = arith.index_cast %parallel_loop3A_640 : i32 to index
        %parallel_loop3A_642 = arith.index_cast %parallel_loop3A_444 : i32 to index
        %parallel_loop3A_643 = arith.constant 112 : index
        %parallel_loop3A_644 = tpu.vector_load %arg9[%parallel_loop3A_641, %parallel_loop3A_642, %parallel_loop3A_643] {strides = array<i32>} : memref<4x32x768xf32, #tpu.memory_space<vmem>>, vector<16xf32>,
        tpu.vector_store %arg9[%parallel_loop3A_641, %parallel_loop3A_642, %parallel_loop3A_643], %parallel_loop3A_484 {add = true, strides = array<i32>} : memref<4x32x768xf32, #tpu.memory_space<vmem>>, vector<16xf32>,
        %parallel_loop3A_645 = arith.constant 3 : i32
        %parallel_loop3A_646 = arith.index_cast %parallel_loop3A_645 : i32 to index
        %parallel_loop3A_647 = arith.index_cast %parallel_loop3A_444 : i32 to index
        %parallel_loop3A_648 = arith.constant 128 : index
        %parallel_loop3A_649 = tpu.vector_load %arg9[%parallel_loop3A_646, %parallel_loop3A_647, %parallel_loop3A_648] {strides = array<i32>} : memref<4x32x768xf32, #tpu.memory_space<vmem>>, vector<16xf32>,
        tpu.vector_store %arg9[%parallel_loop3A_646, %parallel_loop3A_647, %parallel_loop3A_648], %parallel_loop3A_487 {add = true, strides = array<i32>} : memref<4x32x768xf32, #tpu.memory_space<vmem>>, vector<16xf32>,
        %parallel_loop3A_650 = arith.constant 3 : i32
        %parallel_loop3A_651 = arith.index_cast %parallel_loop3A_650 : i32 to index
        %parallel_loop3A_652 = arith.index_cast %parallel_loop3A_444 : i32 to index
        %parallel_loop3A_653 = arith.constant 144 : index
        %parallel_loop3A_654 = tpu.vector_load %arg9[%parallel_loop3A_651, %parallel_loop3A_652, %parallel_loop3A_653] {strides = array<i32>} : memref<4x32x768xf32, #tpu.memory_space<vmem>>, vector<16xf32>,
        tpu.vector_store %arg9[%parallel_loop3A_651, %parallel_loop3A_652, %parallel_loop3A_653], %parallel_loop3A_490 {add = true, strides = array<i32>} : memref<4x32x768xf32, #tpu.memory_space<vmem>>, vector<16xf32>,
        %parallel_loop3A_655 = arith.constant 3 : i32
        %parallel_loop3A_656 = arith.index_cast %parallel_loop3A_655 : i32 to index
        %parallel_loop3A_657 = arith.index_cast %parallel_loop3A_444 : i32 to index
        %parallel_loop3A_658 = arith.constant 160 : index
        %parallel_loop3A_659 = tpu.vector_load %arg9[%parallel_loop3A_656, %parallel_loop3A_657, %parallel_loop3A_658] {strides = array<i32>} : memref<4x32x768xf32, #tpu.memory_space<vmem>>, vector<16xf32>,
        tpu.vector_store %arg9[%parallel_loop3A_656, %parallel_loop3A_657, %parallel_loop3A_658], %parallel_loop3A_493 {add = true, strides = array<i32>} : memref<4x32x768xf32, #tpu.memory_space<vmem>>, vector<16xf32>,
        %parallel_loop3A_660 = arith.constant 3 : i32
        %parallel_loop3A_661 = arith.index_cast %parallel_loop3A_660 : i32 to index
        %parallel_loop3A_662 = arith.index_cast %parallel_loop3A_444 : i32 to index
        %parallel_loop3A_663 = arith.constant 176 : index
        %parallel_loop3A_664 = tpu.vector_load %arg9[%parallel_loop3A_661, %parallel_loop3A_662, %parallel_loop3A_663] {strides = array<i32>} : memref<4x32x768xf32, #tpu.memory_space<vmem>>, vector<16xf32>,
        tpu.vector_store %arg9[%parallel_loop3A_661, %parallel_loop3A_662, %parallel_loop3A_663], %parallel_loop3A_496 {add = true, strides = array<i32>} : memref<4x32x768xf32, #tpu.memory_space<vmem>>, vector<16xf32>,
        %parallel_loop3A_665 = arith.constant 3 : i32
        %parallel_loop3A_666 = arith.index_cast %parallel_loop3A_665 : i32 to index
        %parallel_loop3A_667 = arith.index_cast %parallel_loop3A_444 : i32 to index
        %parallel_loop3A_668 = arith.constant 192 : index
        %parallel_loop3A_669 = tpu.vector_load %arg9[%parallel_loop3A_666, %parallel_loop3A_667, %parallel_loop3A_668] {strides = array<i32>} : memref<4x32x768xf32, #tpu.memory_space<vmem>>, vector<16xf32>,
        tpu.vector_store %arg9[%parallel_loop3A_666, %parallel_loop3A_667, %parallel_loop3A_668], %parallel_loop3A_499 {add = true, strides = array<i32>} : memref<4x32x768xf32, #tpu.memory_space<vmem>>, vector<16xf32>,
        %parallel_loop3A_670 = arith.constant 3 : i32
        %parallel_loop3A_671 = arith.index_cast %parallel_loop3A_670 : i32 to index
        %parallel_loop3A_672 = arith.index_cast %parallel_loop3A_444 : i32 to index
        %parallel_loop3A_673 = arith.constant 208 : index
        %parallel_loop3A_674 = tpu.vector_load %arg9[%parallel_loop3A_671, %parallel_loop3A_672, %parallel_loop3A_673] {strides = array<i32>} : memref<4x32x768xf32, #tpu.memory_space<vmem>>, vector<16xf32>,
        tpu.vector_store %arg9[%parallel_loop3A_671, %parallel_loop3A_672, %parallel_loop3A_673], %parallel_loop3A_502 {add = true, strides = array<i32>} : memref<4x32x768xf32, #tpu.memory_space<vmem>>, vector<16xf32>,
        %parallel_loop3A_675 = arith.constant 3 : i32
        %parallel_loop3A_676 = arith.index_cast %parallel_loop3A_675 : i32 to index
        %parallel_loop3A_677 = arith.index_cast %parallel_loop3A_444 : i32 to index
        %parallel_loop3A_678 = arith.constant 224 : index
        %parallel_loop3A_679 = tpu.vector_load %arg9[%parallel_loop3A_676, %parallel_loop3A_677, %parallel_loop3A_678] {strides = array<i32>} : memref<4x32x768xf32, #tpu.memory_space<vmem>>, vector<16xf32>,
        tpu.vector_store %arg9[%parallel_loop3A_676, %parallel_loop3A_677, %parallel_loop3A_678], %parallel_loop3A_505 {add = true, strides = array<i32>} : memref<4x32x768xf32, #tpu.memory_space<vmem>>, vector<16xf32>,
        %parallel_loop3A_680 = arith.constant 3 : i32
        %parallel_loop3A_681 = arith.index_cast %parallel_loop3A_680 : i32 to index
        %parallel_loop3A_682 = arith.index_cast %parallel_loop3A_444 : i32 to index
        %parallel_loop3A_683 = arith.constant 240 : index
        %parallel_loop3A_684 = tpu.vector_load %arg9[%parallel_loop3A_681, %parallel_loop3A_682, %parallel_loop3A_683] {strides = array<i32>} : memref<4x32x768xf32, #tpu.memory_space<vmem>>, vector<16xf32>,
        tpu.vector_store %arg9[%parallel_loop3A_681, %parallel_loop3A_682, %parallel_loop3A_683], %parallel_loop3A_508 {add = true, strides = array<i32>} : memref<4x32x768xf32, #tpu.memory_space<vmem>>, vector<16xf32>,
        %parallel_loop3A_685 = arith.constant 3 : i32
        %parallel_loop3A_686 = arith.index_cast %parallel_loop3A_685 : i32 to index
        %parallel_loop3A_687 = arith.index_cast %parallel_loop3A_444 : i32 to index
        %parallel_loop3A_688 = arith.constant 256 : index
        %parallel_loop3A_689 = tpu.vector_load %arg9[%parallel_loop3A_686, %parallel_loop3A_687, %parallel_loop3A_688] {strides = array<i32>} : memref<4x32x768xf32, #tpu.memory_space<vmem>>, vector<16xf32>,
        tpu.vector_store %arg9[%parallel_loop3A_686, %parallel_loop3A_687, %parallel_loop3A_688], %parallel_loop3A_511 {add = true, strides = array<i32>} : memref<4x32x768xf32, #tpu.memory_space<vmem>>, vector<16xf32>,
        %parallel_loop3A_690 = arith.constant 3 : i32
        %parallel_loop3A_691 = arith.index_cast %parallel_loop3A_690 : i32 to index
        %parallel_loop3A_692 = arith.index_cast %parallel_loop3A_444 : i32 to index
        %parallel_loop3A_693 = arith.constant 272 : index
        %parallel_loop3A_694 = tpu.vector_load %arg9[%parallel_loop3A_691, %parallel_loop3A_692, %parallel_loop3A_693] {strides = array<i32>} : memref<4x32x768xf32, #tpu.memory_space<vmem>>, vector<16xf32>,
        tpu.vector_store %arg9[%parallel_loop3A_691, %parallel_loop3A_692, %parallel_loop3A_693], %parallel_loop3A_514 {add = true, strides = array<i32>} : memref<4x32x768xf32, #tpu.memory_space<vmem>>, vector<16xf32>,
        %parallel_loop3A_695 = arith.constant 3 : i32
        %parallel_loop3A_696 = arith.index_cast %parallel_loop3A_695 : i32 to index
        %parallel_loop3A_697 = arith.index_cast %parallel_loop3A_444 : i32 to index
        %parallel_loop3A_698 = arith.constant 288 : index
        %parallel_loop3A_699 = tpu.vector_load %arg9[%parallel_loop3A_696, %parallel_loop3A_697, %parallel_loop3A_698] {strides = array<i32>} : memref<4x32x768xf32, #tpu.memory_space<vmem>>, vector<16xf32>,
        tpu.vector_store %arg9[%parallel_loop3A_696, %parallel_loop3A_697, %parallel_loop3A_698], %parallel_loop3A_517 {add = true, strides = array<i32>} : memref<4x32x768xf32, #tpu.memory_space<vmem>>, vector<16xf32>,
        %parallel_loop3A_700 = arith.constant 3 : i32
        %parallel_loop3A_701 = arith.index_cast %parallel_loop3A_700 : i32 to index
        %parallel_loop3A_702 = arith.index_cast %parallel_loop3A_444 : i32 to index
        %parallel_loop3A_703 = arith.constant 304 : index
        %parallel_loop3A_704 = tpu.vector_load %arg9[%parallel_loop3A_701, %parallel_loop3A_702, %parallel_loop3A_703] {strides = array<i32>} : memref<4x32x768xf32, #tpu.memory_space<vmem>>, vector<16xf32>,
        tpu.vector_store %arg9[%parallel_loop3A_701, %parallel_loop3A_702, %parallel_loop3A_703], %parallel_loop3A_520 {add = true, strides = array<i32>} : memref<4x32x768xf32, #tpu.memory_space<vmem>>, vector<16xf32>,
        %parallel_loop3A_705 = arith.constant 3 : i32
        %parallel_loop3A_706 = arith.index_cast %parallel_loop3A_705 : i32 to index
        %parallel_loop3A_707 = arith.index_cast %parallel_loop3A_444 : i32 to index
        %parallel_loop3A_708 = arith.constant 320 : index
        %parallel_loop3A_709 = tpu.vector_load %arg9[%parallel_loop3A_706, %parallel_loop3A_707, %parallel_loop3A_708] {strides = array<i32>} : memref<4x32x768xf32, #tpu.memory_space<vmem>>, vector<16xf32>,
        tpu.vector_store %arg9[%parallel_loop3A_706, %parallel_loop3A_707, %parallel_loop3A_708], %parallel_loop3A_523 {add = true, strides = array<i32>} : memref<4x32x768xf32, #tpu.memory_space<vmem>>, vector<16xf32>,
        %parallel_loop3A_710 = arith.constant 3 : i32
        %parallel_loop3A_711 = arith.index_cast %parallel_loop3A_710 : i32 to index
        %parallel_loop3A_712 = arith.index_cast %parallel_loop3A_444 : i32 to index
        %parallel_loop3A_713 = arith.constant 336 : index
        %parallel_loop3A_714 = tpu.vector_load %arg9[%parallel_loop3A_711, %parallel_loop3A_712, %parallel_loop3A_713] {strides = array<i32>} : memref<4x32x768xf32, #tpu.memory_space<vmem>>, vector<16xf32>,
        tpu.vector_store %arg9[%parallel_loop3A_711, %parallel_loop3A_712, %parallel_loop3A_713], %parallel_loop3A_526 {add = true, strides = array<i32>} : memref<4x32x768xf32, #tpu.memory_space<vmem>>, vector<16xf32>,
        %parallel_loop3A_715 = arith.constant 3 : i32
        %parallel_loop3A_716 = arith.index_cast %parallel_loop3A_715 : i32 to index
        %parallel_loop3A_717 = arith.index_cast %parallel_loop3A_444 : i32 to index
        %parallel_loop3A_718 = arith.constant 352 : index
        %parallel_loop3A_719 = tpu.vector_load %arg9[%parallel_loop3A_716, %parallel_loop3A_717, %parallel_loop3A_718] {strides = array<i32>} : memref<4x32x768xf32, #tpu.memory_space<vmem>>, vector<16xf32>,
        tpu.vector_store %arg9[%parallel_loop3A_716, %parallel_loop3A_717, %parallel_loop3A_718], %parallel_loop3A_529 {add = true, strides = array<i32>} : memref<4x32x768xf32, #tpu.memory_space<vmem>>, vector<16xf32>,
        %parallel_loop3A_720 = arith.constant 3 : i32
        %parallel_loop3A_721 = arith.index_cast %parallel_loop3A_720 : i32 to index
        %parallel_loop3A_722 = arith.index_cast %parallel_loop3A_444 : i32 to index
        %parallel_loop3A_723 = arith.constant 368 : index
        %parallel_loop3A_724 = tpu.vector_load %arg9[%parallel_loop3A_721, %parallel_loop3A_722, %parallel_loop3A_723] {strides = array<i32>} : memref<4x32x768xf32, #tpu.memory_space<vmem>>, vector<16xf32>,
        tpu.vector_store %arg9[%parallel_loop3A_721, %parallel_loop3A_722, %parallel_loop3A_723], %parallel_loop3A_532 {add = true, strides = array<i32>} : memref<4x32x768xf32, #tpu.memory_space<vmem>>, vector<16xf32>,
        %parallel_loop3A_725 = arith.constant 3 : i32
        %parallel_loop3A_726 = arith.index_cast %parallel_loop3A_725 : i32 to index
        %parallel_loop3A_727 = arith.index_cast %parallel_loop3A_444 : i32 to index
        %parallel_loop3A_728 = arith.constant 384 : index
        %parallel_loop3A_729 = tpu.vector_load %arg9[%parallel_loop3A_726, %parallel_loop3A_727, %parallel_loop3A_728] {strides = array<i32>} : memref<4x32x768xf32, #tpu.memory_space<vmem>>, vector<16xf32>,
        tpu.vector_store %arg9[%parallel_loop3A_726, %parallel_loop3A_727, %parallel_loop3A_728], %parallel_loop3A_535 {add = true, strides = array<i32>} : memref<4x32x768xf32, #tpu.memory_space<vmem>>, vector<16xf32>,
        %parallel_loop3A_730 = arith.constant 3 : i32
        %parallel_loop3A_731 = arith.index_cast %parallel_loop3A_730 : i32 to index
        %parallel_loop3A_732 = arith.index_cast %parallel_loop3A_444 : i32 to index
        %parallel_loop3A_733 = arith.constant 400 : index
        %parallel_loop3A_734 = tpu.vector_load %arg9[%parallel_loop3A_731, %parallel_loop3A_732, %parallel_loop3A_733] {strides = array<i32>} : memref<4x32x768xf32, #tpu.memory_space<vmem>>, vector<16xf32>,
        tpu.vector_store %arg9[%parallel_loop3A_731, %parallel_loop3A_732, %parallel_loop3A_733], %parallel_loop3A_538 {add = true, strides = array<i32>} : memref<4x32x768xf32, #tpu.memory_space<vmem>>, vector<16xf32>,
        %parallel_loop3A_735 = arith.constant 3 : i32
        %parallel_loop3A_736 = arith.index_cast %parallel_loop3A_735 : i32 to index
        %parallel_loop3A_737 = arith.index_cast %parallel_loop3A_444 : i32 to index
        %parallel_loop3A_738 = arith.constant 416 : index
        %parallel_loop3A_739 = tpu.vector_load %arg9[%parallel_loop3A_736, %parallel_loop3A_737, %parallel_loop3A_738] {strides = array<i32>} : memref<4x32x768xf32, #tpu.memory_space<vmem>>, vector<16xf32>,
        tpu.vector_store %arg9[%parallel_loop3A_736, %parallel_loop3A_737, %parallel_loop3A_738], %parallel_loop3A_541 {add = true, strides = array<i32>} : memref<4x32x768xf32, #tpu.memory_space<vmem>>, vector<16xf32>,
        %parallel_loop3A_740 = arith.constant 3 : i32
        %parallel_loop3A_741 = arith.index_cast %parallel_loop3A_740 : i32 to index
        %parallel_loop3A_742 = arith.index_cast %parallel_loop3A_444 : i32 to index
        %parallel_loop3A_743 = arith.constant 432 : index
        %parallel_loop3A_744 = tpu.vector_load %arg9[%parallel_loop3A_741, %parallel_loop3A_742, %parallel_loop3A_743] {strides = array<i32>} : memref<4x32x768xf32, #tpu.memory_space<vmem>>, vector<16xf32>,
        tpu.vector_store %arg9[%parallel_loop3A_741, %parallel_loop3A_742, %parallel_loop3A_743], %parallel_loop3A_544 {add = true, strides = array<i32>} : memref<4x32x768xf32, #tpu.memory_space<vmem>>, vector<16xf32>,
        %parallel_loop3A_745 = arith.constant 3 : i32
        %parallel_loop3A_746 = arith.index_cast %parallel_loop3A_745 : i32 to index
        %parallel_loop3A_747 = arith.index_cast %parallel_loop3A_444 : i32 to index
        %parallel_loop3A_748 = arith.constant 448 : index
        %parallel_loop3A_749 = tpu.vector_load %arg9[%parallel_loop3A_746, %parallel_loop3A_747, %parallel_loop3A_748] {strides = array<i32>} : memref<4x32x768xf32, #tpu.memory_space<vmem>>, vector<16xf32>,
        tpu.vector_store %arg9[%parallel_loop3A_746, %parallel_loop3A_747, %parallel_loop3A_748], %parallel_loop3A_547 {add = true, strides = array<i32>} : memref<4x32x768xf32, #tpu.memory_space<vmem>>, vector<16xf32>,
        %parallel_loop3A_750 = arith.constant 3 : i32
        %parallel_loop3A_751 = arith.index_cast %parallel_loop3A_750 : i32 to index
        %parallel_loop3A_752 = arith.index_cast %parallel_loop3A_444 : i32 to index
        %parallel_loop3A_753 = arith.constant 464 : index
        %parallel_loop3A_754 = tpu.vector_load %arg9[%parallel_loop3A_751, %parallel_loop3A_752, %parallel_loop3A_753] {strides = array<i32>} : memref<4x32x768xf32, #tpu.memory_space<vmem>>, vector<16xf32>,
        tpu.vector_store %arg9[%parallel_loop3A_751, %parallel_loop3A_752, %parallel_loop3A_753], %parallel_loop3A_550 {add = true, strides = array<i32>} : memref<4x32x768xf32, #tpu.memory_space<vmem>>, vector<16xf32>,
        %parallel_loop3A_755 = arith.constant 3 : i32
        %parallel_loop3A_756 = arith.index_cast %parallel_loop3A_755 : i32 to index
        %parallel_loop3A_757 = arith.index_cast %parallel_loop3A_444 : i32 to index
        %parallel_loop3A_758 = arith.constant 480 : index
        %parallel_loop3A_759 = tpu.vector_load %arg9[%parallel_loop3A_756, %parallel_loop3A_757, %parallel_loop3A_758] {strides = array<i32>} : memref<4x32x768xf32, #tpu.memory_space<vmem>>, vector<16xf32>,
        tpu.vector_store %arg9[%parallel_loop3A_756, %parallel_loop3A_757, %parallel_loop3A_758], %parallel_loop3A_553 {add = true, strides = array<i32>} : memref<4x32x768xf32, #tpu.memory_space<vmem>>, vector<16xf32>,
        %parallel_loop3A_760 = arith.constant 3 : i32
        %parallel_loop3A_761 = arith.index_cast %parallel_loop3A_760 : i32 to index
        %parallel_loop3A_762 = arith.index_cast %parallel_loop3A_444 : i32 to index
        %parallel_loop3A_763 = arith.constant 496 : index
        %parallel_loop3A_764 = tpu.vector_load %arg9[%parallel_loop3A_761, %parallel_loop3A_762, %parallel_loop3A_763] {strides = array<i32>} : memref<4x32x768xf32, #tpu.memory_space<vmem>>, vector<16xf32>,
        tpu.vector_store %arg9[%parallel_loop3A_761, %parallel_loop3A_762, %parallel_loop3A_763], %parallel_loop3A_556 {add = true, strides = array<i32>} : memref<4x32x768xf32, #tpu.memory_space<vmem>>, vector<16xf32>,
        %parallel_loop3A_765 = arith.constant 3 : i32
        %parallel_loop3A_766 = arith.index_cast %parallel_loop3A_765 : i32 to index
        %parallel_loop3A_767 = arith.index_cast %parallel_loop3A_444 : i32 to index
        %parallel_loop3A_768 = arith.constant 512 : index
        %parallel_loop3A_769 = tpu.vector_load %arg9[%parallel_loop3A_766, %parallel_loop3A_767, %parallel_loop3A_768] {strides = array<i32>} : memref<4x32x768xf32, #tpu.memory_space<vmem>>, vector<16xf32>,
        tpu.vector_store %arg9[%parallel_loop3A_766, %parallel_loop3A_767, %parallel_loop3A_768], %parallel_loop3A_559 {add = true, strides = array<i32>} : memref<4x32x768xf32, #tpu.memory_space<vmem>>, vector<16xf32>,
        %parallel_loop3A_770 = arith.constant 3 : i32
        %parallel_loop3A_771 = arith.index_cast %parallel_loop3A_770 : i32 to index
        %parallel_loop3A_772 = arith.index_cast %parallel_loop3A_444 : i32 to index
        %parallel_loop3A_773 = arith.constant 528 : index
        %parallel_loop3A_774 = tpu.vector_load %arg9[%parallel_loop3A_771, %parallel_loop3A_772, %parallel_loop3A_773] {strides = array<i32>} : memref<4x32x768xf32, #tpu.memory_space<vmem>>, vector<16xf32>,
        tpu.vector_store %arg9[%parallel_loop3A_771, %parallel_loop3A_772, %parallel_loop3A_773], %parallel_loop3A_562 {add = true, strides = array<i32>} : memref<4x32x768xf32, #tpu.memory_space<vmem>>, vector<16xf32>,
        %parallel_loop3A_775 = arith.constant 3 : i32
        %parallel_loop3A_776 = arith.index_cast %parallel_loop3A_775 : i32 to index
        %parallel_loop3A_777 = arith.index_cast %parallel_loop3A_444 : i32 to index
        %parallel_loop3A_778 = arith.constant 544 : index
        %parallel_loop3A_779 = tpu.vector_load %arg9[%parallel_loop3A_776, %parallel_loop3A_777, %parallel_loop3A_778] {strides = array<i32>} : memref<4x32x768xf32, #tpu.memory_space<vmem>>, vector<16xf32>,
        tpu.vector_store %arg9[%parallel_loop3A_776, %parallel_loop3A_777, %parallel_loop3A_778], %parallel_loop3A_565 {add = true, strides = array<i32>} : memref<4x32x768xf32, #tpu.memory_space<vmem>>, vector<16xf32>,
        %parallel_loop3A_780 = arith.constant 3 : i32
        %parallel_loop3A_781 = arith.index_cast %parallel_loop3A_780 : i32 to index
        %parallel_loop3A_782 = arith.index_cast %parallel_loop3A_444 : i32 to index
        %parallel_loop3A_783 = arith.constant 560 : index
        %parallel_loop3A_784 = tpu.vector_load %arg9[%parallel_loop3A_781, %parallel_loop3A_782, %parallel_loop3A_783] {strides = array<i32>} : memref<4x32x768xf32, #tpu.memory_space<vmem>>, vector<16xf32>,
        tpu.vector_store %arg9[%parallel_loop3A_781, %parallel_loop3A_782, %parallel_loop3A_783], %parallel_loop3A_568 {add = true, strides = array<i32>} : memref<4x32x768xf32, #tpu.memory_space<vmem>>, vector<16xf32>,
        %parallel_loop3A_785 = arith.constant 3 : i32
        %parallel_loop3A_786 = arith.index_cast %parallel_loop3A_785 : i32 to index
        %parallel_loop3A_787 = arith.index_cast %parallel_loop3A_444 : i32 to index
        %parallel_loop3A_788 = arith.constant 576 : index
        %parallel_loop3A_789 = tpu.vector_load %arg9[%parallel_loop3A_786, %parallel_loop3A_787, %parallel_loop3A_788] {strides = array<i32>} : memref<4x32x768xf32, #tpu.memory_space<vmem>>, vector<16xf32>,
        tpu.vector_store %arg9[%parallel_loop3A_786, %parallel_loop3A_787, %parallel_loop3A_788], %parallel_loop3A_571 {add = true, strides = array<i32>} : memref<4x32x768xf32, #tpu.memory_space<vmem>>, vector<16xf32>,
        %parallel_loop3A_790 = arith.constant 3 : i32
        %parallel_loop3A_791 = arith.index_cast %parallel_loop3A_790 : i32 to index
        %parallel_loop3A_792 = arith.index_cast %parallel_loop3A_444 : i32 to index
        %parallel_loop3A_793 = arith.constant 592 : index
        %parallel_loop3A_794 = tpu.vector_load %arg9[%parallel_loop3A_791, %parallel_loop3A_792, %parallel_loop3A_793] {strides = array<i32>} : memref<4x32x768xf32, #tpu.memory_space<vmem>>, vector<16xf32>,
        tpu.vector_store %arg9[%parallel_loop3A_791, %parallel_loop3A_792, %parallel_loop3A_793], %parallel_loop3A_574 {add = true, strides = array<i32>} : memref<4x32x768xf32, #tpu.memory_space<vmem>>, vector<16xf32>,
        %parallel_loop3A_795 = arith.constant 3 : i32
        %parallel_loop3A_796 = arith.index_cast %parallel_loop3A_795 : i32 to index
        %parallel_loop3A_797 = arith.index_cast %parallel_loop3A_444 : i32 to index
        %parallel_loop3A_798 = arith.constant 608 : index
        %parallel_loop3A_799 = tpu.vector_load %arg9[%parallel_loop3A_796, %parallel_loop3A_797, %parallel_loop3A_798] {strides = array<i32>} : memref<4x32x768xf32, #tpu.memory_space<vmem>>, vector<16xf32>,
        tpu.vector_store %arg9[%parallel_loop3A_796, %parallel_loop3A_797, %parallel_loop3A_798], %parallel_loop3A_577 {add = true, strides = array<i32>} : memref<4x32x768xf32, #tpu.memory_space<vmem>>, vector<16xf32>,
        %parallel_loop3A_800 = arith.constant 3 : i32
        %parallel_loop3A_801 = arith.index_cast %parallel_loop3A_800 : i32 to index
        %parallel_loop3A_802 = arith.index_cast %parallel_loop3A_444 : i32 to index
        %parallel_loop3A_803 = arith.constant 624 : index
        %parallel_loop3A_804 = tpu.vector_load %arg9[%parallel_loop3A_801, %parallel_loop3A_802, %parallel_loop3A_803] {strides = array<i32>} : memref<4x32x768xf32, #tpu.memory_space<vmem>>, vector<16xf32>,
        tpu.vector_store %arg9[%parallel_loop3A_801, %parallel_loop3A_802, %parallel_loop3A_803], %parallel_loop3A_580 {add = true, strides = array<i32>} : memref<4x32x768xf32, #tpu.memory_space<vmem>>, vector<16xf32>,
        %parallel_loop3A_805 = arith.constant 3 : i32
        %parallel_loop3A_806 = arith.index_cast %parallel_loop3A_805 : i32 to index
        %parallel_loop3A_807 = arith.index_cast %parallel_loop3A_444 : i32 to index
        %parallel_loop3A_808 = arith.constant 640 : index
        %parallel_loop3A_809 = tpu.vector_load %arg9[%parallel_loop3A_806, %parallel_loop3A_807, %parallel_loop3A_808] {strides = array<i32>} : memref<4x32x768xf32, #tpu.memory_space<vmem>>, vector<16xf32>,
        tpu.vector_store %arg9[%parallel_loop3A_806, %parallel_loop3A_807, %parallel_loop3A_808], %parallel_loop3A_583 {add = true, strides = array<i32>} : memref<4x32x768xf32, #tpu.memory_space<vmem>>, vector<16xf32>,
        %parallel_loop3A_810 = arith.constant 3 : i32
        %parallel_loop3A_811 = arith.index_cast %parallel_loop3A_810 : i32 to index
        %parallel_loop3A_812 = arith.index_cast %parallel_loop3A_444 : i32 to index
        %parallel_loop3A_813 = arith.constant 656 : index
        %parallel_loop3A_814 = tpu.vector_load %arg9[%parallel_loop3A_811, %parallel_loop3A_812, %parallel_loop3A_813] {strides = array<i32>} : memref<4x32x768xf32, #tpu.memory_space<vmem>>, vector<16xf32>,
        tpu.vector_store %arg9[%parallel_loop3A_811, %parallel_loop3A_812, %parallel_loop3A_813], %parallel_loop3A_586 {add = true, strides = array<i32>} : memref<4x32x768xf32, #tpu.memory_space<vmem>>, vector<16xf32>,
        %parallel_loop3A_815 = arith.constant 3 : i32
        %parallel_loop3A_816 = arith.index_cast %parallel_loop3A_815 : i32 to index
        %parallel_loop3A_817 = arith.index_cast %parallel_loop3A_444 : i32 to index
        %parallel_loop3A_818 = arith.constant 672 : index
        %parallel_loop3A_819 = tpu.vector_load %arg9[%parallel_loop3A_816, %parallel_loop3A_817, %parallel_loop3A_818] {strides = array<i32>} : memref<4x32x768xf32, #tpu.memory_space<vmem>>, vector<16xf32>,
        tpu.vector_store %arg9[%parallel_loop3A_816, %parallel_loop3A_817, %parallel_loop3A_818], %parallel_loop3A_589 {add = true, strides = array<i32>} : memref<4x32x768xf32, #tpu.memory_space<vmem>>, vector<16xf32>,
        %parallel_loop3A_820 = arith.constant 3 : i32
        %parallel_loop3A_821 = arith.index_cast %parallel_loop3A_820 : i32 to index
        %parallel_loop3A_822 = arith.index_cast %parallel_loop3A_444 : i32 to index
        %parallel_loop3A_823 = arith.constant 688 : index
        %parallel_loop3A_824 = tpu.vector_load %arg9[%parallel_loop3A_821, %parallel_loop3A_822, %parallel_loop3A_823] {strides = array<i32>} : memref<4x32x768xf32, #tpu.memory_space<vmem>>, vector<16xf32>,
        tpu.vector_store %arg9[%parallel_loop3A_821, %parallel_loop3A_822, %parallel_loop3A_823], %parallel_loop3A_592 {add = true, strides = array<i32>} : memref<4x32x768xf32, #tpu.memory_space<vmem>>, vector<16xf32>,
        %parallel_loop3A_825 = arith.constant 3 : i32
        %parallel_loop3A_826 = arith.index_cast %parallel_loop3A_825 : i32 to index
        %parallel_loop3A_827 = arith.index_cast %parallel_loop3A_444 : i32 to index
        %parallel_loop3A_828 = arith.constant 704 : index
        %parallel_loop3A_829 = tpu.vector_load %arg9[%parallel_loop3A_826, %parallel_loop3A_827, %parallel_loop3A_828] {strides = array<i32>} : memref<4x32x768xf32, #tpu.memory_space<vmem>>, vector<16xf32>,
        tpu.vector_store %arg9[%parallel_loop3A_826, %parallel_loop3A_827, %parallel_loop3A_828], %parallel_loop3A_595 {add = true, strides = array<i32>} : memref<4x32x768xf32, #tpu.memory_space<vmem>>, vector<16xf32>,
        %parallel_loop3A_830 = arith.constant 3 : i32
        %parallel_loop3A_831 = arith.index_cast %parallel_loop3A_830 : i32 to index
        %parallel_loop3A_832 = arith.index_cast %parallel_loop3A_444 : i32 to index
        %parallel_loop3A_833 = arith.constant 720 : index
        %parallel_loop3A_834 = tpu.vector_load %arg9[%parallel_loop3A_831, %parallel_loop3A_832, %parallel_loop3A_833] {strides = array<i32>} : memref<4x32x768xf32, #tpu.memory_space<vmem>>, vector<16xf32>,
        tpu.vector_store %arg9[%parallel_loop3A_831, %parallel_loop3A_832, %parallel_loop3A_833], %parallel_loop3A_598 {add = true, strides = array<i32>} : memref<4x32x768xf32, #tpu.memory_space<vmem>>, vector<16xf32>,
        %parallel_loop3A_835 = arith.constant 3 : i32
        %parallel_loop3A_836 = arith.index_cast %parallel_loop3A_835 : i32 to index
        %parallel_loop3A_837 = arith.index_cast %parallel_loop3A_444 : i32 to index
        %parallel_loop3A_838 = arith.constant 736 : index
        %parallel_loop3A_839 = tpu.vector_load %arg9[%parallel_loop3A_836, %parallel_loop3A_837, %parallel_loop3A_838] {strides = array<i32>} : memref<4x32x768xf32, #tpu.memory_space<vmem>>, vector<16xf32>,
        tpu.vector_store %arg9[%parallel_loop3A_836, %parallel_loop3A_837, %parallel_loop3A_838], %parallel_loop3A_601 {add = true, strides = array<i32>} : memref<4x32x768xf32, #tpu.memory_space<vmem>>, vector<16xf32>,
        %parallel_loop3A_840 = arith.constant 3 : i32
        %parallel_loop3A_841 = arith.index_cast %parallel_loop3A_840 : i32 to index
        %parallel_loop3A_842 = arith.index_cast %parallel_loop3A_444 : i32 to index
        %parallel_loop3A_843 = arith.constant 752 : index
        %parallel_loop3A_844 = tpu.vector_load %arg9[%parallel_loop3A_841, %parallel_loop3A_842, %parallel_loop3A_843] {strides = array<i32>} : memref<4x32x768xf32, #tpu.memory_space<vmem>>, vector<16xf32>,
        tpu.vector_store %arg9[%parallel_loop3A_841, %parallel_loop3A_842, %parallel_loop3A_843], %parallel_loop3A_604 {add = true, strides = array<i32>} : memref<4x32x768xf32, #tpu.memory_space<vmem>>, vector<16xf32>,
      } {sc.loop_unroll_factor = 1 : i64, sc.parallel_access}
      %ge3A_417 = arith.constant 1 : i32
      %ge3A_418 = arith.cmpi sge, %add3A_371, %ge3A_417 : i32
      %convert_element_type3A_419 = arith.extui %ge3A_418 : i1 to i32
      %cond3A_420 = arith.constant 0 : i32
      %cond3A_421 = arith.cmpi ne, %convert_element_type3A_419, %cond3A_420 : i32
      scf.if %cond3A_421 {
        %sub3A_444 = arith.constant 32 : i32
        %sub3A_445 = arith.subi %add3A_374, %sub3A_444 : i32
        %dma_wait3A_446 = arith.constant 2 : i32
        %dma_wait3A_447 = arith.constant 0 : i32
        %dma_wait3A_448 = arith.constant 0 : i32
        %dma_wait3A_449 = tpu.memref_slice %arg9[%dma_wait3A_446, %dma_wait3A_447, %dma_wait3A_448] : memref<4x32x768xf32, #tpu.memory_space<vmem>> -> memref<1x32x768xf32, #tpu.memory_space<vmem>>
        %dma_wait3A_450 = tpu.memref_squeeze %dma_wait3A_449 : memref<1x32x768xf32, #tpu.memory_space<vmem>> -> memref<32x768xf32, #tpu.memory_space<vmem>>
        %dma_wait3A_451 = arith.constant 0 : i32
        %dma_wait3A_452 = tpu.memref_slice %arg7[%sub3A_445, %dma_wait3A_451] : memref<16384x768xf32, #tpu.memory_space<hbm>> -> memref<32x768xf32, #tpu.memory_space<hbm>>
        %dma_wait3A_453 = arith.constant 0 : i32
        %dma_wait3A_454 = tpu.memref_slice %arg7[%sub3A_445, %dma_wait3A_453] : memref<16384x768xf32, #tpu.memory_space<hbm>> -> memref<32x768xf32, #tpu.memory_space<hbm>>
        %dma_wait3A_455 = arith.constant 0 : i32
        %dma_wait3A_456 = arith.constant 0 : i32
        %dma_wait3A_457 = tpu.memref_slice %arg9[%dma_wait3A_446, %dma_wait3A_455, %dma_wait3A_456] : memref<4x32x768xf32, #tpu.memory_space<vmem>> -> memref<1x32x768xf32, #tpu.memory_space<vmem>>
        %dma_wait3A_458 = tpu.memref_squeeze %dma_wait3A_457 : memref<1x32x768xf32, #tpu.memory_space<vmem>> -> memref<32x768xf32, #tpu.memory_space<vmem>>
        tpu.wait_dma2 semaphore(%arg17 : memref<!tpu.dma_semaphore, #tpu.memory_space<semaphore_mem>>) src(%dma_wait3A_458 : memref<32x768xf32, #tpu.memory_space<vmem>>) dst(%dma_wait3A_454 : memref<32x768xf32, #tpu.memory_space<hbm>>)
      } else {
      }
      %add3A_422 = arith.constant 4 : i32
      %add3A_423 = arith.addi %add3A_371, %add3A_422 : i32
      %sub3A_424 = arith.constant 1 : i32
      %sub3A_425 = arith.subi %add3A_423, %sub3A_424 : i32
      %lt3A_426 = arith.constant 16 : i32
      %lt3A_427 = arith.cmpi slt, %sub3A_425, %lt3A_426 : i32
      %convert_element_type3A_428 = arith.extui %lt3A_427 : i1 to i32
      %cond3A_429 = arith.constant 0 : i32
      %cond3A_430 = arith.cmpi ne, %convert_element_type3A_428, %cond3A_429 : i32
      scf.if %cond3A_430 {
        %add3A_444 = arith.constant 96 : i32
        %add3A_445 = arith.addi %add3A_374, %add3A_444 : i32
        %dma_start3A_446 = arith.constant 2 : i32
        %dma_start3A_447 = arith.constant 0 : i32
        %dma_start3A_448 = arith.constant 0 : i32
        %dma_start3A_449 = tpu.memref_slice %arg9[%dma_start3A_446, %dma_start3A_447, %dma_start3A_448] : memref<4x32x768xf32, #tpu.memory_space<vmem>> -> memref<1x32x256xf32, #tpu.memory_space<vmem>>
        %dma_start3A_450 = tpu.memref_squeeze %dma_start3A_449 : memref<1x32x256xf32, #tpu.memory_space<vmem>> -> memref<32x256xf32, #tpu.memory_space<vmem>>
        %dma_start3A_451 = arith.constant 0 : i32
        %dma_start3A_452 = tpu.memref_slice %arg2[%add3A_445, %dma_start3A_451] : memref<16384x256xf32, #tpu.memory_space<hbm>> -> memref<32x256xf32, #tpu.memory_space<hbm>>
        %dma_start3A_453 = arith.constant 0 : i32
        %dma_start3A_454 = arith.constant 0 : i32
        %dma_start3A_455 = tpu.memref_slice %arg9[%dma_start3A_446, %dma_start3A_453, %dma_start3A_454] : memref<4x32x768xf32, #tpu.memory_space<vmem>> -> memref<1x32x256xf32, #tpu.memory_space<vmem>>
        %dma_start3A_456 = tpu.memref_squeeze %dma_start3A_455 : memref<1x32x256xf32, #tpu.memory_space<vmem>> -> memref<32x256xf32, #tpu.memory_space<vmem>>
        %dma_start3A_457 = arith.constant 0 : i32
        %dma_start3A_458 = tpu.memref_slice %arg2[%add3A_445, %dma_start3A_457] : memref<16384x256xf32, #tpu.memory_space<hbm>> -> memref<32x256xf32, #tpu.memory_space<hbm>>
        tpu.enqueue_dma source(%dma_start3A_458 : memref<32x256xf32, #tpu.memory_space<hbm>>) target(%dma_start3A_456 : memref<32x256xf32, #tpu.memory_space<vmem>>) target_semaphore(%arg13 : memref<!tpu.dma_semaphore, #tpu.memory_space<semaphore_mem>>)
        %dma_start3A_459 = arith.constant 2 : i32
        %dma_start3A_460 = arith.constant 0 : i32
        %dma_start3A_461 = arith.constant 256 : i32
        %dma_start3A_462 = tpu.memref_slice %arg9[%dma_start3A_459, %dma_start3A_460, %dma_start3A_461] : memref<4x32x768xf32, #tpu.memory_space<vmem>> -> memref<1x32x256xf32, #tpu.memory_space<vmem>>
        %dma_start3A_463 = tpu.memref_squeeze %dma_start3A_462 : memref<1x32x256xf32, #tpu.memory_space<vmem>> -> memref<32x256xf32, #tpu.memory_space<vmem>>
        %dma_start3A_464 = arith.constant 0 : i32
        %dma_start3A_465 = tpu.memref_slice %arg3[%add3A_445, %dma_start3A_464] : memref<16384x256xf32, #tpu.memory_space<hbm>> -> memref<32x256xf32, #tpu.memory_space<hbm>>
        %dma_start3A_466 = arith.constant 0 : i32
        %dma_start3A_467 = arith.constant 256 : i32
        %dma_start3A_468 = tpu.memref_slice %arg9[%dma_start3A_459, %dma_start3A_466, %dma_start3A_467] : memref<4x32x768xf32, #tpu.memory_space<vmem>> -> memref<1x32x256xf32, #tpu.memory_space<vmem>>
        %dma_start3A_469 = tpu.memref_squeeze %dma_start3A_468 : memref<1x32x256xf32, #tpu.memory_space<vmem>> -> memref<32x256xf32, #tpu.memory_space<vmem>>
        %dma_start3A_470 = arith.constant 0 : i32
        %dma_start3A_471 = tpu.memref_slice %arg3[%add3A_445, %dma_start3A_470] : memref<16384x256xf32, #tpu.memory_space<hbm>> -> memref<32x256xf32, #tpu.memory_space<hbm>>
        tpu.enqueue_dma source(%dma_start3A_471 : memref<32x256xf32, #tpu.memory_space<hbm>>) target(%dma_start3A_469 : memref<32x256xf32, #tpu.memory_space<vmem>>) target_semaphore(%arg13 : memref<!tpu.dma_semaphore, #tpu.memory_space<semaphore_mem>>)
        %dma_start3A_472 = arith.constant 2 : i32
        %dma_start3A_473 = arith.constant 0 : i32
        %dma_start3A_474 = arith.constant 512 : i32
        %dma_start3A_475 = tpu.memref_slice %arg9[%dma_start3A_472, %dma_start3A_473, %dma_start3A_474] : memref<4x32x768xf32, #tpu.memory_space<vmem>> -> memref<1x32x256xf32, #tpu.memory_space<vmem>>
        %dma_start3A_476 = tpu.memref_squeeze %dma_start3A_475 : memref<1x32x256xf32, #tpu.memory_space<vmem>> -> memref<32x256xf32, #tpu.memory_space<vmem>>
        %dma_start3A_477 = arith.constant 0 : i32
        %dma_start3A_478 = tpu.memref_slice %arg4[%add3A_445, %dma_start3A_477] : memref<16384x256xf32, #tpu.memory_space<hbm>> -> memref<32x256xf32, #tpu.memory_space<hbm>>
        %dma_start3A_479 = arith.constant 0 : i32
        %dma_start3A_480 = arith.constant 512 : i32
        %dma_start3A_481 = tpu.memref_slice %arg9[%dma_start3A_472, %dma_start3A_479, %dma_start3A_480] : memref<4x32x768xf32, #tpu.memory_space<vmem>> -> memref<1x32x256xf32, #tpu.memory_space<vmem>>
        %dma_start3A_482 = tpu.memref_squeeze %dma_start3A_481 : memref<1x32x256xf32, #tpu.memory_space<vmem>> -> memref<32x256xf32, #tpu.memory_space<vmem>>
        %dma_start3A_483 = arith.constant 0 : i32
        %dma_start3A_484 = tpu.memref_slice %arg4[%add3A_445, %dma_start3A_483] : memref<16384x256xf32, #tpu.memory_space<hbm>> -> memref<32x256xf32, #tpu.memory_space<hbm>>
        tpu.enqueue_dma source(%dma_start3A_484 : memref<32x256xf32, #tpu.memory_space<hbm>>) target(%dma_start3A_482 : memref<32x256xf32, #tpu.memory_space<vmem>>) target_semaphore(%arg13 : memref<!tpu.dma_semaphore, #tpu.memory_space<semaphore_mem>>)
      } else {
      }
      %dma_start3A_431 = arith.constant 3 : i32
      %dma_start3A_432 = arith.constant 0 : i32
      %dma_start3A_433 = arith.constant 0 : i32
      %dma_start3A_434 = tpu.memref_slice %arg9[%dma_start3A_431, %dma_start3A_432, %dma_start3A_433] : memref<4x32x768xf32, #tpu.memory_space<vmem>> -> memref<1x32x768xf32, #tpu.memory_space<vmem>>
      %dma_start3A_435 = tpu.memref_squeeze %dma_start3A_434 : memref<1x32x768xf32, #tpu.memory_space<vmem>> -> memref<32x768xf32, #tpu.memory_space<vmem>>
      %dma_start3A_436 = arith.constant 0 : i32
      %dma_start3A_437 = tpu.memref_slice %arg7[%add3A_374, %dma_start3A_436] : memref<16384x768xf32, #tpu.memory_space<hbm>> -> memref<32x768xf32, #tpu.memory_space<hbm>>
      %dma_start3A_438 = arith.constant 0 : i32
      %dma_start3A_439 = tpu.memref_slice %arg7[%add3A_374, %dma_start3A_438] : memref<16384x768xf32, #tpu.memory_space<hbm>> -> memref<32x768xf32, #tpu.memory_space<hbm>>
      %dma_start3A_440 = arith.constant 0 : i32
      %dma_start3A_441 = arith.constant 0 : i32
      %dma_start3A_442 = tpu.memref_slice %arg9[%dma_start3A_431, %dma_start3A_440, %dma_start3A_441] : memref<4x32x768xf32, #tpu.memory_space<vmem>> -> memref<1x32x768xf32, #tpu.memory_space<vmem>>
      %dma_start3A_443 = tpu.memref_squeeze %dma_start3A_442 : memref<1x32x768xf32, #tpu.memory_space<vmem>> -> memref<32x768xf32, #tpu.memory_space<vmem>>
      tpu.enqueue_dma source(%dma_start3A_443 : memref<32x768xf32, #tpu.memory_space<vmem>>) target(%dma_start3A_439 : memref<32x768xf32, #tpu.memory_space<hbm>>) target_semaphore(%arg18 : memref<!tpu.dma_semaphore, #tpu.memory_space<semaphore_mem>>)
    }
    %scan3A_130 = arith.constant 4 : i32
    %add3A_131 = arith.constant 480 : i32
    %add3A_132 = arith.addi %mul3A_2, %add3A_131 : i32
    %dma_wait3A = arith.constant 3 : i32
    %dma_wait3A_133 = arith.constant 0 : i32
    %dma_wait3A_134 = arith.constant 0 : i32
    %dma_wait3A_135 = tpu.memref_slice %arg9[%dma_wait3A, %dma_wait3A_133, %dma_wait3A_134] : memref<4x32x768xf32, #tpu.memory_space<vmem>> -> memref<1x32x768xf32, #tpu.memory_space<vmem>>
    %dma_wait3A_136 = tpu.memref_squeeze %dma_wait3A_135 : memref<1x32x768xf32, #tpu.memory_space<vmem>> -> memref<32x768xf32, #tpu.memory_space<vmem>>
    %dma_wait3A_137 = arith.constant 0 : i32
    %dma_wait3A_138 = tpu.memref_slice %arg7[%add3A_132, %dma_wait3A_137] : memref<16384x768xf32, #tpu.memory_space<hbm>> -> memref<32x768xf32, #tpu.memory_space<hbm>>
    %dma_wait3A_139 = arith.constant 0 : i32
    %dma_wait3A_140 = tpu.memref_slice %arg7[%add3A_132, %dma_wait3A_139] : memref<16384x768xf32, #tpu.memory_space<hbm>> -> memref<32x768xf32, #tpu.memory_space<hbm>>
    %dma_wait3A_141 = arith.constant 0 : i32
    %dma_wait3A_142 = arith.constant 0 : i32
    %dma_wait3A_143 = tpu.memref_slice %arg9[%dma_wait3A, %dma_wait3A_141, %dma_wait3A_142] : memref<4x32x768xf32, #tpu.memory_space<vmem>> -> memref<1x32x768xf32, #tpu.memory_space<vmem>>
    %dma_wait3A_144 = tpu.memref_squeeze %dma_wait3A_143 : memref<1x32x768xf32, #tpu.memory_space<vmem>> -> memref<32x768xf32, #tpu.memory_space<vmem>>
    tpu.wait_dma2 semaphore(%arg18 : memref<!tpu.dma_semaphore, #tpu.memory_space<semaphore_mem>>) src(%dma_wait3A_144 : memref<32x768xf32, #tpu.memory_space<vmem>>) dst(%dma_wait3A_140 : memref<32x768xf32, #tpu.memory_space<hbm>>)
    return
  }
}

</mosaic_0001>

<sc_bundles>
// kernel: kernel.3.cloned.1.call-start
scs
__scs_entry_jumppad:
0x0: {  	(pc) =	sbr.rel $0x88, $3  }
0x1: {  	(tag) =	ssettag $0x0;
	lr =	simm.s32 $0x1  }
0x2: {  	[smem:$0x3F9C] =	sst lr;
	_ =	strace $0xD0000000  }
0x3: {  	_ = 	snop  }
0x4: {  	_ = 	snop  }
0x5: {  	_ = 	snop  }
0x6: {  	_ = 	snop  }
0x7: {  	_ = 	snop  }
__scs_overlays_trampoline_lowered:
0x8: {  	[smem:$0x3FAB] =	sst s0  }
0x9: {  	[smem:$0x3FAC] =	sst s1  }
0xa: {  	[smem:$0x3FAD] =	sst s2  }
0xb: {  	[smem:$0x3FAE] =	sst s3  }
0xc: {  	[smem:$0x3FAF] =	sst s4  }
0xd: {  	[smem:$0x3FB0] =	sst s5  }
0xe: {  	[smem:$0x3FB1] =	sst s6  }
0xf: {  	[smem:$0x3FB2] =	sst s7  }
0x10: {  	[smem:$0x3FB3] =	sst s8  }
0x11: {  	[smem:$0x3FB4] =	sst s9;
	s0 =	simm.s32 @!p0 $0x0  }
0x12: {  	s1 =	sld [smem:$0x3F9A];
	s0 =	simm.s32 @p0 $0x1  }
0x13: {  	[smem:$0x3FB5] =	sst s0;
	s0 =	simm.s32 @!p1 $0x0  }
0x14: {  	s2 =	sld [smem:$0x3F99];
	s0 =	simm.s32 @p1 $0x1  }
0x15: {  	[smem:$0x3FB6] =	sst s0;
	s0 =	simm.s32 @!p2 $0x0  }
0x16: {  	s3 =	sld [smem:$0x3FDB];
	s0 =	simm.s32 @p2 $0x1  }
0x17: {  	s4 =	simm.s32 $0x1BF5;
	[smem:$0x3FB8] =	sst s0  }
0x18: {  	s0 =	sld [smem:$0x3F9B];
	_ =	swait.ge [sflag:s4], $0x0  }
0x19: {  	s7 =	sld [smem:$0x3F9C]  }
0x1a: {  	s8 =	sadd.s32 $0xFFFFE003, lr  }
0x1b: {  	s9 =	sadd.s32 $0xFFFFFEF7, lr;
	s5 =	simm.s32 $0xFFFFFFFF;
	p2 =	slt.u32 s8, $0xFFFFF086  }
0x1c: {  	p1 =	slt.u32 s9, $0xF7A;
	s5 =	simm.s32 @!p2 $0x0  }
0x1d: {  	s5 =	simm.s32 @p1 $0x1;
	p0 =	seq.s32 s7, s2  }
0x1e: {  	s7 =	smul.u32 @!p0 $0xF7A, s2;
	p2 =	seq.s32 @!p0 s5, $0x0  }
0x1f: {  	s9 =	smul.u32 $0xF7A, s1;
	s8 =	simm.s32 @!p0 $0x1BF5;
	p2 =	por !p2, p0  }
0x20: {  	[sflag:s8] =	ssyncset.s32 @!p0 $0xFFFFF086;
	s6 =	sadd.s32 @!p0 s3, s7;
	s7 =	simm.s32 @!p0 $0x108  }
0x21: {  	s3 =	sadd.s32 s3, s9;
	s6 =	sadd.s32 @!p0 $0x88, s6;
	s7 =	simm.s32 @p2 $0x1082  }
0x22: {  	[simem:s7], [sflag:s8] =	dma.local @!p0 [hbm:s6], $0xF7A  }
0x23: {  	s9 =	sor.u32 $0xD0000000, s2;
	s6 =	simm.s32 $0x108;
	_ =	swait.ge @!p0 [sflag:s8], $0x0  }
0x24: {  	s3 =	sadd.s32 $0x88, s3;
	s6 =	simm.s32 @!p1 $0x1082;
	[sflag:s4] =	ssyncset.s32 $0xFFFFF086  }
0x25: {  	[simem:s6], [sflag:s4] =	dma.local [hbm:s3], $0xF7A  }
0x26: {  	[smem:$0x3F9C] =	sst s1;
	(tag) =	ssettag s2;
	_ =	strace s9  }
0x27: {  	s1 =	sld [smem:$0x3FAC]  }
0x28: {  	s2 =	sld [smem:$0x3FAD]  }
0x29: {  	s4 =	sld [smem:$0x3FAF]  }
0x2a: {  	p0 =	seq.s32 s5, $0x0;
	s5 =	sld [smem:$0x3FB0]  }
0x2b: {  	s6 =	sld [smem:$0x3FB1]  }
0x2c: {  	s7 =	sld [smem:$0x3FB2]  }
0x2d: {  	s3 =	simm.s32 $0x108;
	s8 =	sld [smem:$0x3FB3]  }
0x2e: {  	s3 =	simm.s32 @!p0 $0x1082;
	s9 =	sld [smem:$0x3FB4]  }
0x2f: {  	lr =	sadd.s32 s0, s3;
	s0 =	sld [smem:$0x3FAB]  }
0x30: {  	s3 =	sld [smem:$0x3FAE]  }
0x31: {  	[smem:$0x3FB7] =	sst s10  }
0x32: {  	s10 =	sld [smem:$0x3FB5];
	_ =	sdelay $0x3  }
0x33: {  	p0 =	seq.s32 s10, $0x1;
	s10 =	sld [smem:$0x3FB7];
	_ =	sdelay $0x3  }
0x34: {  	[smem:$0x3FB7] =	sst s10  }
0x35: {  	s10 =	sld [smem:$0x3FB6];
	_ =	sdelay $0x3  }
0x36: {  	p1 =	seq.s32 s10, $0x1;
	s10 =	sld [smem:$0x3FB7];
	_ =	sdelay $0x3  }
0x37: {  	[smem:$0x3FB7] =	sst s10  }
0x38: {  	s10 =	sld [smem:$0x3FB8]  }
0x39: {  	_ = 	snop;
	(pc) =	sbr.ind lr, $3  }
0x3a: {  	_ = 	snop  }
0x3b: {  	_ = 	snop  }
0x3c: {  	p2 =	seq.s32 s10, $0x1;
	s10 =	sld [smem:$0x3FB7]  }
0x3d: {  	_ =	shalt  }
0x3e: {  	_ =	shalt  }
0x3f: {  	_ =	shalt  }
0x40: {  	_ =	shalt  }
0x41: {  	_ =	shalt  }
0x42: {  	_ =	shalt  }
0x43: {  	_ =	shalt  }
0x44: {  	_ =	shalt  }
0x45: {  	_ =	shalt  }
0x46: {  	_ =	shalt  }
0x47: {  	_ =	shalt  }
0x48: {  	_ =	shalt  }
0x49: {  	_ =	shalt  }
0x4a: {  	_ =	shalt  }
0x4b: {  	_ =	shalt  }
0x4c: {  	_ =	shalt  }
0x4d: {  	_ =	shalt  }
0x4e: {  	_ =	shalt  }
0x4f: {  	_ =	shalt  }
0x50: {  	_ =	shalt  }
0x51: {  	_ =	shalt  }
0x52: {  	_ =	shalt  }
0x53: {  	_ =	shalt  }
0x54: {  	_ =	shalt  }
0x55: {  	_ =	shalt  }
0x56: {  	_ =	shalt  }
0x57: {  	_ =	shalt  }
0x58: {  	_ =	shalt  }
0x59: {  	_ =	shalt  }
0x5a: {  	_ =	shalt  }
0x5b: {  	_ =	shalt  }
0x5c: {  	_ =	shalt  }
0x5d: {  	_ =	shalt  }
0x5e: {  	_ =	shalt  }
0x5f: {  	_ =	shalt  }
0x60: {  	_ =	shalt  }
0x61: {  	_ =	shalt  }
0x62: {  	_ =	shalt  }
0x63: {  	_ =	shalt  }
0x64: {  	_ =	shalt  }
0x65: {  	_ =	shalt  }
0x66: {  	_ =	shalt  }
0x67: {  	_ =	shalt  }
0x68: {  	_ =	shalt  }
0x69: {  	_ =	shalt  }
0x6a: {  	_ =	shalt  }
0x6b: {  	_ =	shalt  }
0x6c: {  	_ =	shalt  }
0x6d: {  	_ =	shalt  }
0x6e: {  	_ =	shalt  }
0x6f: {  	_ =	shalt  }
0x70: {  	_ =	shalt  }
0x71: {  	_ =	shalt  }
0x72: {  	_ =	shalt  }
0x73: {  	_ =	shalt  }
0x74: {  	_ =	shalt  }
0x75: {  	_ =	shalt  }
0x76: {  	_ =	shalt  }
0x77: {  	_ =	shalt  }
0x78: {  	_ =	shalt  }
0x79: {  	_ =	shalt  }
0x7a: {  	_ =	shalt  }
0x7b: {  	_ =	shalt  }
0x7c: {  	_ =	shalt  }
0x7d: {  	_ =	shalt  }
0x7e: {  	_ =	shalt  }
0x7f: {  	_ =	shalt  }
0x80: {  	_ =	shalt  }
0x81: {  	_ =	shalt  }
0x82: {  	_ =	shalt  }
0x83: {  	_ =	shalt  }
0x84: {  	_ =	shalt  }
0x85: {  	_ =	shalt  }
0x86: {  	_ =	shalt  }
0x87: {  	_ =	shalt  }
.Lfunc_end0:
.L_simem_size_0:
called_computation_lowered:
.L_overlay_start_0:
0x88: {  	s2 =	sld [smem:$0x3FD9]  }
0x89: {  	s3 =	sld [smem:$0x3FFE];
	_ =	sdelay $0x1  }
0x8a: {  	s1 =	srdreg.scid  }
0x8b: {  	s0 =	sand.u32 $0x1, s1  }
0x8c: {  	s18 =	sshll.u32 s0, $0xA;
	s2 =	sadd.s32 s3, s2  }
0x8d: {  	s2 =	sadd.s32 s2, s18  }
0x8e: {  	[smem:$0x3FC3] =	sst s2  }
0x8f: {  	_ = 	snop  }
0x90: {  	s2 =	sld [smem:$0x3FC9]  }
0x91: {  	s19 =	sld [smem:$0x3FC8]  }
0x92: {  	s4 =	sld [smem:$0x3FC7]  }
0x93: {  	s5 =	sld [smem:$0x3FC6]  }
0x94: {  	s6 =	sld [smem:$0x3FC5]  }
0x95: {  	s7 =	sld [smem:$0x3FD0];
	(tm) =	ssettm $0x1  }
0x96: {  	s8 =	sld [smem:$0x3FFB];
	_ =	sdelay $0x3  }
0x97: {  	_ =	strace s8  }
0x98: {  	s8 =	sld [smem:$0x3FFC];
	_ =	sdelay $0x3  }
0x99: {  	_ =	strace s8  }
0x9a: {  	s8 =	sld [smem:$0x3FFD];
	_ =	sdelay $0x3  }
0x9b: {  	_ =	strace s8  }
0x9c: {  	_ =	strace $0x8FFFFFFF  }
0x9d: {  	s20 =	sld [smem:$0x3FDB];
	_ =	sdelay $0x1  }
0x9e: {  	s9 =	simm.s32 $_scs_section_size  }
0x9f: {  	s10 =	simm.s32 $_size__tile_overlayer_lowered;
	s11 =	simm.s32 $_tile_overlayer_lowered  }
0xa0: {  	s23 =	simm.s32 $0x1BFF;
	s22 =	sshll.u32 s11, $0x1;
	s8 =	sadd.s32 s9, s20  }
0xa1: {  	s12 =	simm.s32 $0x0;
	s21 =	sshll.u32 s10, $0x1;
	s10 =	sadd.s32 s22, s8  }
0xa2: {  	[timem:s12], [sflag:s23] =	dma.local [hbm:s10], s21  }
0xa3: {  	_ =	swait.ge [sflag:s23], s21  }
0xa4: {  	s9 =	ssub.s32 $0x0, s21;
	[sflag:s23] =	ssyncset.done $0x0  }
0xa5: {  	[sflag:s23] =	ssyncadd.s32 s9;
	_ =	sdelay $0x1  }
0xa6: {  	s24 =	simm.s32 $0x1B8B  }
0xa7: {  	_ =	swait.ge [sflag:s24], $0x1  }
0xa8: {  	[sflag:s24] =	ssyncset.done $0x0  }
0xa9: {  	s25 =	simm.s32 $0x1B8E;
	[sflag:s24] =	ssyncadd.s32 $0xFFFFFFFF  }
0xaa: {  	s26 =	simm.s32 $execute0_lowered;
	[smem:$0x3FD2] =	sst s25  }
0xab: {  	s9 =	sshll.u32 s26, $0x1;
	_ =	strace $0x80000046;
	[dreg:$0x1] =	wrdreg $0xFFFFFFFF  }
0xac: {  	s28 =	simm.s32 $_size_execute0_lowered;
	s8 =	sadd.s32 s8, s9;
	[dreg:$0x0] =	wrdreg $0x0  }
0xad: {  	s9 =	sshll.u32 s28, $0x1;
	[dreg:$0x2] =	wrdreg s8  }
0xae: {  	[dreg:$0x3] =	wrdreg s9  }
0xaf: {  	[dreg:$0x4] =	wrdreg $0xC0  }
0xb0: {  	_ =	task [dreg:s12], $0x5FFFF  }
0xb1: {  	[dreg:$0x1] =	wrdreg $0xFFFFFFFF  }
0xb2: {  	[dreg:$0x0] =	wrdreg $0x60  }
0xb3: {  	[dreg:$0x2] =	wrdreg s2  }
0xb4: {  	[dreg:$0x3] =	wrdreg s19  }
0xb5: {  	[dreg:$0x4] =	wrdreg s4  }
0xb6: {  	[dreg:$0x5] =	wrdreg s5  }
0xb7: {  	[dreg:$0x6] =	wrdreg s6  }
0xb8: {  	[dreg:$0x7] =	wrdreg s7  }
0xb9: {  	[dreg:$0x8] =	wrdreg $0x9  }
0xba: {  	_ =	task.clear_ibuf [dreg:s12], $0x9FFFF;
	_ =	strace $0x90000046  }
0xbb: {  	s29 =	simm.s32 $0x9;
	_ =	strace $0x80000048  }
0xbc: {  	_ =	swait.ge [sflag:s29], $0x1  }
0xbd: {  	[sflag:s29] =	ssyncadd.s32 $0xFFFFFFFF  }
0xbe: {  	_ =	strace $0x90000048  }
0xbf: {  	_ =	sfence  }
0xc0: {  	s30 =	sld [smem:$0x0];
	_ =	sdelay $0x2  }
0xc1: {  	s31 =	sshll.u32 s1, $0xD;
	s1 =	sshrl.u32 s1, $0x2  }
0xc2: {  	s3 =	sand.u32 $0x4000, s31;
	s1 =	sadd.s32 s1, s30  }
0xc3: {  	s0 =	sor.u32 s3, s0;
	s1 =	sshll.u32 s1, $0x11  }
0xc4: {  	s0 =	sor.u32 s1, s0  }
0xc5: {  	s0 =	sadd.s32 $0x8F2B, s0  }
0xc6: {  	[sflag:s0] =	ssyncadd.remote.s32 $0x1  }
0xc7: {  	_ =	sfence.sel $0xFFFF  }
0xc8: {  	[dreg:$0x0] =	wrdreg $0xFFFFFFFF;
	(pc) =	sbr.abs _section_cstart, $3  }
0xc9: {  	[dreg:$0x1] =	wrdreg $0xFFFFFFFF  }
0xca: {  	_ =	task.clear_ibuf [dreg:s12], $0x2FFFF;
	_ =	strace $0x9FFFFFFF  }
0xcb: {  	(tm) =	ssettm $0x7FFFFFFF  }
tec
execute0_lowered:
.L_overlay_start_1:
0x0: {  	(tag) =	ssettag $0x1  }
0x1: {  	s0 =	rddreg [dreg:$0x0]  }
0x2: {  	s1 =	rddreg [dreg:$0x1]  }
0x3: {  	s2 =	rddreg [dreg:$0x2];
	s4 =	srdreg.scid  }
0x4: {  	s3 =	rddreg [dreg:$0x3];
	s5 =	stileid.u32;
	s4 =	sand.u32 $0x1, s4  }
0x5: {  	s6 =	rddreg [dreg:$0x5];
	s5 =	sshll.u32 s5, $0xA;
	s8 =	sshll.u32 s4, $0x9  }
0x6: {  	s7 =	simm.s32 $0x0;
	s4 =	ssub.s32 $0x2, s4;
	s8 =	sor.u32 s8, s5  }
0x7: {  	[smem:$0x7FF] =	sst s7;
	s24 =	sshrl.u32 s4, $0x1;
	s26 =	sshrl.u32 s8, $0x3  }
0x8: {  	_ =	strace $0x80000047;
	s4 =	ssub.s32 s4, s24;
	s3 =	sadd.s32 s3, s26  }
0x9: {  	s9 =	sshll.u32 s8, $0x5;
	s4 =	smax.u32 s4, $0x1;
	[dreg:$0x10] =	wrdreg s3  }
0xa: {  	s10 =	sadd.s32 s0, s9;
	[dreg:$0x11] =	wrdreg s4  }
0xb: {  	s11 =	sadd.s32 s1, s9;
	[dreg:$0x7] =	wrdreg s10  }
0xc: {  	s12 =	sadd.s32 s2, s9;
	[dreg:$0x8] =	wrdreg s11  }
0xd: {  	s5 =	sadd.s32 $0x100, s10;
	[dreg:$0x9] =	wrdreg s12  }
0xe: {  	s18 =	sadd.s32 $0x200, s10;
	[dreg:$0x12] =	wrdreg s5  }
0xf: {  	s19 =	sadd.s32 $0x300, s10;
	[dreg:$0x13] =	wrdreg s18  }
0x10: {  	s20 =	sadd.s32 $0x100, s11;
	[dreg:$0x14] =	wrdreg s19  }
0x11: {  	s21 =	sadd.s32 $0x200, s11;
	[dreg:$0x15] =	wrdreg s20  }
0x12: {  	s25 =	sor.u32 $0x400, s9;
	s22 =	sadd.s32 $0x300, s11;
	[dreg:$0x16] =	wrdreg s21  }
0x13: {  	s13 =	sadd.s32 s0, s25;
	s23 =	sadd.s32 $0x100, s12;
	[dreg:$0x17] =	wrdreg s22  }
0x14: {  	s14 =	sadd.s32 s1, s25;
	s24 =	sadd.s32 $0x200, s12;
	[dreg:$0x18] =	wrdreg s23  }
0x15: {  	s15 =	sadd.s32 s2, s25;
	s25 =	sadd.s32 $0x300, s12;
	[dreg:$0x19] =	wrdreg s24  }
0x16: {  	[dreg:$0x1a] =	wrdreg s25  }
0x17: {  	[dreg:$0xa] =	wrdreg s13  }
0x18: {  	s9 =	sor.u32 $0x800, s9;
	[dreg:$0xb] =	wrdreg s14  }
0x19: {  	s16 =	sadd.s32 s0, s9;
	[dreg:$0xc] =	wrdreg s15  }
0x1a: {  	s17 =	sadd.s32 s1, s9;
	[dreg:$0xd] =	wrdreg s16  }
0x1b: {  	s9 =	sadd.s32 s2, s9;
	[dreg:$0xe] =	wrdreg s17  }
0x1c: {  	s26 =	sadd.s32 $0x100, s13;
	[dreg:$0xf] =	wrdreg s9  }
0x1d: {  	s4 =	sadd.s32 $0x200, s13;
	[dreg:$0x1b] =	wrdreg s26  }
0x1e: {  	s5 =	sadd.s32 $0x300, s13;
	[dreg:$0x1c] =	wrdreg s4  }
0x1f: {  	s10 =	sadd.s32 $0x100, s14;
	[dreg:$0x1d] =	wrdreg s5  }
0x20: {  	s11 =	sadd.s32 $0x200, s14;
	[dreg:$0x1e] =	wrdreg s10  }
0x21: {  	s12 =	sadd.s32 $0x300, s14;
	[dreg:$0x1f] =	wrdreg s11  }
0x22: {  	s13 =	sadd.s32 $0x100, s15;
	[smem:$0x7F1] =	sst s12  }
0x23: {  	s14 =	sadd.s32 $0x200, s15;
	[smem:$0x7F2] =	sst s13  }
0x24: {  	s15 =	sadd.s32 $0x300, s15;
	[smem:$0x7F3] =	sst s14  }
0x25: {  	s18 =	sadd.s32 $0x100, s16;
	[smem:$0x7F4] =	sst s15  }
0x26: {  	s19 =	sadd.s32 $0x200, s16;
	[smem:$0x7F5] =	sst s18  }
0x27: {  	s20 =	sadd.s32 $0x300, s16;
	[smem:$0x7F6] =	sst s19  }
0x28: {  	s28 =	simm.s32 $0x1B800;
	s21 =	sadd.s32 $0x100, s17;
	[smem:$0x7F7] =	sst s20  }
0x29: {  	s29 =	simm.s32 $0x17800;
	s22 =	sadd.s32 $0x200, s17;
	[smem:$0x7F8] =	sst s21  }
0x2a: {  	s30 =	simm.s32 $0x19000;
	s23 =	sadd.s32 $0x300, s17;
	[smem:$0x7F9] =	sst s22  }
0x2b: {  	s31 =	simm.s32 $0x1A800;
	s24 =	sadd.s32 $0x100, s9;
	[smem:$0x7FA] =	sst s23  }
0x2c: {  	s3 =	simm.s32 $0x4800;
	s25 =	sadd.s32 $0x200, s9;
	[smem:$0x7FB] =	sst s24  }
0x2d: {  	[smem:$0x7FC] =	sst s25;
	s26 =	sadd.s32 $0x300, s9;
	s4 =	simm.s32 $0xA800  }
0x2e: {  	s5 =	simm.s32 $0x10800;
	s19 =	simm.s32 $0x1;
	s20 =	simm.s32 $0x16800  }
0x2f: {  	s9 =	simm.s32 $0x1C000;
	s10 =	simm.s32 $0x2;
	s11 =	simm.s32 $0x5  }
0x30: {  	s12 =	simm.s32 $0x3;
	s13 =	simm.s32 $0x6;
	s14 =	simm.s32 $0x4  }
0x31: {  	v0 =	vlaneseq.u32;
	s15 =	simm.s32 $0x7;
	s18 =	simm.s32 $0x0;
	[smem:$0x7FD] =	sst s26  }
.LBB2_1:
0x32: {  	[smem:$0x7F0] =	sst s18  }
0x33: {  	s16 =	rddreg [dreg:$0x7]  }
0x34: {  	s26 =	rddreg [dreg:$0x12]  }
0x35: {  	[tilespmem:s3], [sflag:$0x1] =	stream.linear.gather [hbm4b:s16+s7], $0x800, $0x38;
	[tilespmem:$0x1CA00] =	vst v63  }
0x36: {  	s17 =	simm.s32 $0x6000;
	s21 =	rddreg [dreg:$0x14]  }
0x37: {  	[tilespmem:s17], [sflag:$0x1] =	stream.linear.gather [hbm4b:s26+s7], $0x800, $0x38;
	[tilespmem:$0x1CA00] =	vst v63  }
0x38: {  	s18 =	simm.s32 $0x7800;
	s17 =	rddreg [dreg:$0x13]  }
0x39: {  	[tilespmem:s18], [sflag:$0x1] =	stream.linear.gather [hbm4b:s17+s7], $0x800, $0x38;
	[tilespmem:$0x1CA00] =	vst v63  }
0x3a: {  	s22 =	simm.s32 $0x9000;
	s23 =	rddreg [dreg:$0x8]  }
0x3b: {  	[tilespmem:s22], [sflag:$0x1] =	stream.linear.gather [hbm4b:s21+s7], $0x800, $0x38;
	[tilespmem:$0x1CA00] =	vst v63  }
0x3c: {  	s24 =	simm.s32 $0x5000;
	s25 =	rddreg [dreg:$0x15]  }
0x3d: {  	[tilespmem:s24], [sflag:$0x1] =	stream.linear.gather [hbm4b:s23+s7], $0x800, $0x38;
	[tilespmem:$0x1CA00] =	vst v63  }
0x3e: {  	s26 =	simm.s32 $0x6800;
	s17 =	rddreg [dreg:$0x16]  }
0x3f: {  	[tilespmem:s26], [sflag:$0x1] =	stream.linear.gather [hbm4b:s25+s7], $0x800, $0x38;
	[tilespmem:$0x1CA00] =	vst v63  }
0x40: {  	s18 =	simm.s32 $0x8000;
	s21 =	rddreg [dreg:$0x17]  }
0x41: {  	[tilespmem:s18], [sflag:$0x1] =	stream.linear.gather [hbm4b:s17+s7], $0x800, $0x38;
	[tilespmem:$0x1CA00] =	vst v63  }
0x42: {  	s22 =	simm.s32 $0x9800;
	s23 =	rddreg [dreg:$0x9]  }
0x43: {  	[tilespmem:s22], [sflag:$0x1] =	stream.linear.gather [hbm4b:s21+s7], $0x800, $0x38;
	[tilespmem:$0x1CA00] =	vst v63  }
0x44: {  	s24 =	simm.s32 $0x5800;
	s25 =	rddreg [dreg:$0x18]  }
0x45: {  	[tilespmem:s24], [sflag:$0x1] =	stream.linear.gather [hbm4b:s23+s7], $0x800, $0x38;
	[tilespmem:$0x1CA00] =	vst v63  }
0x46: {  	s26 =	simm.s32 $0x7000;
	s18 =	rddreg [dreg:$0x19]  }
0x47: {  	[tilespmem:s26], [sflag:$0x1] =	stream.linear.gather [hbm4b:s25+s7], $0x800, $0x38;
	[tilespmem:$0x1CA00] =	vst v63  }
0x48: {  	s17 =	rddreg [dreg:$0x1c];
	s21 =	simm.s32 $0x8800  }
0x49: {  	[tilespmem:s21], [sflag:$0x1] =	stream.linear.gather [hbm4b:s18+s7], $0x800, $0x38;
	[tilespmem:$0x1CA00] =	vst v63  }
0x4a: {  	s22 =	rddreg [dreg:$0x1a];
	s23 =	simm.s32 $0xA000  }
0x4b: {  	[tilespmem:s23], [sflag:$0x1] =	stream.linear.gather [hbm4b:s22+s7], $0x800, $0x38;
	[tilespmem:$0x1CA00] =	vst v63  }
0x4c: {  	s24 =	rddreg [dreg:$0xa]  }
0x4d: {  	[tilespmem:s4], [sflag:$0x2] =	stream.linear.gather [hbm4b:s24+s7], $0x800, $0x38;
	[tilespmem:$0x1CA00] =	vst v63  }
0x4e: {  	s25 =	rddreg [dreg:$0x1b];
	s26 =	simm.s32 $0xC000  }
0x4f: {  	[tilespmem:s26], [sflag:$0x2] =	stream.linear.gather [hbm4b:s25+s7], $0x800, $0x38;
	[tilespmem:$0x1CA00] =	vst v63  }
0x50: {  	s18 =	simm.s32 $0xD800;
	s21 =	rddreg [dreg:$0x1d]  }
0x51: {  	[tilespmem:s18], [sflag:$0x2] =	stream.linear.gather [hbm4b:s17+s7], $0x800, $0x38;
	[tilespmem:$0x1CA00] =	vst v63  }
0x52: {  	s22 =	simm.s32 $0xF000;
	s23 =	rddreg [dreg:$0xb]  }
0x53: {  	[tilespmem:s22], [sflag:$0x2] =	stream.linear.gather [hbm4b:s21+s7], $0x800, $0x38;
	[tilespmem:$0x1CA00] =	vst v63  }
0x54: {  	s24 =	simm.s32 $0xB000;
	s25 =	rddreg [dreg:$0x1e]  }
0x55: {  	[tilespmem:s24], [sflag:$0x2] =	stream.linear.gather [hbm4b:s23+s7], $0x800, $0x38;
	[tilespmem:$0x1CA00] =	vst v63  }
0x56: {  	s26 =	simm.s32 $0xC800;
	s17 =	rddreg [dreg:$0x1f]  }
0x57: {  	[tilespmem:s26], [sflag:$0x2] =	stream.linear.gather [hbm4b:s25+s7], $0x800, $0x38;
	[tilespmem:$0x1CA00] =	vst v63  }
0x58: {  	s18 =	simm.s32 $0xE000;
	s21 =	sld [smem:$0x7F1]  }
0x59: {  	[tilespmem:s18], [sflag:$0x2] =	stream.linear.gather [hbm4b:s17+s7], $0x800, $0x38;
	[tilespmem:$0x1CA00] =	vst v63  }
0x5a: {  	s22 =	simm.s32 $0xF800;
	s23 =	rddreg [dreg:$0xc]  }
0x5b: {  	[tilespmem:s22], [sflag:$0x2] =	stream.linear.gather [hbm4b:s21+s7], $0x800, $0x38;
	[tilespmem:$0x1CA00] =	vst v63  }
0x5c: {  	s24 =	simm.s32 $0xB800;
	s25 =	sld [smem:$0x7F2]  }
0x5d: {  	[tilespmem:s24], [sflag:$0x2] =	stream.linear.gather [hbm4b:s23+s7], $0x800, $0x38;
	[tilespmem:$0x1CA00] =	vst v63  }
0x5e: {  	s26 =	simm.s32 $0xD000;
	s18 =	sld [smem:$0x7F3]  }
0x5f: {  	[tilespmem:s26], [sflag:$0x2] =	stream.linear.gather [hbm4b:s25+s7], $0x800, $0x38;
	[tilespmem:$0x1CA00] =	vst v63  }
0x60: {  	s21 =	simm.s32 $0xE800;
	s22 =	sld [smem:$0x7F4]  }
0x61: {  	[tilespmem:s21], [sflag:$0x2] =	stream.linear.gather [hbm4b:s18+s7], $0x800, $0x38;
	[tilespmem:$0x1CA00] =	vst v63  }
0x62: {  	s23 =	simm.s32 $0x10000;
	s24 =	rddreg [dreg:$0xd]  }
0x63: {  	[tilespmem:s23], [sflag:$0x2] =	stream.linear.gather [hbm4b:s22+s7], $0x800, $0x38;
	[tilespmem:$0x1CA00] =	vst v63  }
0x64: {  	s25 =	sld [smem:$0x7F5]  }
0x65: {  	[tilespmem:s5], [sflag:$0x3] =	stream.linear.gather [hbm4b:s24+s7], $0x800, $0x38;
	[tilespmem:$0x1CA00] =	vst v63  }
0x66: {  	s17 =	sld [smem:$0x7F6];
	s26 =	simm.s32 $0x12000  }
0x67: {  	[tilespmem:s26], [sflag:$0x3] =	stream.linear.gather [hbm4b:s25+s7], $0x800, $0x38;
	[tilespmem:$0x1CA00] =	vst v63  }
0x68: {  	s18 =	simm.s32 $0x13800;
	s21 =	sld [smem:$0x7F7]  }
0x69: {  	[tilespmem:s18], [sflag:$0x3] =	stream.linear.gather [hbm4b:s17+s7], $0x800, $0x38;
	[tilespmem:$0x1CA00] =	vst v63  }
0x6a: {  	s22 =	simm.s32 $0x15000;
	s23 =	rddreg [dreg:$0xe]  }
0x6b: {  	[tilespmem:s22], [sflag:$0x3] =	stream.linear.gather [hbm4b:s21+s7], $0x800, $0x38;
	[tilespmem:$0x1CA00] =	vst v63  }
0x6c: {  	s24 =	simm.s32 $0x11000;
	s25 =	sld [smem:$0x7F8]  }
0x6d: {  	[tilespmem:s24], [sflag:$0x3] =	stream.linear.gather [hbm4b:s23+s7], $0x800, $0x38;
	[tilespmem:$0x1CA00] =	vst v63  }
0x6e: {  	s26 =	simm.s32 $0x12800;
	s17 =	sld [smem:$0x7F9]  }
0x6f: {  	[tilespmem:s26], [sflag:$0x3] =	stream.linear.gather [hbm4b:s25+s7], $0x800, $0x38;
	[tilespmem:$0x1CA00] =	vst v63  }
0x70: {  	s18 =	simm.s32 $0x14000;
	s21 =	sld [smem:$0x7FA]  }
0x71: {  	[tilespmem:s18], [sflag:$0x3] =	stream.linear.gather [hbm4b:s17+s7], $0x800, $0x38;
	[tilespmem:$0x1CA00] =	vst v63  }
0x72: {  	s22 =	simm.s32 $0x15800;
	s23 =	rddreg [dreg:$0xf]  }
0x73: {  	[tilespmem:s22], [sflag:$0x3] =	stream.linear.gather [hbm4b:s21+s7], $0x800, $0x38;
	[tilespmem:$0x1CA00] =	vst v63  }
0x74: {  	s24 =	simm.s32 $0x11800;
	s25 =	sld [smem:$0x7FB]  }
0x75: {  	[tilespmem:s24], [sflag:$0x3] =	stream.linear.gather [hbm4b:s23+s7], $0x800, $0x38;
	[tilespmem:$0x1CA00] =	vst v63  }
0x76: {  	s26 =	simm.s32 $0x13000;
	s17 =	sld [smem:$0x7FC]  }
0x77: {  	[tilespmem:s26], [sflag:$0x3] =	stream.linear.gather [hbm4b:s25+s7], $0x800, $0x38;
	[tilespmem:$0x1CA00] =	vst v63  }
0x78: {  	s18 =	simm.s32 $0x14800;
	s21 =	sld [smem:$0x7FD]  }
0x79: {  	[tilespmem:s18], [sflag:$0x3] =	stream.linear.gather [hbm4b:s17+s7], $0x800, $0x38;
	[tilespmem:$0x1CA00] =	vst v63  }
0x7a: {  	s22 =	simm.s32 $0x16000  }
0x7b: {  	[tilespmem:s22], [sflag:$0x3] =	stream.linear.gather [hbm4b:s21+s7], $0x800, $0x38;
	[tilespmem:$0x1CA00] =	vst v63  }
0x7c: {  	s23 =	rddreg [dreg:$0x4];
	s24 =	simm.s32 $0x9  }
0x7d: {  	[tilespmem:s7], [sflag:$0x9] =	stream.linear.gather [hbm4b:s23+s7], $0x4800, $0x38;
	[tilespmem:$0x1CA00] =	vst v63  }
0x7e: {  	_ =	swait.ge [sflag:s24], $0x4800  }
0x7f: {  	[sflag:s24] =	ssyncset.done $0x0  }
0x80: {  	s26 =	simm.s32 $0x1C800;
	s25 =	rddreg [dreg:$0x10];
	[sflag:s24] =	ssyncadd.s32 $0xFFFFB800  }
0x81: {  	[tilespmem:s26], [sflag:$0x9] =	stream.linear.gather [hbm4b:s25+s7], $0x200, $0x38;
	[tilespmem:$0x1CA00] =	vst v63  }
0x82: {  	_ =	swait.ge [sflag:s24], $0x200  }
0x83: {  	[sflag:s24] =	ssyncset.done $0x0  }
0x84: {  	s16 =	simm.s32 $0x0;
	[sflag:s24] =	ssyncadd.s32 $0xFFFFFE00  }
.LBB2_2:
0x85: {  	_ =	swait.ge [sflag:s19], $0x2000  }
0x86: {  	[sflag:s19] =	ssyncset.done $0x0  }
0x87: {  	s18 =	sshll.u32 s16, $0x7;
	[sflag:s19] =	ssyncadd.s32 $0xFFFFE000  }
0x88: {  	s17 =	sadd.s32 $0x1C800, s18;
	_ =	swait.ge [sflag:s19], $0x2000  }
0x89: {  	v1 =	vmov s17;
	[sflag:s19] =	ssyncset.done $0x0  }
0x8a: {  	[sflag:s19] =	ssyncadd.s32 $0xFFFFE000  }
0x8b: {  	_ =	swait.ge [sflag:s19], $0x2000  }
0x8c: {  	s17 =	simm.s32 $0x0;
	[sflag:s19] =	ssyncset.done $0x0  }
0x8d: {  	s21 =	sand.u32 $0x10, s17;
	[sflag:s19] =	ssyncadd.s32 $0xFFFFE000  }
0x8e: {  	v2 =	vld.idx.msk [tilespmem:v1+s21+$0x0 ss:$0x1], $0xffff;
	_ =	sdelay $0x1  }
0x8f: {  	s25 =	sand.u32 $0xF, s17  }
0x90: {  	v3 =	vmov s25  }
0x91: {  	vm0 =	veq.s32 v3, v0  }
0x92: {  	v2 =	vnsel vm0, $0x0, v2  }
0x93: {  	(xrf0) =	vadd.scan.msk.s32 $0xffff, v2;
	_ =	sdelay $0x5  }
0x94: {  	v2, _, _ =	vpop (xrf0)  }
0x95: {  	(v2sf) =	vpush v2, $0xF;
	_ =	sdelay $0xe  }
0x96: {  	s26 =	spop (v2sf)  }
0x97: {  	s22 =	sshrl.u32 s26, $0x3  }
0x98: {  	s22 =	smul.u32 $0x6000, s22  }
0x99: {  	s21 =	sshll.u32 s26, $0x7  }
0x9a: {  	s21 =	sand.u32 $0x380, s21;
	s22 =	sshra.s32 s22, $0x2  }
0x9b: {  	s21 =	sor.u32 s21, s22  }
0x9c: {  	v2 =	vld [tilespmem:s21+$0x0]  }
0x9d: {  	v3 =	vld [tilespmem:s21+$0x10]  }
0x9e: {  	v4 =	vld [tilespmem:s21+$0x20]  }
0x9f: {  	v5 =	vld [tilespmem:s21+$0x30]  }
0xa0: {  	v6 =	vld [tilespmem:s21+$0x40]  }
0xa1: {  	v7 =	vld [tilespmem:s21+$0x50]  }
0xa2: {  	v8 =	vld [tilespmem:s21+$0x60]  }
0xa3: {  	v9 =	vld [tilespmem:s21+$0x70]  }
0xa4: {  	v10 =	vld [tilespmem:s21+$0x400]  }
0xa5: {  	v11 =	vld [tilespmem:s21+$0x410]  }
0xa6: {  	v12 =	vld [tilespmem:s21+$0x420]  }
0xa7: {  	v13 =	vld [tilespmem:s21+$0x430]  }
0xa8: {  	v14 =	vld [tilespmem:s21+$0x440]  }
0xa9: {  	v15 =	vld [tilespmem:s21+$0x450]  }
0xaa: {  	v16 =	vld [tilespmem:s21+$0x460]  }
0xab: {  	v17 =	vld [tilespmem:s21+$0x470]  }
0xac: {  	v18 =	vld [tilespmem:s21+$0x800]  }
0xad: {  	v19 =	vld [tilespmem:s21+$0x810]  }
0xae: {  	v20 =	vld [tilespmem:s21+$0x820]  }
0xaf: {  	v21 =	vld [tilespmem:s21+$0x830]  }
0xb0: {  	v22 =	vld [tilespmem:s21+$0x840]  }
0xb1: {  	v23 =	vld [tilespmem:s21+$0x850]  }
0xb2: {  	v24 =	vld [tilespmem:s21+$0x860]  }
0xb3: {  	v25 =	vld [tilespmem:s21+$0x870]  }
0xb4: {  	v26 =	vld [tilespmem:s21+$0xC00]  }
0xb5: {  	v27 =	vld [tilespmem:s21+$0xC10]  }
0xb6: {  	v28 =	vld [tilespmem:s21+$0xC20]  }
0xb7: {  	v29 =	vld [tilespmem:s21+$0xC30]  }
0xb8: {  	v30 =	vld [tilespmem:s21+$0xC40]  }
0xb9: {  	v31 =	vld [tilespmem:s21+$0xC50]  }
0xba: {  	v32 =	vld [tilespmem:s21+$0xC60]  }
0xbb: {  	v33 =	vld [tilespmem:s21+$0xC70]  }
0xbc: {  	v34 =	vld [tilespmem:s21+$0x1000]  }
0xbd: {  	v35 =	vld [tilespmem:s21+$0x1010]  }
0xbe: {  	v36 =	vld [tilespmem:s21+$0x1020]  }
0xbf: {  	v37 =	vld [tilespmem:s21+$0x1030]  }
0xc0: {  	v38 =	vld [tilespmem:s21+$0x1040]  }
0xc1: {  	v39 =	vld [tilespmem:s21+$0x1050]  }
0xc2: {  	v40 =	vld [tilespmem:s21+$0x1060]  }
0xc3: {  	v41 =	vld [tilespmem:s21+$0x1070]  }
0xc4: {  	v42 =	vld [tilespmem:s21+$0x1400]  }
0xc5: {  	v43 =	vld [tilespmem:s21+$0x1410]  }
0xc6: {  	v44 =	vld [tilespmem:s21+$0x1420]  }
0xc7: {  	s23 =	simm.s32 $0x0;
	v45 =	vld [tilespmem:s21+$0x1470]  }
0xc8: {  	s22 =	smul.u32 $0x6000, s23;
	v46 =	vld [tilespmem:s21+$0x1430]  }
0xc9: {  	v47 =	vld [tilespmem:s21+$0x1440]  }
0xca: {  	s23 =	sand.u32 $0x380, s17;
	v48 =	vld [tilespmem:s21+$0x1450];
	s22 =	sshra.s32 s22, $0x2  }
0xcb: {  	v49 =	vld [tilespmem:s21+$0x1460];
	s22 =	sor.u32 s23, s22  }
0xcc: {  	[tilespmem:s22+$0x5C70] =	vst.add.f32.msk $0xffff, v45  }
0xcd: {  	[tilespmem:s22+$0x4800] =	vst.add.f32.msk $0xffff, v2  }
0xce: {  	[tilespmem:s22+$0x4810] =	vst.add.f32.msk $0xffff, v3  }
0xcf: {  	[tilespmem:s22+$0x4820] =	vst.add.f32.msk $0xffff, v4  }
0xd0: {  	[tilespmem:s22+$0x4830] =	vst.add.f32.msk $0xffff, v5  }
0xd1: {  	[tilespmem:s22+$0x4840] =	vst.add.f32.msk $0xffff, v6  }
0xd2: {  	[tilespmem:s22+$0x4850] =	vst.add.f32.msk $0xffff, v7  }
0xd3: {  	[tilespmem:s22+$0x4860] =	vst.add.f32.msk $0xffff, v8  }
0xd4: {  	[tilespmem:s22+$0x4870] =	vst.add.f32.msk $0xffff, v9  }
0xd5: {  	[tilespmem:s22+$0x4C00] =	vst.add.f32.msk $0xffff, v10  }
0xd6: {  	[tilespmem:s22+$0x4C10] =	vst.add.f32.msk $0xffff, v11  }
0xd7: {  	[tilespmem:s22+$0x4C20] =	vst.add.f32.msk $0xffff, v12  }
0xd8: {  	s21 =	simm.s32 $0x1;
	[tilespmem:s22+$0x4C30] =	vst.add.f32.msk $0xffff, v13  }
0xd9: {  	s24 =	sand.u32 $0x10, s21;
	[tilespmem:s22+$0x4C40] =	vst.add.f32.msk $0xffff, v14  }
0xda: {  	v2 =	vld.idx.msk [tilespmem:v1+s24+$0x0 ss:$0x1], $0xffff  }
0xdb: {  	[tilespmem:s22+$0x4C50] =	vst.add.f32.msk $0xffff, v15  }
0xdc: {  	[tilespmem:s22+$0x4C60] =	vst.add.f32.msk $0xffff, v16  }
0xdd: {  	s25 =	sand.u32 $0xF, s21;
	[tilespmem:s22+$0x4C70] =	vst.add.f32.msk $0xffff, v17  }
0xde: {  	v3 =	vmov s25;
	[tilespmem:s22+$0x5000] =	vst.add.f32.msk $0xffff, v18  }
0xdf: {  	[tilespmem:s22+$0x5010] =	vst.add.f32.msk $0xffff, v19;
	vm15 =	veq.s32 v3, v0  }
0xe0: {  	[tilespmem:s22+$0x5020] =	vst.add.f32.msk $0xffff, v20;
	v2 =	vnsel vm15, $0x0, v2  }
0xe1: {  	[tilespmem:s22+$0x5030] =	vst.add.f32.msk $0xffff, v21;
	(xrf0) =	vadd.scan.msk.s32 $0xffff, v2  }
0xe2: {  	[tilespmem:s22+$0x5040] =	vst.add.f32.msk $0xffff, v22  }
0xe3: {  	[tilespmem:s22+$0x5050] =	vst.add.f32.msk $0xffff, v23  }
0xe4: {  	[tilespmem:s22+$0x5060] =	vst.add.f32.msk $0xffff, v24  }
0xe5: {  	[tilespmem:s22+$0x5070] =	vst.add.f32.msk $0xffff, v25  }
0xe6: {  	[tilespmem:s22+$0x5400] =	vst.add.f32.msk $0xffff, v26  }
0xe7: {  	[tilespmem:s22+$0x5410] =	vst.add.f32.msk $0xffff, v27;
	v2, _, _ =	vpop (xrf0)  }
0xe8: {  	[tilespmem:s22+$0x5420] =	vst.add.f32.msk $0xffff, v28;
	(v2sf) =	vpush v2, $0xF  }
0xe9: {  	[tilespmem:s22+$0x5430] =	vst.add.f32.msk $0xffff, v29  }
0xea: {  	[tilespmem:s22+$0x5440] =	vst.add.f32.msk $0xffff, v30  }
0xeb: {  	[tilespmem:s22+$0x5450] =	vst.add.f32.msk $0xffff, v31  }
0xec: {  	[tilespmem:s22+$0x5460] =	vst.add.f32.msk $0xffff, v32  }
0xed: {  	[tilespmem:s22+$0x5470] =	vst.add.f32.msk $0xffff, v33  }
0xee: {  	[tilespmem:s22+$0x5800] =	vst.add.f32.msk $0xffff, v34  }
0xef: {  	[tilespmem:s22+$0x5810] =	vst.add.f32.msk $0xffff, v35  }
0xf0: {  	[tilespmem:s22+$0x5820] =	vst.add.f32.msk $0xffff, v36  }
0xf1: {  	[tilespmem:s22+$0x5830] =	vst.add.f32.msk $0xffff, v37  }
0xf2: {  	[tilespmem:s22+$0x5840] =	vst.add.f32.msk $0xffff, v38  }
0xf3: {  	[tilespmem:s22+$0x5850] =	vst.add.f32.msk $0xffff, v39  }
0xf4: {  	[tilespmem:s22+$0x5860] =	vst.add.f32.msk $0xffff, v40  }
0xf5: {  	[tilespmem:s22+$0x5870] =	vst.add.f32.msk $0xffff, v41  }
0xf6: {  	[tilespmem:s22+$0x5C00] =	vst.add.f32.msk $0xffff, v42  }
0xf7: {  	[tilespmem:s22+$0x5C10] =	vst.add.f32.msk $0xffff, v43;
	s26 =	spop (v2sf)  }
0xf8: {  	[tilespmem:s22+$0x5C20] =	vst.add.f32.msk $0xffff, v44;
	s24 =	sshrl.u32 s26, $0x3  }
0xf9: {  	[tilespmem:s22+$0x5C30] =	vst.add.f32.msk $0xffff, v46;
	s24 =	smul.u32 $0x6000, s24  }
0xfa: {  	[tilespmem:s22+$0x5C40] =	vst.add.f32.msk $0xffff, v47;
	s23 =	sshll.u32 s26, $0x7  }
0xfb: {  	[tilespmem:s22+$0x5C50] =	vst.add.f32.msk $0xffff, v48;
	s23 =	sand.u32 $0x380, s23;
	s24 =	sshra.s32 s24, $0x2  }
0xfc: {  	[tilespmem:s22+$0x5C60] =	vst.add.f32.msk $0xffff, v49;
	s23 =	sor.u32 s23, s24  }
0xfd: {  	v2 =	vld [tilespmem:s23+$0x0]  }
0xfe: {  	v3 =	vld [tilespmem:s23+$0x10]  }
0xff: {  	v4 =	vld [tilespmem:s23+$0x20]  }
0x100: {  	v5 =	vld [tilespmem:s23+$0x30]  }
0x101: {  	v6 =	vld [tilespmem:s23+$0x40]  }
0x102: {  	v7 =	vld [tilespmem:s23+$0x50]  }
0x103: {  	v8 =	vld [tilespmem:s23+$0x60]  }
0x104: {  	s22 =	simm.s32 $0x2;
	v9 =	vld [tilespmem:s23+$0x70]  }
.LBB2_3:
0x105: {  	p0 =	sne.s32 s22, $0x1F;
	v10 =	vld [tilespmem:s23+$0x400]  }
0x106: {  	v11 =	vld [tilespmem:s23+$0x410]  }
0x107: {  	v12 =	vld [tilespmem:s23+$0x420]  }
0x108: {  	v13 =	vld [tilespmem:s23+$0x430]  }
0x109: {  	v14 =	vld [tilespmem:s23+$0x440]  }
0x10a: {  	v15 =	vld [tilespmem:s23+$0x450]  }
0x10b: {  	v16 =	vld [tilespmem:s23+$0x460]  }
0x10c: {  	v17 =	vld [tilespmem:s23+$0x470]  }
0x10d: {  	v18 =	vld [tilespmem:s23+$0x800]  }
0x10e: {  	v19 =	vld [tilespmem:s23+$0x810]  }
0x10f: {  	v20 =	vld [tilespmem:s23+$0x820]  }
0x110: {  	v21 =	vld [tilespmem:s23+$0x830]  }
0x111: {  	v22 =	vld [tilespmem:s23+$0x840]  }
0x112: {  	v23 =	vld [tilespmem:s23+$0x850]  }
0x113: {  	v24 =	vld [tilespmem:s23+$0x860]  }
0x114: {  	v25 =	vld [tilespmem:s23+$0x870]  }
0x115: {  	v26 =	vld [tilespmem:s23+$0xC00]  }
0x116: {  	v27 =	vld [tilespmem:s23+$0xC10]  }
0x117: {  	v28 =	vld [tilespmem:s23+$0xC20]  }
0x118: {  	v29 =	vld [tilespmem:s23+$0xC30]  }
0x119: {  	v30 =	vld [tilespmem:s23+$0xC40]  }
0x11a: {  	v31 =	vld [tilespmem:s23+$0xC50]  }
0x11b: {  	v32 =	vld [tilespmem:s23+$0xC60]  }
0x11c: {  	v33 =	vld [tilespmem:s23+$0xC70]  }
0x11d: {  	v34 =	vld [tilespmem:s23+$0x1000]  }
0x11e: {  	v35 =	vld [tilespmem:s23+$0x1010]  }
0x11f: {  	v36 =	vld [tilespmem:s23+$0x1020]  }
0x120: {  	v37 =	vld [tilespmem:s23+$0x1030]  }
0x121: {  	v38 =	vld [tilespmem:s23+$0x1040]  }
0x122: {  	v39 =	vld [tilespmem:s23+$0x1050]  }
0x123: {  	v40 =	vld [tilespmem:s23+$0x1060]  }
0x124: {  	v41 =	vld [tilespmem:s23+$0x1070]  }
0x125: {  	v42 =	vld [tilespmem:s23+$0x1400]  }
0x126: {  	v43 =	vld [tilespmem:s23+$0x1410]  }
0x127: {  	v44 =	vld [tilespmem:s23+$0x1420]  }
0x128: {  	s24 =	sshrl.u32 s21, $0x3;
	s21 =	smov.u32 s22;
	v45 =	vld [tilespmem:s23+$0x1470]  }
0x129: {  	s24 =	smul.u32 $0x6000, s24;
	v46 =	vld [tilespmem:s23+$0x1430]  }
0x12a: {  	s17 =	sadd.s32 $0x80, s17;
	v47 =	vld [tilespmem:s23+$0x1440]  }
0x12b: {  	s25 =	sand.u32 $0x380, s17;
	s24 =	sshra.s32 s24, $0x2;
	v48 =	vld [tilespmem:s23+$0x1450]  }
0x12c: {  	s24 =	sor.u32 s25, s24;
	v49 =	vld [tilespmem:s23+$0x1460]  }
0x12d: {  	[tilespmem:s24+$0x5C70] =	vst.add.f32.msk $0xffff, v45  }
0x12e: {  	[tilespmem:s24+$0x4800] =	vst.add.f32.msk $0xffff, v2  }
0x12f: {  	[tilespmem:s24+$0x4810] =	vst.add.f32.msk $0xffff, v3  }
0x130: {  	[tilespmem:s24+$0x4820] =	vst.add.f32.msk $0xffff, v4  }
0x131: {  	[tilespmem:s24+$0x4830] =	vst.add.f32.msk $0xffff, v5  }
0x132: {  	[tilespmem:s24+$0x4840] =	vst.add.f32.msk $0xffff, v6  }
0x133: {  	[tilespmem:s24+$0x4850] =	vst.add.f32.msk $0xffff, v7  }
0x134: {  	[tilespmem:s24+$0x4860] =	vst.add.f32.msk $0xffff, v8  }
0x135: {  	[tilespmem:s24+$0x4870] =	vst.add.f32.msk $0xffff, v9  }
0x136: {  	[tilespmem:s24+$0x4C00] =	vst.add.f32.msk $0xffff, v10  }
0x137: {  	[tilespmem:s24+$0x4C10] =	vst.add.f32.msk $0xffff, v11  }
0x138: {  	[tilespmem:s24+$0x4C20] =	vst.add.f32.msk $0xffff, v12  }
0x139: {  	[tilespmem:s24+$0x4C30] =	vst.add.f32.msk $0xffff, v13  }
0x13a: {  	s23 =	sand.u32 $0x10, s22;
	[tilespmem:s24+$0x4C40] =	vst.add.f32.msk $0xffff, v14  }
0x13b: {  	v2 =	vld.idx.msk [tilespmem:v1+s23+$0x0 ss:$0x1], $0xffff  }
0x13c: {  	[tilespmem:s24+$0x4C50] =	vst.add.f32.msk $0xffff, v15  }
0x13d: {  	[tilespmem:s24+$0x4C60] =	vst.add.f32.msk $0xffff, v16  }
0x13e: {  	s23 =	sand.u32 $0xF, s22;
	[tilespmem:s24+$0x4C70] =	vst.add.f32.msk $0xffff, v17  }
0x13f: {  	v3 =	vmov s23;
	[tilespmem:s24+$0x5000] =	vst.add.f32.msk $0xffff, v18  }
0x140: {  	vm0 =	veq.s32 v3, v0;
	[tilespmem:s24+$0x5010] =	vst.add.f32.msk $0xffff, v19  }
0x141: {  	v2 =	vnsel vm0, $0x0, v2;
	[tilespmem:s24+$0x5020] =	vst.add.f32.msk $0xffff, v20  }
0x142: {  	(xrf0) =	vadd.scan.msk.s32 $0xffff, v2;
	[tilespmem:s24+$0x5030] =	vst.add.f32.msk $0xffff, v21  }
0x143: {  	[tilespmem:s24+$0x5040] =	vst.add.f32.msk $0xffff, v22  }
0x144: {  	[tilespmem:s24+$0x5050] =	vst.add.f32.msk $0xffff, v23  }
0x145: {  	[tilespmem:s24+$0x5060] =	vst.add.f32.msk $0xffff, v24  }
0x146: {  	[tilespmem:s24+$0x5070] =	vst.add.f32.msk $0xffff, v25  }
0x147: {  	[tilespmem:s24+$0x5400] =	vst.add.f32.msk $0xffff, v26  }
0x148: {  	v2, _, _ =	vpop (xrf0);
	[tilespmem:s24+$0x5410] =	vst.add.f32.msk $0xffff, v27  }
0x149: {  	(v2sf) =	vpush v2, $0xF;
	[tilespmem:s24+$0x5420] =	vst.add.f32.msk $0xffff, v28  }
0x14a: {  	[tilespmem:s24+$0x5430] =	vst.add.f32.msk $0xffff, v29  }
0x14b: {  	[tilespmem:s24+$0x5440] =	vst.add.f32.msk $0xffff, v30  }
0x14c: {  	[tilespmem:s24+$0x5450] =	vst.add.f32.msk $0xffff, v31  }
0x14d: {  	[tilespmem:s24+$0x5460] =	vst.add.f32.msk $0xffff, v32  }
0x14e: {  	[tilespmem:s24+$0x5470] =	vst.add.f32.msk $0xffff, v33  }
0x14f: {  	[tilespmem:s24+$0x5800] =	vst.add.f32.msk $0xffff, v34  }
0x150: {  	[tilespmem:s24+$0x5810] =	vst.add.f32.msk $0xffff, v35  }
0x151: {  	[tilespmem:s24+$0x5820] =	vst.add.f32.msk $0xffff, v36  }
0x152: {  	[tilespmem:s24+$0x5830] =	vst.add.f32.msk $0xffff, v37  }
0x153: {  	[tilespmem:s24+$0x5840] =	vst.add.f32.msk $0xffff, v38  }
0x154: {  	[tilespmem:s24+$0x5850] =	vst.add.f32.msk $0xffff, v39  }
0x155: {  	[tilespmem:s24+$0x5860] =	vst.add.f32.msk $0xffff, v40  }
0x156: {  	[tilespmem:s24+$0x5870] =	vst.add.f32.msk $0xffff, v41  }
0x157: {  	[tilespmem:s24+$0x5C00] =	vst.add.f32.msk $0xffff, v42  }
0x158: {  	s23 =	spop (v2sf);
	[tilespmem:s24+$0x5C10] =	vst.add.f32.msk $0xffff, v43  }
0x159: {  	s25 =	sshrl.u32 s23, $0x3;
	[tilespmem:s24+$0x5C20] =	vst.add.f32.msk $0xffff, v44  }
0x15a: {  	s25 =	smul.u32 $0x6000, s25;
	[tilespmem:s24+$0x5C30] =	vst.add.f32.msk $0xffff, v46  }
0x15b: {  	s23 =	sshll.u32 s23, $0x7;
	[tilespmem:s24+$0x5C40] =	vst.add.f32.msk $0xffff, v47  }
0x15c: {  	s23 =	sand.u32 $0x380, s23;
	s25 =	sshra.s32 s25, $0x2;
	[tilespmem:s24+$0x5C50] =	vst.add.f32.msk $0xffff, v48  }
0x15d: {  	s23 =	sor.u32 s23, s25;
	[tilespmem:s24+$0x5C60] =	vst.add.f32.msk $0xffff, v49  }
0x15e: {  	v2 =	vld [tilespmem:s23+$0x0]  }
0x15f: {  	v3 =	vld [tilespmem:s23+$0x10]  }
0x160: {  	v4 =	vld [tilespmem:s23+$0x20]  }
.Ltmp0:
0x161: {  	v5 =	vld [tilespmem:s23+$0x30];
	(pc) =	sbr.rel @p0 .LBB2_3-.Ltmp0, $4  }
0x162: {  	v6 =	vld [tilespmem:s23+$0x40]  }
0x163: {  	v7 =	vld [tilespmem:s23+$0x50]  }
0x164: {  	v8 =	vld [tilespmem:s23+$0x60]  }
0x165: {  	s22 =	sadd.s32 $0x1, s22;
	v9 =	vld [tilespmem:s23+$0x70]  }
0x166: {  	v1 =	vld [tilespmem:s23+$0x400]  }
0x167: {  	v10 =	vld [tilespmem:s23+$0x410]  }
0x168: {  	v11 =	vld [tilespmem:s23+$0x420]  }
0x169: {  	v12 =	vld [tilespmem:s23+$0x430]  }
0x16a: {  	v13 =	vld [tilespmem:s23+$0x440]  }
0x16b: {  	v14 =	vld [tilespmem:s23+$0x450]  }
0x16c: {  	v15 =	vld [tilespmem:s23+$0x460]  }
0x16d: {  	v16 =	vld [tilespmem:s23+$0x470]  }
0x16e: {  	v17 =	vld [tilespmem:s23+$0x800]  }
0x16f: {  	v18 =	vld [tilespmem:s23+$0x810]  }
0x170: {  	v19 =	vld [tilespmem:s23+$0x820]  }
0x171: {  	v20 =	vld [tilespmem:s23+$0x830]  }
0x172: {  	v21 =	vld [tilespmem:s23+$0x840]  }
0x173: {  	v22 =	vld [tilespmem:s23+$0x850]  }
0x174: {  	v23 =	vld [tilespmem:s23+$0x860]  }
0x175: {  	v24 =	vld [tilespmem:s23+$0x870]  }
0x176: {  	v25 =	vld [tilespmem:s23+$0xC00]  }
0x177: {  	v26 =	vld [tilespmem:s23+$0xC10]  }
0x178: {  	v27 =	vld [tilespmem:s23+$0xC20]  }
0x179: {  	v28 =	vld [tilespmem:s23+$0xC30]  }
0x17a: {  	v29 =	vld [tilespmem:s23+$0xC40]  }
0x17b: {  	v30 =	vld [tilespmem:s23+$0xC50]  }
0x17c: {  	v31 =	vld [tilespmem:s23+$0xC60]  }
0x17d: {  	v32 =	vld [tilespmem:s23+$0xC70]  }
0x17e: {  	v33 =	vld [tilespmem:s23+$0x1000]  }
0x17f: {  	v34 =	vld [tilespmem:s23+$0x1010]  }
0x180: {  	v35 =	vld [tilespmem:s23+$0x1020]  }
0x181: {  	v36 =	vld [tilespmem:s23+$0x1030]  }
0x182: {  	v37 =	vld [tilespmem:s23+$0x1040]  }
0x183: {  	v38 =	vld [tilespmem:s23+$0x1050]  }
0x184: {  	v39 =	vld [tilespmem:s23+$0x1060]  }
0x185: {  	v40 =	vld [tilespmem:s23+$0x1070]  }
0x186: {  	v41 =	vld [tilespmem:s23+$0x1400]  }
0x187: {  	v42 =	vld [tilespmem:s23+$0x1410]  }
0x188: {  	v43 =	vld [tilespmem:s23+$0x1420]  }
0x189: {  	v44 =	vld [tilespmem:s23+$0x1470];
	s21 =	sshrl.u32 s21, $0x3  }
0x18a: {  	v45 =	vld [tilespmem:s23+$0x1430];
	s21 =	smul.u32 $0x6000, s21  }
0x18b: {  	v46 =	vld [tilespmem:s23+$0x1440];
	s17 =	sadd.s32 $0x80, s17  }
0x18c: {  	v47 =	vld [tilespmem:s23+$0x1450];
	s17 =	sand.u32 $0x380, s17;
	s21 =	sshra.s32 s21, $0x2  }
0x18d: {  	v48 =	vld [tilespmem:s23+$0x1460];
	s17 =	sor.u32 s17, s21  }
0x18e: {  	[tilespmem:s17+$0x5C70] =	vst.add.f32.msk $0xffff, v44  }
0x18f: {  	[tilespmem:s17+$0x4800] =	vst.add.f32.msk $0xffff, v2  }
0x190: {  	[tilespmem:s17+$0x4810] =	vst.add.f32.msk $0xffff, v3  }
0x191: {  	[tilespmem:s17+$0x4820] =	vst.add.f32.msk $0xffff, v4  }
0x192: {  	[tilespmem:s17+$0x4830] =	vst.add.f32.msk $0xffff, v5  }
0x193: {  	[tilespmem:s17+$0x4840] =	vst.add.f32.msk $0xffff, v6  }
0x194: {  	[tilespmem:s17+$0x4850] =	vst.add.f32.msk $0xffff, v7  }
0x195: {  	[tilespmem:s17+$0x4860] =	vst.add.f32.msk $0xffff, v8  }
0x196: {  	[tilespmem:s17+$0x4870] =	vst.add.f32.msk $0xffff, v9  }
0x197: {  	[tilespmem:s17+$0x4C00] =	vst.add.f32.msk $0xffff, v1  }
0x198: {  	[tilespmem:s17+$0x4C10] =	vst.add.f32.msk $0xffff, v10  }
0x199: {  	[tilespmem:s17+$0x4C20] =	vst.add.f32.msk $0xffff, v11  }
0x19a: {  	[tilespmem:s17+$0x4C30] =	vst.add.f32.msk $0xffff, v12  }
0x19b: {  	[tilespmem:s17+$0x4C40] =	vst.add.f32.msk $0xffff, v13  }
0x19c: {  	[tilespmem:s17+$0x4C50] =	vst.add.f32.msk $0xffff, v14  }
0x19d: {  	[tilespmem:s17+$0x4C60] =	vst.add.f32.msk $0xffff, v15  }
0x19e: {  	[tilespmem:s17+$0x4C70] =	vst.add.f32.msk $0xffff, v16  }
0x19f: {  	[tilespmem:s17+$0x5000] =	vst.add.f32.msk $0xffff, v17  }
0x1a0: {  	[tilespmem:s17+$0x5010] =	vst.add.f32.msk $0xffff, v18  }
0x1a1: {  	[tilespmem:s17+$0x5020] =	vst.add.f32.msk $0xffff, v19  }
0x1a2: {  	[tilespmem:s17+$0x5030] =	vst.add.f32.msk $0xffff, v20  }
0x1a3: {  	[tilespmem:s17+$0x5040] =	vst.add.f32.msk $0xffff, v21  }
0x1a4: {  	[tilespmem:s17+$0x5050] =	vst.add.f32.msk $0xffff, v22  }
0x1a5: {  	[tilespmem:s17+$0x5060] =	vst.add.f32.msk $0xffff, v23  }
0x1a6: {  	[tilespmem:s17+$0x5070] =	vst.add.f32.msk $0xffff, v24  }
0x1a7: {  	[tilespmem:s17+$0x5400] =	vst.add.f32.msk $0xffff, v25  }
0x1a8: {  	[tilespmem:s17+$0x5410] =	vst.add.f32.msk $0xffff, v26  }
0x1a9: {  	[tilespmem:s17+$0x5420] =	vst.add.f32.msk $0xffff, v27  }
0x1aa: {  	[tilespmem:s17+$0x5430] =	vst.add.f32.msk $0xffff, v28  }
0x1ab: {  	[tilespmem:s17+$0x5440] =	vst.add.f32.msk $0xffff, v29  }
0x1ac: {  	[tilespmem:s17+$0x5450] =	vst.add.f32.msk $0xffff, v30  }
0x1ad: {  	[tilespmem:s17+$0x5460] =	vst.add.f32.msk $0xffff, v31  }
0x1ae: {  	[tilespmem:s17+$0x5470] =	vst.add.f32.msk $0xffff, v32  }
0x1af: {  	[tilespmem:s17+$0x5800] =	vst.add.f32.msk $0xffff, v33  }
0x1b0: {  	[tilespmem:s17+$0x5810] =	vst.add.f32.msk $0xffff, v34  }
0x1b1: {  	[tilespmem:s17+$0x5820] =	vst.add.f32.msk $0xffff, v35  }
0x1b2: {  	[tilespmem:s17+$0x5830] =	vst.add.f32.msk $0xffff, v36  }
0x1b3: {  	[tilespmem:s17+$0x5840] =	vst.add.f32.msk $0xffff, v37  }
0x1b4: {  	[tilespmem:s17+$0x5850] =	vst.add.f32.msk $0xffff, v38  }
0x1b5: {  	[tilespmem:s17+$0x5860] =	vst.add.f32.msk $0xffff, v39  }
0x1b6: {  	[tilespmem:s17+$0x5870] =	vst.add.f32.msk $0xffff, v40  }
0x1b7: {  	[tilespmem:s17+$0x5C00] =	vst.add.f32.msk $0xffff, v41  }
0x1b8: {  	[tilespmem:s17+$0x5C10] =	vst.add.f32.msk $0xffff, v42  }
0x1b9: {  	[tilespmem:s17+$0x5C20] =	vst.add.f32.msk $0xffff, v43  }
0x1ba: {  	[tilespmem:s17+$0x5C30] =	vst.add.f32.msk $0xffff, v45  }
0x1bb: {  	[tilespmem:s17+$0x5C40] =	vst.add.f32.msk $0xffff, v46  }
0x1bc: {  	p0 =	seq.s32 s16, $0x0;
	[tilespmem:s17+$0x5C50] =	vst.add.f32.msk $0xffff, v47  }
0x1bd: {  	s21 =	sor.u32 s8, s18;
	[tilespmem:s17+$0x5C60] =	vst.add.f32.msk $0xffff, v48;
	s17 =	simm.s32 @!p0 $0x8  }
0x1be: {  	s22 =	sshll.u32 s21, $0x5;
	_ =	swait.ge @!p0 [sflag:s17], $0x6000  }
0x1bf: {  	s22 =	sor.u32 $0xC00, s22;
	[sflag:s17] =	ssyncset.done @!p0 $0x0  }
0x1c0: {  	s23 =	sadd.s32 s0, s22;
	[sflag:s17] =	ssyncadd.s32 @!p0 $0xFFFFA000;
	s17 =	simm.s32 $0x0  }
0x1c1: {  	[tilespmem:s20], [sflag:$0x4] =	stream.linear.gather [hbm4b:s23+s17], $0x800, $0x38;
	[tilespmem:$0x1CA00] =	vst v63  }
0x1c2: {  	s25 =	simm.s32 $0x18000;
	s24 =	sadd.s32 $0x100, s23  }
0x1c3: {  	[tilespmem:s25], [sflag:$0x4] =	stream.linear.gather [hbm4b:s24+s17], $0x800, $0x38;
	[tilespmem:$0x1CA00] =	vst v63  }
0x1c4: {  	s26 =	simm.s32 $0x19800;
	s25 =	sadd.s32 $0x200, s23  }
0x1c5: {  	[tilespmem:s26], [sflag:$0x4] =	stream.linear.gather [hbm4b:s25+s17], $0x800, $0x38;
	[tilespmem:$0x1CA00] =	vst v63  }
0x1c6: {  	s23 =	sadd.s32 $0x300, s23;
	s25 =	simm.s32 $0x1B000  }
0x1c7: {  	[tilespmem:s25], [sflag:$0x4] =	stream.linear.gather [hbm4b:s23+s17], $0x800, $0x38;
	[tilespmem:$0x1CA00] =	vst v63  }
0x1c8: {  	s26 =	simm.s32 $0x17000;
	s23 =	sadd.s32 s1, s22  }
0x1c9: {  	[tilespmem:s26], [sflag:$0x4] =	stream.linear.gather [hbm4b:s23+s17], $0x800, $0x38;
	[tilespmem:$0x1CA00] =	vst v63  }
0x1ca: {  	s25 =	sadd.s32 $0x100, s23;
	s26 =	simm.s32 $0x18800  }
0x1cb: {  	[tilespmem:s26], [sflag:$0x4] =	stream.linear.gather [hbm4b:s25+s17], $0x800, $0x38;
	[tilespmem:$0x1CA00] =	vst v63  }
0x1cc: {  	s25 =	sadd.s32 $0x200, s23;
	s26 =	simm.s32 $0x1A000  }
0x1cd: {  	[tilespmem:s26], [sflag:$0x4] =	stream.linear.gather [hbm4b:s25+s17], $0x800, $0x38;
	[tilespmem:$0x1CA00] =	vst v63  }
0x1ce: {  	s23 =	sadd.s32 $0x300, s23  }
0x1cf: {  	[tilespmem:s28], [sflag:$0x4] =	stream.linear.gather [hbm4b:s23+s17], $0x800, $0x38;
	[tilespmem:$0x1CA00] =	vst v63  }
0x1d0: {  	s22 =	sadd.s32 s2, s22  }
0x1d1: {  	[tilespmem:s29], [sflag:$0x4] =	stream.linear.gather [hbm4b:s22+s17], $0x800, $0x38;
	[tilespmem:$0x1CA00] =	vst v63  }
0x1d2: {  	s25 =	sadd.s32 $0x100, s22  }
0x1d3: {  	[tilespmem:s30], [sflag:$0x4] =	stream.linear.gather [hbm4b:s25+s17], $0x800, $0x38;
	[tilespmem:$0x1CA00] =	vst v63  }
0x1d4: {  	s21 =	sshrl.u32 s21, $0x3;
	s26 =	sadd.s32 $0x200, s22  }
0x1d5: {  	[tilespmem:s31], [sflag:$0x4] =	stream.linear.gather [hbm4b:s26+s17], $0x800, $0x38;
	[tilespmem:$0x1CA00] =	vst v63  }
0x1d6: {  	s21 =	smul.u32 $0x300, s21;
	s22 =	sadd.s32 $0x300, s22  }
0x1d7: {  	[tilespmem:s9], [sflag:$0x4] =	stream.linear.gather [hbm4b:s22+s17], $0x800, $0x38;
	[tilespmem:$0x1CA00] =	vst v63  }
0x1d8: {  	s21 =	sadd.s32 s6, s21  }
0x1d9: {  	[hbm4b:s21+s17] =	stream.linear.scatter [tilespmem:s3], [sflag:$0x5], $0x6000, $0x38;
	[tilespmem:$0x1CA00] =	vst v63  }
0x1da: {  	_ =	swait.ge [sflag:s10], $0x2000  }
0x1db: {  	[sflag:s10] =	ssyncset.done $0x0  }
0x1dc: {  	[sflag:s10] =	ssyncadd.s32 $0xFFFFE000  }
0x1dd: {  	s23 =	sadd.s32 $0x1C820, s18;
	_ =	swait.ge [sflag:s10], $0x2000  }
0x1de: {  	v1 =	vmov s23;
	[sflag:s10] =	ssyncset.done $0x0  }
0x1df: {  	[sflag:s10] =	ssyncadd.s32 $0xFFFFE000  }
0x1e0: {  	_ =	swait.ge [sflag:s10], $0x2000  }
0x1e1: {  	[sflag:s10] =	ssyncset.done $0x0  }
0x1e2: {  	s24 =	sand.u32 $0x10, s17;
	[sflag:s10] =	ssyncadd.s32 $0xFFFFE000  }
0x1e3: {  	v2 =	vld.idx.msk [tilespmem:v1+s24+$0x0 ss:$0x1], $0xffff;
	_ =	sdelay $0x1  }
0x1e4: {  	s25 =	sand.u32 $0xF, s17  }
0x1e5: {  	v3 =	vmov s25  }
0x1e6: {  	vm0 =	veq.s32 v3, v0  }
0x1e7: {  	v2 =	vnsel vm0, $0x0, v2  }
0x1e8: {  	(xrf0) =	vadd.scan.msk.s32 $0xffff, v2;
	_ =	sdelay $0x5  }
0x1e9: {  	v2, _, _ =	vpop (xrf0)  }
0x1ea: {  	(v2sf) =	vpush v2, $0xF;
	_ =	sdelay $0xe  }
0x1eb: {  	s26 =	spop (v2sf)  }
0x1ec: {  	s23 =	sshrl.u32 s26, $0x3  }
0x1ed: {  	s22 =	smul.u32 $0x6000, s23  }
0x1ee: {  	s21 =	sshll.u32 s26, $0x7  }
0x1ef: {  	s21 =	sand.u32 $0x380, s21;
	s22 =	sshra.s32 s22, $0x2  }
0x1f0: {  	s21 =	sor.u32 s21, s22  }
0x1f1: {  	v2 =	vld [tilespmem:s21+$0x0]  }
0x1f2: {  	v3 =	vld [tilespmem:s21+$0x10]  }
0x1f3: {  	v4 =	vld [tilespmem:s21+$0x20]  }
0x1f4: {  	v5 =	vld [tilespmem:s21+$0x30]  }
0x1f5: {  	v6 =	vld [tilespmem:s21+$0x40]  }
0x1f6: {  	v7 =	vld [tilespmem:s21+$0x50]  }
0x1f7: {  	v8 =	vld [tilespmem:s21+$0x60]  }
0x1f8: {  	v9 =	vld [tilespmem:s21+$0x70]  }
0x1f9: {  	v10 =	vld [tilespmem:s21+$0x400]  }
0x1fa: {  	v11 =	vld [tilespmem:s21+$0x410]  }
0x1fb: {  	v12 =	vld [tilespmem:s21+$0x420]  }
0x1fc: {  	v13 =	vld [tilespmem:s21+$0x430]  }
0x1fd: {  	v14 =	vld [tilespmem:s21+$0x440]  }
0x1fe: {  	v15 =	vld [tilespmem:s21+$0x450]  }
0x1ff: {  	v16 =	vld [tilespmem:s21+$0x460]  }
0x200: {  	v17 =	vld [tilespmem:s21+$0x470]  }
0x201: {  	v18 =	vld [tilespmem:s21+$0x800]  }
0x202: {  	v19 =	vld [tilespmem:s21+$0x810]  }
0x203: {  	v20 =	vld [tilespmem:s21+$0x820]  }
0x204: {  	v21 =	vld [tilespmem:s21+$0x830]  }
0x205: {  	v22 =	vld [tilespmem:s21+$0x840]  }
0x206: {  	v23 =	vld [tilespmem:s21+$0x850]  }
0x207: {  	v24 =	vld [tilespmem:s21+$0x860]  }
0x208: {  	v25 =	vld [tilespmem:s21+$0x870]  }
0x209: {  	v26 =	vld [tilespmem:s21+$0xC00]  }
0x20a: {  	v27 =	vld [tilespmem:s21+$0xC10]  }
0x20b: {  	v28 =	vld [tilespmem:s21+$0xC20]  }
0x20c: {  	v29 =	vld [tilespmem:s21+$0xC30]  }
0x20d: {  	v30 =	vld [tilespmem:s21+$0xC40]  }
0x20e: {  	v31 =	vld [tilespmem:s21+$0xC50]  }
0x20f: {  	v32 =	vld [tilespmem:s21+$0xC60]  }
0x210: {  	v33 =	vld [tilespmem:s21+$0xC70]  }
0x211: {  	v34 =	vld [tilespmem:s21+$0x1000]  }
0x212: {  	v35 =	vld [tilespmem:s21+$0x1010]  }
0x213: {  	v36 =	vld [tilespmem:s21+$0x1020]  }
0x214: {  	v52 =	vld [tilespmem:s21+$0x1030]  }
0x215: {  	v53 =	vld [tilespmem:s21+$0x1040]  }
0x216: {  	v54 =	vld [tilespmem:s21+$0x1050]  }
0x217: {  	v55 =	vld [tilespmem:s21+$0x1060]  }
0x218: {  	v56 =	vld [tilespmem:s21+$0x1070]  }
0x219: {  	v57 =	vld [tilespmem:s21+$0x1400]  }
0x21a: {  	v58 =	vld [tilespmem:s21+$0x1410]  }
0x21b: {  	v59 =	vld [tilespmem:s21+$0x1420]  }
0x21c: {  	s24 =	simm.s32 $0x0;
	v60 =	vld [tilespmem:s21+$0x1470]  }
0x21d: {  	s22 =	smul.u32 $0x6000, s24;
	v61 =	vld [tilespmem:s21+$0x1430]  }
0x21e: {  	v62 =	vld [tilespmem:s21+$0x1440]  }
0x21f: {  	s25 =	sand.u32 $0x380, s17;
	v63 =	vld [tilespmem:s21+$0x1450];
	s22 =	sshra.s32 s22, $0x2  }
0x220: {  	v49 =	vld [tilespmem:s21+$0x1460];
	s22 =	sor.u32 s25, s22  }
0x221: {  	[tilespmem:s22+$0xBC70] =	vst.add.f32.msk $0xffff, v60  }
0x222: {  	[tilespmem:s22+$0xA800] =	vst.add.f32.msk $0xffff, v2  }
0x223: {  	[tilespmem:s22+$0xA810] =	vst.add.f32.msk $0xffff, v3  }
0x224: {  	[tilespmem:s22+$0xA820] =	vst.add.f32.msk $0xffff, v4  }
0x225: {  	[tilespmem:s22+$0xA830] =	vst.add.f32.msk $0xffff, v5  }
0x226: {  	[tilespmem:s22+$0xA840] =	vst.add.f32.msk $0xffff, v6  }
0x227: {  	[tilespmem:s22+$0xA850] =	vst.add.f32.msk $0xffff, v7  }
0x228: {  	[tilespmem:s22+$0xA860] =	vst.add.f32.msk $0xffff, v8  }
0x229: {  	[tilespmem:s22+$0xA870] =	vst.add.f32.msk $0xffff, v9  }
0x22a: {  	[tilespmem:s22+$0xAC00] =	vst.add.f32.msk $0xffff, v10  }
0x22b: {  	[tilespmem:s22+$0xAC10] =	vst.add.f32.msk $0xffff, v11  }
0x22c: {  	[tilespmem:s22+$0xAC20] =	vst.add.f32.msk $0xffff, v12  }
0x22d: {  	s21 =	simm.s32 $0x1;
	[tilespmem:s22+$0xAC30] =	vst.add.f32.msk $0xffff, v13  }
0x22e: {  	s26 =	sand.u32 $0x10, s21;
	[tilespmem:s22+$0xAC40] =	vst.add.f32.msk $0xffff, v14  }
0x22f: {  	v2 =	vld.idx.msk [tilespmem:v1+s26+$0x0 ss:$0x1], $0xffff  }
0x230: {  	[tilespmem:s22+$0xAC50] =	vst.add.f32.msk $0xffff, v15  }
0x231: {  	[tilespmem:s22+$0xAC60] =	vst.add.f32.msk $0xffff, v16  }
0x232: {  	s24 =	sand.u32 $0xF, s21;
	[tilespmem:s22+$0xAC70] =	vst.add.f32.msk $0xffff, v17  }
0x233: {  	v3 =	vmov s24;
	[tilespmem:s22+$0xB000] =	vst.add.f32.msk $0xffff, v18  }
0x234: {  	[tilespmem:s22+$0xB010] =	vst.add.f32.msk $0xffff, v19;
	vm15 =	veq.s32 v3, v0  }
0x235: {  	[tilespmem:s22+$0xB020] =	vst.add.f32.msk $0xffff, v20;
	v2 =	vnsel vm15, $0x0, v2  }
0x236: {  	[tilespmem:s22+$0xB030] =	vst.add.f32.msk $0xffff, v21;
	(xrf0) =	vadd.scan.msk.s32 $0xffff, v2  }
0x237: {  	[tilespmem:s22+$0xB040] =	vst.add.f32.msk $0xffff, v22  }
0x238: {  	[tilespmem:s22+$0xB050] =	vst.add.f32.msk $0xffff, v23  }
0x239: {  	[tilespmem:s22+$0xB060] =	vst.add.f32.msk $0xffff, v24  }
0x23a: {  	[tilespmem:s22+$0xB070] =	vst.add.f32.msk $0xffff, v25  }
0x23b: {  	[tilespmem:s22+$0xB400] =	vst.add.f32.msk $0xffff, v26  }
0x23c: {  	[tilespmem:s22+$0xB410] =	vst.add.f32.msk $0xffff, v27;
	v2, _, _ =	vpop (xrf0)  }
0x23d: {  	[tilespmem:s22+$0xB420] =	vst.add.f32.msk $0xffff, v28;
	(v2sf) =	vpush v2, $0xF  }
0x23e: {  	[tilespmem:s22+$0xB430] =	vst.add.f32.msk $0xffff, v29  }
0x23f: {  	[tilespmem:s22+$0xB440] =	vst.add.f32.msk $0xffff, v30  }
0x240: {  	[tilespmem:s22+$0xB450] =	vst.add.f32.msk $0xffff, v31  }
0x241: {  	[tilespmem:s22+$0xB460] =	vst.add.f32.msk $0xffff, v32  }
0x242: {  	[tilespmem:s22+$0xB470] =	vst.add.f32.msk $0xffff, v33  }
0x243: {  	[tilespmem:s22+$0xB800] =	vst.add.f32.msk $0xffff, v34  }
0x244: {  	[tilespmem:s22+$0xB810] =	vst.add.f32.msk $0xffff, v35  }
0x245: {  	[tilespmem:s22+$0xB820] =	vst.add.f32.msk $0xffff, v36  }
0x246: {  	[tilespmem:s22+$0xB830] =	vst.add.f32.msk $0xffff, v52  }
0x247: {  	[tilespmem:s22+$0xB840] =	vst.add.f32.msk $0xffff, v53  }
0x248: {  	[tilespmem:s22+$0xB850] =	vst.add.f32.msk $0xffff, v54  }
0x249: {  	[tilespmem:s22+$0xB860] =	vst.add.f32.msk $0xffff, v55  }
0x24a: {  	[tilespmem:s22+$0xB870] =	vst.add.f32.msk $0xffff, v56  }
0x24b: {  	[tilespmem:s22+$0xBC00] =	vst.add.f32.msk $0xffff, v57  }
0x24c: {  	[tilespmem:s22+$0xBC10] =	vst.add.f32.msk $0xffff, v58;
	s25 =	spop (v2sf)  }
0x24d: {  	[tilespmem:s22+$0xBC20] =	vst.add.f32.msk $0xffff, v59;
	s26 =	sshrl.u32 s25, $0x3  }
0x24e: {  	[tilespmem:s22+$0xBC30] =	vst.add.f32.msk $0xffff, v61;
	s24 =	smul.u32 $0x6000, s26  }
0x24f: {  	[tilespmem:s22+$0xBC40] =	vst.add.f32.msk $0xffff, v62;
	s23 =	sshll.u32 s25, $0x7  }
0x250: {  	[tilespmem:s22+$0xBC50] =	vst.add.f32.msk $0xffff, v63;
	s23 =	sand.u32 $0x380, s23;
	s24 =	sshra.s32 s24, $0x2  }
0x251: {  	[tilespmem:s22+$0xBC60] =	vst.add.f32.msk $0xffff, v49;
	s24 =	sor.u32 s23, s24  }
0x252: {  	v2 =	vld [tilespmem:s24+$0x0]  }
0x253: {  	v3 =	vld [tilespmem:s24+$0x10]  }
0x254: {  	v4 =	vld [tilespmem:s24+$0x20]  }
0x255: {  	v5 =	vld [tilespmem:s24+$0x30]  }
0x256: {  	v6 =	vld [tilespmem:s24+$0x40]  }
0x257: {  	v7 =	vld [tilespmem:s24+$0x50]  }
0x258: {  	v8 =	vld [tilespmem:s24+$0x60]  }
0x259: {  	s22 =	sor.u32 $0x20, s18;
	s23 =	simm.s32 $0x2;
	v9 =	vld [tilespmem:s24+$0x70]  }
.LBB2_5:
0x25a: {  	p0 =	sne.s32 s23, $0x1F;
	v10 =	vld [tilespmem:s24+$0x400]  }
0x25b: {  	v11 =	vld [tilespmem:s24+$0x410]  }
0x25c: {  	v12 =	vld [tilespmem:s24+$0x420]  }
0x25d: {  	v13 =	vld [tilespmem:s24+$0x430]  }
0x25e: {  	v14 =	vld [tilespmem:s24+$0x440]  }
0x25f: {  	v15 =	vld [tilespmem:s24+$0x450]  }
0x260: {  	v16 =	vld [tilespmem:s24+$0x460]  }
0x261: {  	v17 =	vld [tilespmem:s24+$0x470]  }
0x262: {  	v18 =	vld [tilespmem:s24+$0x800]  }
0x263: {  	v19 =	vld [tilespmem:s24+$0x810]  }
0x264: {  	v20 =	vld [tilespmem:s24+$0x820]  }
0x265: {  	v21 =	vld [tilespmem:s24+$0x830]  }
0x266: {  	v22 =	vld [tilespmem:s24+$0x840]  }
0x267: {  	v23 =	vld [tilespmem:s24+$0x850]  }
0x268: {  	v24 =	vld [tilespmem:s24+$0x860]  }
0x269: {  	v25 =	vld [tilespmem:s24+$0x870]  }
0x26a: {  	v26 =	vld [tilespmem:s24+$0xC00]  }
0x26b: {  	v27 =	vld [tilespmem:s24+$0xC10]  }
0x26c: {  	v28 =	vld [tilespmem:s24+$0xC20]  }
0x26d: {  	v29 =	vld [tilespmem:s24+$0xC30]  }
0x26e: {  	v30 =	vld [tilespmem:s24+$0xC40]  }
0x26f: {  	v31 =	vld [tilespmem:s24+$0xC50]  }
0x270: {  	v32 =	vld [tilespmem:s24+$0xC60]  }
0x271: {  	v33 =	vld [tilespmem:s24+$0xC70]  }
0x272: {  	v34 =	vld [tilespmem:s24+$0x1000]  }
0x273: {  	v35 =	vld [tilespmem:s24+$0x1010]  }
0x274: {  	v36 =	vld [tilespmem:s24+$0x1020]  }
0x275: {  	v37 =	vld [tilespmem:s24+$0x1030]  }
0x276: {  	v38 =	vld [tilespmem:s24+$0x1040]  }
0x277: {  	v39 =	vld [tilespmem:s24+$0x1050]  }
0x278: {  	v40 =	vld [tilespmem:s24+$0x1060]  }
0x279: {  	v41 =	vld [tilespmem:s24+$0x1070]  }
0x27a: {  	v42 =	vld [tilespmem:s24+$0x1400]  }
0x27b: {  	v43 =	vld [tilespmem:s24+$0x1410]  }
0x27c: {  	v44 =	vld [tilespmem:s24+$0x1420]  }
0x27d: {  	s25 =	sshrl.u32 s21, $0x3;
	s21 =	smov.u32 s23;
	v45 =	vld [tilespmem:s24+$0x1470]  }
0x27e: {  	s25 =	smul.u32 $0x6000, s25;
	v46 =	vld [tilespmem:s24+$0x1430]  }
0x27f: {  	s17 =	sadd.s32 $0x80, s17;
	v47 =	vld [tilespmem:s24+$0x1440]  }
0x280: {  	s26 =	sand.u32 $0x380, s17;
	s25 =	sshra.s32 s25, $0x2;
	v48 =	vld [tilespmem:s24+$0x1450]  }
0x281: {  	s25 =	sor.u32 s26, s25;
	v49 =	vld [tilespmem:s24+$0x1460]  }
0x282: {  	[tilespmem:s25+$0xBC70] =	vst.add.f32.msk $0xffff, v45  }
0x283: {  	[tilespmem:s25+$0xA800] =	vst.add.f32.msk $0xffff, v2  }
0x284: {  	[tilespmem:s25+$0xA810] =	vst.add.f32.msk $0xffff, v3  }
0x285: {  	[tilespmem:s25+$0xA820] =	vst.add.f32.msk $0xffff, v4  }
0x286: {  	[tilespmem:s25+$0xA830] =	vst.add.f32.msk $0xffff, v5  }
0x287: {  	[tilespmem:s25+$0xA840] =	vst.add.f32.msk $0xffff, v6  }
0x288: {  	[tilespmem:s25+$0xA850] =	vst.add.f32.msk $0xffff, v7  }
0x289: {  	[tilespmem:s25+$0xA860] =	vst.add.f32.msk $0xffff, v8  }
0x28a: {  	[tilespmem:s25+$0xA870] =	vst.add.f32.msk $0xffff, v9  }
0x28b: {  	[tilespmem:s25+$0xAC00] =	vst.add.f32.msk $0xffff, v10  }
0x28c: {  	[tilespmem:s25+$0xAC10] =	vst.add.f32.msk $0xffff, v11  }
0x28d: {  	[tilespmem:s25+$0xAC20] =	vst.add.f32.msk $0xffff, v12  }
0x28e: {  	[tilespmem:s25+$0xAC30] =	vst.add.f32.msk $0xffff, v13  }
0x28f: {  	s24 =	sand.u32 $0x10, s23;
	[tilespmem:s25+$0xAC40] =	vst.add.f32.msk $0xffff, v14  }
0x290: {  	v2 =	vld.idx.msk [tilespmem:v1+s24+$0x0 ss:$0x1], $0xffff  }
0x291: {  	[tilespmem:s25+$0xAC50] =	vst.add.f32.msk $0xffff, v15  }
0x292: {  	[tilespmem:s25+$0xAC60] =	vst.add.f32.msk $0xffff, v16  }
0x293: {  	s24 =	sand.u32 $0xF, s23;
	[tilespmem:s25+$0xAC70] =	vst.add.f32.msk $0xffff, v17  }
0x294: {  	v3 =	vmov s24;
	[tilespmem:s25+$0xB000] =	vst.add.f32.msk $0xffff, v18  }
0x295: {  	vm0 =	veq.s32 v3, v0;
	[tilespmem:s25+$0xB010] =	vst.add.f32.msk $0xffff, v19  }
0x296: {  	v2 =	vnsel vm0, $0x0, v2;
	[tilespmem:s25+$0xB020] =	vst.add.f32.msk $0xffff, v20  }
0x297: {  	(xrf0) =	vadd.scan.msk.s32 $0xffff, v2;
	[tilespmem:s25+$0xB030] =	vst.add.f32.msk $0xffff, v21  }
0x298: {  	[tilespmem:s25+$0xB040] =	vst.add.f32.msk $0xffff, v22  }
0x299: {  	[tilespmem:s25+$0xB050] =	vst.add.f32.msk $0xffff, v23  }
0x29a: {  	[tilespmem:s25+$0xB060] =	vst.add.f32.msk $0xffff, v24  }
0x29b: {  	[tilespmem:s25+$0xB070] =	vst.add.f32.msk $0xffff, v25  }
0x29c: {  	[tilespmem:s25+$0xB400] =	vst.add.f32.msk $0xffff, v26  }
0x29d: {  	v2, _, _ =	vpop (xrf0);
	[tilespmem:s25+$0xB410] =	vst.add.f32.msk $0xffff, v27  }
0x29e: {  	(v2sf) =	vpush v2, $0xF;
	[tilespmem:s25+$0xB420] =	vst.add.f32.msk $0xffff, v28  }
0x29f: {  	[tilespmem:s25+$0xB430] =	vst.add.f32.msk $0xffff, v29  }
0x2a0: {  	[tilespmem:s25+$0xB440] =	vst.add.f32.msk $0xffff, v30  }
0x2a1: {  	[tilespmem:s25+$0xB450] =	vst.add.f32.msk $0xffff, v31  }
0x2a2: {  	[tilespmem:s25+$0xB460] =	vst.add.f32.msk $0xffff, v32  }
0x2a3: {  	[tilespmem:s25+$0xB470] =	vst.add.f32.msk $0xffff, v33  }
0x2a4: {  	[tilespmem:s25+$0xB800] =	vst.add.f32.msk $0xffff, v34  }
0x2a5: {  	[tilespmem:s25+$0xB810] =	vst.add.f32.msk $0xffff, v35  }
0x2a6: {  	[tilespmem:s25+$0xB820] =	vst.add.f32.msk $0xffff, v36  }
0x2a7: {  	[tilespmem:s25+$0xB830] =	vst.add.f32.msk $0xffff, v37  }
0x2a8: {  	[tilespmem:s25+$0xB840] =	vst.add.f32.msk $0xffff, v38  }
0x2a9: {  	[tilespmem:s25+$0xB850] =	vst.add.f32.msk $0xffff, v39  }
0x2aa: {  	[tilespmem:s25+$0xB860] =	vst.add.f32.msk $0xffff, v40  }
0x2ab: {  	[tilespmem:s25+$0xB870] =	vst.add.f32.msk $0xffff, v41  }
0x2ac: {  	[tilespmem:s25+$0xBC00] =	vst.add.f32.msk $0xffff, v42  }
0x2ad: {  	s24 =	spop (v2sf);
	[tilespmem:s25+$0xBC10] =	vst.add.f32.msk $0xffff, v43  }
0x2ae: {  	s26 =	sshrl.u32 s24, $0x3;
	[tilespmem:s25+$0xBC20] =	vst.add.f32.msk $0xffff, v44  }
0x2af: {  	s26 =	smul.u32 $0x6000, s26;
	[tilespmem:s25+$0xBC30] =	vst.add.f32.msk $0xffff, v46  }
0x2b0: {  	s24 =	sshll.u32 s24, $0x7;
	[tilespmem:s25+$0xBC40] =	vst.add.f32.msk $0xffff, v47  }
0x2b1: {  	s24 =	sand.u32 $0x380, s24;
	s26 =	sshra.s32 s26, $0x2;
	[tilespmem:s25+$0xBC50] =	vst.add.f32.msk $0xffff, v48  }
0x2b2: {  	s24 =	sor.u32 s24, s26;
	[tilespmem:s25+$0xBC60] =	vst.add.f32.msk $0xffff, v49  }
0x2b3: {  	v2 =	vld [tilespmem:s24+$0x0]  }
0x2b4: {  	v3 =	vld [tilespmem:s24+$0x10]  }
0x2b5: {  	v4 =	vld [tilespmem:s24+$0x20]  }
.Ltmp1:
0x2b6: {  	v5 =	vld [tilespmem:s24+$0x30];
	(pc) =	sbr.rel @p0 .LBB2_5-.Ltmp1, $4  }
0x2b7: {  	v6 =	vld [tilespmem:s24+$0x40]  }
0x2b8: {  	v7 =	vld [tilespmem:s24+$0x50]  }
0x2b9: {  	v8 =	vld [tilespmem:s24+$0x60]  }
0x2ba: {  	s23 =	sadd.s32 $0x1, s23;
	v9 =	vld [tilespmem:s24+$0x70]  }
0x2bb: {  	v1 =	vld [tilespmem:s24+$0x400]  }
0x2bc: {  	v10 =	vld [tilespmem:s24+$0x410]  }
0x2bd: {  	v11 =	vld [tilespmem:s24+$0x420]  }
0x2be: {  	v12 =	vld [tilespmem:s24+$0x430]  }
0x2bf: {  	v13 =	vld [tilespmem:s24+$0x440]  }
0x2c0: {  	v14 =	vld [tilespmem:s24+$0x450]  }
0x2c1: {  	v15 =	vld [tilespmem:s24+$0x460]  }
0x2c2: {  	v16 =	vld [tilespmem:s24+$0x470]  }
0x2c3: {  	v17 =	vld [tilespmem:s24+$0x800]  }
0x2c4: {  	v18 =	vld [tilespmem:s24+$0x810]  }
0x2c5: {  	v19 =	vld [tilespmem:s24+$0x820]  }
0x2c6: {  	v20 =	vld [tilespmem:s24+$0x830]  }
0x2c7: {  	v21 =	vld [tilespmem:s24+$0x840]  }
0x2c8: {  	v22 =	vld [tilespmem:s24+$0x850]  }
0x2c9: {  	v23 =	vld [tilespmem:s24+$0x860]  }
0x2ca: {  	v24 =	vld [tilespmem:s24+$0x870]  }
0x2cb: {  	v25 =	vld [tilespmem:s24+$0xC00]  }
0x2cc: {  	v26 =	vld [tilespmem:s24+$0xC10]  }
0x2cd: {  	v27 =	vld [tilespmem:s24+$0xC20]  }
0x2ce: {  	v28 =	vld [tilespmem:s24+$0xC30]  }
0x2cf: {  	v29 =	vld [tilespmem:s24+$0xC40]  }
0x2d0: {  	v30 =	vld [tilespmem:s24+$0xC50]  }
0x2d1: {  	v31 =	vld [tilespmem:s24+$0xC60]  }
0x2d2: {  	v32 =	vld [tilespmem:s24+$0xC70]  }
0x2d3: {  	v33 =	vld [tilespmem:s24+$0x1000]  }
0x2d4: {  	v34 =	vld [tilespmem:s24+$0x1010]  }
0x2d5: {  	v35 =	vld [tilespmem:s24+$0x1020]  }
0x2d6: {  	v36 =	vld [tilespmem:s24+$0x1030]  }
0x2d7: {  	v37 =	vld [tilespmem:s24+$0x1040]  }
0x2d8: {  	v38 =	vld [tilespmem:s24+$0x1050]  }
0x2d9: {  	v39 =	vld [tilespmem:s24+$0x1060]  }
0x2da: {  	v40 =	vld [tilespmem:s24+$0x1070]  }
0x2db: {  	v41 =	vld [tilespmem:s24+$0x1400]  }
0x2dc: {  	v42 =	vld [tilespmem:s24+$0x1410]  }
0x2dd: {  	v43 =	vld [tilespmem:s24+$0x1420]  }
0x2de: {  	v44 =	vld [tilespmem:s24+$0x1470];
	s21 =	sshrl.u32 s21, $0x3  }
0x2df: {  	v45 =	vld [tilespmem:s24+$0x1430];
	s21 =	smul.u32 $0x6000, s21  }
0x2e0: {  	v46 =	vld [tilespmem:s24+$0x1440];
	s17 =	sadd.s32 $0x80, s17  }
0x2e1: {  	v47 =	vld [tilespmem:s24+$0x1450];
	s17 =	sand.u32 $0x380, s17;
	s21 =	sshra.s32 s21, $0x2  }
0x2e2: {  	v48 =	vld [tilespmem:s24+$0x1460];
	s17 =	sor.u32 s17, s21  }
0x2e3: {  	[tilespmem:s17+$0xBC70] =	vst.add.f32.msk $0xffff, v44  }
0x2e4: {  	[tilespmem:s17+$0xA800] =	vst.add.f32.msk $0xffff, v2  }
0x2e5: {  	[tilespmem:s17+$0xA810] =	vst.add.f32.msk $0xffff, v3  }
0x2e6: {  	[tilespmem:s17+$0xA820] =	vst.add.f32.msk $0xffff, v4  }
0x2e7: {  	[tilespmem:s17+$0xA830] =	vst.add.f32.msk $0xffff, v5  }
0x2e8: {  	[tilespmem:s17+$0xA840] =	vst.add.f32.msk $0xffff, v6  }
0x2e9: {  	[tilespmem:s17+$0xA850] =	vst.add.f32.msk $0xffff, v7  }
0x2ea: {  	[tilespmem:s17+$0xA860] =	vst.add.f32.msk $0xffff, v8  }
0x2eb: {  	[tilespmem:s17+$0xA870] =	vst.add.f32.msk $0xffff, v9  }
0x2ec: {  	[tilespmem:s17+$0xAC00] =	vst.add.f32.msk $0xffff, v1  }
0x2ed: {  	[tilespmem:s17+$0xAC10] =	vst.add.f32.msk $0xffff, v10  }
0x2ee: {  	[tilespmem:s17+$0xAC20] =	vst.add.f32.msk $0xffff, v11  }
0x2ef: {  	[tilespmem:s17+$0xAC30] =	vst.add.f32.msk $0xffff, v12  }
0x2f0: {  	[tilespmem:s17+$0xAC40] =	vst.add.f32.msk $0xffff, v13  }
0x2f1: {  	[tilespmem:s17+$0xAC50] =	vst.add.f32.msk $0xffff, v14  }
0x2f2: {  	[tilespmem:s17+$0xAC60] =	vst.add.f32.msk $0xffff, v15  }
0x2f3: {  	[tilespmem:s17+$0xAC70] =	vst.add.f32.msk $0xffff, v16  }
0x2f4: {  	[tilespmem:s17+$0xB000] =	vst.add.f32.msk $0xffff, v17  }
0x2f5: {  	[tilespmem:s17+$0xB010] =	vst.add.f32.msk $0xffff, v18  }
0x2f6: {  	[tilespmem:s17+$0xB020] =	vst.add.f32.msk $0xffff, v19  }
0x2f7: {  	[tilespmem:s17+$0xB030] =	vst.add.f32.msk $0xffff, v20  }
0x2f8: {  	[tilespmem:s17+$0xB040] =	vst.add.f32.msk $0xffff, v21  }
0x2f9: {  	[tilespmem:s17+$0xB050] =	vst.add.f32.msk $0xffff, v22  }
0x2fa: {  	[tilespmem:s17+$0xB060] =	vst.add.f32.msk $0xffff, v23  }
0x2fb: {  	[tilespmem:s17+$0xB070] =	vst.add.f32.msk $0xffff, v24  }
0x2fc: {  	[tilespmem:s17+$0xB400] =	vst.add.f32.msk $0xffff, v25  }
0x2fd: {  	[tilespmem:s17+$0xB410] =	vst.add.f32.msk $0xffff, v26  }
0x2fe: {  	[tilespmem:s17+$0xB420] =	vst.add.f32.msk $0xffff, v27  }
0x2ff: {  	[tilespmem:s17+$0xB430] =	vst.add.f32.msk $0xffff, v28  }
0x300: {  	[tilespmem:s17+$0xB440] =	vst.add.f32.msk $0xffff, v29  }
0x301: {  	[tilespmem:s17+$0xB450] =	vst.add.f32.msk $0xffff, v30  }
0x302: {  	[tilespmem:s17+$0xB460] =	vst.add.f32.msk $0xffff, v31  }
0x303: {  	[tilespmem:s17+$0xB470] =	vst.add.f32.msk $0xffff, v32  }
0x304: {  	[tilespmem:s17+$0xB800] =	vst.add.f32.msk $0xffff, v33  }
0x305: {  	[tilespmem:s17+$0xB810] =	vst.add.f32.msk $0xffff, v34  }
0x306: {  	[tilespmem:s17+$0xB820] =	vst.add.f32.msk $0xffff, v35  }
0x307: {  	[tilespmem:s17+$0xB830] =	vst.add.f32.msk $0xffff, v36  }
0x308: {  	[tilespmem:s17+$0xB840] =	vst.add.f32.msk $0xffff, v37  }
0x309: {  	[tilespmem:s17+$0xB850] =	vst.add.f32.msk $0xffff, v38  }
0x30a: {  	[tilespmem:s17+$0xB860] =	vst.add.f32.msk $0xffff, v39  }
0x30b: {  	[tilespmem:s17+$0xB870] =	vst.add.f32.msk $0xffff, v40  }
0x30c: {  	[tilespmem:s17+$0xBC00] =	vst.add.f32.msk $0xffff, v41  }
0x30d: {  	[tilespmem:s17+$0xBC10] =	vst.add.f32.msk $0xffff, v42  }
0x30e: {  	[tilespmem:s17+$0xBC20] =	vst.add.f32.msk $0xffff, v43  }
0x30f: {  	[tilespmem:s17+$0xBC30] =	vst.add.f32.msk $0xffff, v45  }
0x310: {  	[tilespmem:s17+$0xBC40] =	vst.add.f32.msk $0xffff, v46  }
0x311: {  	[tilespmem:s17+$0xBC50] =	vst.add.f32.msk $0xffff, v47  }
0x312: {  	p0 =	seq.s32 s16, $0x3;
	[tilespmem:s17+$0xBC60] =	vst.add.f32.msk $0xffff, v48;
	s17 =	sor.u32 s8, s22  }
0x313: {  	_ =	swait.ge [sflag:s11], $0x6000;
	s21 =	sshll.u32 @!p0 s17, $0x5  }
0x314: {  	s23 =	simm.s32 @!p0 $0x0;
	[sflag:s11] =	ssyncset.done $0x0;
	s21 =	sadd.s32 @!p0 $0xC00, s21  }
0x315: {  	s24 =	simm.s32 @!p0 $0x4800;
	[sflag:s11] =	ssyncadd.s32 $0xFFFFA000;
	s22 =	sadd.s32 @!p0 s0, s21  }
0x316: {  	[tilespmem:s24], [sflag:$0x1] =	stream.linear.gather @!p0 [hbm4b:s22+s23], $0x800, $0x38;
	[tilespmem:$0x1CA00] =	vst v63  }
0x317: {  	s25 =	simm.s32 @!p0 $0x6000;
	s24 =	sadd.s32 @!p0 $0x100, s22  }
0x318: {  	[tilespmem:s25], [sflag:$0x1] =	stream.linear.gather @!p0 [hbm4b:s24+s23], $0x800, $0x38;
	[tilespmem:$0x1CA00] =	vst v63  }
0x319: {  	s24 =	sadd.s32 @!p0 $0x200, s22;
	s25 =	simm.s32 @!p0 $0x7800  }
0x31a: {  	[tilespmem:s25], [sflag:$0x1] =	stream.linear.gather @!p0 [hbm4b:s24+s23], $0x800, $0x38;
	[tilespmem:$0x1CA00] =	vst v63  }
0x31b: {  	s22 =	sadd.s32 @!p0 $0x300, s22;
	s24 =	simm.s32 @!p0 $0x9000  }
0x31c: {  	[tilespmem:s24], [sflag:$0x1] =	stream.linear.gather @!p0 [hbm4b:s22+s23], $0x800, $0x38;
	[tilespmem:$0x1CA00] =	vst v63  }
0x31d: {  	s22 =	sadd.s32 @!p0 s1, s21;
	s24 =	simm.s32 @!p0 $0x5000  }
0x31e: {  	[tilespmem:s24], [sflag:$0x1] =	stream.linear.gather @!p0 [hbm4b:s22+s23], $0x800, $0x38;
	[tilespmem:$0x1CA00] =	vst v63  }
0x31f: {  	s25 =	simm.s32 @!p0 $0x6800;
	s24 =	sadd.s32 @!p0 $0x100, s22  }
0x320: {  	[tilespmem:s25], [sflag:$0x1] =	stream.linear.gather @!p0 [hbm4b:s24+s23], $0x800, $0x38;
	[tilespmem:$0x1CA00] =	vst v63  }
0x321: {  	s24 =	sadd.s32 @!p0 $0x200, s22;
	s25 =	simm.s32 @!p0 $0x8000  }
0x322: {  	[tilespmem:s25], [sflag:$0x1] =	stream.linear.gather @!p0 [hbm4b:s24+s23], $0x800, $0x38;
	[tilespmem:$0x1CA00] =	vst v63  }
0x323: {  	s22 =	sadd.s32 @!p0 $0x300, s22;
	s24 =	simm.s32 @!p0 $0x9800  }
0x324: {  	[tilespmem:s24], [sflag:$0x1] =	stream.linear.gather @!p0 [hbm4b:s22+s23], $0x800, $0x38;
	[tilespmem:$0x1CA00] =	vst v63  }
0x325: {  	s21 =	sadd.s32 @!p0 s2, s21;
	s22 =	simm.s32 @!p0 $0x5800  }
0x326: {  	[tilespmem:s22], [sflag:$0x1] =	stream.linear.gather @!p0 [hbm4b:s21+s23], $0x800, $0x38;
	[tilespmem:$0x1CA00] =	vst v63  }
0x327: {  	s24 =	simm.s32 @!p0 $0x7000;
	s22 =	sadd.s32 @!p0 $0x100, s21  }
0x328: {  	[tilespmem:s24], [sflag:$0x1] =	stream.linear.gather @!p0 [hbm4b:s22+s23], $0x800, $0x38;
	[tilespmem:$0x1CA00] =	vst v63  }
0x329: {  	s17 =	sshrl.u32 s17, $0x3;
	s22 =	sadd.s32 @!p0 $0x200, s21;
	s24 =	simm.s32 @!p0 $0x8800  }
0x32a: {  	[tilespmem:s24], [sflag:$0x1] =	stream.linear.gather @!p0 [hbm4b:s22+s23], $0x800, $0x38;
	[tilespmem:$0x1CA00] =	vst v63  }
0x32b: {  	s17 =	smul.u32 $0x300, s17;
	s21 =	sadd.s32 @!p0 $0x300, s21;
	s22 =	simm.s32 @!p0 $0xA000  }
0x32c: {  	[tilespmem:s22], [sflag:$0x1] =	stream.linear.gather @!p0 [hbm4b:s21+s23], $0x800, $0x38;
	[tilespmem:$0x1CA00] =	vst v63  }
0x32d: {  	s24 =	sadd.s32 s6, s17;
	s17 =	simm.s32 $0x0  }
0x32e: {  	[hbm4b:s24+s17] =	stream.linear.scatter [tilespmem:s4], [sflag:$0x6], $0x6000, $0x38;
	[tilespmem:$0x1CA00] =	vst v63  }
0x32f: {  	_ =	swait.ge [sflag:s12], $0x2000  }
0x330: {  	[sflag:s12] =	ssyncset.done $0x0  }
0x331: {  	[sflag:s12] =	ssyncadd.s32 $0xFFFFE000  }
0x332: {  	s25 =	sadd.s32 $0x1C840, s18;
	_ =	swait.ge [sflag:s12], $0x2000  }
0x333: {  	v1 =	vmov s25;
	[sflag:s12] =	ssyncset.done $0x0  }
0x334: {  	[sflag:s12] =	ssyncadd.s32 $0xFFFFE000  }
0x335: {  	_ =	swait.ge [sflag:s12], $0x2000  }
0x336: {  	[sflag:s12] =	ssyncset.done $0x0  }
0x337: {  	s26 =	sand.u32 $0x10, s17;
	[sflag:s12] =	ssyncadd.s32 $0xFFFFE000  }
0x338: {  	v2 =	vld.idx.msk [tilespmem:v1+s26+$0x0 ss:$0x1], $0xffff;
	_ =	sdelay $0x1  }
0x339: {  	s22 =	sand.u32 $0xF, s17  }
0x33a: {  	v3 =	vmov s22  }
0x33b: {  	vm0 =	veq.s32 v3, v0  }
0x33c: {  	v2 =	vnsel vm0, $0x0, v2  }
0x33d: {  	(xrf0) =	vadd.scan.msk.s32 $0xffff, v2;
	_ =	sdelay $0x5  }
0x33e: {  	v2, _, _ =	vpop (xrf0)  }
0x33f: {  	(v2sf) =	vpush v2, $0xF;
	_ =	sdelay $0xe  }
0x340: {  	s23 =	spop (v2sf)  }
0x341: {  	s24 =	sshrl.u32 s23, $0x3  }
0x342: {  	s22 =	smul.u32 $0x6000, s24  }
0x343: {  	s21 =	sshll.u32 s23, $0x7  }
0x344: {  	s21 =	sand.u32 $0x380, s21;
	s22 =	sshra.s32 s22, $0x2  }
0x345: {  	s21 =	sor.u32 s21, s22  }
0x346: {  	v58 =	vld [tilespmem:s21+$0x0]  }
0x347: {  	v59 =	vld [tilespmem:s21+$0x10]  }
0x348: {  	v60 =	vld [tilespmem:s21+$0x20]  }
0x349: {  	v61 =	vld [tilespmem:s21+$0x30]  }
0x34a: {  	v62 =	vld [tilespmem:s21+$0x40]  }
0x34b: {  	v63 =	vld [tilespmem:s21+$0x50]  }
0x34c: {  	v49 =	vld [tilespmem:s21+$0x60]  }
0x34d: {  	v42 =	vld [tilespmem:s21+$0x70]  }
0x34e: {  	v41 =	vld [tilespmem:s21+$0x400]  }
0x34f: {  	v40 =	vld [tilespmem:s21+$0x410]  }
0x350: {  	v39 =	vld [tilespmem:s21+$0x420]  }
0x351: {  	v38 =	vld [tilespmem:s21+$0x430]  }
0x352: {  	v37 =	vld [tilespmem:s21+$0x440]  }
0x353: {  	v36 =	vld [tilespmem:s21+$0x450]  }
0x354: {  	v35 =	vld [tilespmem:s21+$0x460]  }
0x355: {  	v34 =	vld [tilespmem:s21+$0x470]  }
0x356: {  	v33 =	vld [tilespmem:s21+$0x800]  }
0x357: {  	v32 =	vld [tilespmem:s21+$0x810]  }
0x358: {  	v31 =	vld [tilespmem:s21+$0x820]  }
0x359: {  	v30 =	vld [tilespmem:s21+$0x830]  }
0x35a: {  	v29 =	vld [tilespmem:s21+$0x840]  }
0x35b: {  	v28 =	vld [tilespmem:s21+$0x850]  }
0x35c: {  	v27 =	vld [tilespmem:s21+$0x860]  }
0x35d: {  	v26 =	vld [tilespmem:s21+$0x870]  }
0x35e: {  	v25 =	vld [tilespmem:s21+$0xC00]  }
0x35f: {  	v24 =	vld [tilespmem:s21+$0xC10]  }
0x360: {  	v23 =	vld [tilespmem:s21+$0xC20]  }
0x361: {  	v22 =	vld [tilespmem:s21+$0xC30]  }
0x362: {  	v21 =	vld [tilespmem:s21+$0xC40]  }
0x363: {  	v20 =	vld [tilespmem:s21+$0xC50]  }
0x364: {  	v19 =	vld [tilespmem:s21+$0xC60]  }
0x365: {  	v18 =	vld [tilespmem:s21+$0xC70]  }
0x366: {  	v17 =	vld [tilespmem:s21+$0x1000]  }
0x367: {  	v16 =	vld [tilespmem:s21+$0x1010]  }
0x368: {  	v15 =	vld [tilespmem:s21+$0x1020]  }
0x369: {  	v14 =	vld [tilespmem:s21+$0x1030]  }
0x36a: {  	v13 =	vld [tilespmem:s21+$0x1040]  }
0x36b: {  	v12 =	vld [tilespmem:s21+$0x1050]  }
0x36c: {  	v11 =	vld [tilespmem:s21+$0x1060]  }
0x36d: {  	v10 =	vld [tilespmem:s21+$0x1070]  }
0x36e: {  	v9 =	vld [tilespmem:s21+$0x1400]  }
0x36f: {  	v8 =	vld [tilespmem:s21+$0x1410]  }
0x370: {  	s25 =	simm.s32 $0x0;
	v3 =	vld [tilespmem:s21+$0x1420]  }
0x371: {  	s22 =	smul.u32 $0x6000, s25;
	v4 =	vld [tilespmem:s21+$0x1430]  }
0x372: {  	v5 =	vld [tilespmem:s21+$0x1440]  }
0x373: {  	s26 =	sand.u32 $0x380, s17;
	v2 =	vld [tilespmem:s21+$0x1450];
	s22 =	sshra.s32 s22, $0x2  }
0x374: {  	v7 =	vld [tilespmem:s21+$0x1460];
	s23 =	sor.u32 s26, s22  }
0x375: {  	v6 =	vld [tilespmem:s21+$0x1470];
	s22 =	sadd.s32 $0x10800, s23  }
0x376: {  	s24 =	sor.u32 $0x10, s22;
	[tilespmem:s23+$0x10800] =	vst.add.f32.msk $0xffff, v58  }
0x377: {  	s25 =	sor.u32 $0x20, s22;
	[tilespmem:s24+$0x0] =	vst.add.f32.msk $0xffff, v59  }
0x378: {  	s26 =	sor.u32 $0x30, s22;
	[tilespmem:s25+$0x0] =	vst.add.f32.msk $0xffff, v60  }
0x379: {  	s24 =	sor.u32 $0x40, s22;
	[tilespmem:s26+$0x0] =	vst.add.f32.msk $0xffff, v61  }
0x37a: {  	s25 =	sor.u32 $0x50, s22;
	[tilespmem:s24+$0x0] =	vst.add.f32.msk $0xffff, v62  }
0x37b: {  	s26 =	sor.u32 $0x60, s22;
	[tilespmem:s25+$0x0] =	vst.add.f32.msk $0xffff, v63  }
0x37c: {  	s21 =	sor.u32 $0x40, s18;
	s24 =	sor.u32 $0x70, s22;
	s22 =	simm.s32 $0x1;
	[tilespmem:s26+$0x0] =	vst.add.f32.msk $0xffff, v49  }
.LBB2_7:
0x37d: {  	p1 =	sne.s32 s22, $0x1F;
	[tilespmem:s24+$0x0] =	vst.add.f32.msk $0xffff, v42;
	s24 =	sadd.s32 $0x10C00, s23  }
0x37e: {  	[tilespmem:s23+$0x10C00] =	vst.add.f32.msk $0xffff, v41;
	s25 =	sor.u32 $0x10, s24  }
0x37f: {  	[tilespmem:s25+$0x0] =	vst.add.f32.msk $0xffff, v40;
	s25 =	sor.u32 $0x20, s24  }
0x380: {  	[tilespmem:s25+$0x0] =	vst.add.f32.msk $0xffff, v39;
	s25 =	sor.u32 $0x30, s24  }
0x381: {  	[tilespmem:s25+$0x0] =	vst.add.f32.msk $0xffff, v38;
	s25 =	sor.u32 $0x40, s24  }
0x382: {  	[tilespmem:s25+$0x0] =	vst.add.f32.msk $0xffff, v37;
	s25 =	sor.u32 $0x50, s24  }
0x383: {  	[tilespmem:s25+$0x0] =	vst.add.f32.msk $0xffff, v36;
	s25 =	sor.u32 $0x60, s24  }
0x384: {  	s24 =	sor.u32 $0x70, s24;
	[tilespmem:s25+$0x0] =	vst.add.f32.msk $0xffff, v35  }
0x385: {  	[tilespmem:s24+$0x0] =	vst.add.f32.msk $0xffff, v34;
	s24 =	sadd.s32 $0x11000, s23  }
0x386: {  	[tilespmem:s23+$0x11000] =	vst.add.f32.msk $0xffff, v33;
	s25 =	sor.u32 $0x10, s24  }
0x387: {  	[tilespmem:s25+$0x0] =	vst.add.f32.msk $0xffff, v32;
	s25 =	sor.u32 $0x20, s24  }
0x388: {  	[tilespmem:s25+$0x0] =	vst.add.f32.msk $0xffff, v31;
	s25 =	sor.u32 $0x30, s24  }
0x389: {  	[tilespmem:s25+$0x0] =	vst.add.f32.msk $0xffff, v30;
	s25 =	sor.u32 $0x40, s24  }
0x38a: {  	[tilespmem:s25+$0x0] =	vst.add.f32.msk $0xffff, v29;
	s25 =	sor.u32 $0x50, s24  }
0x38b: {  	[tilespmem:s25+$0x0] =	vst.add.f32.msk $0xffff, v28;
	s25 =	sor.u32 $0x60, s24  }
0x38c: {  	s24 =	sor.u32 $0x70, s24;
	[tilespmem:s25+$0x0] =	vst.add.f32.msk $0xffff, v27  }
0x38d: {  	[tilespmem:s24+$0x0] =	vst.add.f32.msk $0xffff, v26;
	s24 =	sadd.s32 $0x11400, s23  }
0x38e: {  	[tilespmem:s23+$0x11400] =	vst.add.f32.msk $0xffff, v25;
	s25 =	sor.u32 $0x10, s24  }
0x38f: {  	[tilespmem:s25+$0x0] =	vst.add.f32.msk $0xffff, v24;
	s25 =	sor.u32 $0x20, s24  }
0x390: {  	[tilespmem:s25+$0x0] =	vst.add.f32.msk $0xffff, v23;
	s25 =	sor.u32 $0x30, s24  }
0x391: {  	[tilespmem:s25+$0x0] =	vst.add.f32.msk $0xffff, v22;
	s25 =	sor.u32 $0x40, s24  }
0x392: {  	[tilespmem:s25+$0x0] =	vst.add.f32.msk $0xffff, v21;
	s25 =	sor.u32 $0x50, s24  }
0x393: {  	[tilespmem:s25+$0x0] =	vst.add.f32.msk $0xffff, v20;
	s25 =	sor.u32 $0x60, s24  }
0x394: {  	s24 =	sor.u32 $0x70, s24;
	[tilespmem:s25+$0x0] =	vst.add.f32.msk $0xffff, v19  }
0x395: {  	[tilespmem:s24+$0x0] =	vst.add.f32.msk $0xffff, v18;
	s24 =	sadd.s32 $0x11800, s23  }
0x396: {  	[tilespmem:s23+$0x11800] =	vst.add.f32.msk $0xffff, v17;
	s25 =	sor.u32 $0x10, s24  }
0x397: {  	[tilespmem:s25+$0x0] =	vst.add.f32.msk $0xffff, v16;
	s25 =	sor.u32 $0x20, s24  }
0x398: {  	[tilespmem:s25+$0x0] =	vst.add.f32.msk $0xffff, v15;
	s25 =	sor.u32 $0x30, s24  }
0x399: {  	[tilespmem:s25+$0x0] =	vst.add.f32.msk $0xffff, v14;
	s25 =	sor.u32 $0x40, s24  }
0x39a: {  	[tilespmem:s25+$0x0] =	vst.add.f32.msk $0xffff, v13;
	s25 =	sor.u32 $0x50, s24  }
0x39b: {  	[tilespmem:s25+$0x0] =	vst.add.f32.msk $0xffff, v12;
	s25 =	sor.u32 $0x60, s24  }
0x39c: {  	s24 =	sor.u32 $0x70, s24;
	[tilespmem:s25+$0x0] =	vst.add.f32.msk $0xffff, v11  }
0x39d: {  	[tilespmem:s24+$0x0] =	vst.add.f32.msk $0xffff, v10;
	s24 =	sadd.s32 $0x11C00, s23  }
0x39e: {  	[tilespmem:s23+$0x11C00] =	vst.add.f32.msk $0xffff, v9;
	s23 =	sor.u32 $0x10, s24  }
0x39f: {  	[tilespmem:s23+$0x0] =	vst.add.f32.msk $0xffff, v8;
	s23 =	sor.u32 $0x20, s24  }
0x3a0: {  	[tilespmem:s23+$0x0] =	vst.add.f32.msk $0xffff, v3;
	s23 =	sor.u32 $0x30, s24  }
0x3a1: {  	[tilespmem:s23+$0x0] =	vst.add.f32.msk $0xffff, v4;
	s23 =	sor.u32 $0x40, s24  }
0x3a2: {  	[tilespmem:s23+$0x0] =	vst.add.f32.msk $0xffff, v5;
	s23 =	sor.u32 $0x50, s24  }
0x3a3: {  	[tilespmem:s23+$0x0] =	vst.add.f32.msk $0xffff, v2;
	s23 =	sor.u32 $0x60, s24  }
0x3a4: {  	[tilespmem:s23+$0x0] =	vst.add.f32.msk $0xffff, v7;
	s23 =	sor.u32 $0x70, s24  }
0x3a5: {  	s24 =	sand.u32 $0x10, s22;
	[tilespmem:s23+$0x0] =	vst.add.f32.msk $0xffff, v6  }
0x3a6: {  	v2 =	vld.idx.msk [tilespmem:v1+s24+$0x0 ss:$0x1], $0xffff;
	_ =	sdelay $0x2  }
0x3a7: {  	s23 =	sand.u32 $0xF, s22  }
0x3a8: {  	v3 =	vmov s23  }
0x3a9: {  	vm0 =	veq.s32 v3, v0  }
0x3aa: {  	v2 =	vnsel vm0, $0x0, v2  }
0x3ab: {  	(xrf0) =	vadd.scan.msk.s32 $0xffff, v2;
	_ =	sdelay $0x5  }
0x3ac: {  	v2, _, _ =	vpop (xrf0)  }
0x3ad: {  	(v2sf) =	vpush v2, $0xF;
	_ =	sdelay $0xe  }
0x3ae: {  	s23 =	spop (v2sf)  }
0x3af: {  	s24 =	sshrl.u32 s23, $0x3  }
0x3b0: {  	s24 =	smul.u32 $0x6000, s24  }
0x3b1: {  	s23 =	sshll.u32 s23, $0x7  }
0x3b2: {  	s23 =	sand.u32 $0x380, s23;
	s24 =	sshra.s32 s24, $0x2  }
0x3b3: {  	s24 =	sor.u32 s23, s24  }
0x3b4: {  	v43 =	vld [tilespmem:s24+$0x0]  }
0x3b5: {  	v44 =	vld [tilespmem:s24+$0x10]  }
0x3b6: {  	v45 =	vld [tilespmem:s24+$0x20]  }
0x3b7: {  	v46 =	vld [tilespmem:s24+$0x30]  }
0x3b8: {  	v47 =	vld [tilespmem:s24+$0x40]  }
0x3b9: {  	v48 =	vld [tilespmem:s24+$0x50]  }
0x3ba: {  	v49 =	vld [tilespmem:s24+$0x60]  }
0x3bb: {  	v42 =	vld [tilespmem:s24+$0x70]  }
0x3bc: {  	v41 =	vld [tilespmem:s24+$0x400]  }
0x3bd: {  	v40 =	vld [tilespmem:s24+$0x410]  }
0x3be: {  	v39 =	vld [tilespmem:s24+$0x420]  }
0x3bf: {  	v38 =	vld [tilespmem:s24+$0x430]  }
0x3c0: {  	v37 =	vld [tilespmem:s24+$0x440]  }
0x3c1: {  	v36 =	vld [tilespmem:s24+$0x450]  }
0x3c2: {  	v35 =	vld [tilespmem:s24+$0x460]  }
0x3c3: {  	v34 =	vld [tilespmem:s24+$0x470]  }
0x3c4: {  	v33 =	vld [tilespmem:s24+$0x800]  }
0x3c5: {  	v32 =	vld [tilespmem:s24+$0x810]  }
0x3c6: {  	v31 =	vld [tilespmem:s24+$0x820]  }
0x3c7: {  	v30 =	vld [tilespmem:s24+$0x830]  }
0x3c8: {  	v29 =	vld [tilespmem:s24+$0x840]  }
0x3c9: {  	v28 =	vld [tilespmem:s24+$0x850]  }
0x3ca: {  	v27 =	vld [tilespmem:s24+$0x860]  }
0x3cb: {  	v26 =	vld [tilespmem:s24+$0x870]  }
0x3cc: {  	v25 =	vld [tilespmem:s24+$0xC00]  }
0x3cd: {  	v24 =	vld [tilespmem:s24+$0xC10]  }
0x3ce: {  	v23 =	vld [tilespmem:s24+$0xC20]  }
0x3cf: {  	v22 =	vld [tilespmem:s24+$0xC30]  }
0x3d0: {  	v21 =	vld [tilespmem:s24+$0xC40]  }
0x3d1: {  	v20 =	vld [tilespmem:s24+$0xC50]  }
0x3d2: {  	v19 =	vld [tilespmem:s24+$0xC60]  }
0x3d3: {  	v18 =	vld [tilespmem:s24+$0xC70]  }
0x3d4: {  	v17 =	vld [tilespmem:s24+$0x1000]  }
0x3d5: {  	v16 =	vld [tilespmem:s24+$0x1010]  }
0x3d6: {  	v15 =	vld [tilespmem:s24+$0x1020]  }
0x3d7: {  	v14 =	vld [tilespmem:s24+$0x1030]  }
0x3d8: {  	v13 =	vld [tilespmem:s24+$0x1040]  }
0x3d9: {  	v12 =	vld [tilespmem:s24+$0x1050]  }
0x3da: {  	v11 =	vld [tilespmem:s24+$0x1060]  }
0x3db: {  	v10 =	vld [tilespmem:s24+$0x1070]  }
0x3dc: {  	v9 =	vld [tilespmem:s24+$0x1400]  }
0x3dd: {  	v8 =	vld [tilespmem:s24+$0x1410]  }
0x3de: {  	s23 =	sshrl.u32 s22, $0x3;
	v3 =	vld [tilespmem:s24+$0x1420]  }
0x3df: {  	s23 =	smul.u32 $0x6000, s23;
	v4 =	vld [tilespmem:s24+$0x1430]  }
0x3e0: {  	s17 =	sadd.s32 $0x80, s17;
	v5 =	vld [tilespmem:s24+$0x1440]  }
0x3e1: {  	s25 =	sand.u32 $0x380, s17;
	s23 =	sshra.s32 s23, $0x2;
	v2 =	vld [tilespmem:s24+$0x1450]  }
0x3e2: {  	s23 =	sor.u32 s25, s23;
	v7 =	vld [tilespmem:s24+$0x1460]  }
0x3e3: {  	v6 =	vld [tilespmem:s24+$0x1470];
	s24 =	sadd.s32 $0x10800, s23  }
0x3e4: {  	[tilespmem:s23+$0x10800] =	vst.add.f32.msk $0xffff, v43;
	s25 =	sor.u32 $0x10, s24  }
0x3e5: {  	[tilespmem:s25+$0x0] =	vst.add.f32.msk $0xffff, v44;
	s25 =	sor.u32 $0x20, s24  }
.Ltmp2:
0x3e6: {  	[tilespmem:s25+$0x0] =	vst.add.f32.msk $0xffff, v45;
	s25 =	sor.u32 $0x30, s24;
	(pc) =	sbr.rel @p1 .LBB2_7-.Ltmp2, $4  }
0x3e7: {  	[tilespmem:s25+$0x0] =	vst.add.f32.msk $0xffff, v46;
	s25 =	sor.u32 $0x40, s24  }
0x3e8: {  	[tilespmem:s25+$0x0] =	vst.add.f32.msk $0xffff, v47;
	s25 =	sor.u32 $0x50, s24  }
0x3e9: {  	[tilespmem:s25+$0x0] =	vst.add.f32.msk $0xffff, v48;
	s25 =	sor.u32 $0x60, s24  }
0x3ea: {  	s22 =	sadd.s32 $0x1, s22;
	s24 =	sor.u32 $0x70, s24;
	[tilespmem:s25+$0x0] =	vst.add.f32.msk $0xffff, v49  }
0x3eb: {  	[tilespmem:s24+$0x0] =	vst.add.f32.msk $0xffff, v42;
	s17 =	sadd.s32 $0x10C00, s23  }
0x3ec: {  	[tilespmem:s23+$0x10C00] =	vst.add.f32.msk $0xffff, v41;
	s22 =	sor.u32 $0x10, s17  }
0x3ed: {  	s24 =	sor.u32 $0x20, s17;
	[tilespmem:s22+$0x0] =	vst.add.f32.msk $0xffff, v40  }
0x3ee: {  	s25 =	sor.u32 $0x30, s17;
	[tilespmem:s24+$0x0] =	vst.add.f32.msk $0xffff, v39  }
0x3ef: {  	s26 =	sor.u32 $0x40, s17;
	[tilespmem:s25+$0x0] =	vst.add.f32.msk $0xffff, v38  }
0x3f0: {  	s24 =	sor.u32 $0x50, s17;
	[tilespmem:s26+$0x0] =	vst.add.f32.msk $0xffff, v37  }
0x3f1: {  	s25 =	sor.u32 $0x60, s17;
	[tilespmem:s24+$0x0] =	vst.add.f32.msk $0xffff, v36  }
0x3f2: {  	s17 =	sor.u32 $0x70, s17;
	[tilespmem:s25+$0x0] =	vst.add.f32.msk $0xffff, v35  }
0x3f3: {  	[tilespmem:s17+$0x0] =	vst.add.f32.msk $0xffff, v34;
	s17 =	sadd.s32 $0x11000, s23  }
0x3f4: {  	[tilespmem:s23+$0x11000] =	vst.add.f32.msk $0xffff, v33;
	s26 =	sor.u32 $0x10, s17  }
0x3f5: {  	s24 =	sor.u32 $0x20, s17;
	[tilespmem:s26+$0x0] =	vst.add.f32.msk $0xffff, v32  }
0x3f6: {  	s25 =	sor.u32 $0x30, s17;
	[tilespmem:s24+$0x0] =	vst.add.f32.msk $0xffff, v31  }
0x3f7: {  	s26 =	sor.u32 $0x40, s17;
	[tilespmem:s25+$0x0] =	vst.add.f32.msk $0xffff, v30  }
0x3f8: {  	s24 =	sor.u32 $0x50, s17;
	[tilespmem:s26+$0x0] =	vst.add.f32.msk $0xffff, v29  }
0x3f9: {  	s25 =	sor.u32 $0x60, s17;
	[tilespmem:s24+$0x0] =	vst.add.f32.msk $0xffff, v28  }
0x3fa: {  	s17 =	sor.u32 $0x70, s17;
	[tilespmem:s25+$0x0] =	vst.add.f32.msk $0xffff, v27  }
0x3fb: {  	[tilespmem:s17+$0x0] =	vst.add.f32.msk $0xffff, v26;
	s17 =	sadd.s32 $0x11400, s23  }
0x3fc: {  	[tilespmem:s23+$0x11400] =	vst.add.f32.msk $0xffff, v25;
	s26 =	sor.u32 $0x10, s17  }
0x3fd: {  	s24 =	sor.u32 $0x20, s17;
	[tilespmem:s26+$0x0] =	vst.add.f32.msk $0xffff, v24  }
0x3fe: {  	s25 =	sor.u32 $0x30, s17;
	[tilespmem:s24+$0x0] =	vst.add.f32.msk $0xffff, v23  }
0x3ff: {  	s26 =	sor.u32 $0x40, s17;
	[tilespmem:s25+$0x0] =	vst.add.f32.msk $0xffff, v22  }
0x400: {  	s24 =	sor.u32 $0x50, s17;
	[tilespmem:s26+$0x0] =	vst.add.f32.msk $0xffff, v21  }
0x401: {  	s25 =	sor.u32 $0x60, s17;
	[tilespmem:s24+$0x0] =	vst.add.f32.msk $0xffff, v20  }
0x402: {  	s17 =	sor.u32 $0x70, s17;
	[tilespmem:s25+$0x0] =	vst.add.f32.msk $0xffff, v19  }
0x403: {  	[tilespmem:s17+$0x0] =	vst.add.f32.msk $0xffff, v18;
	s17 =	sadd.s32 $0x11800, s23  }
0x404: {  	[tilespmem:s23+$0x11800] =	vst.add.f32.msk $0xffff, v17;
	s26 =	sor.u32 $0x10, s17  }
0x405: {  	s24 =	sor.u32 $0x20, s17;
	[tilespmem:s26+$0x0] =	vst.add.f32.msk $0xffff, v16  }
0x406: {  	s25 =	sor.u32 $0x30, s17;
	[tilespmem:s24+$0x0] =	vst.add.f32.msk $0xffff, v15  }
0x407: {  	s26 =	sor.u32 $0x40, s17;
	[tilespmem:s25+$0x0] =	vst.add.f32.msk $0xffff, v14  }
0x408: {  	s24 =	sor.u32 $0x50, s17;
	[tilespmem:s26+$0x0] =	vst.add.f32.msk $0xffff, v13  }
0x409: {  	s25 =	sor.u32 $0x60, s17;
	[tilespmem:s24+$0x0] =	vst.add.f32.msk $0xffff, v12  }
0x40a: {  	s17 =	sor.u32 $0x70, s17;
	[tilespmem:s25+$0x0] =	vst.add.f32.msk $0xffff, v11  }
0x40b: {  	[tilespmem:s17+$0x0] =	vst.add.f32.msk $0xffff, v10;
	s17 =	sadd.s32 $0x11C00, s23  }
0x40c: {  	[tilespmem:s23+$0x11C00] =	vst.add.f32.msk $0xffff, v9;
	s26 =	sor.u32 $0x10, s17  }
0x40d: {  	s23 =	sor.u32 $0x20, s17;
	[tilespmem:s26+$0x0] =	vst.add.f32.msk $0xffff, v8  }
0x40e: {  	s24 =	sor.u32 $0x30, s17;
	[tilespmem:s23+$0x0] =	vst.add.f32.msk $0xffff, v3  }
0x40f: {  	s25 =	sor.u32 $0x40, s17;
	[tilespmem:s24+$0x0] =	vst.add.f32.msk $0xffff, v4  }
0x410: {  	s26 =	sor.u32 $0x50, s17;
	[tilespmem:s25+$0x0] =	vst.add.f32.msk $0xffff, v5  }
0x411: {  	s23 =	sor.u32 $0x60, s17;
	[tilespmem:s26+$0x0] =	vst.add.f32.msk $0xffff, v2  }
0x412: {  	s17 =	sor.u32 $0x70, s17;
	[tilespmem:s23+$0x0] =	vst.add.f32.msk $0xffff, v7  }
0x413: {  	[tilespmem:s17+$0x0] =	vst.add.f32.msk $0xffff, v6;
	s17 =	sor.u32 s8, s21  }
0x414: {  	_ =	swait.ge [sflag:s13], $0x6000;
	s21 =	sshll.u32 @!p0 s17, $0x5  }
0x415: {  	s24 =	simm.s32 @!p0 $0xA800;
	[sflag:s13] =	ssyncset.done $0x0;
	s21 =	sadd.s32 @!p0 $0xC00, s21  }
0x416: {  	s23 =	simm.s32 @!p0 $0x0;
	[sflag:s13] =	ssyncadd.s32 $0xFFFFA000;
	s22 =	sadd.s32 @!p0 s0, s21  }
0x417: {  	[tilespmem:s24], [sflag:$0x2] =	stream.linear.gather @!p0 [hbm4b:s22+s23], $0x800, $0x38;
	[tilespmem:$0x1CA00] =	vst v63  }
0x418: {  	s25 =	simm.s32 @!p0 $0xC000;
	s24 =	sadd.s32 @!p0 $0x100, s22  }
0x419: {  	[tilespmem:s25], [sflag:$0x2] =	stream.linear.gather @!p0 [hbm4b:s24+s23], $0x800, $0x38;
	[tilespmem:$0x1CA00] =	vst v63  }
0x41a: {  	s24 =	sadd.s32 @!p0 $0x200, s22;
	s25 =	simm.s32 @!p0 $0xD800  }
0x41b: {  	[tilespmem:s25], [sflag:$0x2] =	stream.linear.gather @!p0 [hbm4b:s24+s23], $0x800, $0x38;
	[tilespmem:$0x1CA00] =	vst v63  }
0x41c: {  	s22 =	sadd.s32 @!p0 $0x300, s22;
	s24 =	simm.s32 @!p0 $0xF000  }
0x41d: {  	[tilespmem:s24], [sflag:$0x2] =	stream.linear.gather @!p0 [hbm4b:s22+s23], $0x800, $0x38;
	[tilespmem:$0x1CA00] =	vst v63  }
0x41e: {  	s22 =	sadd.s32 @!p0 s1, s21;
	s24 =	simm.s32 @!p0 $0xB000  }
0x41f: {  	[tilespmem:s24], [sflag:$0x2] =	stream.linear.gather @!p0 [hbm4b:s22+s23], $0x800, $0x38;
	[tilespmem:$0x1CA00] =	vst v63  }
0x420: {  	s25 =	simm.s32 @!p0 $0xC800;
	s24 =	sadd.s32 @!p0 $0x100, s22  }
0x421: {  	[tilespmem:s25], [sflag:$0x2] =	stream.linear.gather @!p0 [hbm4b:s24+s23], $0x800, $0x38;
	[tilespmem:$0x1CA00] =	vst v63  }
0x422: {  	s24 =	sadd.s32 @!p0 $0x200, s22;
	s25 =	simm.s32 @!p0 $0xE000  }
0x423: {  	[tilespmem:s25], [sflag:$0x2] =	stream.linear.gather @!p0 [hbm4b:s24+s23], $0x800, $0x38;
	[tilespmem:$0x1CA00] =	vst v63  }
0x424: {  	s22 =	sadd.s32 @!p0 $0x300, s22;
	s24 =	simm.s32 @!p0 $0xF800  }
0x425: {  	[tilespmem:s24], [sflag:$0x2] =	stream.linear.gather @!p0 [hbm4b:s22+s23], $0x800, $0x38;
	[tilespmem:$0x1CA00] =	vst v63  }
0x426: {  	s21 =	sadd.s32 @!p0 s2, s21;
	s22 =	simm.s32 @!p0 $0xB800  }
0x427: {  	[tilespmem:s22], [sflag:$0x2] =	stream.linear.gather @!p0 [hbm4b:s21+s23], $0x800, $0x38;
	[tilespmem:$0x1CA00] =	vst v63  }
0x428: {  	s24 =	simm.s32 @!p0 $0xD000;
	s22 =	sadd.s32 @!p0 $0x100, s21  }
0x429: {  	[tilespmem:s24], [sflag:$0x2] =	stream.linear.gather @!p0 [hbm4b:s22+s23], $0x800, $0x38;
	[tilespmem:$0x1CA00] =	vst v63  }
0x42a: {  	s17 =	sshrl.u32 s17, $0x3;
	s22 =	sadd.s32 @!p0 $0x200, s21;
	s24 =	simm.s32 @!p0 $0xE800  }
0x42b: {  	[tilespmem:s24], [sflag:$0x2] =	stream.linear.gather @!p0 [hbm4b:s22+s23], $0x800, $0x38;
	[tilespmem:$0x1CA00] =	vst v63  }
0x42c: {  	s17 =	smul.u32 $0x300, s17;
	s21 =	sadd.s32 @!p0 $0x300, s21;
	s22 =	simm.s32 @!p0 $0x10000  }
0x42d: {  	[tilespmem:s22], [sflag:$0x2] =	stream.linear.gather @!p0 [hbm4b:s21+s23], $0x800, $0x38;
	[tilespmem:$0x1CA00] =	vst v63  }
0x42e: {  	s24 =	sadd.s32 s6, s17;
	s17 =	simm.s32 $0x0  }
0x42f: {  	[hbm4b:s24+s17] =	stream.linear.scatter [tilespmem:s5], [sflag:$0x7], $0x6000, $0x38;
	[tilespmem:$0x1CA00] =	vst v63  }
0x430: {  	_ =	swait.ge [sflag:s14], $0x2000  }
0x431: {  	[sflag:s14] =	ssyncset.done $0x0  }
0x432: {  	[sflag:s14] =	ssyncadd.s32 $0xFFFFE000  }
0x433: {  	s25 =	sadd.s32 $0x1C860, s18;
	_ =	swait.ge [sflag:s14], $0x2000  }
0x434: {  	v1 =	vmov s25;
	[sflag:s14] =	ssyncset.done $0x0  }
0x435: {  	[sflag:s14] =	ssyncadd.s32 $0xFFFFE000  }
0x436: {  	_ =	swait.ge [sflag:s14], $0x2000  }
0x437: {  	[sflag:s14] =	ssyncset.done $0x0  }
0x438: {  	s26 =	sand.u32 $0x10, s17;
	[sflag:s14] =	ssyncadd.s32 $0xFFFFE000  }
0x439: {  	v2 =	vld.idx.msk [tilespmem:v1+s26+$0x0 ss:$0x1], $0xffff;
	_ =	sdelay $0x1  }
0x43a: {  	s22 =	sand.u32 $0xF, s17  }
0x43b: {  	v3 =	vmov s22  }
0x43c: {  	vm0 =	veq.s32 v3, v0  }
0x43d: {  	v2 =	vnsel vm0, $0x0, v2  }
0x43e: {  	(xrf0) =	vadd.scan.msk.s32 $0xffff, v2;
	_ =	sdelay $0x5  }
0x43f: {  	v2, _, _ =	vpop (xrf0)  }
0x440: {  	(v2sf) =	vpush v2, $0xF;
	_ =	sdelay $0xe  }
0x441: {  	s23 =	spop (v2sf)  }
0x442: {  	s24 =	sshrl.u32 s23, $0x3  }
0x443: {  	s22 =	smul.u32 $0x6000, s24  }
0x444: {  	s21 =	sshll.u32 s23, $0x7  }
0x445: {  	s21 =	sand.u32 $0x380, s21;
	s22 =	sshra.s32 s22, $0x2  }
0x446: {  	s21 =	sor.u32 s21, s22  }
0x447: {  	v43 =	vld [tilespmem:s21+$0x0]  }
0x448: {  	v44 =	vld [tilespmem:s21+$0x10]  }
0x449: {  	v45 =	vld [tilespmem:s21+$0x20]  }
0x44a: {  	v46 =	vld [tilespmem:s21+$0x30]  }
0x44b: {  	v47 =	vld [tilespmem:s21+$0x40]  }
0x44c: {  	v48 =	vld [tilespmem:s21+$0x50]  }
0x44d: {  	v49 =	vld [tilespmem:s21+$0x60]  }
0x44e: {  	v42 =	vld [tilespmem:s21+$0x70]  }
0x44f: {  	v41 =	vld [tilespmem:s21+$0x400]  }
0x450: {  	v40 =	vld [tilespmem:s21+$0x410]  }
0x451: {  	v39 =	vld [tilespmem:s21+$0x420]  }
0x452: {  	v38 =	vld [tilespmem:s21+$0x430]  }
0x453: {  	v37 =	vld [tilespmem:s21+$0x440]  }
0x454: {  	v36 =	vld [tilespmem:s21+$0x450]  }
0x455: {  	v35 =	vld [tilespmem:s21+$0x460]  }
0x456: {  	v34 =	vld [tilespmem:s21+$0x470]  }
0x457: {  	v33 =	vld [tilespmem:s21+$0x800]  }
0x458: {  	v32 =	vld [tilespmem:s21+$0x810]  }
0x459: {  	v31 =	vld [tilespmem:s21+$0x820]  }
0x45a: {  	v30 =	vld [tilespmem:s21+$0x830]  }
0x45b: {  	v29 =	vld [tilespmem:s21+$0x840]  }
0x45c: {  	v28 =	vld [tilespmem:s21+$0x850]  }
0x45d: {  	v27 =	vld [tilespmem:s21+$0x860]  }
0x45e: {  	v26 =	vld [tilespmem:s21+$0x870]  }
0x45f: {  	v25 =	vld [tilespmem:s21+$0xC00]  }
0x460: {  	v24 =	vld [tilespmem:s21+$0xC10]  }
0x461: {  	v23 =	vld [tilespmem:s21+$0xC20]  }
0x462: {  	v22 =	vld [tilespmem:s21+$0xC30]  }
0x463: {  	v21 =	vld [tilespmem:s21+$0xC40]  }
0x464: {  	v20 =	vld [tilespmem:s21+$0xC50]  }
0x465: {  	v19 =	vld [tilespmem:s21+$0xC60]  }
0x466: {  	v18 =	vld [tilespmem:s21+$0xC70]  }
0x467: {  	v17 =	vld [tilespmem:s21+$0x1000]  }
0x468: {  	v16 =	vld [tilespmem:s21+$0x1010]  }
0x469: {  	v15 =	vld [tilespmem:s21+$0x1020]  }
0x46a: {  	v14 =	vld [tilespmem:s21+$0x1030]  }
0x46b: {  	v13 =	vld [tilespmem:s21+$0x1040]  }
0x46c: {  	v12 =	vld [tilespmem:s21+$0x1050]  }
0x46d: {  	v11 =	vld [tilespmem:s21+$0x1060]  }
0x46e: {  	v10 =	vld [tilespmem:s21+$0x1070]  }
0x46f: {  	v9 =	vld [tilespmem:s21+$0x1400]  }
0x470: {  	v8 =	vld [tilespmem:s21+$0x1410]  }
0x471: {  	s25 =	simm.s32 $0x0;
	v3 =	vld [tilespmem:s21+$0x1420]  }
0x472: {  	s22 =	smul.u32 $0x6000, s25;
	v4 =	vld [tilespmem:s21+$0x1430]  }
0x473: {  	v5 =	vld [tilespmem:s21+$0x1440]  }
0x474: {  	s26 =	sand.u32 $0x380, s17;
	v2 =	vld [tilespmem:s21+$0x1450];
	s22 =	sshra.s32 s22, $0x2  }
0x475: {  	v7 =	vld [tilespmem:s21+$0x1460];
	s22 =	sor.u32 s26, s22  }
0x476: {  	v6 =	vld [tilespmem:s21+$0x1470];
	s21 =	sadd.s32 $0x16800, s22  }
0x477: {  	s24 =	sor.u32 $0x10, s21;
	[tilespmem:s22+$0x16800] =	vst.add.f32.msk $0xffff, v43  }
0x478: {  	s25 =	sor.u32 $0x20, s21;
	[tilespmem:s24+$0x0] =	vst.add.f32.msk $0xffff, v44  }
0x479: {  	s26 =	sor.u32 $0x30, s21;
	[tilespmem:s25+$0x0] =	vst.add.f32.msk $0xffff, v45  }
0x47a: {  	s24 =	sor.u32 $0x40, s21;
	[tilespmem:s26+$0x0] =	vst.add.f32.msk $0xffff, v46  }
0x47b: {  	s25 =	sor.u32 $0x50, s21;
	[tilespmem:s24+$0x0] =	vst.add.f32.msk $0xffff, v47  }
0x47c: {  	s26 =	sor.u32 $0x60, s21;
	[tilespmem:s25+$0x0] =	vst.add.f32.msk $0xffff, v48  }
0x47d: {  	s18 =	sor.u32 $0x60, s18;
	s23 =	sor.u32 $0x70, s21;
	s21 =	simm.s32 $0x1;
	[tilespmem:s26+$0x0] =	vst.add.f32.msk $0xffff, v49  }
.LBB2_9:
0x47e: {  	p1 =	sne.s32 s21, $0x1F;
	[tilespmem:s23+$0x0] =	vst.add.f32.msk $0xffff, v42;
	s23 =	sadd.s32 $0x16C00, s22  }
0x47f: {  	[tilespmem:s22+$0x16C00] =	vst.add.f32.msk $0xffff, v41;
	s24 =	sor.u32 $0x10, s23  }
0x480: {  	[tilespmem:s24+$0x0] =	vst.add.f32.msk $0xffff, v40;
	s24 =	sor.u32 $0x20, s23  }
0x481: {  	[tilespmem:s24+$0x0] =	vst.add.f32.msk $0xffff, v39;
	s24 =	sor.u32 $0x30, s23  }
0x482: {  	[tilespmem:s24+$0x0] =	vst.add.f32.msk $0xffff, v38;
	s24 =	sor.u32 $0x40, s23  }
0x483: {  	[tilespmem:s24+$0x0] =	vst.add.f32.msk $0xffff, v37;
	s24 =	sor.u32 $0x50, s23  }
0x484: {  	[tilespmem:s24+$0x0] =	vst.add.f32.msk $0xffff, v36;
	s24 =	sor.u32 $0x60, s23  }
0x485: {  	s23 =	sor.u32 $0x70, s23;
	[tilespmem:s24+$0x0] =	vst.add.f32.msk $0xffff, v35  }
0x486: {  	[tilespmem:s23+$0x0] =	vst.add.f32.msk $0xffff, v34;
	s23 =	sadd.s32 $0x17000, s22  }
0x487: {  	[tilespmem:s22+$0x17000] =	vst.add.f32.msk $0xffff, v33;
	s24 =	sor.u32 $0x10, s23  }
0x488: {  	[tilespmem:s24+$0x0] =	vst.add.f32.msk $0xffff, v32;
	s24 =	sor.u32 $0x20, s23  }
0x489: {  	[tilespmem:s24+$0x0] =	vst.add.f32.msk $0xffff, v31;
	s24 =	sor.u32 $0x30, s23  }
0x48a: {  	[tilespmem:s24+$0x0] =	vst.add.f32.msk $0xffff, v30;
	s24 =	sor.u32 $0x40, s23  }
0x48b: {  	[tilespmem:s24+$0x0] =	vst.add.f32.msk $0xffff, v29;
	s24 =	sor.u32 $0x50, s23  }
0x48c: {  	[tilespmem:s24+$0x0] =	vst.add.f32.msk $0xffff, v28;
	s24 =	sor.u32 $0x60, s23  }
0x48d: {  	s23 =	sor.u32 $0x70, s23;
	[tilespmem:s24+$0x0] =	vst.add.f32.msk $0xffff, v27  }
0x48e: {  	[tilespmem:s23+$0x0] =	vst.add.f32.msk $0xffff, v26;
	s23 =	sadd.s32 $0x17400, s22  }
0x48f: {  	[tilespmem:s22+$0x17400] =	vst.add.f32.msk $0xffff, v25;
	s24 =	sor.u32 $0x10, s23  }
0x490: {  	[tilespmem:s24+$0x0] =	vst.add.f32.msk $0xffff, v24;
	s24 =	sor.u32 $0x20, s23  }
0x491: {  	[tilespmem:s24+$0x0] =	vst.add.f32.msk $0xffff, v23;
	s24 =	sor.u32 $0x30, s23  }
0x492: {  	[tilespmem:s24+$0x0] =	vst.add.f32.msk $0xffff, v22;
	s24 =	sor.u32 $0x40, s23  }
0x493: {  	[tilespmem:s24+$0x0] =	vst.add.f32.msk $0xffff, v21;
	s24 =	sor.u32 $0x50, s23  }
0x494: {  	[tilespmem:s24+$0x0] =	vst.add.f32.msk $0xffff, v20;
	s24 =	sor.u32 $0x60, s23  }
0x495: {  	s23 =	sor.u32 $0x70, s23;
	[tilespmem:s24+$0x0] =	vst.add.f32.msk $0xffff, v19  }
0x496: {  	[tilespmem:s23+$0x0] =	vst.add.f32.msk $0xffff, v18;
	s23 =	sadd.s32 $0x17800, s22  }
0x497: {  	[tilespmem:s22+$0x17800] =	vst.add.f32.msk $0xffff, v17;
	s24 =	sor.u32 $0x10, s23  }
0x498: {  	[tilespmem:s24+$0x0] =	vst.add.f32.msk $0xffff, v16;
	s24 =	sor.u32 $0x20, s23  }
0x499: {  	[tilespmem:s24+$0x0] =	vst.add.f32.msk $0xffff, v15;
	s24 =	sor.u32 $0x30, s23  }
0x49a: {  	[tilespmem:s24+$0x0] =	vst.add.f32.msk $0xffff, v14;
	s24 =	sor.u32 $0x40, s23  }
0x49b: {  	[tilespmem:s24+$0x0] =	vst.add.f32.msk $0xffff, v13;
	s24 =	sor.u32 $0x50, s23  }
0x49c: {  	[tilespmem:s24+$0x0] =	vst.add.f32.msk $0xffff, v12;
	s24 =	sor.u32 $0x60, s23  }
0x49d: {  	s23 =	sor.u32 $0x70, s23;
	[tilespmem:s24+$0x0] =	vst.add.f32.msk $0xffff, v11  }
0x49e: {  	[tilespmem:s23+$0x0] =	vst.add.f32.msk $0xffff, v10;
	s23 =	sadd.s32 $0x17C00, s22  }
0x49f: {  	[tilespmem:s22+$0x17C00] =	vst.add.f32.msk $0xffff, v9;
	s22 =	sor.u32 $0x10, s23  }
0x4a0: {  	[tilespmem:s22+$0x0] =	vst.add.f32.msk $0xffff, v8;
	s22 =	sor.u32 $0x20, s23  }
0x4a1: {  	[tilespmem:s22+$0x0] =	vst.add.f32.msk $0xffff, v3;
	s22 =	sor.u32 $0x30, s23  }
0x4a2: {  	[tilespmem:s22+$0x0] =	vst.add.f32.msk $0xffff, v4;
	s22 =	sor.u32 $0x40, s23  }
0x4a3: {  	[tilespmem:s22+$0x0] =	vst.add.f32.msk $0xffff, v5;
	s22 =	sor.u32 $0x50, s23  }
0x4a4: {  	[tilespmem:s22+$0x0] =	vst.add.f32.msk $0xffff, v2;
	s22 =	sor.u32 $0x60, s23  }
0x4a5: {  	[tilespmem:s22+$0x0] =	vst.add.f32.msk $0xffff, v7;
	s22 =	sor.u32 $0x70, s23  }
0x4a6: {  	s23 =	sand.u32 $0x10, s21;
	[tilespmem:s22+$0x0] =	vst.add.f32.msk $0xffff, v6  }
0x4a7: {  	v2 =	vld.idx.msk [tilespmem:v1+s23+$0x0 ss:$0x1], $0xffff;
	_ =	sdelay $0x2  }
0x4a8: {  	s22 =	sand.u32 $0xF, s21  }
0x4a9: {  	v3 =	vmov s22  }
0x4aa: {  	vm0 =	veq.s32 v3, v0  }
0x4ab: {  	v2 =	vnsel vm0, $0x0, v2  }
0x4ac: {  	(xrf0) =	vadd.scan.msk.s32 $0xffff, v2;
	_ =	sdelay $0x5  }
0x4ad: {  	v2, _, _ =	vpop (xrf0)  }
0x4ae: {  	(v2sf) =	vpush v2, $0xF;
	_ =	sdelay $0xe  }
0x4af: {  	s22 =	spop (v2sf)  }
0x4b0: {  	s23 =	sshrl.u32 s22, $0x3  }
0x4b1: {  	s23 =	smul.u32 $0x6000, s23  }
0x4b2: {  	s22 =	sshll.u32 s22, $0x7  }
0x4b3: {  	s22 =	sand.u32 $0x380, s22;
	s23 =	sshra.s32 s23, $0x2  }
0x4b4: {  	s23 =	sor.u32 s22, s23  }
0x4b5: {  	v43 =	vld [tilespmem:s23+$0x0]  }
0x4b6: {  	v44 =	vld [tilespmem:s23+$0x10]  }
0x4b7: {  	v45 =	vld [tilespmem:s23+$0x20]  }
0x4b8: {  	v46 =	vld [tilespmem:s23+$0x30]  }
0x4b9: {  	v47 =	vld [tilespmem:s23+$0x40]  }
0x4ba: {  	v48 =	vld [tilespmem:s23+$0x50]  }
0x4bb: {  	v49 =	vld [tilespmem:s23+$0x60]  }
0x4bc: {  	v42 =	vld [tilespmem:s23+$0x70]  }
0x4bd: {  	v41 =	vld [tilespmem:s23+$0x400]  }
0x4be: {  	v40 =	vld [tilespmem:s23+$0x410]  }
0x4bf: {  	v39 =	vld [tilespmem:s23+$0x420]  }
0x4c0: {  	v38 =	vld [tilespmem:s23+$0x430]  }
0x4c1: {  	v37 =	vld [tilespmem:s23+$0x440]  }
0x4c2: {  	v36 =	vld [tilespmem:s23+$0x450]  }
0x4c3: {  	v35 =	vld [tilespmem:s23+$0x460]  }
0x4c4: {  	v34 =	vld [tilespmem:s23+$0x470]  }
0x4c5: {  	v33 =	vld [tilespmem:s23+$0x800]  }
0x4c6: {  	v32 =	vld [tilespmem:s23+$0x810]  }
0x4c7: {  	v31 =	vld [tilespmem:s23+$0x820]  }
0x4c8: {  	v30 =	vld [tilespmem:s23+$0x830]  }
0x4c9: {  	v29 =	vld [tilespmem:s23+$0x840]  }
0x4ca: {  	v28 =	vld [tilespmem:s23+$0x850]  }
0x4cb: {  	v27 =	vld [tilespmem:s23+$0x860]  }
0x4cc: {  	v26 =	vld [tilespmem:s23+$0x870]  }
0x4cd: {  	v25 =	vld [tilespmem:s23+$0xC00]  }
0x4ce: {  	v24 =	vld [tilespmem:s23+$0xC10]  }
0x4cf: {  	v23 =	vld [tilespmem:s23+$0xC20]  }
0x4d0: {  	v22 =	vld [tilespmem:s23+$0xC30]  }
0x4d1: {  	v21 =	vld [tilespmem:s23+$0xC40]  }
0x4d2: {  	v20 =	vld [tilespmem:s23+$0xC50]  }
0x4d3: {  	v19 =	vld [tilespmem:s23+$0xC60]  }
0x4d4: {  	v18 =	vld [tilespmem:s23+$0xC70]  }
0x4d5: {  	v17 =	vld [tilespmem:s23+$0x1000]  }
0x4d6: {  	v16 =	vld [tilespmem:s23+$0x1010]  }
0x4d7: {  	v15 =	vld [tilespmem:s23+$0x1020]  }
0x4d8: {  	v14 =	vld [tilespmem:s23+$0x1030]  }
0x4d9: {  	v13 =	vld [tilespmem:s23+$0x1040]  }
0x4da: {  	v12 =	vld [tilespmem:s23+$0x1050]  }
0x4db: {  	v11 =	vld [tilespmem:s23+$0x1060]  }
0x4dc: {  	v10 =	vld [tilespmem:s23+$0x1070]  }
0x4dd: {  	v9 =	vld [tilespmem:s23+$0x1400]  }
0x4de: {  	v8 =	vld [tilespmem:s23+$0x1410]  }
0x4df: {  	s22 =	sshrl.u32 s21, $0x3;
	v3 =	vld [tilespmem:s23+$0x1420]  }
0x4e0: {  	s22 =	smul.u32 $0x6000, s22;
	v4 =	vld [tilespmem:s23+$0x1430]  }
0x4e1: {  	s17 =	sadd.s32 $0x80, s17;
	v5 =	vld [tilespmem:s23+$0x1440]  }
0x4e2: {  	s24 =	sand.u32 $0x380, s17;
	s22 =	sshra.s32 s22, $0x2;
	v2 =	vld [tilespmem:s23+$0x1450]  }
0x4e3: {  	s22 =	sor.u32 s24, s22;
	v7 =	vld [tilespmem:s23+$0x1460]  }
0x4e4: {  	v6 =	vld [tilespmem:s23+$0x1470];
	s23 =	sadd.s32 $0x16800, s22  }
0x4e5: {  	[tilespmem:s22+$0x16800] =	vst.add.f32.msk $0xffff, v43;
	s24 =	sor.u32 $0x10, s23  }
0x4e6: {  	[tilespmem:s24+$0x0] =	vst.add.f32.msk $0xffff, v44;
	s24 =	sor.u32 $0x20, s23  }
.Ltmp3:
0x4e7: {  	[tilespmem:s24+$0x0] =	vst.add.f32.msk $0xffff, v45;
	s24 =	sor.u32 $0x30, s23;
	(pc) =	sbr.rel @p1 .LBB2_9-.Ltmp3, $4  }
0x4e8: {  	[tilespmem:s24+$0x0] =	vst.add.f32.msk $0xffff, v46;
	s24 =	sor.u32 $0x40, s23  }
0x4e9: {  	[tilespmem:s24+$0x0] =	vst.add.f32.msk $0xffff, v47;
	s24 =	sor.u32 $0x50, s23  }
0x4ea: {  	[tilespmem:s24+$0x0] =	vst.add.f32.msk $0xffff, v48;
	s24 =	sor.u32 $0x60, s23  }
0x4eb: {  	s21 =	sadd.s32 $0x1, s21;
	s23 =	sor.u32 $0x70, s23;
	[tilespmem:s24+$0x0] =	vst.add.f32.msk $0xffff, v49  }
0x4ec: {  	[tilespmem:s23+$0x0] =	vst.add.f32.msk $0xffff, v42;
	s17 =	sadd.s32 $0x16C00, s22  }
0x4ed: {  	[tilespmem:s22+$0x16C00] =	vst.add.f32.msk $0xffff, v41;
	s21 =	sor.u32 $0x10, s17  }
0x4ee: {  	s23 =	sor.u32 $0x20, s17;
	[tilespmem:s21+$0x0] =	vst.add.f32.msk $0xffff, v40  }
0x4ef: {  	s24 =	sor.u32 $0x30, s17;
	[tilespmem:s23+$0x0] =	vst.add.f32.msk $0xffff, v39  }
0x4f0: {  	s25 =	sor.u32 $0x40, s17;
	[tilespmem:s24+$0x0] =	vst.add.f32.msk $0xffff, v38  }
0x4f1: {  	s26 =	sor.u32 $0x50, s17;
	[tilespmem:s25+$0x0] =	vst.add.f32.msk $0xffff, v37  }
0x4f2: {  	s23 =	sor.u32 $0x60, s17;
	[tilespmem:s26+$0x0] =	vst.add.f32.msk $0xffff, v36  }
0x4f3: {  	s17 =	sor.u32 $0x70, s17;
	[tilespmem:s23+$0x0] =	vst.add.f32.msk $0xffff, v35  }
0x4f4: {  	[tilespmem:s17+$0x0] =	vst.add.f32.msk $0xffff, v34;
	s17 =	sadd.s32 $0x17000, s22  }
0x4f5: {  	[tilespmem:s22+$0x17000] =	vst.add.f32.msk $0xffff, v33;
	s24 =	sor.u32 $0x10, s17  }
0x4f6: {  	s25 =	sor.u32 $0x20, s17;
	[tilespmem:s24+$0x0] =	vst.add.f32.msk $0xffff, v32  }
0x4f7: {  	s26 =	sor.u32 $0x30, s17;
	[tilespmem:s25+$0x0] =	vst.add.f32.msk $0xffff, v31  }
0x4f8: {  	s23 =	sor.u32 $0x40, s17;
	[tilespmem:s26+$0x0] =	vst.add.f32.msk $0xffff, v30  }
0x4f9: {  	s24 =	sor.u32 $0x50, s17;
	[tilespmem:s23+$0x0] =	vst.add.f32.msk $0xffff, v29  }
0x4fa: {  	s25 =	sor.u32 $0x60, s17;
	[tilespmem:s24+$0x0] =	vst.add.f32.msk $0xffff, v28  }
0x4fb: {  	s17 =	sor.u32 $0x70, s17;
	[tilespmem:s25+$0x0] =	vst.add.f32.msk $0xffff, v27  }
0x4fc: {  	[tilespmem:s17+$0x0] =	vst.add.f32.msk $0xffff, v26;
	s17 =	sadd.s32 $0x17400, s22  }
0x4fd: {  	[tilespmem:s22+$0x17400] =	vst.add.f32.msk $0xffff, v25;
	s26 =	sor.u32 $0x10, s17  }
0x4fe: {  	s23 =	sor.u32 $0x20, s17;
	[tilespmem:s26+$0x0] =	vst.add.f32.msk $0xffff, v24  }
0x4ff: {  	s24 =	sor.u32 $0x30, s17;
	[tilespmem:s23+$0x0] =	vst.add.f32.msk $0xffff, v23  }
0x500: {  	s25 =	sor.u32 $0x40, s17;
	[tilespmem:s24+$0x0] =	vst.add.f32.msk $0xffff, v22  }
0x501: {  	s26 =	sor.u32 $0x50, s17;
	[tilespmem:s25+$0x0] =	vst.add.f32.msk $0xffff, v21  }
0x502: {  	s23 =	sor.u32 $0x60, s17;
	[tilespmem:s26+$0x0] =	vst.add.f32.msk $0xffff, v20  }
0x503: {  	s17 =	sor.u32 $0x70, s17;
	[tilespmem:s23+$0x0] =	vst.add.f32.msk $0xffff, v19  }
0x504: {  	[tilespmem:s17+$0x0] =	vst.add.f32.msk $0xffff, v18;
	s17 =	sadd.s32 $0x17800, s22  }
0x505: {  	[tilespmem:s22+$0x17800] =	vst.add.f32.msk $0xffff, v17;
	s24 =	sor.u32 $0x10, s17  }
0x506: {  	s25 =	sor.u32 $0x20, s17;
	[tilespmem:s24+$0x0] =	vst.add.f32.msk $0xffff, v16  }
0x507: {  	s26 =	sor.u32 $0x30, s17;
	[tilespmem:s25+$0x0] =	vst.add.f32.msk $0xffff, v15  }
0x508: {  	s23 =	sor.u32 $0x40, s17;
	[tilespmem:s26+$0x0] =	vst.add.f32.msk $0xffff, v14  }
0x509: {  	s24 =	sor.u32 $0x50, s17;
	[tilespmem:s23+$0x0] =	vst.add.f32.msk $0xffff, v13  }
0x50a: {  	s25 =	sor.u32 $0x60, s17;
	[tilespmem:s24+$0x0] =	vst.add.f32.msk $0xffff, v12  }
0x50b: {  	s17 =	sor.u32 $0x70, s17;
	[tilespmem:s25+$0x0] =	vst.add.f32.msk $0xffff, v11  }
0x50c: {  	[tilespmem:s17+$0x0] =	vst.add.f32.msk $0xffff, v10;
	s17 =	sadd.s32 $0x17C00, s22  }
0x50d: {  	[tilespmem:s22+$0x17C00] =	vst.add.f32.msk $0xffff, v9;
	s26 =	sor.u32 $0x10, s17  }
0x50e: {  	s22 =	sor.u32 $0x20, s17;
	[tilespmem:s26+$0x0] =	vst.add.f32.msk $0xffff, v8  }
0x50f: {  	s23 =	sor.u32 $0x30, s17;
	[tilespmem:s22+$0x0] =	vst.add.f32.msk $0xffff, v3  }
0x510: {  	s24 =	sor.u32 $0x40, s17;
	[tilespmem:s23+$0x0] =	vst.add.f32.msk $0xffff, v4  }
0x511: {  	s25 =	sor.u32 $0x50, s17;
	[tilespmem:s24+$0x0] =	vst.add.f32.msk $0xffff, v5  }
0x512: {  	s26 =	sor.u32 $0x60, s17;
	[tilespmem:s25+$0x0] =	vst.add.f32.msk $0xffff, v2  }
0x513: {  	s17 =	sor.u32 $0x70, s17;
	[tilespmem:s26+$0x0] =	vst.add.f32.msk $0xffff, v7  }
0x514: {  	[tilespmem:s17+$0x0] =	vst.add.f32.msk $0xffff, v6;
	s17 =	sor.u32 s8, s18  }
0x515: {  	_ =	swait.ge [sflag:s15], $0x6000;
	s18 =	sshll.u32 @!p0 s17, $0x5  }
0x516: {  	s22 =	simm.s32 @!p0 $0x0;
	[sflag:s15] =	ssyncset.done $0x0;
	s18 =	sadd.s32 @!p0 $0xC00, s18  }
0x517: {  	s23 =	simm.s32 @!p0 $0x10800;
	[sflag:s15] =	ssyncadd.s32 $0xFFFFA000;
	s21 =	sadd.s32 @!p0 s0, s18  }
0x518: {  	[tilespmem:s23], [sflag:$0x3] =	stream.linear.gather @!p0 [hbm4b:s21+s22], $0x800, $0x38;
	[tilespmem:$0x1CA00] =	vst v63  }
0x519: {  	s24 =	simm.s32 @!p0 $0x12000;
	s23 =	sadd.s32 @!p0 $0x100, s21  }
0x51a: {  	[tilespmem:s24], [sflag:$0x3] =	stream.linear.gather @!p0 [hbm4b:s23+s22], $0x800, $0x38;
	[tilespmem:$0x1CA00] =	vst v63  }
0x51b: {  	s23 =	sadd.s32 @!p0 $0x200, s21;
	s24 =	simm.s32 @!p0 $0x13800  }
0x51c: {  	[tilespmem:s24], [sflag:$0x3] =	stream.linear.gather @!p0 [hbm4b:s23+s22], $0x800, $0x38;
	[tilespmem:$0x1CA00] =	vst v63  }
0x51d: {  	s21 =	sadd.s32 @!p0 $0x300, s21;
	s23 =	simm.s32 @!p0 $0x15000  }
0x51e: {  	[tilespmem:s23], [sflag:$0x3] =	stream.linear.gather @!p0 [hbm4b:s21+s22], $0x800, $0x38;
	[tilespmem:$0x1CA00] =	vst v63  }
0x51f: {  	s21 =	sadd.s32 @!p0 s1, s18;
	s23 =	simm.s32 @!p0 $0x11000  }
0x520: {  	[tilespmem:s23], [sflag:$0x3] =	stream.linear.gather @!p0 [hbm4b:s21+s22], $0x800, $0x38;
	[tilespmem:$0x1CA00] =	vst v63  }
0x521: {  	s24 =	simm.s32 @!p0 $0x12800;
	s23 =	sadd.s32 @!p0 $0x100, s21  }
0x522: {  	[tilespmem:s24], [sflag:$0x3] =	stream.linear.gather @!p0 [hbm4b:s23+s22], $0x800, $0x38;
	[tilespmem:$0x1CA00] =	vst v63  }
0x523: {  	s23 =	sadd.s32 @!p0 $0x200, s21;
	s24 =	simm.s32 @!p0 $0x14000  }
0x524: {  	[tilespmem:s24], [sflag:$0x3] =	stream.linear.gather @!p0 [hbm4b:s23+s22], $0x800, $0x38;
	[tilespmem:$0x1CA00] =	vst v63  }
0x525: {  	s21 =	sadd.s32 @!p0 $0x300, s21;
	s23 =	simm.s32 @!p0 $0x15800  }
0x526: {  	[tilespmem:s23], [sflag:$0x3] =	stream.linear.gather @!p0 [hbm4b:s21+s22], $0x800, $0x38;
	[tilespmem:$0x1CA00] =	vst v63  }
0x527: {  	s18 =	sadd.s32 @!p0 s2, s18;
	s21 =	simm.s32 @!p0 $0x11800  }
0x528: {  	[tilespmem:s21], [sflag:$0x3] =	stream.linear.gather @!p0 [hbm4b:s18+s22], $0x800, $0x38;
	[tilespmem:$0x1CA00] =	vst v63  }
0x529: {  	s23 =	simm.s32 @!p0 $0x13000;
	s21 =	sadd.s32 @!p0 $0x100, s18  }
0x52a: {  	[tilespmem:s23], [sflag:$0x3] =	stream.linear.gather @!p0 [hbm4b:s21+s22], $0x800, $0x38;
	[tilespmem:$0x1CA00] =	vst v63  }
0x52b: {  	s21 =	sadd.s32 @!p0 $0x200, s18;
	s23 =	simm.s32 @!p0 $0x14800  }
0x52c: {  	[tilespmem:s23], [sflag:$0x3] =	stream.linear.gather @!p0 [hbm4b:s21+s22], $0x800, $0x38;
	[tilespmem:$0x1CA00] =	vst v63  }
0x52d: {  	s16 =	sadd.s32 $0x1, s16;
	s18 =	sadd.s32 @!p0 $0x300, s18;
	s21 =	simm.s32 @!p0 $0x16000  }
0x52e: {  	[tilespmem:s21], [sflag:$0x3] =	stream.linear.gather @!p0 [hbm4b:s18+s22], $0x800, $0x38;
	[tilespmem:$0x1CA00] =	vst v63  }
0x52f: {  	p0 =	sne.s32 s16, $0x4  }
.Ltmp4:
0x530: {  	s17 =	sshrl.u32 s17, $0x3;
	(pc) =	sbr.rel @p0 .LBB2_2-.Ltmp4, $3  }
0x531: {  	s17 =	smul.u32 $0x300, s17;
	_ =	sdelay $0x1  }
0x532: {  	s17 =	sadd.s32 s6, s17  }
0x533: {  	[hbm4b:s17+s7] =	stream.linear.scatter [tilespmem:s20], [sflag:$0x8], $0x6000, $0x38;
	[tilespmem:$0x1CA00] =	vst v63  }
0x534: {  	s17 =	simm.s32 $0x8  }
0x535: {  	_ =	swait.ge [sflag:s17], $0x6000  }
0x536: {  	s18 =	sld [smem:$0x7F0];
	_ =	sdelay $0x2  }
0x537: {  	s16 =	rddreg [dreg:$0x11];
	s18 =	sadd.s32 $0x1, s18  }
0x538: {  	p0 =	sne.s32 s18, s16  }
.Ltmp5:
0x539: {  	_ = 	snop;
	(pc) =	sbr.rel @p0 .LBB2_1-.Ltmp5, $3  }
0x53a: {  	_ =	sdelay $0x1  }
0x53b: {  	[sflag:s17] =	ssyncset.done $0x0  }
0x53c: {  	[sflag:s17] =	ssyncadd.s32 $0xFFFFA000  }
0x53d: {  	_ =	sfence.sel $0x180000  }
0x53e: {  	[bflag:$0x0] =	sbarrier.arrive $0xFFFF  }
0x53f: {  	_ =	strace $0x90000047  }
0x540: {  	s0 =	stileid.u32;
	[bflag:$0x2] =	sbarrier.arrive $0xFFFF  }
0x541: {  	p0 =	sne.s32 s0, $0x0;
	s0 =	rddreg [dreg:$0x6]  }
0x542: {  	s0 =	sadd.s32 @!p0 $0x100000, s0  }
0x543: {  	[sflag:s0] =	ssyncadd.tile.s32 @!p0 $0x1;
	_ =	shalt  }
.Lfunc_end2:
_tile_overlayer_lowered:
.L_overlay_start_2:
0x544: {  	(tag) =	ssettag $0x2  }
0x545: {  	s0 =	rddreg [dreg:$0x0];
	s2 =	stileid.u32  }
0x546: {  	s1 =	rddreg [dreg:$0x1];
	p0 =	sne.s32 s2, $0x0  }
0x547: {  	s3 =	rddreg [dreg:$0x2];
	[bflag:$0x3] =	sbarrier.arrive $0xFFFF;
	s2 =	simm.s32 @!p0 $0x1C09  }
0x548: {  	[timem:s3], [sflag:s2] =	dma.local @!p0 [hbm:s0], s1  }
0x549: {  	s0 =	simm.s32 @!p0 $0x9  }
0x54a: {  	_ =	swait.ge @!p0 [sflag:s0], s1  }
0x54b: {  	s1 =	ssub.s32 @!p0 $0x0, s1;
	[sflag:s0] =	ssyncset.done @!p0 $0x0  }
0x54c: {  	[sflag:s0] =	ssyncadd.s32 @!p0 s1  }
0x54d: {  	[bflag:$0x3] =	sbarrier.arrive $0xFFFF  }
0x54e: {  	_ =	shalt  }

</sc_bundles>
